<compile_context>
chip_gen: v7x
topology: tpu7x:2x2x1
jax: 0.10.2.dev20260603
libtpu: 0.0.44.dev20260713+nightly
codegen_flags: <defaults>
</compile_context>

<pallas_src>
import functools

import jax
import jax.numpy as jnp
from jax import lax
from jax.experimental import pallas as pl
from jax.experimental.pallas import tpu as pltpu, tpu_sc as plsc

R = 8
N = 10000
F = 300
FP = 384
RW = R * FP
E = 160000
NG = 64
NL = 4
EPS = 1e-5
M = R * N

CH = 16
CPT = 20
NTILES = 32
NCH = NTILES * CPT
NP = NCH * CH
GSZ = 16

NB = 25
BN_ = N // NB



REG = 24
PE = E + NCH * GSZ
SL = RW // 128
GG = 8


def _sc_segsum(h2, src_p, sct_p, eo2, zbuf):
    mesh = plsc.VectorSubcoreMesh(core_axis_name="c", subcore_axis_name="s")

    @functools.partial(
        pl.kernel,
        out_type=jax.ShapeDtypeStruct((NP, SL, 128), jnp.float32),
        mesh=mesh,
        scratch_types=[
            pltpu.VMEM((16,), jnp.int32),
            pltpu.VMEM((GG,), jnp.int32),
            pltpu.VMEM((GG,), jnp.int32),
            pltpu.VMEM((GG,), jnp.int32),
            pltpu.VMEM((GG,), jnp.int32),
            pltpu.VMEM((GG, SL, 128), jnp.float32),
            pltpu.VMEM((GG, SL, 128), jnp.float32),
            pltpu.VMEM_SHARED((16 * REG, SL, 128), jnp.float32),
            pltpu.SemaphoreType.DMA,
            pltpu.SemaphoreType.DMA,
            pltpu.SemaphoreType.DMA,
            pltpu.SemaphoreType.DMA,
            pltpu.SemaphoreType.DMA,
            pltpu.SemaphoreType.DMA,
        ],
    )
    def k(h_hbm, src_hbm, sct_hbm, eo_hbm, z_hbm, out_hbm,
          eo_v, idx0, idx1, sct0, sct1, land0, land1, acc_s,
          si0, si1, sg0, sg1, ss0, ss1):
        sid = lax.axis_index("s")
        wid = sid * 2 + lax.axis_index("c")
        rbase = sid * REG
        bufs = ((idx0, sct0, land0, si0, sg0, ss0),
                (idx1, sct1, land1, si1, sg1, ss1))

        def cbody(c, _):
            chunk = wid * CPT + c
            pltpu.sync_copy(eo_hbm.at[chunk], eo_v)
            eo_vec = eo_v[...]
            lo = pl.multiple_of(eo_vec[0], GSZ)
            hi = eo_vec[1]
            pltpu.sync_copy(z_hbm, acc_s.at[pl.ds(rbase, REG)])
            ngrp = (hi - lo) // GG
            npair = ngrp // 2

            def start_idx(g, b):
                idx, sct, land, si, sg, ss = bufs[b]
                c1 = pltpu.async_copy(src_hbm.at[pl.ds(g, GG)], idx, si)
                c2 = pltpu.async_copy(sct_hbm.at[pl.ds(g, GG)], sct, si)
                return c1, c2

            def start_gather(b):
                idx, sct, land, si, sg, ss = bufs[b]
                return pltpu.async_copy(h_hbm.at[idx], land, sg)

            def start_scat(b):
                idx, sct, land, si, sg, ss = bufs[b]
                return pltpu.async_copy(land, acc_s.at[sct], ss, add=True)

            def drain_scat1():
                pltpu.make_async_copy(land1, acc_s.at[sct1], ss1).wait()

            def pbody(k2, _, lo=lo):
                g0 = pl.multiple_of(lo + (2 * k2) * GG, GG)
                g1 = pl.multiple_of(g0 + GG, GG)
                i0a, i0b = start_idx(g0, 0)
                i0a.wait()
                i0b.wait()
                gc0 = start_gather(0)

                @pl.when(k2 > 0)
                def _():
                    drain_scat1()

                i1a, i1b = start_idx(g1, 1)
                i1a.wait()
                i1b.wait()
                gc1 = start_gather(1)
                gc0.wait()
                sc0 = start_scat(0)
                gc1.wait()
                sc0.wait()
                start_scat(1)
                return 0

            lax.fori_loop(0, npair, pbody, 0)

            @pl.when(npair > 0)
            def _():
                drain_scat1()

            @pl.when(ngrp % 2 == 1)
            def _():
                g = pl.multiple_of(lo + (ngrp - 1) * GG, GG)
                ia, ib = start_idx(g, 0)
                ia.wait()
                ib.wait()
                gc = start_gather(0)
                gc.wait()
                sc = start_scat(0)
                sc.wait()

            pltpu.sync_copy(acc_s.at[pl.ds(rbase, CH)],
                            out_hbm.at[pl.ds(chunk * CH, CH)])
            return 0

        lax.fori_loop(0, CPT, cbody, 0)

    return k(h2.reshape(N, SL, 128), src_p, sct_p, eo2,
             zbuf.reshape(REG, SL, 128))



def _cs(v, r):
    return v[:, r * FP:(r + 1) * FP]


def _k0_body(x_ref, d_ref, h_ref, xm_ref):
    x = x_ref[...]
    d = d_ref[...]
    acc = jnp.zeros((BN_, FP), jnp.float32)
    for r in range(R):
        h = x * (1.0 - d[:, r:r + 1])
        h_ref[:, r * FP:(r + 1) * FP] = h
        acc += h
    xm_ref[...] = acc * (1.0 / R)


def _init_h(xpad, dropT):
    return pl.pallas_call(
        _k0_body,
        grid=(NB,),
        in_specs=[
            pl.BlockSpec((BN_, FP), lambda nb: (nb, 0)),
            pl.BlockSpec((BN_, R), lambda nb: (nb, 0)),
        ],
        out_specs=[
            pl.BlockSpec((BN_, RW), lambda nb: (nb, 0)),
            pl.BlockSpec((BN_, FP), lambda nb: (nb, 0)),
        ],
        out_shape=[
            jax.ShapeDtypeStruct((N, RW), jnp.float32),
            jax.ShapeDtypeStruct((N, FP), jnp.float32),
        ],
    )(xpad, dropT)


def _k1_body(h_ref, m_ref, w_ref, b_ref, z_ref, s1_ref, s2_ref):
    first = pl.program_id(0) == 0
    h = h_ref[...]
    m = m_ref[...]
    w = w_ref[...]
    b = b_ref[...]
    s1 = jnp.zeros((1, FP), jnp.float32)
    s2 = jnp.zeros((1, FP), jnp.float32)
    for r in range(R):
        z = jnp.dot(_cs(h, r) + _cs(m, r), w,
                    preferred_element_type=jnp.float32) + b
        z_ref[:, r * FP:(r + 1) * FP] = z
        s1 += jnp.sum(z, axis=0, keepdims=True)
        s2 += jnp.sum(z * z, axis=0, keepdims=True)

    @pl.when(first)
    def _():
        s1_ref[...] = jnp.zeros_like(s1_ref)
        s2_ref[...] = jnp.zeros_like(s2_ref)
    s1_ref[...] += s1
    s2_ref[...] += s2


def _mm1_stats(h, msg, w, b):
    vec = pl.BlockSpec((1, FP), lambda nb: (0, 0))
    return pl.pallas_call(
        _k1_body,
        grid=(NB,),
        in_specs=[
            pl.BlockSpec((BN_, RW), lambda nb: (nb, 0)),
            pl.BlockSpec((BN_, RW), lambda nb: (nb, 0)),
            pl.BlockSpec((FP, FP), lambda nb: (0, 0)),
            vec,
        ],
        out_specs=[pl.BlockSpec((BN_, RW), lambda nb: (nb, 0)), vec, vec],
        out_shape=[
            jax.ShapeDtypeStruct((N, RW), jnp.float32),
            jax.ShapeDtypeStruct((1, FP), jnp.float32),
            jax.ShapeDtypeStruct((1, FP), jnp.float32),
        ],
    )(h, msg, w, b)


def _bn_affine(s1, s2, g, bt):
    mu = s1 * (1.0 / M)
    var = s2 * (1.0 / M) - mu * mu
    a = g * lax.rsqrt(var + EPS)
    c = bt - mu * a
    return a, c


def _k2_body(z_ref, s1_ref, s2_ref, g_ref, bt_ref, w_ref, b_ref,
             z2_ref, t1_ref, t2_ref):
    first = pl.program_id(0) == 0
    a, c = _bn_affine(s1_ref[...], s2_ref[...], g_ref[...], bt_ref[...])
    z = z_ref[...]
    w = w_ref[...]
    b = b_ref[...]
    t1 = jnp.zeros((1, FP), jnp.float32)
    t2 = jnp.zeros((1, FP), jnp.float32)
    for r in range(R):
        zn = jnp.maximum(_cs(z, r) * a + c, 0.0)
        z2 = jnp.dot(zn, w, preferred_element_type=jnp.float32) + b
        z2_ref[:, r * FP:(r + 1) * FP] = z2
        t1 += jnp.sum(z2, axis=0, keepdims=True)
        t2 += jnp.sum(z2 * z2, axis=0, keepdims=True)

    @pl.when(first)
    def _():
        t1_ref[...] = jnp.zeros_like(t1_ref)
        t2_ref[...] = jnp.zeros_like(t2_ref)
    t1_ref[...] += t1
    t2_ref[...] += t2


def _bn_relu_mm2(z1, s1, s2, g, bt, w, b):
    vec = pl.BlockSpec((1, FP), lambda nb: (0, 0))
    return pl.pallas_call(
        _k2_body,
        grid=(NB,),
        in_specs=[
            pl.BlockSpec((BN_, RW), lambda nb: (nb, 0)),
            vec, vec, vec, vec,
            pl.BlockSpec((FP, FP), lambda nb: (0, 0)),
            vec,
        ],
        out_specs=[pl.BlockSpec((BN_, RW), lambda nb: (nb, 0)), vec, vec],
        out_shape=[
            jax.ShapeDtypeStruct((N, RW), jnp.float32),
            jax.ShapeDtypeStruct((1, FP), jnp.float32),
            jax.ShapeDtypeStruct((1, FP), jnp.float32),
        ],
    )(z1, s1, s2, g, bt, w, b)


def _k3_body(z_ref, s1_ref, s2_ref, g_ref, bt_ref, h_ref, xm_ref):
    a, c = _bn_affine(s1_ref[...], s2_ref[...], g_ref[...], bt_ref[...])
    z = z_ref[...]
    acc = jnp.zeros((BN_, FP), jnp.float32)
    for r in range(R):
        h = jnp.maximum(_cs(z, r) * a + c, 0.0)
        h_ref[:, r * FP:(r + 1) * FP] = h
        acc += h
    xm_ref[...] = acc * (1.0 / R)


def _bn_relu_out(z2, s1, s2, g, bt):
    vec = pl.BlockSpec((1, FP), lambda nb: (0, 0))
    return pl.pallas_call(
        _k3_body,
        grid=(NB,),
        in_specs=[
            pl.BlockSpec((BN_, RW), lambda nb: (nb, 0)),
            vec, vec, vec, vec,
        ],
        out_specs=[
            pl.BlockSpec((BN_, RW), lambda nb: (nb, 0)),
            pl.BlockSpec((BN_, FP), lambda nb: (nb, 0)),
        ],
        out_shape=[
            jax.ShapeDtypeStruct((N, RW), jnp.float32),
            jax.ShapeDtypeStruct((N, FP), jnp.float32),
        ],
    )(z2, s1, s2, g, bt)


def _k4a_body(b_ref, x0, x1, x2, x3, x4, p_ref, cnt_ref):
    first = pl.program_id(0) == 0
    gids = lax.broadcasted_iota(jnp.int32, (1, NG), 1)
    onehot = (b_ref[...] == gids).astype(jnp.float32)

    @pl.when(first)
    def _():
        p_ref[...] = jnp.zeros_like(p_ref)
        cnt_ref[...] = jnp.zeros_like(cnt_ref)
    cnt_ref[...] += jnp.sum(onehot, axis=0)[:, None]
    dn = (((0,), (0,)), ((), ()))
    for l, xr in enumerate((x0, x1, x2, x3, x4)):
        p_ref[l] += lax.dot_general(onehot, xr[...], dn,
                                    preferred_element_type=jnp.float32)


def _pool_accum(batch2, xms):
    blk = pl.BlockSpec((BN_, FP), lambda nb: (nb, 0))
    return pl.pallas_call(
        _k4a_body,
        grid=(NB,),
        in_specs=[pl.BlockSpec((BN_, 1), lambda nb: (nb, 0))] + [blk] * 5,
        out_specs=[
            pl.BlockSpec((5, NG, FP), lambda nb: (0, 0, 0)),
            pl.BlockSpec((NG, 1), lambda nb: (0, 0)),
        ],
        out_shape=[
            jax.ShapeDtypeStruct((5, NG, FP), jnp.float32),
            jax.ShapeDtypeStruct((NG, 1), jnp.float32),
        ],
    )(batch2, *xms)


def _k4b_body(p_ref, cnt_ref, w_ref, b_ref, o_ref):
    inv = 1.0 / jnp.maximum(cnt_ref[...], 1.0)
    acc = jnp.broadcast_to(b_ref[...], (NG, 128))
    for l in range(5):
        acc += jnp.dot(p_ref[l] * inv, w_ref[l],
                       preferred_element_type=jnp.float32)
    o_ref[...] = acc


def _pool_final(p, cnt, w, b):
    return pl.pallas_call(
        _k4b_body,
        out_shape=jax.ShapeDtypeStruct((NG, 128), jnp.float32),
    )(p, cnt, w, b)



def kernel(x, edge_index, batch, drop, params):
    f32 = jnp.float32

    def padw(w, co=FP):
        out = jnp.zeros((FP, co), f32)
        return out.at[: w.shape[0], : w.shape[1]].set(w)

    def padv(v):
        out = jnp.zeros((1, FP), f32)
        return out.at[0, : v.shape[0]].set(v)

    src, dst = edge_index[0], edge_index[1]
    dst_s, src_s = lax.sort_key_val(dst, src)
    cid = dst_s // CH
    bounds = jnp.arange(NCH + 1, dtype=jnp.int32) * CH
    eo = jnp.searchsorted(dst_s, bounds, side="left").astype(jnp.int32)
    cnt = eo[1:] - eo[:-1]
    plen = ((cnt + GSZ - 1) // GSZ) * GSZ
    ps = jnp.concatenate([jnp.zeros((1,), jnp.int32),
                          jnp.cumsum(plen, dtype=jnp.int32)])
    pos = ps[cid] + (jnp.arange(E, dtype=jnp.int32) - eo[cid])
    w_e = cid // CPT
    row_e = (w_e // 2) * REG + dst_s % CH
    src_p = jnp.zeros((PE,), jnp.int32).at[pos].set(src_s)
    sct_p = jnp.full((PE,), CH, jnp.int32).at[pos].set(row_e)
    eo2 = (jnp.zeros((NCH, 16), jnp.int32)
           .at[:, 0].set(ps[:-1]).at[:, 1].set(ps[1:]))
    zbuf = jnp.zeros((REG, RW), f32)

    xpad = jnp.zeros((N, FP), f32).at[:, :F].set(x)
    dropT = drop.astype(f32).T
    batch2 = batch[:, None]

    h, xm0 = _init_h(xpad, dropT)
    xms = [xm0]
    for i in range(NL):
        p = params["convs"][i]
        w1, b1 = padw(p["W1"]), padv(p["b1"])
        g1, bt1 = padv(p["g1"]), padv(p["bt1"])
        w2, b2 = padw(p["W2"]), padv(p["b2"])
        g2, bt2 = padv(params["bns"][i]["g"]), padv(params["bns"][i]["b"])

        msg_p = _sc_segsum(h, src_p, sct_p, eo2, zbuf).reshape(NP, RW)
        z1, s1, s2 = _mm1_stats(h, msg_p, w1, b1)
        z2, t1, t2 = _bn_relu_mm2(z1, s1, s2, g1, bt1, w2, b2)
        h, xm = _bn_relu_out(z2, t1, t2, g2, bt2)
        xms.append(xm)

    fw = jnp.stack([padw(params["fcs"][l]["W"], 128) for l in range(5)])
    fb = padv(sum(params["fcs"][l]["b"] for l in range(5)))[:, :128]
    p_acc, cnt = _pool_accum(batch2, xms)
    out = _pool_final(p_acc, cnt, fw, fb)
    return out[:, :10]

# --- scband reference (transcript-rebuilt; emitter-appended) ---
"""Pipeline reference for scband-drop-gin-12352325943882 (READ-ONLY COPY).

The authoritative reference and input builder live on the scoring server;
editing this copy changes nothing except your own understanding.
"""

import jax, jax.numpy as jnp
import numpy as np

NUM_RUNS = 8
NUM_LAYERS = 4
NUM_FEATURES = 300
HIDDEN = 300
NUM_OUTPUTS = 10
NUM_NODES = 10000
NUM_EDGES = 160000
NUM_GRAPHS = 64
BN_EPS = 1e-5


def _init_params(key):
    params = {"convs": [], "bns": [], "fcs": []}
    k = key

    def nk():
        nonlocal k
        k, sub = jax.random.split(k)
        return sub

    for i in range(NUM_LAYERS):
        din = NUM_FEATURES if i == 0 else HIDDEN
        params["convs"].append({
            "W1": jax.random.normal(nk(), (din, HIDDEN), jnp.float32) * 0.05,
            "b1": jnp.zeros((HIDDEN,), jnp.float32),
            "g1": jnp.ones((HIDDEN,), jnp.float32),
            "bt1": jnp.zeros((HIDDEN,), jnp.float32),
            "W2": jax.random.normal(nk(), (HIDDEN, HIDDEN), jnp.float32) * 0.05,
            "b2": jnp.zeros((HIDDEN,), jnp.float32),
        })
        params["bns"].append({"g": jnp.ones((HIDDEN,), jnp.float32), "b": jnp.zeros((HIDDEN,), jnp.float32)})
    for i in range(NUM_LAYERS + 1):
        din = NUM_FEATURES if i == 0 else HIDDEN
        params["fcs"].append({"W": jax.random.normal(nk(), (din, NUM_OUTPUTS), jnp.float32) * 0.05,
                               "b": jnp.zeros((NUM_OUTPUTS,), jnp.float32)})
    return params


def setup_inputs(seed: int = 0):
    key = jax.random.key(seed)
    k1, k2, k3, k4, k5 = jax.random.split(key, 5)
    x = jax.random.normal(k1, (NUM_NODES, NUM_FEATURES), jnp.float32)
    edge_index = jax.random.randint(k2, (2, NUM_EDGES), 0, NUM_NODES, dtype=jnp.int32)
    batch = jnp.sort(jax.random.randint(k3, (NUM_NODES,), 0, NUM_GRAPHS, dtype=jnp.int32))
    drop = jax.random.randint(k4, (NUM_RUNS, NUM_NODES), 0, 2).astype(jnp.bool_)
    params = _init_params(k5)
    return {"x": x, "edge_index": edge_index, "batch": batch, "drop": drop, "params": params}


def _bn(h, g, b):
    m = jnp.mean(h, axis=0)
    v = jnp.var(h, axis=0)
    return (h - m) / jnp.sqrt(v + BN_EPS) * g + b


def _forward(x, edge_index, batch, drop, params):
    R = NUM_RUNS
    N = x.shape[0]
    xs = jnp.broadcast_to(x[None, :, :], (R, N, x.shape[1]))
    xs = jnp.where(drop[:, :, None], jnp.zeros((), jnp.float32), xs)
    outs = [xs]
    h = xs.reshape(-1, xs.shape[-1])
    offset = jnp.max(edge_index) + 1
    run_offsets = jnp.repeat(jnp.arange(R, dtype=edge_index.dtype), edge_index.shape[1]) * offset
    run_ei = jnp.tile(edge_index, (1, R)) + run_offsets[None, :]
    num_nodes = R * N
    for i in range(NUM_LAYERS):
        p = params["convs"][i]
        # GINConv with eps=0, aggr='add': nn((1+eps)*x + sum_{j in N(i)} x_j)
        msg = jax.ops.segment_sum(h[run_ei[0]], run_ei[1], num_segments=num_nodes)
        z = h + msg
        z = z @ p["W1"] + p["b1"]
        z = _bn(z, p["g1"], p["bt1"])
        z = jax.nn.relu(z)
        z = z @ p["W2"] + p["b2"]
        z = _bn(z, params["bns"][i]["g"], params["bns"][i]["b"])
        h = jax.nn.relu(z)
        outs.append(h.reshape(R, N, -1))
    cnt = jax.ops.segment_sum(jnp.ones((N,), jnp.float32), batch, num_segments=NUM_GRAPHS)
    cnt = jnp.maximum(cnt, 1.0)
    out = None
    for i, xo in enumerate(outs):
        xm = jnp.mean(xo, axis=0)
        pooled = jax.ops.segment_sum(xm, batch, num_segments=NUM_GRAPHS) / cnt[:, None]
        fc = params["fcs"][i]
        o = pooled @ fc["W"] + fc["b"]
        out = o if out is None else out + o
    return out


def reference(x, edge_index, batch, drop, params):
    return _forward(x, edge_index, batch, drop, params)

if __name__ == "__main__":
    import jax
    _d = setup_inputs()
    print(jax.jit(kernel)(*tuple(_d.values())))

</pallas_src>

<mosaic_0001>
#map = affine_map<(d0, d1) -> (0, 0, 0)>
#map1 = affine_map<(d0, d1) -> (0)>
#map2 = affine_map<(d0, d1) -> (0, 0)>
module attributes {stable_mosaic.version = 14 : i64} {
  func.func @k(%arg0: i32, %arg1: i32, %arg2: memref<10000x24x128xf32, #tpu.memory_space<hbm>>, %arg3: memref<170240xi32, #tpu.memory_space<hbm>>, %arg4: memref<170240xi32, #tpu.memory_space<hbm>>, %arg5: memref<640x16xi32, #tpu.memory_space<hbm>>, %arg6: memref<24x24x128xf32, #tpu.memory_space<hbm>>, %arg7: memref<10240x24x128xf32, #tpu.memory_space<hbm>>, %arg8: memref<16xi32, #tpu.memory_space<vmem>>, %arg9: memref<8xi32, #tpu.memory_space<vmem>>, %arg10: memref<8xi32, #tpu.memory_space<vmem>>, %arg11: memref<8xi32, #tpu.memory_space<vmem>>, %arg12: memref<8xi32, #tpu.memory_space<vmem>>, %arg13: memref<8x24x128xf32, #tpu.memory_space<vmem>>, %arg14: memref<8x24x128xf32, #tpu.memory_space<vmem>>, %arg15: memref<384x24x128xf32, #tpu.memory_space<vmem_shared>>, %arg16: memref<!tpu.dma_semaphore, #tpu.memory_space<semaphore_mem>>, %arg17: memref<!tpu.dma_semaphore, #tpu.memory_space<semaphore_mem>>, %arg18: memref<!tpu.dma_semaphore, #tpu.memory_space<semaphore_mem>>, %arg19: memref<!tpu.dma_semaphore, #tpu.memory_space<semaphore_mem>>, %arg20: memref<!tpu.dma_semaphore, #tpu.memory_space<semaphore_mem>>, %arg21: memref<!tpu.dma_semaphore, #tpu.memory_space<semaphore_mem>>) attributes {dimension_semantics = [#tpu.dimension_semantics<core_parallel>, #tpu.dimension_semantics<subcore_parallel>], iteration_bounds = array<i64: 2, 16>, scalar_prefetch = 0 : i64, scratch_operands = 14 : i64, tpu.core_type = #tpu.core_type<sc_vector_subcore>, window_params = [{transform_indices = #map}, {transform_indices = #map1}, {transform_indices = #map1}, {transform_indices = #map2}, {transform_indices = #map}, {transform_indices = #map}]} {
    %mul3A = arith.constant 2 : i32
    %mul3A_0 = arith.muli %arg1, %mul3A : i32
    %add3A = arith.addi %mul3A_0, %arg0 : i32
    %mul3A_1 = arith.constant 24 : i32
    %mul3A_2 = arith.muli %arg1, %mul3A_1 : i32
    %scan3A = arith.constant 0 : i32
    %scan3A_3 = arith.constant 0 : i32
    %scan3A_4 = arith.constant 20 : i32
    %scan3A_5 = arith.addi %scan3A_3, %scan3A_4 : i32
    %scan3A_6 = arith.constant 1 : i32
    %scan3A_7 = scf.for %scan3A_9 = %scan3A_3 to %scan3A_5 step %scan3A_6 iter_args(%scan3A_10 = %scan3A) -> (i32)  : i32 {
      %mul3A_11 = arith.constant 20 : i32
      %mul3A_12 = arith.muli %add3A, %mul3A_11 : i32
      %add3A_13 = arith.addi %mul3A_12, %scan3A_9 : i32
      "tpu.region"() ({
        %run_scoped3A = tpu.sem_alloc : memref<!tpu.dma_semaphore, #tpu.memory_space<semaphore_mem>>
        %dma_start3A = arith.constant 0 : i32
        %dma_start3A_94 = tpu.memref_slice %arg5[%add3A_13, %dma_start3A] : memref<640x16xi32, #tpu.memory_space<hbm>> -> memref<1x16xi32, #tpu.memory_space<hbm>>
        %dma_start3A_95 = tpu.memref_squeeze %dma_start3A_94 : memref<1x16xi32, #tpu.memory_space<hbm>> -> memref<16xi32, #tpu.memory_space<hbm>>
        %dma_start3A_96 = arith.constant 0 : i32
        %dma_start3A_97 = tpu.memref_slice %arg5[%add3A_13, %dma_start3A_96] : memref<640x16xi32, #tpu.memory_space<hbm>> -> memref<1x16xi32, #tpu.memory_space<hbm>>
        %dma_start3A_98 = tpu.memref_squeeze %dma_start3A_97 : memref<1x16xi32, #tpu.memory_space<hbm>> -> memref<16xi32, #tpu.memory_space<hbm>>
        tpu.enqueue_dma source(%dma_start3A_98 : memref<16xi32, #tpu.memory_space<hbm>>) target(%arg8 : memref<16xi32, #tpu.memory_space<vmem>>) target_semaphore(%run_scoped3A : memref<!tpu.dma_semaphore, #tpu.memory_space<semaphore_mem>>)
        %dma_wait3A = arith.constant 0 : i32
        %dma_wait3A_99 = tpu.memref_slice %arg5[%add3A_13, %dma_wait3A] : memref<640x16xi32, #tpu.memory_space<hbm>> -> memref<1x16xi32, #tpu.memory_space<hbm>>
        %dma_wait3A_100 = tpu.memref_squeeze %dma_wait3A_99 : memref<1x16xi32, #tpu.memory_space<hbm>> -> memref<16xi32, #tpu.memory_space<hbm>>
        %dma_wait3A_101 = arith.constant 0 : i32
        %dma_wait3A_102 = tpu.memref_slice %arg5[%add3A_13, %dma_wait3A_101] : memref<640x16xi32, #tpu.memory_space<hbm>> -> memref<1x16xi32, #tpu.memory_space<hbm>>
        %dma_wait3A_103 = tpu.memref_squeeze %dma_wait3A_102 : memref<1x16xi32, #tpu.memory_space<hbm>> -> memref<16xi32, #tpu.memory_space<hbm>>
        tpu.wait_dma2 semaphore(%run_scoped3A : memref<!tpu.dma_semaphore, #tpu.memory_space<semaphore_mem>>) src(%dma_wait3A_103 : memref<16xi32, #tpu.memory_space<hbm>>) dst(%arg8 : memref<16xi32, #tpu.memory_space<vmem>>)
        tpu.yield
      }) : () -> ()
      %get3A = arith.constant 0 : index
      %get3A_14 = tpu.vector_load %arg8[%get3A] {strides = array<i32>} : memref<16xi32, #tpu.memory_space<vmem>>, vector<16xi32>,
      %get3A_15 = vector.shape_cast %get3A_14 : vector<16xi32> to vector<16xi32>
      %slice3A = vector.extract_strided_slice %get3A_15 {offsets = [0], sizes = [1], strides = [1]} : vector<16xi32> to vector<1xi32>
      %squeeze3A = vector.extract %slice3A[0] : i32 from vector<1xi32>
      %multiple_of3A = tpu.assume_multiple %squeeze3A, 16 : i32
      %slice3A_16 = vector.extract_strided_slice %get3A_15 {offsets = [1], sizes = [1], strides = [1]} : vector<16xi32> to vector<1xi32>
      %squeeze3A_17 = vector.extract %slice3A_16[0] : i32 from vector<1xi32>
      "tpu.region"() ({
        %run_scoped3A = tpu.sem_alloc : memref<!tpu.dma_semaphore, #tpu.memory_space<semaphore_mem>>
        %dma_start3A = arith.constant 0 : i32
        %dma_start3A_94 = arith.constant 0 : i32
        %dma_start3A_95 = tpu.memref_slice %arg15[%mul3A_2, %dma_start3A, %dma_start3A_94] : memref<384x24x128xf32, #tpu.memory_space<vmem_shared>> -> memref<24x24x128xf32, #tpu.memory_space<vmem_shared>>
        tpu.enqueue_dma source(%arg6 : memref<24x24x128xf32, #tpu.memory_space<hbm>>) target(%dma_start3A_95 : memref<24x24x128xf32, #tpu.memory_space<vmem_shared>>) target_semaphore(%run_scoped3A : memref<!tpu.dma_semaphore, #tpu.memory_space<semaphore_mem>>)
        %dma_wait3A = arith.constant 0 : i32
        %dma_wait3A_96 = arith.constant 0 : i32
        %dma_wait3A_97 = tpu.memref_slice %arg15[%mul3A_2, %dma_wait3A, %dma_wait3A_96] : memref<384x24x128xf32, #tpu.memory_space<vmem_shared>> -> memref<24x24x128xf32, #tpu.memory_space<vmem_shared>>
        tpu.wait_dma2 semaphore(%run_scoped3A : memref<!tpu.dma_semaphore, #tpu.memory_space<semaphore_mem>>) src(%arg6 : memref<24x24x128xf32, #tpu.memory_space<hbm>>) dst(%dma_wait3A_97 : memref<24x24x128xf32, #tpu.memory_space<vmem_shared>>)
        tpu.yield
      }) : () -> ()
      %sub3A = arith.subi %squeeze3A_17, %multiple_of3A : i32
      %jit3A = arith.constant 8 : i32
      %div3A = arith.divsi %sub3A, %jit3A : i32
      %sign3A = arith.constant 0 : i32
      %sign3A_18 = arith.cmpi sgt, %sub3A, %sign3A : i32
      %sign3A_19 = arith.extui %sign3A_18 : i1 to i32
      %sign3A_20 = arith.constant 0 : i32
      %sign3A_21 = arith.cmpi slt, %sub3A, %sign3A_20 : i32
      %sign3A_22 = arith.extui %sign3A_21 : i1 to i32
      %sign3A_23 = arith.subi %sign3A_19, %sign3A_22 : i32
      %sign3A_24 = arith.constant 0 : i32
      %sign3A_25 = arith.cmpi sgt, %jit3A, %sign3A_24 : i32
      %sign3A_26 = arith.extui %sign3A_25 : i1 to i32
      %sign3A_27 = arith.constant 0 : i32
      %sign3A_28 = arith.cmpi slt, %jit3A, %sign3A_27 : i32
      %sign3A_29 = arith.extui %sign3A_28 : i1 to i32
      %sign3A_30 = arith.subi %sign3A_26, %sign3A_29 : i32
      %ne3A = arith.cmpi ne, %sign3A_23, %sign3A_30 : i32
      %rem3A = arith.remsi %sub3A, %jit3A : i32
      %ne3A_31 = arith.constant 0 : i32
      %ne3A_32 = arith.cmpi ne, %rem3A, %ne3A_31 : i32
      %and3A = arith.andi %ne3A, %ne3A_32 : i1
      %sub3A_33 = arith.constant 1 : i32
      %sub3A_34 = arith.subi %div3A, %sub3A_33 : i32
      %select_n3A = arith.select %and3A, %sub3A_34, %div3A : i32
      %jit3A_35 = arith.constant 2 : i32
      %div3A_36 = arith.divsi %select_n3A, %jit3A_35 : i32
      %sign3A_37 = arith.constant 0 : i32
      %sign3A_38 = arith.cmpi sgt, %select_n3A, %sign3A_37 : i32
      %sign3A_39 = arith.extui %sign3A_38 : i1 to i32
      %sign3A_40 = arith.constant 0 : i32
      %sign3A_41 = arith.cmpi slt, %select_n3A, %sign3A_40 : i32
      %sign3A_42 = arith.extui %sign3A_41 : i1 to i32
      %sign3A_43 = arith.subi %sign3A_39, %sign3A_42 : i32
      %sign3A_44 = arith.constant 0 : i32
      %sign3A_45 = arith.cmpi sgt, %jit3A_35, %sign3A_44 : i32
      %sign3A_46 = arith.extui %sign3A_45 : i1 to i32
      %sign3A_47 = arith.constant 0 : i32
      %sign3A_48 = arith.cmpi slt, %jit3A_35, %sign3A_47 : i32
      %sign3A_49 = arith.extui %sign3A_48 : i1 to i32
      %sign3A_50 = arith.subi %sign3A_46, %sign3A_49 : i32
      %ne3A_51 = arith.cmpi ne, %sign3A_43, %sign3A_50 : i32
      %rem3A_52 = arith.remsi %select_n3A, %jit3A_35 : i32
      %ne3A_53 = arith.constant 0 : i32
      %ne3A_54 = arith.cmpi ne, %rem3A_52, %ne3A_53 : i32
      %and3A_55 = arith.andi %ne3A_51, %ne3A_54 : i1
      %sub3A_56 = arith.constant 1 : i32
      %sub3A_57 = arith.subi %div3A_36, %sub3A_56 : i32
      %select_n3A_58 = arith.select %and3A_55, %sub3A_57, %div3A_36 : i32
      %while3A = arith.constant 0 : i32
      %while3A_59 = arith.constant 0 : i32
      %while3A_60 = arith.subi %select_n3A_58, %while3A : i32
      %while3A_61 = arith.addi %while3A, %while3A_60 : i32
      %while3A_62 = arith.constant 1 : i32
      %while3A_63 = arith.divsi %while3A_60, %while3A_62 : i32
      %while3A_64 = arith.muli %while3A_63, %while3A_62 : i32
      %while3A_65 = arith.addi %while3A, %while3A_64 : i32
      %while3A_66 = arith.constant 1 : i32
      %while3A_67 = scf.for %while3A_94 = %while3A to %while3A_65 step %while3A_66 iter_args(%while3A_95 = %while3A_59) -> (i32)  : i32 {
        %mul3A_96 = arith.constant 2 : i32
        %mul3A_97 = arith.muli %mul3A_96, %while3A_94 : i32
        %mul3A_98 = arith.constant 8 : i32
        %mul3A_99 = arith.muli %mul3A_97, %mul3A_98 : i32
        %add3A_100 = arith.addi %multiple_of3A, %mul3A_99 : i32
        %multiple_of3A_101 = tpu.assume_multiple %add3A_100, 8 : i32
        %add3A_102 = arith.constant 8 : i32
        %add3A_103 = arith.addi %multiple_of3A_101, %add3A_102 : i32
        %multiple_of3A_104 = tpu.assume_multiple %add3A_103, 8 : i32
        %dma_start3A = tpu.memref_slice %arg3[%multiple_of3A_101] : memref<170240xi32, #tpu.memory_space<hbm>> -> memref<8xi32, #tpu.memory_space<hbm>>
        %dma_start3A_105 = tpu.memref_slice %arg3[%multiple_of3A_101] : memref<170240xi32, #tpu.memory_space<hbm>> -> memref<8xi32, #tpu.memory_space<hbm>>
        tpu.enqueue_dma source(%dma_start3A_105 : memref<8xi32, #tpu.memory_space<hbm>>) target(%arg9 : memref<8xi32, #tpu.memory_space<vmem>>) target_semaphore(%arg16 : memref<!tpu.dma_semaphore, #tpu.memory_space<semaphore_mem>>)
        %dma_start3A_106 = tpu.memref_slice %arg4[%multiple_of3A_101] : memref<170240xi32, #tpu.memory_space<hbm>> -> memref<8xi32, #tpu.memory_space<hbm>>
        %dma_start3A_107 = tpu.memref_slice %arg4[%multiple_of3A_101] : memref<170240xi32, #tpu.memory_space<hbm>> -> memref<8xi32, #tpu.memory_space<hbm>>
        tpu.enqueue_dma source(%dma_start3A_107 : memref<8xi32, #tpu.memory_space<hbm>>) target(%arg11 : memref<8xi32, #tpu.memory_space<vmem>>) target_semaphore(%arg16 : memref<!tpu.dma_semaphore, #tpu.memory_space<semaphore_mem>>)
        %dma_wait3A = tpu.memref_slice %arg3[%multiple_of3A_101] : memref<170240xi32, #tpu.memory_space<hbm>> -> memref<8xi32, #tpu.memory_space<hbm>>
        %dma_wait3A_108 = tpu.memref_slice %arg3[%multiple_of3A_101] : memref<170240xi32, #tpu.memory_space<hbm>> -> memref<8xi32, #tpu.memory_space<hbm>>
        tpu.wait_dma2 semaphore(%arg16 : memref<!tpu.dma_semaphore, #tpu.memory_space<semaphore_mem>>) src(%dma_wait3A_108 : memref<8xi32, #tpu.memory_space<hbm>>) dst(%arg9 : memref<8xi32, #tpu.memory_space<vmem>>)
        %dma_wait3A_109 = tpu.memref_slice %arg4[%multiple_of3A_101] : memref<170240xi32, #tpu.memory_space<hbm>> -> memref<8xi32, #tpu.memory_space<hbm>>
        %dma_wait3A_110 = tpu.memref_slice %arg4[%multiple_of3A_101] : memref<170240xi32, #tpu.memory_space<hbm>> -> memref<8xi32, #tpu.memory_space<hbm>>
        tpu.wait_dma2 semaphore(%arg16 : memref<!tpu.dma_semaphore, #tpu.memory_space<semaphore_mem>>) src(%dma_wait3A_110 : memref<8xi32, #tpu.memory_space<hbm>>) dst(%arg11 : memref<8xi32, #tpu.memory_space<vmem>>)
        %dma_start3A_111 = arith.constant 0 : i32
        %dma_start3A_112 = arith.constant 0 : i32
        %dma_start3A_113 = arith.constant 0 : i32
        %dma_start3A_114 = tpu.memref_slice %arg2[%dma_start3A_111, %dma_start3A_112, %dma_start3A_113] : memref<10000x24x128xf32, #tpu.memory_space<hbm>> -> memref<10000x24x128xf32, #tpu.memory_space<hbm>>
        tpu.enqueue_indirect_dma source(%dma_start3A_114 : memref<10000x24x128xf32, #tpu.memory_space<hbm>>) target(%arg13 : memref<8x24x128xf32, #tpu.memory_space<vmem>>) offsets(%arg9 : memref<8xi32, #tpu.memory_space<vmem>>) semaphore(%arg18 : memref<!tpu.dma_semaphore, #tpu.memory_space<semaphore_mem>>)
        %gt3A_115 = arith.constant 0 : i32
        %gt3A_116 = arith.cmpi sgt, %while3A_94, %gt3A_115 : i32
        %convert_element_type3A_117 = arith.extui %gt3A_116 : i1 to i32
        %cond3A_118 = arith.constant 0 : i32
        %cond3A_119 = arith.cmpi ne, %convert_element_type3A_117, %cond3A_118 : i32
        scf.if %cond3A_119 {
          %dma_wait3A_153 = arith.constant 0 : i32
          %dma_wait3A_154 = arith.constant 0 : i32
          %dma_wait3A_155 = arith.constant 0 : i32
          %dma_wait3A_156 = tpu.memref_slice %arg15[%dma_wait3A_153, %dma_wait3A_154, %dma_wait3A_155] : memref<384x24x128xf32, #tpu.memory_space<vmem_shared>> -> memref<384x24x128xf32, #tpu.memory_space<vmem_shared>>
          tpu.wait_indirect_dma semaphore(%arg21 : memref<!tpu.dma_semaphore, #tpu.memory_space<semaphore_mem>>) src(%arg14 : memref<8x24x128xf32, #tpu.memory_space<vmem>>) dst(%dma_wait3A_156 : memref<384x24x128xf32, #tpu.memory_space<vmem_shared>>)
        } else {
        }
        %dma_start3A_120 = tpu.memref_slice %arg3[%multiple_of3A_104] : memref<170240xi32, #tpu.memory_space<hbm>> -> memref<8xi32, #tpu.memory_space<hbm>>
        %dma_start3A_121 = tpu.memref_slice %arg3[%multiple_of3A_104] : memref<170240xi32, #tpu.memory_space<hbm>> -> memref<8xi32, #tpu.memory_space<hbm>>
        tpu.enqueue_dma source(%dma_start3A_121 : memref<8xi32, #tpu.memory_space<hbm>>) target(%arg10 : memref<8xi32, #tpu.memory_space<vmem>>) target_semaphore(%arg17 : memref<!tpu.dma_semaphore, #tpu.memory_space<semaphore_mem>>)
        %dma_start3A_122 = tpu.memref_slice %arg4[%multiple_of3A_104] : memref<170240xi32, #tpu.memory_space<hbm>> -> memref<8xi32, #tpu.memory_space<hbm>>
        %dma_start3A_123 = tpu.memref_slice %arg4[%multiple_of3A_104] : memref<170240xi32, #tpu.memory_space<hbm>> -> memref<8xi32, #tpu.memory_space<hbm>>
        tpu.enqueue_dma source(%dma_start3A_123 : memref<8xi32, #tpu.memory_space<hbm>>) target(%arg12 : memref<8xi32, #tpu.memory_space<vmem>>) target_semaphore(%arg17 : memref<!tpu.dma_semaphore, #tpu.memory_space<semaphore_mem>>)
        %dma_wait3A_124 = tpu.memref_slice %arg3[%multiple_of3A_104] : memref<170240xi32, #tpu.memory_space<hbm>> -> memref<8xi32, #tpu.memory_space<hbm>>
        %dma_wait3A_125 = tpu.memref_slice %arg3[%multiple_of3A_104] : memref<170240xi32, #tpu.memory_space<hbm>> -> memref<8xi32, #tpu.memory_space<hbm>>
        tpu.wait_dma2 semaphore(%arg17 : memref<!tpu.dma_semaphore, #tpu.memory_space<semaphore_mem>>) src(%dma_wait3A_125 : memref<8xi32, #tpu.memory_space<hbm>>) dst(%arg10 : memref<8xi32, #tpu.memory_space<vmem>>)
        %dma_wait3A_126 = tpu.memref_slice %arg4[%multiple_of3A_104] : memref<170240xi32, #tpu.memory_space<hbm>> -> memref<8xi32, #tpu.memory_space<hbm>>
        %dma_wait3A_127 = tpu.memref_slice %arg4[%multiple_of3A_104] : memref<170240xi32, #tpu.memory_space<hbm>> -> memref<8xi32, #tpu.memory_space<hbm>>
        tpu.wait_dma2 semaphore(%arg17 : memref<!tpu.dma_semaphore, #tpu.memory_space<semaphore_mem>>) src(%dma_wait3A_127 : memref<8xi32, #tpu.memory_space<hbm>>) dst(%arg12 : memref<8xi32, #tpu.memory_space<vmem>>)
        %dma_start3A_128 = arith.constant 0 : i32
        %dma_start3A_129 = arith.constant 0 : i32
        %dma_start3A_130 = arith.constant 0 : i32
        %dma_start3A_131 = tpu.memref_slice %arg2[%dma_start3A_128, %dma_start3A_129, %dma_start3A_130] : memref<10000x24x128xf32, #tpu.memory_space<hbm>> -> memref<10000x24x128xf32, #tpu.memory_space<hbm>>
        tpu.enqueue_indirect_dma source(%dma_start3A_131 : memref<10000x24x128xf32, #tpu.memory_space<hbm>>) target(%arg14 : memref<8x24x128xf32, #tpu.memory_space<vmem>>) offsets(%arg10 : memref<8xi32, #tpu.memory_space<vmem>>) semaphore(%arg19 : memref<!tpu.dma_semaphore, #tpu.memory_space<semaphore_mem>>)
        %dma_wait3A_132 = arith.constant 0 : i32
        %dma_wait3A_133 = arith.constant 0 : i32
        %dma_wait3A_134 = arith.constant 0 : i32
        %dma_wait3A_135 = tpu.memref_slice %arg2[%dma_wait3A_132, %dma_wait3A_133, %dma_wait3A_134] : memref<10000x24x128xf32, #tpu.memory_space<hbm>> -> memref<10000x24x128xf32, #tpu.memory_space<hbm>>
        tpu.wait_indirect_dma semaphore(%arg18 : memref<!tpu.dma_semaphore, #tpu.memory_space<semaphore_mem>>) src(%dma_wait3A_135 : memref<10000x24x128xf32, #tpu.memory_space<hbm>>) dst(%arg13 : memref<8x24x128xf32, #tpu.memory_space<vmem>>)
        %dma_start3A_136 = arith.constant 0 : i32
        %dma_start3A_137 = arith.constant 0 : i32
        %dma_start3A_138 = arith.constant 0 : i32
        %dma_start3A_139 = tpu.memref_slice %arg15[%dma_start3A_136, %dma_start3A_137, %dma_start3A_138] : memref<384x24x128xf32, #tpu.memory_space<vmem_shared>> -> memref<384x24x128xf32, #tpu.memory_space<vmem_shared>>
        tpu.enqueue_indirect_dma source(%arg13 : memref<8x24x128xf32, #tpu.memory_space<vmem>>) target(%dma_start3A_139 : memref<384x24x128xf32, #tpu.memory_space<vmem_shared>>) offsets(%arg11 : memref<8xi32, #tpu.memory_space<vmem>>) semaphore(%arg20 : memref<!tpu.dma_semaphore, #tpu.memory_space<semaphore_mem>>) {add = true}
        %dma_wait3A_140 = arith.constant 0 : i32
        %dma_wait3A_141 = arith.constant 0 : i32
        %dma_wait3A_142 = arith.constant 0 : i32
        %dma_wait3A_143 = tpu.memref_slice %arg2[%dma_wait3A_140, %dma_wait3A_141, %dma_wait3A_142] : memref<10000x24x128xf32, #tpu.memory_space<hbm>> -> memref<10000x24x128xf32, #tpu.memory_space<hbm>>
        tpu.wait_indirect_dma semaphore(%arg19 : memref<!tpu.dma_semaphore, #tpu.memory_space<semaphore_mem>>) src(%dma_wait3A_143 : memref<10000x24x128xf32, #tpu.memory_space<hbm>>) dst(%arg14 : memref<8x24x128xf32, #tpu.memory_space<vmem>>)
        %dma_wait3A_144 = arith.constant 0 : i32
        %dma_wait3A_145 = arith.constant 0 : i32
        %dma_wait3A_146 = arith.constant 0 : i32
        %dma_wait3A_147 = tpu.memref_slice %arg15[%dma_wait3A_144, %dma_wait3A_145, %dma_wait3A_146] : memref<384x24x128xf32, #tpu.memory_space<vmem_shared>> -> memref<384x24x128xf32, #tpu.memory_space<vmem_shared>>
        tpu.wait_indirect_dma semaphore(%arg20 : memref<!tpu.dma_semaphore, #tpu.memory_space<semaphore_mem>>) src(%arg13 : memref<8x24x128xf32, #tpu.memory_space<vmem>>) dst(%dma_wait3A_147 : memref<384x24x128xf32, #tpu.memory_space<vmem_shared>>)
        %dma_start3A_148 = arith.constant 0 : i32
        %dma_start3A_149 = arith.constant 0 : i32
        %dma_start3A_150 = arith.constant 0 : i32
        %dma_start3A_151 = tpu.memref_slice %arg15[%dma_start3A_148, %dma_start3A_149, %dma_start3A_150] : memref<384x24x128xf32, #tpu.memory_space<vmem_shared>> -> memref<384x24x128xf32, #tpu.memory_space<vmem_shared>>
        tpu.enqueue_indirect_dma source(%arg14 : memref<8x24x128xf32, #tpu.memory_space<vmem>>) target(%dma_start3A_151 : memref<384x24x128xf32, #tpu.memory_space<vmem_shared>>) offsets(%arg12 : memref<8xi32, #tpu.memory_space<vmem>>) semaphore(%arg21 : memref<!tpu.dma_semaphore, #tpu.memory_space<semaphore_mem>>) {add = true}
        %while3A_152 = arith.constant 0 : i32
        scf.yield %while3A_152 : i32
      }
      %while3A_68 = arith.constant 1 : i32
      %while3A_69 = scf.for %while3A_94 = %while3A_65 to %while3A_61 step %while3A_68 iter_args(%while3A_95 = %while3A_67) -> (i32)  : i32 {
        %mul3A_96 = arith.constant 2 : i32
        %mul3A_97 = arith.muli %mul3A_96, %while3A_94 : i32
        %mul3A_98 = arith.constant 8 : i32
        %mul3A_99 = arith.muli %mul3A_97, %mul3A_98 : i32
        %add3A_100 = arith.addi %multiple_of3A, %mul3A_99 : i32
        %multiple_of3A_101 = tpu.assume_multiple %add3A_100, 8 : i32
        %add3A_102 = arith.constant 8 : i32
        %add3A_103 = arith.addi %multiple_of3A_101, %add3A_102 : i32
        %multiple_of3A_104 = tpu.assume_multiple %add3A_103, 8 : i32
        %dma_start3A = tpu.memref_slice %arg3[%multiple_of3A_101] : memref<170240xi32, #tpu.memory_space<hbm>> -> memref<8xi32, #tpu.memory_space<hbm>>
        %dma_start3A_105 = tpu.memref_slice %arg3[%multiple_of3A_101] : memref<170240xi32, #tpu.memory_space<hbm>> -> memref<8xi32, #tpu.memory_space<hbm>>
        tpu.enqueue_dma source(%dma_start3A_105 : memref<8xi32, #tpu.memory_space<hbm>>) target(%arg9 : memref<8xi32, #tpu.memory_space<vmem>>) target_semaphore(%arg16 : memref<!tpu.dma_semaphore, #tpu.memory_space<semaphore_mem>>)
        %dma_start3A_106 = tpu.memref_slice %arg4[%multiple_of3A_101] : memref<170240xi32, #tpu.memory_space<hbm>> -> memref<8xi32, #tpu.memory_space<hbm>>
        %dma_start3A_107 = tpu.memref_slice %arg4[%multiple_of3A_101] : memref<170240xi32, #tpu.memory_space<hbm>> -> memref<8xi32, #tpu.memory_space<hbm>>
        tpu.enqueue_dma source(%dma_start3A_107 : memref<8xi32, #tpu.memory_space<hbm>>) target(%arg11 : memref<8xi32, #tpu.memory_space<vmem>>) target_semaphore(%arg16 : memref<!tpu.dma_semaphore, #tpu.memory_space<semaphore_mem>>)
        %dma_wait3A = tpu.memref_slice %arg3[%multiple_of3A_101] : memref<170240xi32, #tpu.memory_space<hbm>> -> memref<8xi32, #tpu.memory_space<hbm>>
        %dma_wait3A_108 = tpu.memref_slice %arg3[%multiple_of3A_101] : memref<170240xi32, #tpu.memory_space<hbm>> -> memref<8xi32, #tpu.memory_space<hbm>>
        tpu.wait_dma2 semaphore(%arg16 : memref<!tpu.dma_semaphore, #tpu.memory_space<semaphore_mem>>) src(%dma_wait3A_108 : memref<8xi32, #tpu.memory_space<hbm>>) dst(%arg9 : memref<8xi32, #tpu.memory_space<vmem>>)
        %dma_wait3A_109 = tpu.memref_slice %arg4[%multiple_of3A_101] : memref<170240xi32, #tpu.memory_space<hbm>> -> memref<8xi32, #tpu.memory_space<hbm>>
        %dma_wait3A_110 = tpu.memref_slice %arg4[%multiple_of3A_101] : memref<170240xi32, #tpu.memory_space<hbm>> -> memref<8xi32, #tpu.memory_space<hbm>>
        tpu.wait_dma2 semaphore(%arg16 : memref<!tpu.dma_semaphore, #tpu.memory_space<semaphore_mem>>) src(%dma_wait3A_110 : memref<8xi32, #tpu.memory_space<hbm>>) dst(%arg11 : memref<8xi32, #tpu.memory_space<vmem>>)
        %dma_start3A_111 = arith.constant 0 : i32
        %dma_start3A_112 = arith.constant 0 : i32
        %dma_start3A_113 = arith.constant 0 : i32
        %dma_start3A_114 = tpu.memref_slice %arg2[%dma_start3A_111, %dma_start3A_112, %dma_start3A_113] : memref<10000x24x128xf32, #tpu.memory_space<hbm>> -> memref<10000x24x128xf32, #tpu.memory_space<hbm>>
        tpu.enqueue_indirect_dma source(%dma_start3A_114 : memref<10000x24x128xf32, #tpu.memory_space<hbm>>) target(%arg13 : memref<8x24x128xf32, #tpu.memory_space<vmem>>) offsets(%arg9 : memref<8xi32, #tpu.memory_space<vmem>>) semaphore(%arg18 : memref<!tpu.dma_semaphore, #tpu.memory_space<semaphore_mem>>)
        %gt3A_115 = arith.constant 0 : i32
        %gt3A_116 = arith.cmpi sgt, %while3A_94, %gt3A_115 : i32
        %convert_element_type3A_117 = arith.extui %gt3A_116 : i1 to i32
        %cond3A_118 = arith.constant 0 : i32
        %cond3A_119 = arith.cmpi ne, %convert_element_type3A_117, %cond3A_118 : i32
        scf.if %cond3A_119 {
          %dma_wait3A_153 = arith.constant 0 : i32
          %dma_wait3A_154 = arith.constant 0 : i32
          %dma_wait3A_155 = arith.constant 0 : i32
          %dma_wait3A_156 = tpu.memref_slice %arg15[%dma_wait3A_153, %dma_wait3A_154, %dma_wait3A_155] : memref<384x24x128xf32, #tpu.memory_space<vmem_shared>> -> memref<384x24x128xf32, #tpu.memory_space<vmem_shared>>
          tpu.wait_indirect_dma semaphore(%arg21 : memref<!tpu.dma_semaphore, #tpu.memory_space<semaphore_mem>>) src(%arg14 : memref<8x24x128xf32, #tpu.memory_space<vmem>>) dst(%dma_wait3A_156 : memref<384x24x128xf32, #tpu.memory_space<vmem_shared>>)
        } else {
        }
        %dma_start3A_120 = tpu.memref_slice %arg3[%multiple_of3A_104] : memref<170240xi32, #tpu.memory_space<hbm>> -> memref<8xi32, #tpu.memory_space<hbm>>
        %dma_start3A_121 = tpu.memref_slice %arg3[%multiple_of3A_104] : memref<170240xi32, #tpu.memory_space<hbm>> -> memref<8xi32, #tpu.memory_space<hbm>>
        tpu.enqueue_dma source(%dma_start3A_121 : memref<8xi32, #tpu.memory_space<hbm>>) target(%arg10 : memref<8xi32, #tpu.memory_space<vmem>>) target_semaphore(%arg17 : memref<!tpu.dma_semaphore, #tpu.memory_space<semaphore_mem>>)
        %dma_start3A_122 = tpu.memref_slice %arg4[%multiple_of3A_104] : memref<170240xi32, #tpu.memory_space<hbm>> -> memref<8xi32, #tpu.memory_space<hbm>>
        %dma_start3A_123 = tpu.memref_slice %arg4[%multiple_of3A_104] : memref<170240xi32, #tpu.memory_space<hbm>> -> memref<8xi32, #tpu.memory_space<hbm>>
        tpu.enqueue_dma source(%dma_start3A_123 : memref<8xi32, #tpu.memory_space<hbm>>) target(%arg12 : memref<8xi32, #tpu.memory_space<vmem>>) target_semaphore(%arg17 : memref<!tpu.dma_semaphore, #tpu.memory_space<semaphore_mem>>)
        %dma_wait3A_124 = tpu.memref_slice %arg3[%multiple_of3A_104] : memref<170240xi32, #tpu.memory_space<hbm>> -> memref<8xi32, #tpu.memory_space<hbm>>
        %dma_wait3A_125 = tpu.memref_slice %arg3[%multiple_of3A_104] : memref<170240xi32, #tpu.memory_space<hbm>> -> memref<8xi32, #tpu.memory_space<hbm>>
        tpu.wait_dma2 semaphore(%arg17 : memref<!tpu.dma_semaphore, #tpu.memory_space<semaphore_mem>>) src(%dma_wait3A_125 : memref<8xi32, #tpu.memory_space<hbm>>) dst(%arg10 : memref<8xi32, #tpu.memory_space<vmem>>)
        %dma_wait3A_126 = tpu.memref_slice %arg4[%multiple_of3A_104] : memref<170240xi32, #tpu.memory_space<hbm>> -> memref<8xi32, #tpu.memory_space<hbm>>
        %dma_wait3A_127 = tpu.memref_slice %arg4[%multiple_of3A_104] : memref<170240xi32, #tpu.memory_space<hbm>> -> memref<8xi32, #tpu.memory_space<hbm>>
        tpu.wait_dma2 semaphore(%arg17 : memref<!tpu.dma_semaphore, #tpu.memory_space<semaphore_mem>>) src(%dma_wait3A_127 : memref<8xi32, #tpu.memory_space<hbm>>) dst(%arg12 : memref<8xi32, #tpu.memory_space<vmem>>)
        %dma_start3A_128 = arith.constant 0 : i32
        %dma_start3A_129 = arith.constant 0 : i32
        %dma_start3A_130 = arith.constant 0 : i32
        %dma_start3A_131 = tpu.memref_slice %arg2[%dma_start3A_128, %dma_start3A_129, %dma_start3A_130] : memref<10000x24x128xf32, #tpu.memory_space<hbm>> -> memref<10000x24x128xf32, #tpu.memory_space<hbm>>
        tpu.enqueue_indirect_dma source(%dma_start3A_131 : memref<10000x24x128xf32, #tpu.memory_space<hbm>>) target(%arg14 : memref<8x24x128xf32, #tpu.memory_space<vmem>>) offsets(%arg10 : memref<8xi32, #tpu.memory_space<vmem>>) semaphore(%arg19 : memref<!tpu.dma_semaphore, #tpu.memory_space<semaphore_mem>>)
        %dma_wait3A_132 = arith.constant 0 : i32
        %dma_wait3A_133 = arith.constant 0 : i32
        %dma_wait3A_134 = arith.constant 0 : i32
        %dma_wait3A_135 = tpu.memref_slice %arg2[%dma_wait3A_132, %dma_wait3A_133, %dma_wait3A_134] : memref<10000x24x128xf32, #tpu.memory_space<hbm>> -> memref<10000x24x128xf32, #tpu.memory_space<hbm>>
        tpu.wait_indirect_dma semaphore(%arg18 : memref<!tpu.dma_semaphore, #tpu.memory_space<semaphore_mem>>) src(%dma_wait3A_135 : memref<10000x24x128xf32, #tpu.memory_space<hbm>>) dst(%arg13 : memref<8x24x128xf32, #tpu.memory_space<vmem>>)
        %dma_start3A_136 = arith.constant 0 : i32
        %dma_start3A_137 = arith.constant 0 : i32
        %dma_start3A_138 = arith.constant 0 : i32
        %dma_start3A_139 = tpu.memref_slice %arg15[%dma_start3A_136, %dma_start3A_137, %dma_start3A_138] : memref<384x24x128xf32, #tpu.memory_space<vmem_shared>> -> memref<384x24x128xf32, #tpu.memory_space<vmem_shared>>
        tpu.enqueue_indirect_dma source(%arg13 : memref<8x24x128xf32, #tpu.memory_space<vmem>>) target(%dma_start3A_139 : memref<384x24x128xf32, #tpu.memory_space<vmem_shared>>) offsets(%arg11 : memref<8xi32, #tpu.memory_space<vmem>>) semaphore(%arg20 : memref<!tpu.dma_semaphore, #tpu.memory_space<semaphore_mem>>) {add = true}
        %dma_wait3A_140 = arith.constant 0 : i32
        %dma_wait3A_141 = arith.constant 0 : i32
        %dma_wait3A_142 = arith.constant 0 : i32
        %dma_wait3A_143 = tpu.memref_slice %arg2[%dma_wait3A_140, %dma_wait3A_141, %dma_wait3A_142] : memref<10000x24x128xf32, #tpu.memory_space<hbm>> -> memref<10000x24x128xf32, #tpu.memory_space<hbm>>
        tpu.wait_indirect_dma semaphore(%arg19 : memref<!tpu.dma_semaphore, #tpu.memory_space<semaphore_mem>>) src(%dma_wait3A_143 : memref<10000x24x128xf32, #tpu.memory_space<hbm>>) dst(%arg14 : memref<8x24x128xf32, #tpu.memory_space<vmem>>)
        %dma_wait3A_144 = arith.constant 0 : i32
        %dma_wait3A_145 = arith.constant 0 : i32
        %dma_wait3A_146 = arith.constant 0 : i32
        %dma_wait3A_147 = tpu.memref_slice %arg15[%dma_wait3A_144, %dma_wait3A_145, %dma_wait3A_146] : memref<384x24x128xf32, #tpu.memory_space<vmem_shared>> -> memref<384x24x128xf32, #tpu.memory_space<vmem_shared>>
        tpu.wait_indirect_dma semaphore(%arg20 : memref<!tpu.dma_semaphore, #tpu.memory_space<semaphore_mem>>) src(%arg13 : memref<8x24x128xf32, #tpu.memory_space<vmem>>) dst(%dma_wait3A_147 : memref<384x24x128xf32, #tpu.memory_space<vmem_shared>>)
        %dma_start3A_148 = arith.constant 0 : i32
        %dma_start3A_149 = arith.constant 0 : i32
        %dma_start3A_150 = arith.constant 0 : i32
        %dma_start3A_151 = tpu.memref_slice %arg15[%dma_start3A_148, %dma_start3A_149, %dma_start3A_150] : memref<384x24x128xf32, #tpu.memory_space<vmem_shared>> -> memref<384x24x128xf32, #tpu.memory_space<vmem_shared>>
        tpu.enqueue_indirect_dma source(%arg14 : memref<8x24x128xf32, #tpu.memory_space<vmem>>) target(%dma_start3A_151 : memref<384x24x128xf32, #tpu.memory_space<vmem_shared>>) offsets(%arg12 : memref<8xi32, #tpu.memory_space<vmem>>) semaphore(%arg21 : memref<!tpu.dma_semaphore, #tpu.memory_space<semaphore_mem>>) {add = true}
        %while3A_152 = arith.constant 0 : i32
        scf.yield %while3A_152 : i32
      }
      %gt3A = arith.constant 0 : i32
      %gt3A_70 = arith.cmpi sgt, %select_n3A_58, %gt3A : i32
      %convert_element_type3A = arith.extui %gt3A_70 : i1 to i32
      %cond3A = arith.constant 0 : i32
      %cond3A_71 = arith.cmpi ne, %convert_element_type3A, %cond3A : i32
      scf.if %cond3A_71 {
        %dma_wait3A = arith.constant 0 : i32
        %dma_wait3A_94 = arith.constant 0 : i32
        %dma_wait3A_95 = arith.constant 0 : i32
        %dma_wait3A_96 = tpu.memref_slice %arg15[%dma_wait3A, %dma_wait3A_94, %dma_wait3A_95] : memref<384x24x128xf32, #tpu.memory_space<vmem_shared>> -> memref<384x24x128xf32, #tpu.memory_space<vmem_shared>>
        tpu.wait_indirect_dma semaphore(%arg21 : memref<!tpu.dma_semaphore, #tpu.memory_space<semaphore_mem>>) src(%arg14 : memref<8x24x128xf32, #tpu.memory_space<vmem>>) dst(%dma_wait3A_96 : memref<384x24x128xf32, #tpu.memory_space<vmem_shared>>)
      } else {
      }
      %jit3A_72 = arith.constant 2 : i32
      %eq3A = arith.constant 0 : i32
      %eq3A_73 = arith.cmpi eq, %jit3A_72, %eq3A : i32
      %jit3A_74 = arith.constant 1 : i32
      %select_n3A_75 = arith.select %eq3A_73, %jit3A_74, %jit3A_72 : i32
      %rem3A_76 = arith.remsi %select_n3A, %select_n3A_75 : i32
      %ne3A_77 = arith.constant 0 : i32
      %ne3A_78 = arith.cmpi ne, %rem3A_76, %ne3A_77 : i32
      %lt3A = arith.constant 0 : i32
      %lt3A_79 = arith.cmpi slt, %rem3A_76, %lt3A : i32
      %lt3A_80 = arith.constant 0 : i32
      %lt3A_81 = arith.cmpi slt, %select_n3A_75, %lt3A_80 : i32
      %ne3A_82 = arith.xori %lt3A_79, %lt3A_81 : i1
      %and3A_83 = arith.andi %ne3A_82, %ne3A_78 : i1
      %add3A_84 = arith.addi %rem3A_76, %select_n3A_75 : i32
      %select_n3A_85 = arith.select %and3A_83, %add3A_84, %rem3A_76 : i32
      %eq3A_86 = arith.constant 1 : i32
      %eq3A_87 = arith.cmpi eq, %select_n3A_85, %eq3A_86 : i32
      %convert_element_type3A_88 = arith.extui %eq3A_87 : i1 to i32
      %cond3A_89 = arith.constant 0 : i32
      %cond3A_90 = arith.cmpi ne, %convert_element_type3A_88, %cond3A_89 : i32
      scf.if %cond3A_90 {
        %sub3A_94 = arith.constant 1 : i32
        %sub3A_95 = arith.subi %select_n3A, %sub3A_94 : i32
        %mul3A_96 = arith.constant 8 : i32
        %mul3A_97 = arith.muli %sub3A_95, %mul3A_96 : i32
        %add3A_98 = arith.addi %multiple_of3A, %mul3A_97 : i32
        %multiple_of3A_99 = tpu.assume_multiple %add3A_98, 8 : i32
        %dma_start3A = tpu.memref_slice %arg3[%multiple_of3A_99] : memref<170240xi32, #tpu.memory_space<hbm>> -> memref<8xi32, #tpu.memory_space<hbm>>
        %dma_start3A_100 = tpu.memref_slice %arg3[%multiple_of3A_99] : memref<170240xi32, #tpu.memory_space<hbm>> -> memref<8xi32, #tpu.memory_space<hbm>>
        tpu.enqueue_dma source(%dma_start3A_100 : memref<8xi32, #tpu.memory_space<hbm>>) target(%arg9 : memref<8xi32, #tpu.memory_space<vmem>>) target_semaphore(%arg16 : memref<!tpu.dma_semaphore, #tpu.memory_space<semaphore_mem>>)
        %dma_start3A_101 = tpu.memref_slice %arg4[%multiple_of3A_99] : memref<170240xi32, #tpu.memory_space<hbm>> -> memref<8xi32, #tpu.memory_space<hbm>>
        %dma_start3A_102 = tpu.memref_slice %arg4[%multiple_of3A_99] : memref<170240xi32, #tpu.memory_space<hbm>> -> memref<8xi32, #tpu.memory_space<hbm>>
        tpu.enqueue_dma source(%dma_start3A_102 : memref<8xi32, #tpu.memory_space<hbm>>) target(%arg11 : memref<8xi32, #tpu.memory_space<vmem>>) target_semaphore(%arg16 : memref<!tpu.dma_semaphore, #tpu.memory_space<semaphore_mem>>)
        %dma_wait3A = tpu.memref_slice %arg3[%multiple_of3A_99] : memref<170240xi32, #tpu.memory_space<hbm>> -> memref<8xi32, #tpu.memory_space<hbm>>
        %dma_wait3A_103 = tpu.memref_slice %arg3[%multiple_of3A_99] : memref<170240xi32, #tpu.memory_space<hbm>> -> memref<8xi32, #tpu.memory_space<hbm>>
        tpu.wait_dma2 semaphore(%arg16 : memref<!tpu.dma_semaphore, #tpu.memory_space<semaphore_mem>>) src(%dma_wait3A_103 : memref<8xi32, #tpu.memory_space<hbm>>) dst(%arg9 : memref<8xi32, #tpu.memory_space<vmem>>)
        %dma_wait3A_104 = tpu.memref_slice %arg4[%multiple_of3A_99] : memref<170240xi32, #tpu.memory_space<hbm>> -> memref<8xi32, #tpu.memory_space<hbm>>
        %dma_wait3A_105 = tpu.memref_slice %arg4[%multiple_of3A_99] : memref<170240xi32, #tpu.memory_space<hbm>> -> memref<8xi32, #tpu.memory_space<hbm>>
        tpu.wait_dma2 semaphore(%arg16 : memref<!tpu.dma_semaphore, #tpu.memory_space<semaphore_mem>>) src(%dma_wait3A_105 : memref<8xi32, #tpu.memory_space<hbm>>) dst(%arg11 : memref<8xi32, #tpu.memory_space<vmem>>)
        %dma_start3A_106 = arith.constant 0 : i32
        %dma_start3A_107 = arith.constant 0 : i32
        %dma_start3A_108 = arith.constant 0 : i32
        %dma_start3A_109 = tpu.memref_slice %arg2[%dma_start3A_106, %dma_start3A_107, %dma_start3A_108] : memref<10000x24x128xf32, #tpu.memory_space<hbm>> -> memref<10000x24x128xf32, #tpu.memory_space<hbm>>
        tpu.enqueue_indirect_dma source(%dma_start3A_109 : memref<10000x24x128xf32, #tpu.memory_space<hbm>>) target(%arg13 : memref<8x24x128xf32, #tpu.memory_space<vmem>>) offsets(%arg9 : memref<8xi32, #tpu.memory_space<vmem>>) semaphore(%arg18 : memref<!tpu.dma_semaphore, #tpu.memory_space<semaphore_mem>>)
        %dma_wait3A_110 = arith.constant 0 : i32
        %dma_wait3A_111 = arith.constant 0 : i32
        %dma_wait3A_112 = arith.constant 0 : i32
        %dma_wait3A_113 = tpu.memref_slice %arg2[%dma_wait3A_110, %dma_wait3A_111, %dma_wait3A_112] : memref<10000x24x128xf32, #tpu.memory_space<hbm>> -> memref<10000x24x128xf32, #tpu.memory_space<hbm>>
        tpu.wait_indirect_dma semaphore(%arg18 : memref<!tpu.dma_semaphore, #tpu.memory_space<semaphore_mem>>) src(%dma_wait3A_113 : memref<10000x24x128xf32, #tpu.memory_space<hbm>>) dst(%arg13 : memref<8x24x128xf32, #tpu.memory_space<vmem>>)
        %dma_start3A_114 = arith.constant 0 : i32
        %dma_start3A_115 = arith.constant 0 : i32
        %dma_start3A_116 = arith.constant 0 : i32
        %dma_start3A_117 = tpu.memref_slice %arg15[%dma_start3A_114, %dma_start3A_115, %dma_start3A_116] : memref<384x24x128xf32, #tpu.memory_space<vmem_shared>> -> memref<384x24x128xf32, #tpu.memory_space<vmem_shared>>
        tpu.enqueue_indirect_dma source(%arg13 : memref<8x24x128xf32, #tpu.memory_space<vmem>>) target(%dma_start3A_117 : memref<384x24x128xf32, #tpu.memory_space<vmem_shared>>) offsets(%arg11 : memref<8xi32, #tpu.memory_space<vmem>>) semaphore(%arg20 : memref<!tpu.dma_semaphore, #tpu.memory_space<semaphore_mem>>) {add = true}
        %dma_wait3A_118 = arith.constant 0 : i32
        %dma_wait3A_119 = arith.constant 0 : i32
        %dma_wait3A_120 = arith.constant 0 : i32
        %dma_wait3A_121 = tpu.memref_slice %arg15[%dma_wait3A_118, %dma_wait3A_119, %dma_wait3A_120] : memref<384x24x128xf32, #tpu.memory_space<vmem_shared>> -> memref<384x24x128xf32, #tpu.memory_space<vmem_shared>>
        tpu.wait_indirect_dma semaphore(%arg20 : memref<!tpu.dma_semaphore, #tpu.memory_space<semaphore_mem>>) src(%arg13 : memref<8x24x128xf32, #tpu.memory_space<vmem>>) dst(%dma_wait3A_121 : memref<384x24x128xf32, #tpu.memory_space<vmem_shared>>)
      } else {
      }
      %mul3A_91 = arith.constant 16 : i32
      %mul3A_92 = arith.muli %add3A_13, %mul3A_91 : i32
      "tpu.region"() ({
        %run_scoped3A = tpu.sem_alloc : memref<!tpu.dma_semaphore, #tpu.memory_space<semaphore_mem>>
        %dma_start3A = arith.constant 0 : i32
        %dma_start3A_94 = arith.constant 0 : i32
        %dma_start3A_95 = tpu.memref_slice %arg7[%mul3A_92, %dma_start3A, %dma_start3A_94] : memref<10240x24x128xf32, #tpu.memory_space<hbm>> -> memref<16x24x128xf32, #tpu.memory_space<hbm>>
        %dma_start3A_96 = arith.constant 0 : i32
        %dma_start3A_97 = arith.constant 0 : i32
        %dma_start3A_98 = tpu.memref_slice %arg15[%mul3A_2, %dma_start3A_96, %dma_start3A_97] : memref<384x24x128xf32, #tpu.memory_space<vmem_shared>> -> memref<16x24x128xf32, #tpu.memory_space<vmem_shared>>
        tpu.enqueue_dma source(%dma_start3A_98 : memref<16x24x128xf32, #tpu.memory_space<vmem_shared>>) target(%dma_start3A_95 : memref<16x24x128xf32, #tpu.memory_space<hbm>>) target_semaphore(%run_scoped3A : memref<!tpu.dma_semaphore, #tpu.memory_space<semaphore_mem>>)
        %dma_wait3A = arith.constant 0 : i32
        %dma_wait3A_99 = arith.constant 0 : i32
        %dma_wait3A_100 = tpu.memref_slice %arg7[%mul3A_92, %dma_wait3A, %dma_wait3A_99] : memref<10240x24x128xf32, #tpu.memory_space<hbm>> -> memref<16x24x128xf32, #tpu.memory_space<hbm>>
        %dma_wait3A_101 = arith.constant 0 : i32
        %dma_wait3A_102 = arith.constant 0 : i32
        %dma_wait3A_103 = tpu.memref_slice %arg15[%mul3A_2, %dma_wait3A_101, %dma_wait3A_102] : memref<384x24x128xf32, #tpu.memory_space<vmem_shared>> -> memref<16x24x128xf32, #tpu.memory_space<vmem_shared>>
        tpu.wait_dma2 semaphore(%run_scoped3A : memref<!tpu.dma_semaphore, #tpu.memory_space<semaphore_mem>>) src(%dma_wait3A_103 : memref<16x24x128xf32, #tpu.memory_space<vmem_shared>>) dst(%dma_wait3A_100 : memref<16x24x128xf32, #tpu.memory_space<hbm>>)
        tpu.yield
      }) : () -> ()
      %scan3A_93 = arith.constant 0 : i32
      scf.yield %scan3A_93 : i32
    }
    %scan3A_8 = arith.constant 20 : i32
    return
  }
}

#map = affine_map<(d0, d1) -> (0, 0, 0)>
#map1 = affine_map<(d0, d1) -> (0)>
#map2 = affine_map<(d0, d1) -> (0, 0)>
module attributes {stable_mosaic.version = 14 : i64} {
  func.func @k(%arg0: i32, %arg1: i32, %arg2: memref<10000x24x128xf32, #tpu.memory_space<hbm>>, %arg3: memref<170240xi32, #tpu.memory_space<hbm>>, %arg4: memref<170240xi32, #tpu.memory_space<hbm>>, %arg5: memref<640x16xi32, #tpu.memory_space<hbm>>, %arg6: memref<24x24x128xf32, #tpu.memory_space<hbm>>, %arg7: memref<10240x24x128xf32, #tpu.memory_space<hbm>>, %arg8: memref<16xi32, #tpu.memory_space<vmem>>, %arg9: memref<8xi32, #tpu.memory_space<vmem>>, %arg10: memref<8xi32, #tpu.memory_space<vmem>>, %arg11: memref<8xi32, #tpu.memory_space<vmem>>, %arg12: memref<8xi32, #tpu.memory_space<vmem>>, %arg13: memref<8x24x128xf32, #tpu.memory_space<vmem>>, %arg14: memref<8x24x128xf32, #tpu.memory_space<vmem>>, %arg15: memref<384x24x128xf32, #tpu.memory_space<vmem_shared>>, %arg16: memref<!tpu.dma_semaphore, #tpu.memory_space<semaphore_mem>>, %arg17: memref<!tpu.dma_semaphore, #tpu.memory_space<semaphore_mem>>, %arg18: memref<!tpu.dma_semaphore, #tpu.memory_space<semaphore_mem>>, %arg19: memref<!tpu.dma_semaphore, #tpu.memory_space<semaphore_mem>>, %arg20: memref<!tpu.dma_semaphore, #tpu.memory_space<semaphore_mem>>, %arg21: memref<!tpu.dma_semaphore, #tpu.memory_space<semaphore_mem>>) attributes {dimension_semantics = [#tpu.dimension_semantics<core_parallel>, #tpu.dimension_semantics<subcore_parallel>], iteration_bounds = array<i64: 2, 16>, scalar_prefetch = 0 : i64, scratch_operands = 14 : i64, tpu.core_type = #tpu.core_type<sc_vector_subcore>, window_params = [{transform_indices = #map}, {transform_indices = #map1}, {transform_indices = #map1}, {transform_indices = #map2}, {transform_indices = #map}, {transform_indices = #map}]} {
    %mul3A = arith.constant 2 : i32
    %mul3A_0 = arith.muli %arg1, %mul3A : i32
    %add3A = arith.addi %mul3A_0, %arg0 : i32
    %mul3A_1 = arith.constant 24 : i32
    %mul3A_2 = arith.muli %arg1, %mul3A_1 : i32
    %scan3A = arith.constant 0 : i32
    %scan3A_3 = arith.constant 0 : i32
    %scan3A_4 = arith.constant 20 : i32
    %scan3A_5 = arith.addi %scan3A_3, %scan3A_4 : i32
    %scan3A_6 = arith.constant 1 : i32
    %scan3A_7 = scf.for %scan3A_9 = %scan3A_3 to %scan3A_5 step %scan3A_6 iter_args(%scan3A_10 = %scan3A) -> (i32)  : i32 {
      %mul3A_11 = arith.constant 20 : i32
      %mul3A_12 = arith.muli %add3A, %mul3A_11 : i32
      %add3A_13 = arith.addi %mul3A_12, %scan3A_9 : i32
      "tpu.region"() ({
        %run_scoped3A = tpu.sem_alloc : memref<!tpu.dma_semaphore, #tpu.memory_space<semaphore_mem>>
        %dma_start3A = arith.constant 0 : i32
        %dma_start3A_94 = tpu.memref_slice %arg5[%add3A_13, %dma_start3A] : memref<640x16xi32, #tpu.memory_space<hbm>> -> memref<1x16xi32, #tpu.memory_space<hbm>>
        %dma_start3A_95 = tpu.memref_squeeze %dma_start3A_94 : memref<1x16xi32, #tpu.memory_space<hbm>> -> memref<16xi32, #tpu.memory_space<hbm>>
        %dma_start3A_96 = arith.constant 0 : i32
        %dma_start3A_97 = tpu.memref_slice %arg5[%add3A_13, %dma_start3A_96] : memref<640x16xi32, #tpu.memory_space<hbm>> -> memref<1x16xi32, #tpu.memory_space<hbm>>
        %dma_start3A_98 = tpu.memref_squeeze %dma_start3A_97 : memref<1x16xi32, #tpu.memory_space<hbm>> -> memref<16xi32, #tpu.memory_space<hbm>>
        tpu.enqueue_dma source(%dma_start3A_98 : memref<16xi32, #tpu.memory_space<hbm>>) target(%arg8 : memref<16xi32, #tpu.memory_space<vmem>>) target_semaphore(%run_scoped3A : memref<!tpu.dma_semaphore, #tpu.memory_space<semaphore_mem>>)
        %dma_wait3A = arith.constant 0 : i32
        %dma_wait3A_99 = tpu.memref_slice %arg5[%add3A_13, %dma_wait3A] : memref<640x16xi32, #tpu.memory_space<hbm>> -> memref<1x16xi32, #tpu.memory_space<hbm>>
        %dma_wait3A_100 = tpu.memref_squeeze %dma_wait3A_99 : memref<1x16xi32, #tpu.memory_space<hbm>> -> memref<16xi32, #tpu.memory_space<hbm>>
        %dma_wait3A_101 = arith.constant 0 : i32
        %dma_wait3A_102 = tpu.memref_slice %arg5[%add3A_13, %dma_wait3A_101] : memref<640x16xi32, #tpu.memory_space<hbm>> -> memref<1x16xi32, #tpu.memory_space<hbm>>
        %dma_wait3A_103 = tpu.memref_squeeze %dma_wait3A_102 : memref<1x16xi32, #tpu.memory_space<hbm>> -> memref<16xi32, #tpu.memory_space<hbm>>
        tpu.wait_dma2 semaphore(%run_scoped3A : memref<!tpu.dma_semaphore, #tpu.memory_space<semaphore_mem>>) src(%dma_wait3A_103 : memref<16xi32, #tpu.memory_space<hbm>>) dst(%arg8 : memref<16xi32, #tpu.memory_space<vmem>>)
        tpu.yield
      }) : () -> ()
      %get3A = arith.constant 0 : index
      %get3A_14 = tpu.vector_load %arg8[%get3A] {strides = array<i32>} : memref<16xi32, #tpu.memory_space<vmem>>, vector<16xi32>,
      %get3A_15 = vector.shape_cast %get3A_14 : vector<16xi32> to vector<16xi32>
      %slice3A = vector.extract_strided_slice %get3A_15 {offsets = [0], sizes = [1], strides = [1]} : vector<16xi32> to vector<1xi32>
      %squeeze3A = vector.extract %slice3A[0] : i32 from vector<1xi32>
      %multiple_of3A = tpu.assume_multiple %squeeze3A, 16 : i32
      %slice3A_16 = vector.extract_strided_slice %get3A_15 {offsets = [1], sizes = [1], strides = [1]} : vector<16xi32> to vector<1xi32>
      %squeeze3A_17 = vector.extract %slice3A_16[0] : i32 from vector<1xi32>
      "tpu.region"() ({
        %run_scoped3A = tpu.sem_alloc : memref<!tpu.dma_semaphore, #tpu.memory_space<semaphore_mem>>
        %dma_start3A = arith.constant 0 : i32
        %dma_start3A_94 = arith.constant 0 : i32
        %dma_start3A_95 = tpu.memref_slice %arg15[%mul3A_2, %dma_start3A, %dma_start3A_94] : memref<384x24x128xf32, #tpu.memory_space<vmem_shared>> -> memref<24x24x128xf32, #tpu.memory_space<vmem_shared>>
        tpu.enqueue_dma source(%arg6 : memref<24x24x128xf32, #tpu.memory_space<hbm>>) target(%dma_start3A_95 : memref<24x24x128xf32, #tpu.memory_space<vmem_shared>>) target_semaphore(%run_scoped3A : memref<!tpu.dma_semaphore, #tpu.memory_space<semaphore_mem>>)
        %dma_wait3A = arith.constant 0 : i32
        %dma_wait3A_96 = arith.constant 0 : i32
        %dma_wait3A_97 = tpu.memref_slice %arg15[%mul3A_2, %dma_wait3A, %dma_wait3A_96] : memref<384x24x128xf32, #tpu.memory_space<vmem_shared>> -> memref<24x24x128xf32, #tpu.memory_space<vmem_shared>>
        tpu.wait_dma2 semaphore(%run_scoped3A : memref<!tpu.dma_semaphore, #tpu.memory_space<semaphore_mem>>) src(%arg6 : memref<24x24x128xf32, #tpu.memory_space<hbm>>) dst(%dma_wait3A_97 : memref<24x24x128xf32, #tpu.memory_space<vmem_shared>>)
        tpu.yield
      }) : () -> ()
      %sub3A = arith.subi %squeeze3A_17, %multiple_of3A : i32
      %jit3A = arith.constant 8 : i32
      %div3A = arith.divsi %sub3A, %jit3A : i32
      %sign3A = arith.constant 0 : i32
      %sign3A_18 = arith.cmpi sgt, %sub3A, %sign3A : i32
      %sign3A_19 = arith.extui %sign3A_18 : i1 to i32
      %sign3A_20 = arith.constant 0 : i32
      %sign3A_21 = arith.cmpi slt, %sub3A, %sign3A_20 : i32
      %sign3A_22 = arith.extui %sign3A_21 : i1 to i32
      %sign3A_23 = arith.subi %sign3A_19, %sign3A_22 : i32
      %sign3A_24 = arith.constant 0 : i32
      %sign3A_25 = arith.cmpi sgt, %jit3A, %sign3A_24 : i32
      %sign3A_26 = arith.extui %sign3A_25 : i1 to i32
      %sign3A_27 = arith.constant 0 : i32
      %sign3A_28 = arith.cmpi slt, %jit3A, %sign3A_27 : i32
      %sign3A_29 = arith.extui %sign3A_28 : i1 to i32
      %sign3A_30 = arith.subi %sign3A_26, %sign3A_29 : i32
      %ne3A = arith.cmpi ne, %sign3A_23, %sign3A_30 : i32
      %rem3A = arith.remsi %sub3A, %jit3A : i32
      %ne3A_31 = arith.constant 0 : i32
      %ne3A_32 = arith.cmpi ne, %rem3A, %ne3A_31 : i32
      %and3A = arith.andi %ne3A, %ne3A_32 : i1
      %sub3A_33 = arith.constant 1 : i32
      %sub3A_34 = arith.subi %div3A, %sub3A_33 : i32
      %select_n3A = arith.select %and3A, %sub3A_34, %div3A : i32
      %jit3A_35 = arith.constant 2 : i32
      %div3A_36 = arith.divsi %select_n3A, %jit3A_35 : i32
      %sign3A_37 = arith.constant 0 : i32
      %sign3A_38 = arith.cmpi sgt, %select_n3A, %sign3A_37 : i32
      %sign3A_39 = arith.extui %sign3A_38 : i1 to i32
      %sign3A_40 = arith.constant 0 : i32
      %sign3A_41 = arith.cmpi slt, %select_n3A, %sign3A_40 : i32
      %sign3A_42 = arith.extui %sign3A_41 : i1 to i32
      %sign3A_43 = arith.subi %sign3A_39, %sign3A_42 : i32
      %sign3A_44 = arith.constant 0 : i32
      %sign3A_45 = arith.cmpi sgt, %jit3A_35, %sign3A_44 : i32
      %sign3A_46 = arith.extui %sign3A_45 : i1 to i32
      %sign3A_47 = arith.constant 0 : i32
      %sign3A_48 = arith.cmpi slt, %jit3A_35, %sign3A_47 : i32
      %sign3A_49 = arith.extui %sign3A_48 : i1 to i32
      %sign3A_50 = arith.subi %sign3A_46, %sign3A_49 : i32
      %ne3A_51 = arith.cmpi ne, %sign3A_43, %sign3A_50 : i32
      %rem3A_52 = arith.remsi %select_n3A, %jit3A_35 : i32
      %ne3A_53 = arith.constant 0 : i32
      %ne3A_54 = arith.cmpi ne, %rem3A_52, %ne3A_53 : i32
      %and3A_55 = arith.andi %ne3A_51, %ne3A_54 : i1
      %sub3A_56 = arith.constant 1 : i32
      %sub3A_57 = arith.subi %div3A_36, %sub3A_56 : i32
      %select_n3A_58 = arith.select %and3A_55, %sub3A_57, %div3A_36 : i32
      %while3A = arith.constant 0 : i32
      %while3A_59 = arith.constant 0 : i32
      %while3A_60 = arith.subi %select_n3A_58, %while3A : i32
      %while3A_61 = arith.addi %while3A, %while3A_60 : i32
      %while3A_62 = arith.constant 1 : i32
      %while3A_63 = arith.divsi %while3A_60, %while3A_62 : i32
      %while3A_64 = arith.muli %while3A_63, %while3A_62 : i32
      %while3A_65 = arith.addi %while3A, %while3A_64 : i32
      %while3A_66 = arith.constant 1 : i32
      %while3A_67 = scf.for %while3A_94 = %while3A to %while3A_65 step %while3A_66 iter_args(%while3A_95 = %while3A_59) -> (i32)  : i32 {
        %mul3A_96 = arith.constant 2 : i32
        %mul3A_97 = arith.muli %mul3A_96, %while3A_94 : i32
        %mul3A_98 = arith.constant 8 : i32
        %mul3A_99 = arith.muli %mul3A_97, %mul3A_98 : i32
        %add3A_100 = arith.addi %multiple_of3A, %mul3A_99 : i32
        %multiple_of3A_101 = tpu.assume_multiple %add3A_100, 8 : i32
        %add3A_102 = arith.constant 8 : i32
        %add3A_103 = arith.addi %multiple_of3A_101, %add3A_102 : i32
        %multiple_of3A_104 = tpu.assume_multiple %add3A_103, 8 : i32
        %dma_start3A = tpu.memref_slice %arg3[%multiple_of3A_101] : memref<170240xi32, #tpu.memory_space<hbm>> -> memref<8xi32, #tpu.memory_space<hbm>>
        %dma_start3A_105 = tpu.memref_slice %arg3[%multiple_of3A_101] : memref<170240xi32, #tpu.memory_space<hbm>> -> memref<8xi32, #tpu.memory_space<hbm>>
        tpu.enqueue_dma source(%dma_start3A_105 : memref<8xi32, #tpu.memory_space<hbm>>) target(%arg9 : memref<8xi32, #tpu.memory_space<vmem>>) target_semaphore(%arg16 : memref<!tpu.dma_semaphore, #tpu.memory_space<semaphore_mem>>)
        %dma_start3A_106 = tpu.memref_slice %arg4[%multiple_of3A_101] : memref<170240xi32, #tpu.memory_space<hbm>> -> memref<8xi32, #tpu.memory_space<hbm>>
        %dma_start3A_107 = tpu.memref_slice %arg4[%multiple_of3A_101] : memref<170240xi32, #tpu.memory_space<hbm>> -> memref<8xi32, #tpu.memory_space<hbm>>
        tpu.enqueue_dma source(%dma_start3A_107 : memref<8xi32, #tpu.memory_space<hbm>>) target(%arg11 : memref<8xi32, #tpu.memory_space<vmem>>) target_semaphore(%arg16 : memref<!tpu.dma_semaphore, #tpu.memory_space<semaphore_mem>>)
        %dma_wait3A = tpu.memref_slice %arg3[%multiple_of3A_101] : memref<170240xi32, #tpu.memory_space<hbm>> -> memref<8xi32, #tpu.memory_space<hbm>>
        %dma_wait3A_108 = tpu.memref_slice %arg3[%multiple_of3A_101] : memref<170240xi32, #tpu.memory_space<hbm>> -> memref<8xi32, #tpu.memory_space<hbm>>
        tpu.wait_dma2 semaphore(%arg16 : memref<!tpu.dma_semaphore, #tpu.memory_space<semaphore_mem>>) src(%dma_wait3A_108 : memref<8xi32, #tpu.memory_space<hbm>>) dst(%arg9 : memref<8xi32, #tpu.memory_space<vmem>>)
        %dma_wait3A_109 = tpu.memref_slice %arg4[%multiple_of3A_101] : memref<170240xi32, #tpu.memory_space<hbm>> -> memref<8xi32, #tpu.memory_space<hbm>>
        %dma_wait3A_110 = tpu.memref_slice %arg4[%multiple_of3A_101] : memref<170240xi32, #tpu.memory_space<hbm>> -> memref<8xi32, #tpu.memory_space<hbm>>
        tpu.wait_dma2 semaphore(%arg16 : memref<!tpu.dma_semaphore, #tpu.memory_space<semaphore_mem>>) src(%dma_wait3A_110 : memref<8xi32, #tpu.memory_space<hbm>>) dst(%arg11 : memref<8xi32, #tpu.memory_space<vmem>>)
        %dma_start3A_111 = arith.constant 0 : i32
        %dma_start3A_112 = arith.constant 0 : i32
        %dma_start3A_113 = arith.constant 0 : i32
        %dma_start3A_114 = tpu.memref_slice %arg2[%dma_start3A_111, %dma_start3A_112, %dma_start3A_113] : memref<10000x24x128xf32, #tpu.memory_space<hbm>> -> memref<10000x24x128xf32, #tpu.memory_space<hbm>>
        tpu.enqueue_indirect_dma source(%dma_start3A_114 : memref<10000x24x128xf32, #tpu.memory_space<hbm>>) target(%arg13 : memref<8x24x128xf32, #tpu.memory_space<vmem>>) offsets(%arg9 : memref<8xi32, #tpu.memory_space<vmem>>) semaphore(%arg18 : memref<!tpu.dma_semaphore, #tpu.memory_space<semaphore_mem>>)
        %gt3A_115 = arith.constant 0 : i32
        %gt3A_116 = arith.cmpi sgt, %while3A_94, %gt3A_115 : i32
        %convert_element_type3A_117 = arith.extui %gt3A_116 : i1 to i32
        %cond3A_118 = arith.constant 0 : i32
        %cond3A_119 = arith.cmpi ne, %convert_element_type3A_117, %cond3A_118 : i32
        scf.if %cond3A_119 {
          %dma_wait3A_153 = arith.constant 0 : i32
          %dma_wait3A_154 = arith.constant 0 : i32
          %dma_wait3A_155 = arith.constant 0 : i32
          %dma_wait3A_156 = tpu.memref_slice %arg15[%dma_wait3A_153, %dma_wait3A_154, %dma_wait3A_155] : memref<384x24x128xf32, #tpu.memory_space<vmem_shared>> -> memref<384x24x128xf32, #tpu.memory_space<vmem_shared>>
          tpu.wait_indirect_dma semaphore(%arg21 : memref<!tpu.dma_semaphore, #tpu.memory_space<semaphore_mem>>) src(%arg14 : memref<8x24x128xf32, #tpu.memory_space<vmem>>) dst(%dma_wait3A_156 : memref<384x24x128xf32, #tpu.memory_space<vmem_shared>>)
        } else {
        }
        %dma_start3A_120 = tpu.memref_slice %arg3[%multiple_of3A_104] : memref<170240xi32, #tpu.memory_space<hbm>> -> memref<8xi32, #tpu.memory_space<hbm>>
        %dma_start3A_121 = tpu.memref_slice %arg3[%multiple_of3A_104] : memref<170240xi32, #tpu.memory_space<hbm>> -> memref<8xi32, #tpu.memory_space<hbm>>
        tpu.enqueue_dma source(%dma_start3A_121 : memref<8xi32, #tpu.memory_space<hbm>>) target(%arg10 : memref<8xi32, #tpu.memory_space<vmem>>) target_semaphore(%arg17 : memref<!tpu.dma_semaphore, #tpu.memory_space<semaphore_mem>>)
        %dma_start3A_122 = tpu.memref_slice %arg4[%multiple_of3A_104] : memref<170240xi32, #tpu.memory_space<hbm>> -> memref<8xi32, #tpu.memory_space<hbm>>
        %dma_start3A_123 = tpu.memref_slice %arg4[%multiple_of3A_104] : memref<170240xi32, #tpu.memory_space<hbm>> -> memref<8xi32, #tpu.memory_space<hbm>>
        tpu.enqueue_dma source(%dma_start3A_123 : memref<8xi32, #tpu.memory_space<hbm>>) target(%arg12 : memref<8xi32, #tpu.memory_space<vmem>>) target_semaphore(%arg17 : memref<!tpu.dma_semaphore, #tpu.memory_space<semaphore_mem>>)
        %dma_wait3A_124 = tpu.memref_slice %arg3[%multiple_of3A_104] : memref<170240xi32, #tpu.memory_space<hbm>> -> memref<8xi32, #tpu.memory_space<hbm>>
        %dma_wait3A_125 = tpu.memref_slice %arg3[%multiple_of3A_104] : memref<170240xi32, #tpu.memory_space<hbm>> -> memref<8xi32, #tpu.memory_space<hbm>>
        tpu.wait_dma2 semaphore(%arg17 : memref<!tpu.dma_semaphore, #tpu.memory_space<semaphore_mem>>) src(%dma_wait3A_125 : memref<8xi32, #tpu.memory_space<hbm>>) dst(%arg10 : memref<8xi32, #tpu.memory_space<vmem>>)
        %dma_wait3A_126 = tpu.memref_slice %arg4[%multiple_of3A_104] : memref<170240xi32, #tpu.memory_space<hbm>> -> memref<8xi32, #tpu.memory_space<hbm>>
        %dma_wait3A_127 = tpu.memref_slice %arg4[%multiple_of3A_104] : memref<170240xi32, #tpu.memory_space<hbm>> -> memref<8xi32, #tpu.memory_space<hbm>>
        tpu.wait_dma2 semaphore(%arg17 : memref<!tpu.dma_semaphore, #tpu.memory_space<semaphore_mem>>) src(%dma_wait3A_127 : memref<8xi32, #tpu.memory_space<hbm>>) dst(%arg12 : memref<8xi32, #tpu.memory_space<vmem>>)
        %dma_start3A_128 = arith.constant 0 : i32
        %dma_start3A_129 = arith.constant 0 : i32
        %dma_start3A_130 = arith.constant 0 : i32
        %dma_start3A_131 = tpu.memref_slice %arg2[%dma_start3A_128, %dma_start3A_129, %dma_start3A_130] : memref<10000x24x128xf32, #tpu.memory_space<hbm>> -> memref<10000x24x128xf32, #tpu.memory_space<hbm>>
        tpu.enqueue_indirect_dma source(%dma_start3A_131 : memref<10000x24x128xf32, #tpu.memory_space<hbm>>) target(%arg14 : memref<8x24x128xf32, #tpu.memory_space<vmem>>) offsets(%arg10 : memref<8xi32, #tpu.memory_space<vmem>>) semaphore(%arg19 : memref<!tpu.dma_semaphore, #tpu.memory_space<semaphore_mem>>)
        %dma_wait3A_132 = arith.constant 0 : i32
        %dma_wait3A_133 = arith.constant 0 : i32
        %dma_wait3A_134 = arith.constant 0 : i32
        %dma_wait3A_135 = tpu.memref_slice %arg2[%dma_wait3A_132, %dma_wait3A_133, %dma_wait3A_134] : memref<10000x24x128xf32, #tpu.memory_space<hbm>> -> memref<10000x24x128xf32, #tpu.memory_space<hbm>>
        tpu.wait_indirect_dma semaphore(%arg18 : memref<!tpu.dma_semaphore, #tpu.memory_space<semaphore_mem>>) src(%dma_wait3A_135 : memref<10000x24x128xf32, #tpu.memory_space<hbm>>) dst(%arg13 : memref<8x24x128xf32, #tpu.memory_space<vmem>>)
        %dma_start3A_136 = arith.constant 0 : i32
        %dma_start3A_137 = arith.constant 0 : i32
        %dma_start3A_138 = arith.constant 0 : i32
        %dma_start3A_139 = tpu.memref_slice %arg15[%dma_start3A_136, %dma_start3A_137, %dma_start3A_138] : memref<384x24x128xf32, #tpu.memory_space<vmem_shared>> -> memref<384x24x128xf32, #tpu.memory_space<vmem_shared>>
        tpu.enqueue_indirect_dma source(%arg13 : memref<8x24x128xf32, #tpu.memory_space<vmem>>) target(%dma_start3A_139 : memref<384x24x128xf32, #tpu.memory_space<vmem_shared>>) offsets(%arg11 : memref<8xi32, #tpu.memory_space<vmem>>) semaphore(%arg20 : memref<!tpu.dma_semaphore, #tpu.memory_space<semaphore_mem>>) {add = true}
        %dma_wait3A_140 = arith.constant 0 : i32
        %dma_wait3A_141 = arith.constant 0 : i32
        %dma_wait3A_142 = arith.constant 0 : i32
        %dma_wait3A_143 = tpu.memref_slice %arg2[%dma_wait3A_140, %dma_wait3A_141, %dma_wait3A_142] : memref<10000x24x128xf32, #tpu.memory_space<hbm>> -> memref<10000x24x128xf32, #tpu.memory_space<hbm>>
        tpu.wait_indirect_dma semaphore(%arg19 : memref<!tpu.dma_semaphore, #tpu.memory_space<semaphore_mem>>) src(%dma_wait3A_143 : memref<10000x24x128xf32, #tpu.memory_space<hbm>>) dst(%arg14 : memref<8x24x128xf32, #tpu.memory_space<vmem>>)
        %dma_wait3A_144 = arith.constant 0 : i32
        %dma_wait3A_145 = arith.constant 0 : i32
        %dma_wait3A_146 = arith.constant 0 : i32
        %dma_wait3A_147 = tpu.memref_slice %arg15[%dma_wait3A_144, %dma_wait3A_145, %dma_wait3A_146] : memref<384x24x128xf32, #tpu.memory_space<vmem_shared>> -> memref<384x24x128xf32, #tpu.memory_space<vmem_shared>>
        tpu.wait_indirect_dma semaphore(%arg20 : memref<!tpu.dma_semaphore, #tpu.memory_space<semaphore_mem>>) src(%arg13 : memref<8x24x128xf32, #tpu.memory_space<vmem>>) dst(%dma_wait3A_147 : memref<384x24x128xf32, #tpu.memory_space<vmem_shared>>)
        %dma_start3A_148 = arith.constant 0 : i32
        %dma_start3A_149 = arith.constant 0 : i32
        %dma_start3A_150 = arith.constant 0 : i32
        %dma_start3A_151 = tpu.memref_slice %arg15[%dma_start3A_148, %dma_start3A_149, %dma_start3A_150] : memref<384x24x128xf32, #tpu.memory_space<vmem_shared>> -> memref<384x24x128xf32, #tpu.memory_space<vmem_shared>>
        tpu.enqueue_indirect_dma source(%arg14 : memref<8x24x128xf32, #tpu.memory_space<vmem>>) target(%dma_start3A_151 : memref<384x24x128xf32, #tpu.memory_space<vmem_shared>>) offsets(%arg12 : memref<8xi32, #tpu.memory_space<vmem>>) semaphore(%arg21 : memref<!tpu.dma_semaphore, #tpu.memory_space<semaphore_mem>>) {add = true}
        %while3A_152 = arith.constant 0 : i32
        scf.yield %while3A_152 : i32
      }
      %while3A_68 = arith.constant 1 : i32
      %while3A_69 = scf.for %while3A_94 = %while3A_65 to %while3A_61 step %while3A_68 iter_args(%while3A_95 = %while3A_67) -> (i32)  : i32 {
        %mul3A_96 = arith.constant 2 : i32
        %mul3A_97 = arith.muli %mul3A_96, %while3A_94 : i32
        %mul3A_98 = arith.constant 8 : i32
        %mul3A_99 = arith.muli %mul3A_97, %mul3A_98 : i32
        %add3A_100 = arith.addi %multiple_of3A, %mul3A_99 : i32
        %multiple_of3A_101 = tpu.assume_multiple %add3A_100, 8 : i32
        %add3A_102 = arith.constant 8 : i32
        %add3A_103 = arith.addi %multiple_of3A_101, %add3A_102 : i32
        %multiple_of3A_104 = tpu.assume_multiple %add3A_103, 8 : i32
        %dma_start3A = tpu.memref_slice %arg3[%multiple_of3A_101] : memref<170240xi32, #tpu.memory_space<hbm>> -> memref<8xi32, #tpu.memory_space<hbm>>
        %dma_start3A_105 = tpu.memref_slice %arg3[%multiple_of3A_101] : memref<170240xi32, #tpu.memory_space<hbm>> -> memref<8xi32, #tpu.memory_space<hbm>>
        tpu.enqueue_dma source(%dma_start3A_105 : memref<8xi32, #tpu.memory_space<hbm>>) target(%arg9 : memref<8xi32, #tpu.memory_space<vmem>>) target_semaphore(%arg16 : memref<!tpu.dma_semaphore, #tpu.memory_space<semaphore_mem>>)
        %dma_start3A_106 = tpu.memref_slice %arg4[%multiple_of3A_101] : memref<170240xi32, #tpu.memory_space<hbm>> -> memref<8xi32, #tpu.memory_space<hbm>>
        %dma_start3A_107 = tpu.memref_slice %arg4[%multiple_of3A_101] : memref<170240xi32, #tpu.memory_space<hbm>> -> memref<8xi32, #tpu.memory_space<hbm>>
        tpu.enqueue_dma source(%dma_start3A_107 : memref<8xi32, #tpu.memory_space<hbm>>) target(%arg11 : memref<8xi32, #tpu.memory_space<vmem>>) target_semaphore(%arg16 : memref<!tpu.dma_semaphore, #tpu.memory_space<semaphore_mem>>)
        %dma_wait3A = tpu.memref_slice %arg3[%multiple_of3A_101] : memref<170240xi32, #tpu.memory_space<hbm>> -> memref<8xi32, #tpu.memory_space<hbm>>
        %dma_wait3A_108 = tpu.memref_slice %arg3[%multiple_of3A_101] : memref<170240xi32, #tpu.memory_space<hbm>> -> memref<8xi32, #tpu.memory_space<hbm>>
        tpu.wait_dma2 semaphore(%arg16 : memref<!tpu.dma_semaphore, #tpu.memory_space<semaphore_mem>>) src(%dma_wait3A_108 : memref<8xi32, #tpu.memory_space<hbm>>) dst(%arg9 : memref<8xi32, #tpu.memory_space<vmem>>)
        %dma_wait3A_109 = tpu.memref_slice %arg4[%multiple_of3A_101] : memref<170240xi32, #tpu.memory_space<hbm>> -> memref<8xi32, #tpu.memory_space<hbm>>
        %dma_wait3A_110 = tpu.memref_slice %arg4[%multiple_of3A_101] : memref<170240xi32, #tpu.memory_space<hbm>> -> memref<8xi32, #tpu.memory_space<hbm>>
        tpu.wait_dma2 semaphore(%arg16 : memref<!tpu.dma_semaphore, #tpu.memory_space<semaphore_mem>>) src(%dma_wait3A_110 : memref<8xi32, #tpu.memory_space<hbm>>) dst(%arg11 : memref<8xi32, #tpu.memory_space<vmem>>)
        %dma_start3A_111 = arith.constant 0 : i32
        %dma_start3A_112 = arith.constant 0 : i32
        %dma_start3A_113 = arith.constant 0 : i32
        %dma_start3A_114 = tpu.memref_slice %arg2[%dma_start3A_111, %dma_start3A_112, %dma_start3A_113] : memref<10000x24x128xf32, #tpu.memory_space<hbm>> -> memref<10000x24x128xf32, #tpu.memory_space<hbm>>
        tpu.enqueue_indirect_dma source(%dma_start3A_114 : memref<10000x24x128xf32, #tpu.memory_space<hbm>>) target(%arg13 : memref<8x24x128xf32, #tpu.memory_space<vmem>>) offsets(%arg9 : memref<8xi32, #tpu.memory_space<vmem>>) semaphore(%arg18 : memref<!tpu.dma_semaphore, #tpu.memory_space<semaphore_mem>>)
        %gt3A_115 = arith.constant 0 : i32
        %gt3A_116 = arith.cmpi sgt, %while3A_94, %gt3A_115 : i32
        %convert_element_type3A_117 = arith.extui %gt3A_116 : i1 to i32
        %cond3A_118 = arith.constant 0 : i32
        %cond3A_119 = arith.cmpi ne, %convert_element_type3A_117, %cond3A_118 : i32
        scf.if %cond3A_119 {
          %dma_wait3A_153 = arith.constant 0 : i32
          %dma_wait3A_154 = arith.constant 0 : i32
          %dma_wait3A_155 = arith.constant 0 : i32
          %dma_wait3A_156 = tpu.memref_slice %arg15[%dma_wait3A_153, %dma_wait3A_154, %dma_wait3A_155] : memref<384x24x128xf32, #tpu.memory_space<vmem_shared>> -> memref<384x24x128xf32, #tpu.memory_space<vmem_shared>>
          tpu.wait_indirect_dma semaphore(%arg21 : memref<!tpu.dma_semaphore, #tpu.memory_space<semaphore_mem>>) src(%arg14 : memref<8x24x128xf32, #tpu.memory_space<vmem>>) dst(%dma_wait3A_156 : memref<384x24x128xf32, #tpu.memory_space<vmem_shared>>)
        } else {
        }
        %dma_start3A_120 = tpu.memref_slice %arg3[%multiple_of3A_104] : memref<170240xi32, #tpu.memory_space<hbm>> -> memref<8xi32, #tpu.memory_space<hbm>>
        %dma_start3A_121 = tpu.memref_slice %arg3[%multiple_of3A_104] : memref<170240xi32, #tpu.memory_space<hbm>> -> memref<8xi32, #tpu.memory_space<hbm>>
        tpu.enqueue_dma source(%dma_start3A_121 : memref<8xi32, #tpu.memory_space<hbm>>) target(%arg10 : memref<8xi32, #tpu.memory_space<vmem>>) target_semaphore(%arg17 : memref<!tpu.dma_semaphore, #tpu.memory_space<semaphore_mem>>)
        %dma_start3A_122 = tpu.memref_slice %arg4[%multiple_of3A_104] : memref<170240xi32, #tpu.memory_space<hbm>> -> memref<8xi32, #tpu.memory_space<hbm>>
        %dma_start3A_123 = tpu.memref_slice %arg4[%multiple_of3A_104] : memref<170240xi32, #tpu.memory_space<hbm>> -> memref<8xi32, #tpu.memory_space<hbm>>
        tpu.enqueue_dma source(%dma_start3A_123 : memref<8xi32, #tpu.memory_space<hbm>>) target(%arg12 : memref<8xi32, #tpu.memory_space<vmem>>) target_semaphore(%arg17 : memref<!tpu.dma_semaphore, #tpu.memory_space<semaphore_mem>>)
        %dma_wait3A_124 = tpu.memref_slice %arg3[%multiple_of3A_104] : memref<170240xi32, #tpu.memory_space<hbm>> -> memref<8xi32, #tpu.memory_space<hbm>>
        %dma_wait3A_125 = tpu.memref_slice %arg3[%multiple_of3A_104] : memref<170240xi32, #tpu.memory_space<hbm>> -> memref<8xi32, #tpu.memory_space<hbm>>
        tpu.wait_dma2 semaphore(%arg17 : memref<!tpu.dma_semaphore, #tpu.memory_space<semaphore_mem>>) src(%dma_wait3A_125 : memref<8xi32, #tpu.memory_space<hbm>>) dst(%arg10 : memref<8xi32, #tpu.memory_space<vmem>>)
        %dma_wait3A_126 = tpu.memref_slice %arg4[%multiple_of3A_104] : memref<170240xi32, #tpu.memory_space<hbm>> -> memref<8xi32, #tpu.memory_space<hbm>>
        %dma_wait3A_127 = tpu.memref_slice %arg4[%multiple_of3A_104] : memref<170240xi32, #tpu.memory_space<hbm>> -> memref<8xi32, #tpu.memory_space<hbm>>
        tpu.wait_dma2 semaphore(%arg17 : memref<!tpu.dma_semaphore, #tpu.memory_space<semaphore_mem>>) src(%dma_wait3A_127 : memref<8xi32, #tpu.memory_space<hbm>>) dst(%arg12 : memref<8xi32, #tpu.memory_space<vmem>>)
        %dma_start3A_128 = arith.constant 0 : i32
        %dma_start3A_129 = arith.constant 0 : i32
        %dma_start3A_130 = arith.constant 0 : i32
        %dma_start3A_131 = tpu.memref_slice %arg2[%dma_start3A_128, %dma_start3A_129, %dma_start3A_130] : memref<10000x24x128xf32, #tpu.memory_space<hbm>> -> memref<10000x24x128xf32, #tpu.memory_space<hbm>>
        tpu.enqueue_indirect_dma source(%dma_start3A_131 : memref<10000x24x128xf32, #tpu.memory_space<hbm>>) target(%arg14 : memref<8x24x128xf32, #tpu.memory_space<vmem>>) offsets(%arg10 : memref<8xi32, #tpu.memory_space<vmem>>) semaphore(%arg19 : memref<!tpu.dma_semaphore, #tpu.memory_space<semaphore_mem>>)
        %dma_wait3A_132 = arith.constant 0 : i32
        %dma_wait3A_133 = arith.constant 0 : i32
        %dma_wait3A_134 = arith.constant 0 : i32
        %dma_wait3A_135 = tpu.memref_slice %arg2[%dma_wait3A_132, %dma_wait3A_133, %dma_wait3A_134] : memref<10000x24x128xf32, #tpu.memory_space<hbm>> -> memref<10000x24x128xf32, #tpu.memory_space<hbm>>
        tpu.wait_indirect_dma semaphore(%arg18 : memref<!tpu.dma_semaphore, #tpu.memory_space<semaphore_mem>>) src(%dma_wait3A_135 : memref<10000x24x128xf32, #tpu.memory_space<hbm>>) dst(%arg13 : memref<8x24x128xf32, #tpu.memory_space<vmem>>)
        %dma_start3A_136 = arith.constant 0 : i32
        %dma_start3A_137 = arith.constant 0 : i32
        %dma_start3A_138 = arith.constant 0 : i32
        %dma_start3A_139 = tpu.memref_slice %arg15[%dma_start3A_136, %dma_start3A_137, %dma_start3A_138] : memref<384x24x128xf32, #tpu.memory_space<vmem_shared>> -> memref<384x24x128xf32, #tpu.memory_space<vmem_shared>>
        tpu.enqueue_indirect_dma source(%arg13 : memref<8x24x128xf32, #tpu.memory_space<vmem>>) target(%dma_start3A_139 : memref<384x24x128xf32, #tpu.memory_space<vmem_shared>>) offsets(%arg11 : memref<8xi32, #tpu.memory_space<vmem>>) semaphore(%arg20 : memref<!tpu.dma_semaphore, #tpu.memory_space<semaphore_mem>>) {add = true}
        %dma_wait3A_140 = arith.constant 0 : i32
        %dma_wait3A_141 = arith.constant 0 : i32
        %dma_wait3A_142 = arith.constant 0 : i32
        %dma_wait3A_143 = tpu.memref_slice %arg2[%dma_wait3A_140, %dma_wait3A_141, %dma_wait3A_142] : memref<10000x24x128xf32, #tpu.memory_space<hbm>> -> memref<10000x24x128xf32, #tpu.memory_space<hbm>>
        tpu.wait_indirect_dma semaphore(%arg19 : memref<!tpu.dma_semaphore, #tpu.memory_space<semaphore_mem>>) src(%dma_wait3A_143 : memref<10000x24x128xf32, #tpu.memory_space<hbm>>) dst(%arg14 : memref<8x24x128xf32, #tpu.memory_space<vmem>>)
        %dma_wait3A_144 = arith.constant 0 : i32
        %dma_wait3A_145 = arith.constant 0 : i32
        %dma_wait3A_146 = arith.constant 0 : i32
        %dma_wait3A_147 = tpu.memref_slice %arg15[%dma_wait3A_144, %dma_wait3A_145, %dma_wait3A_146] : memref<384x24x128xf32, #tpu.memory_space<vmem_shared>> -> memref<384x24x128xf32, #tpu.memory_space<vmem_shared>>
        tpu.wait_indirect_dma semaphore(%arg20 : memref<!tpu.dma_semaphore, #tpu.memory_space<semaphore_mem>>) src(%arg13 : memref<8x24x128xf32, #tpu.memory_space<vmem>>) dst(%dma_wait3A_147 : memref<384x24x128xf32, #tpu.memory_space<vmem_shared>>)
        %dma_start3A_148 = arith.constant 0 : i32
        %dma_start3A_149 = arith.constant 0 : i32
        %dma_start3A_150 = arith.constant 0 : i32
        %dma_start3A_151 = tpu.memref_slice %arg15[%dma_start3A_148, %dma_start3A_149, %dma_start3A_150] : memref<384x24x128xf32, #tpu.memory_space<vmem_shared>> -> memref<384x24x128xf32, #tpu.memory_space<vmem_shared>>
        tpu.enqueue_indirect_dma source(%arg14 : memref<8x24x128xf32, #tpu.memory_space<vmem>>) target(%dma_start3A_151 : memref<384x24x128xf32, #tpu.memory_space<vmem_shared>>) offsets(%arg12 : memref<8xi32, #tpu.memory_space<vmem>>) semaphore(%arg21 : memref<!tpu.dma_semaphore, #tpu.memory_space<semaphore_mem>>) {add = true}
        %while3A_152 = arith.constant 0 : i32
        scf.yield %while3A_152 : i32
      }
      %gt3A = arith.constant 0 : i32
      %gt3A_70 = arith.cmpi sgt, %select_n3A_58, %gt3A : i32
      %convert_element_type3A = arith.extui %gt3A_70 : i1 to i32
      %cond3A = arith.constant 0 : i32
      %cond3A_71 = arith.cmpi ne, %convert_element_type3A, %cond3A : i32
      scf.if %cond3A_71 {
        %dma_wait3A = arith.constant 0 : i32
        %dma_wait3A_94 = arith.constant 0 : i32
        %dma_wait3A_95 = arith.constant 0 : i32
        %dma_wait3A_96 = tpu.memref_slice %arg15[%dma_wait3A, %dma_wait3A_94, %dma_wait3A_95] : memref<384x24x128xf32, #tpu.memory_space<vmem_shared>> -> memref<384x24x128xf32, #tpu.memory_space<vmem_shared>>
        tpu.wait_indirect_dma semaphore(%arg21 : memref<!tpu.dma_semaphore, #tpu.memory_space<semaphore_mem>>) src(%arg14 : memref<8x24x128xf32, #tpu.memory_space<vmem>>) dst(%dma_wait3A_96 : memref<384x24x128xf32, #tpu.memory_space<vmem_shared>>)
      } else {
      }
      %jit3A_72 = arith.constant 2 : i32
      %eq3A = arith.constant 0 : i32
      %eq3A_73 = arith.cmpi eq, %jit3A_72, %eq3A : i32
      %jit3A_74 = arith.constant 1 : i32
      %select_n3A_75 = arith.select %eq3A_73, %jit3A_74, %jit3A_72 : i32
      %rem3A_76 = arith.remsi %select_n3A, %select_n3A_75 : i32
      %ne3A_77 = arith.constant 0 : i32
      %ne3A_78 = arith.cmpi ne, %rem3A_76, %ne3A_77 : i32
      %lt3A = arith.constant 0 : i32
      %lt3A_79 = arith.cmpi slt, %rem3A_76, %lt3A : i32
      %lt3A_80 = arith.constant 0 : i32
      %lt3A_81 = arith.cmpi slt, %select_n3A_75, %lt3A_80 : i32
      %ne3A_82 = arith.xori %lt3A_79, %lt3A_81 : i1
      %and3A_83 = arith.andi %ne3A_82, %ne3A_78 : i1
      %add3A_84 = arith.addi %rem3A_76, %select_n3A_75 : i32
      %select_n3A_85 = arith.select %and3A_83, %add3A_84, %rem3A_76 : i32
      %eq3A_86 = arith.constant 1 : i32
      %eq3A_87 = arith.cmpi eq, %select_n3A_85, %eq3A_86 : i32
      %convert_element_type3A_88 = arith.extui %eq3A_87 : i1 to i32
      %cond3A_89 = arith.constant 0 : i32
      %cond3A_90 = arith.cmpi ne, %convert_element_type3A_88, %cond3A_89 : i32
      scf.if %cond3A_90 {
        %sub3A_94 = arith.constant 1 : i32
        %sub3A_95 = arith.subi %select_n3A, %sub3A_94 : i32
        %mul3A_96 = arith.constant 8 : i32
        %mul3A_97 = arith.muli %sub3A_95, %mul3A_96 : i32
        %add3A_98 = arith.addi %multiple_of3A, %mul3A_97 : i32
        %multiple_of3A_99 = tpu.assume_multiple %add3A_98, 8 : i32
        %dma_start3A = tpu.memref_slice %arg3[%multiple_of3A_99] : memref<170240xi32, #tpu.memory_space<hbm>> -> memref<8xi32, #tpu.memory_space<hbm>>
        %dma_start3A_100 = tpu.memref_slice %arg3[%multiple_of3A_99] : memref<170240xi32, #tpu.memory_space<hbm>> -> memref<8xi32, #tpu.memory_space<hbm>>
        tpu.enqueue_dma source(%dma_start3A_100 : memref<8xi32, #tpu.memory_space<hbm>>) target(%arg9 : memref<8xi32, #tpu.memory_space<vmem>>) target_semaphore(%arg16 : memref<!tpu.dma_semaphore, #tpu.memory_space<semaphore_mem>>)
        %dma_start3A_101 = tpu.memref_slice %arg4[%multiple_of3A_99] : memref<170240xi32, #tpu.memory_space<hbm>> -> memref<8xi32, #tpu.memory_space<hbm>>
        %dma_start3A_102 = tpu.memref_slice %arg4[%multiple_of3A_99] : memref<170240xi32, #tpu.memory_space<hbm>> -> memref<8xi32, #tpu.memory_space<hbm>>
        tpu.enqueue_dma source(%dma_start3A_102 : memref<8xi32, #tpu.memory_space<hbm>>) target(%arg11 : memref<8xi32, #tpu.memory_space<vmem>>) target_semaphore(%arg16 : memref<!tpu.dma_semaphore, #tpu.memory_space<semaphore_mem>>)
        %dma_wait3A = tpu.memref_slice %arg3[%multiple_of3A_99] : memref<170240xi32, #tpu.memory_space<hbm>> -> memref<8xi32, #tpu.memory_space<hbm>>
        %dma_wait3A_103 = tpu.memref_slice %arg3[%multiple_of3A_99] : memref<170240xi32, #tpu.memory_space<hbm>> -> memref<8xi32, #tpu.memory_space<hbm>>
        tpu.wait_dma2 semaphore(%arg16 : memref<!tpu.dma_semaphore, #tpu.memory_space<semaphore_mem>>) src(%dma_wait3A_103 : memref<8xi32, #tpu.memory_space<hbm>>) dst(%arg9 : memref<8xi32, #tpu.memory_space<vmem>>)
        %dma_wait3A_104 = tpu.memref_slice %arg4[%multiple_of3A_99] : memref<170240xi32, #tpu.memory_space<hbm>> -> memref<8xi32, #tpu.memory_space<hbm>>
        %dma_wait3A_105 = tpu.memref_slice %arg4[%multiple_of3A_99] : memref<170240xi32, #tpu.memory_space<hbm>> -> memref<8xi32, #tpu.memory_space<hbm>>
        tpu.wait_dma2 semaphore(%arg16 : memref<!tpu.dma_semaphore, #tpu.memory_space<semaphore_mem>>) src(%dma_wait3A_105 : memref<8xi32, #tpu.memory_space<hbm>>) dst(%arg11 : memref<8xi32, #tpu.memory_space<vmem>>)
        %dma_start3A_106 = arith.constant 0 : i32
        %dma_start3A_107 = arith.constant 0 : i32
        %dma_start3A_108 = arith.constant 0 : i32
        %dma_start3A_109 = tpu.memref_slice %arg2[%dma_start3A_106, %dma_start3A_107, %dma_start3A_108] : memref<10000x24x128xf32, #tpu.memory_space<hbm>> -> memref<10000x24x128xf32, #tpu.memory_space<hbm>>
        tpu.enqueue_indirect_dma source(%dma_start3A_109 : memref<10000x24x128xf32, #tpu.memory_space<hbm>>) target(%arg13 : memref<8x24x128xf32, #tpu.memory_space<vmem>>) offsets(%arg9 : memref<8xi32, #tpu.memory_space<vmem>>) semaphore(%arg18 : memref<!tpu.dma_semaphore, #tpu.memory_space<semaphore_mem>>)
        %dma_wait3A_110 = arith.constant 0 : i32
        %dma_wait3A_111 = arith.constant 0 : i32
        %dma_wait3A_112 = arith.constant 0 : i32
        %dma_wait3A_113 = tpu.memref_slice %arg2[%dma_wait3A_110, %dma_wait3A_111, %dma_wait3A_112] : memref<10000x24x128xf32, #tpu.memory_space<hbm>> -> memref<10000x24x128xf32, #tpu.memory_space<hbm>>
        tpu.wait_indirect_dma semaphore(%arg18 : memref<!tpu.dma_semaphore, #tpu.memory_space<semaphore_mem>>) src(%dma_wait3A_113 : memref<10000x24x128xf32, #tpu.memory_space<hbm>>) dst(%arg13 : memref<8x24x128xf32, #tpu.memory_space<vmem>>)
        %dma_start3A_114 = arith.constant 0 : i32
        %dma_start3A_115 = arith.constant 0 : i32
        %dma_start3A_116 = arith.constant 0 : i32
        %dma_start3A_117 = tpu.memref_slice %arg15[%dma_start3A_114, %dma_start3A_115, %dma_start3A_116] : memref<384x24x128xf32, #tpu.memory_space<vmem_shared>> -> memref<384x24x128xf32, #tpu.memory_space<vmem_shared>>
        tpu.enqueue_indirect_dma source(%arg13 : memref<8x24x128xf32, #tpu.memory_space<vmem>>) target(%dma_start3A_117 : memref<384x24x128xf32, #tpu.memory_space<vmem_shared>>) offsets(%arg11 : memref<8xi32, #tpu.memory_space<vmem>>) semaphore(%arg20 : memref<!tpu.dma_semaphore, #tpu.memory_space<semaphore_mem>>) {add = true}
        %dma_wait3A_118 = arith.constant 0 : i32
        %dma_wait3A_119 = arith.constant 0 : i32
        %dma_wait3A_120 = arith.constant 0 : i32
        %dma_wait3A_121 = tpu.memref_slice %arg15[%dma_wait3A_118, %dma_wait3A_119, %dma_wait3A_120] : memref<384x24x128xf32, #tpu.memory_space<vmem_shared>> -> memref<384x24x128xf32, #tpu.memory_space<vmem_shared>>
        tpu.wait_indirect_dma semaphore(%arg20 : memref<!tpu.dma_semaphore, #tpu.memory_space<semaphore_mem>>) src(%arg13 : memref<8x24x128xf32, #tpu.memory_space<vmem>>) dst(%dma_wait3A_121 : memref<384x24x128xf32, #tpu.memory_space<vmem_shared>>)
      } else {
      }
      %mul3A_91 = arith.constant 16 : i32
      %mul3A_92 = arith.muli %add3A_13, %mul3A_91 : i32
      "tpu.region"() ({
        %run_scoped3A = tpu.sem_alloc : memref<!tpu.dma_semaphore, #tpu.memory_space<semaphore_mem>>
        %dma_start3A = arith.constant 0 : i32
        %dma_start3A_94 = arith.constant 0 : i32
        %dma_start3A_95 = tpu.memref_slice %arg7[%mul3A_92, %dma_start3A, %dma_start3A_94] : memref<10240x24x128xf32, #tpu.memory_space<hbm>> -> memref<16x24x128xf32, #tpu.memory_space<hbm>>
        %dma_start3A_96 = arith.constant 0 : i32
        %dma_start3A_97 = arith.constant 0 : i32
        %dma_start3A_98 = tpu.memref_slice %arg15[%mul3A_2, %dma_start3A_96, %dma_start3A_97] : memref<384x24x128xf32, #tpu.memory_space<vmem_shared>> -> memref<16x24x128xf32, #tpu.memory_space<vmem_shared>>
        tpu.enqueue_dma source(%dma_start3A_98 : memref<16x24x128xf32, #tpu.memory_space<vmem_shared>>) target(%dma_start3A_95 : memref<16x24x128xf32, #tpu.memory_space<hbm>>) target_semaphore(%run_scoped3A : memref<!tpu.dma_semaphore, #tpu.memory_space<semaphore_mem>>)
        %dma_wait3A = arith.constant 0 : i32
        %dma_wait3A_99 = arith.constant 0 : i32
        %dma_wait3A_100 = tpu.memref_slice %arg7[%mul3A_92, %dma_wait3A, %dma_wait3A_99] : memref<10240x24x128xf32, #tpu.memory_space<hbm>> -> memref<16x24x128xf32, #tpu.memory_space<hbm>>
        %dma_wait3A_101 = arith.constant 0 : i32
        %dma_wait3A_102 = arith.constant 0 : i32
        %dma_wait3A_103 = tpu.memref_slice %arg15[%mul3A_2, %dma_wait3A_101, %dma_wait3A_102] : memref<384x24x128xf32, #tpu.memory_space<vmem_shared>> -> memref<16x24x128xf32, #tpu.memory_space<vmem_shared>>
        tpu.wait_dma2 semaphore(%run_scoped3A : memref<!tpu.dma_semaphore, #tpu.memory_space<semaphore_mem>>) src(%dma_wait3A_103 : memref<16x24x128xf32, #tpu.memory_space<vmem_shared>>) dst(%dma_wait3A_100 : memref<16x24x128xf32, #tpu.memory_space<hbm>>)
        tpu.yield
      }) : () -> ()
      %scan3A_93 = arith.constant 0 : i32
      scf.yield %scan3A_93 : i32
    }
    %scan3A_8 = arith.constant 20 : i32
    return
  }
}

#map = affine_map<(d0, d1) -> (0, 0, 0)>
#map1 = affine_map<(d0, d1) -> (0)>
#map2 = affine_map<(d0, d1) -> (0, 0)>
module attributes {stable_mosaic.version = 14 : i64} {
  func.func @k(%arg0: i32, %arg1: i32, %arg2: memref<10000x24x128xf32, #tpu.memory_space<hbm>>, %arg3: memref<170240xi32, #tpu.memory_space<hbm>>, %arg4: memref<170240xi32, #tpu.memory_space<hbm>>, %arg5: memref<640x16xi32, #tpu.memory_space<hbm>>, %arg6: memref<24x24x128xf32, #tpu.memory_space<hbm>>, %arg7: memref<10240x24x128xf32, #tpu.memory_space<hbm>>, %arg8: memref<16xi32, #tpu.memory_space<vmem>>, %arg9: memref<8xi32, #tpu.memory_space<vmem>>, %arg10: memref<8xi32, #tpu.memory_space<vmem>>, %arg11: memref<8xi32, #tpu.memory_space<vmem>>, %arg12: memref<8xi32, #tpu.memory_space<vmem>>, %arg13: memref<8x24x128xf32, #tpu.memory_space<vmem>>, %arg14: memref<8x24x128xf32, #tpu.memory_space<vmem>>, %arg15: memref<384x24x128xf32, #tpu.memory_space<vmem_shared>>, %arg16: memref<!tpu.dma_semaphore, #tpu.memory_space<semaphore_mem>>, %arg17: memref<!tpu.dma_semaphore, #tpu.memory_space<semaphore_mem>>, %arg18: memref<!tpu.dma_semaphore, #tpu.memory_space<semaphore_mem>>, %arg19: memref<!tpu.dma_semaphore, #tpu.memory_space<semaphore_mem>>, %arg20: memref<!tpu.dma_semaphore, #tpu.memory_space<semaphore_mem>>, %arg21: memref<!tpu.dma_semaphore, #tpu.memory_space<semaphore_mem>>) attributes {dimension_semantics = [#tpu.dimension_semantics<core_parallel>, #tpu.dimension_semantics<subcore_parallel>], iteration_bounds = array<i64: 2, 16>, scalar_prefetch = 0 : i64, scratch_operands = 14 : i64, tpu.core_type = #tpu.core_type<sc_vector_subcore>, window_params = [{transform_indices = #map}, {transform_indices = #map1}, {transform_indices = #map1}, {transform_indices = #map2}, {transform_indices = #map}, {transform_indices = #map}]} {
    %mul3A = arith.constant 2 : i32
    %mul3A_0 = arith.muli %arg1, %mul3A : i32
    %add3A = arith.addi %mul3A_0, %arg0 : i32
    %mul3A_1 = arith.constant 24 : i32
    %mul3A_2 = arith.muli %arg1, %mul3A_1 : i32
    %scan3A = arith.constant 0 : i32
    %scan3A_3 = arith.constant 0 : i32
    %scan3A_4 = arith.constant 20 : i32
    %scan3A_5 = arith.addi %scan3A_3, %scan3A_4 : i32
    %scan3A_6 = arith.constant 1 : i32
    %scan3A_7 = scf.for %scan3A_9 = %scan3A_3 to %scan3A_5 step %scan3A_6 iter_args(%scan3A_10 = %scan3A) -> (i32)  : i32 {
      %mul3A_11 = arith.constant 20 : i32
      %mul3A_12 = arith.muli %add3A, %mul3A_11 : i32
      %add3A_13 = arith.addi %mul3A_12, %scan3A_9 : i32
      "tpu.region"() ({
        %run_scoped3A = tpu.sem_alloc : memref<!tpu.dma_semaphore, #tpu.memory_space<semaphore_mem>>
        %dma_start3A = arith.constant 0 : i32
        %dma_start3A_94 = tpu.memref_slice %arg5[%add3A_13, %dma_start3A] : memref<640x16xi32, #tpu.memory_space<hbm>> -> memref<1x16xi32, #tpu.memory_space<hbm>>
        %dma_start3A_95 = tpu.memref_squeeze %dma_start3A_94 : memref<1x16xi32, #tpu.memory_space<hbm>> -> memref<16xi32, #tpu.memory_space<hbm>>
        %dma_start3A_96 = arith.constant 0 : i32
        %dma_start3A_97 = tpu.memref_slice %arg5[%add3A_13, %dma_start3A_96] : memref<640x16xi32, #tpu.memory_space<hbm>> -> memref<1x16xi32, #tpu.memory_space<hbm>>
        %dma_start3A_98 = tpu.memref_squeeze %dma_start3A_97 : memref<1x16xi32, #tpu.memory_space<hbm>> -> memref<16xi32, #tpu.memory_space<hbm>>
        tpu.enqueue_dma source(%dma_start3A_98 : memref<16xi32, #tpu.memory_space<hbm>>) target(%arg8 : memref<16xi32, #tpu.memory_space<vmem>>) target_semaphore(%run_scoped3A : memref<!tpu.dma_semaphore, #tpu.memory_space<semaphore_mem>>)
        %dma_wait3A = arith.constant 0 : i32
        %dma_wait3A_99 = tpu.memref_slice %arg5[%add3A_13, %dma_wait3A] : memref<640x16xi32, #tpu.memory_space<hbm>> -> memref<1x16xi32, #tpu.memory_space<hbm>>
        %dma_wait3A_100 = tpu.memref_squeeze %dma_wait3A_99 : memref<1x16xi32, #tpu.memory_space<hbm>> -> memref<16xi32, #tpu.memory_space<hbm>>
        %dma_wait3A_101 = arith.constant 0 : i32
        %dma_wait3A_102 = tpu.memref_slice %arg5[%add3A_13, %dma_wait3A_101] : memref<640x16xi32, #tpu.memory_space<hbm>> -> memref<1x16xi32, #tpu.memory_space<hbm>>
        %dma_wait3A_103 = tpu.memref_squeeze %dma_wait3A_102 : memref<1x16xi32, #tpu.memory_space<hbm>> -> memref<16xi32, #tpu.memory_space<hbm>>
        tpu.wait_dma2 semaphore(%run_scoped3A : memref<!tpu.dma_semaphore, #tpu.memory_space<semaphore_mem>>) src(%dma_wait3A_103 : memref<16xi32, #tpu.memory_space<hbm>>) dst(%arg8 : memref<16xi32, #tpu.memory_space<vmem>>)
        tpu.yield
      }) : () -> ()
      %get3A = arith.constant 0 : index
      %get3A_14 = tpu.vector_load %arg8[%get3A] {strides = array<i32>} : memref<16xi32, #tpu.memory_space<vmem>>, vector<16xi32>,
      %get3A_15 = vector.shape_cast %get3A_14 : vector<16xi32> to vector<16xi32>
      %slice3A = vector.extract_strided_slice %get3A_15 {offsets = [0], sizes = [1], strides = [1]} : vector<16xi32> to vector<1xi32>
      %squeeze3A = vector.extract %slice3A[0] : i32 from vector<1xi32>
      %multiple_of3A = tpu.assume_multiple %squeeze3A, 16 : i32
      %slice3A_16 = vector.extract_strided_slice %get3A_15 {offsets = [1], sizes = [1], strides = [1]} : vector<16xi32> to vector<1xi32>
      %squeeze3A_17 = vector.extract %slice3A_16[0] : i32 from vector<1xi32>
      "tpu.region"() ({
        %run_scoped3A = tpu.sem_alloc : memref<!tpu.dma_semaphore, #tpu.memory_space<semaphore_mem>>
        %dma_start3A = arith.constant 0 : i32
        %dma_start3A_94 = arith.constant 0 : i32
        %dma_start3A_95 = tpu.memref_slice %arg15[%mul3A_2, %dma_start3A, %dma_start3A_94] : memref<384x24x128xf32, #tpu.memory_space<vmem_shared>> -> memref<24x24x128xf32, #tpu.memory_space<vmem_shared>>
        tpu.enqueue_dma source(%arg6 : memref<24x24x128xf32, #tpu.memory_space<hbm>>) target(%dma_start3A_95 : memref<24x24x128xf32, #tpu.memory_space<vmem_shared>>) target_semaphore(%run_scoped3A : memref<!tpu.dma_semaphore, #tpu.memory_space<semaphore_mem>>)
        %dma_wait3A = arith.constant 0 : i32
        %dma_wait3A_96 = arith.constant 0 : i32
        %dma_wait3A_97 = tpu.memref_slice %arg15[%mul3A_2, %dma_wait3A, %dma_wait3A_96] : memref<384x24x128xf32, #tpu.memory_space<vmem_shared>> -> memref<24x24x128xf32, #tpu.memory_space<vmem_shared>>
        tpu.wait_dma2 semaphore(%run_scoped3A : memref<!tpu.dma_semaphore, #tpu.memory_space<semaphore_mem>>) src(%arg6 : memref<24x24x128xf32, #tpu.memory_space<hbm>>) dst(%dma_wait3A_97 : memref<24x24x128xf32, #tpu.memory_space<vmem_shared>>)
        tpu.yield
      }) : () -> ()
      %sub3A = arith.subi %squeeze3A_17, %multiple_of3A : i32
      %jit3A = arith.constant 8 : i32
      %div3A = arith.divsi %sub3A, %jit3A : i32
      %sign3A = arith.constant 0 : i32
      %sign3A_18 = arith.cmpi sgt, %sub3A, %sign3A : i32
      %sign3A_19 = arith.extui %sign3A_18 : i1 to i32
      %sign3A_20 = arith.constant 0 : i32
      %sign3A_21 = arith.cmpi slt, %sub3A, %sign3A_20 : i32
      %sign3A_22 = arith.extui %sign3A_21 : i1 to i32
      %sign3A_23 = arith.subi %sign3A_19, %sign3A_22 : i32
      %sign3A_24 = arith.constant 0 : i32
      %sign3A_25 = arith.cmpi sgt, %jit3A, %sign3A_24 : i32
      %sign3A_26 = arith.extui %sign3A_25 : i1 to i32
      %sign3A_27 = arith.constant 0 : i32
      %sign3A_28 = arith.cmpi slt, %jit3A, %sign3A_27 : i32
      %sign3A_29 = arith.extui %sign3A_28 : i1 to i32
      %sign3A_30 = arith.subi %sign3A_26, %sign3A_29 : i32
      %ne3A = arith.cmpi ne, %sign3A_23, %sign3A_30 : i32
      %rem3A = arith.remsi %sub3A, %jit3A : i32
      %ne3A_31 = arith.constant 0 : i32
      %ne3A_32 = arith.cmpi ne, %rem3A, %ne3A_31 : i32
      %and3A = arith.andi %ne3A, %ne3A_32 : i1
      %sub3A_33 = arith.constant 1 : i32
      %sub3A_34 = arith.subi %div3A, %sub3A_33 : i32
      %select_n3A = arith.select %and3A, %sub3A_34, %div3A : i32
      %jit3A_35 = arith.constant 2 : i32
      %div3A_36 = arith.divsi %select_n3A, %jit3A_35 : i32
      %sign3A_37 = arith.constant 0 : i32
      %sign3A_38 = arith.cmpi sgt, %select_n3A, %sign3A_37 : i32
      %sign3A_39 = arith.extui %sign3A_38 : i1 to i32
      %sign3A_40 = arith.constant 0 : i32
      %sign3A_41 = arith.cmpi slt, %select_n3A, %sign3A_40 : i32
      %sign3A_42 = arith.extui %sign3A_41 : i1 to i32
      %sign3A_43 = arith.subi %sign3A_39, %sign3A_42 : i32
      %sign3A_44 = arith.constant 0 : i32
      %sign3A_45 = arith.cmpi sgt, %jit3A_35, %sign3A_44 : i32
      %sign3A_46 = arith.extui %sign3A_45 : i1 to i32
      %sign3A_47 = arith.constant 0 : i32
      %sign3A_48 = arith.cmpi slt, %jit3A_35, %sign3A_47 : i32
      %sign3A_49 = arith.extui %sign3A_48 : i1 to i32
      %sign3A_50 = arith.subi %sign3A_46, %sign3A_49 : i32
      %ne3A_51 = arith.cmpi ne, %sign3A_43, %sign3A_50 : i32
      %rem3A_52 = arith.remsi %select_n3A, %jit3A_35 : i32
      %ne3A_53 = arith.constant 0 : i32
      %ne3A_54 = arith.cmpi ne, %rem3A_52, %ne3A_53 : i32
      %and3A_55 = arith.andi %ne3A_51, %ne3A_54 : i1
      %sub3A_56 = arith.constant 1 : i32
      %sub3A_57 = arith.subi %div3A_36, %sub3A_56 : i32
      %select_n3A_58 = arith.select %and3A_55, %sub3A_57, %div3A_36 : i32
      %while3A = arith.constant 0 : i32
      %while3A_59 = arith.constant 0 : i32
      %while3A_60 = arith.subi %select_n3A_58, %while3A : i32
      %while3A_61 = arith.addi %while3A, %while3A_60 : i32
      %while3A_62 = arith.constant 1 : i32
      %while3A_63 = arith.divsi %while3A_60, %while3A_62 : i32
      %while3A_64 = arith.muli %while3A_63, %while3A_62 : i32
      %while3A_65 = arith.addi %while3A, %while3A_64 : i32
      %while3A_66 = arith.constant 1 : i32
      %while3A_67 = scf.for %while3A_94 = %while3A to %while3A_65 step %while3A_66 iter_args(%while3A_95 = %while3A_59) -> (i32)  : i32 {
        %mul3A_96 = arith.constant 2 : i32
        %mul3A_97 = arith.muli %mul3A_96, %while3A_94 : i32
        %mul3A_98 = arith.constant 8 : i32
        %mul3A_99 = arith.muli %mul3A_97, %mul3A_98 : i32
        %add3A_100 = arith.addi %multiple_of3A, %mul3A_99 : i32
        %multiple_of3A_101 = tpu.assume_multiple %add3A_100, 8 : i32
        %add3A_102 = arith.constant 8 : i32
        %add3A_103 = arith.addi %multiple_of3A_101, %add3A_102 : i32
        %multiple_of3A_104 = tpu.assume_multiple %add3A_103, 8 : i32
        %dma_start3A = tpu.memref_slice %arg3[%multiple_of3A_101] : memref<170240xi32, #tpu.memory_space<hbm>> -> memref<8xi32, #tpu.memory_space<hbm>>
        %dma_start3A_105 = tpu.memref_slice %arg3[%multiple_of3A_101] : memref<170240xi32, #tpu.memory_space<hbm>> -> memref<8xi32, #tpu.memory_space<hbm>>
        tpu.enqueue_dma source(%dma_start3A_105 : memref<8xi32, #tpu.memory_space<hbm>>) target(%arg9 : memref<8xi32, #tpu.memory_space<vmem>>) target_semaphore(%arg16 : memref<!tpu.dma_semaphore, #tpu.memory_space<semaphore_mem>>)
        %dma_start3A_106 = tpu.memref_slice %arg4[%multiple_of3A_101] : memref<170240xi32, #tpu.memory_space<hbm>> -> memref<8xi32, #tpu.memory_space<hbm>>
        %dma_start3A_107 = tpu.memref_slice %arg4[%multiple_of3A_101] : memref<170240xi32, #tpu.memory_space<hbm>> -> memref<8xi32, #tpu.memory_space<hbm>>
        tpu.enqueue_dma source(%dma_start3A_107 : memref<8xi32, #tpu.memory_space<hbm>>) target(%arg11 : memref<8xi32, #tpu.memory_space<vmem>>) target_semaphore(%arg16 : memref<!tpu.dma_semaphore, #tpu.memory_space<semaphore_mem>>)
        %dma_wait3A = tpu.memref_slice %arg3[%multiple_of3A_101] : memref<170240xi32, #tpu.memory_space<hbm>> -> memref<8xi32, #tpu.memory_space<hbm>>
        %dma_wait3A_108 = tpu.memref_slice %arg3[%multiple_of3A_101] : memref<170240xi32, #tpu.memory_space<hbm>> -> memref<8xi32, #tpu.memory_space<hbm>>
        tpu.wait_dma2 semaphore(%arg16 : memref<!tpu.dma_semaphore, #tpu.memory_space<semaphore_mem>>) src(%dma_wait3A_108 : memref<8xi32, #tpu.memory_space<hbm>>) dst(%arg9 : memref<8xi32, #tpu.memory_space<vmem>>)
        %dma_wait3A_109 = tpu.memref_slice %arg4[%multiple_of3A_101] : memref<170240xi32, #tpu.memory_space<hbm>> -> memref<8xi32, #tpu.memory_space<hbm>>
        %dma_wait3A_110 = tpu.memref_slice %arg4[%multiple_of3A_101] : memref<170240xi32, #tpu.memory_space<hbm>> -> memref<8xi32, #tpu.memory_space<hbm>>
        tpu.wait_dma2 semaphore(%arg16 : memref<!tpu.dma_semaphore, #tpu.memory_space<semaphore_mem>>) src(%dma_wait3A_110 : memref<8xi32, #tpu.memory_space<hbm>>) dst(%arg11 : memref<8xi32, #tpu.memory_space<vmem>>)
        %dma_start3A_111 = arith.constant 0 : i32
        %dma_start3A_112 = arith.constant 0 : i32
        %dma_start3A_113 = arith.constant 0 : i32
        %dma_start3A_114 = tpu.memref_slice %arg2[%dma_start3A_111, %dma_start3A_112, %dma_start3A_113] : memref<10000x24x128xf32, #tpu.memory_space<hbm>> -> memref<10000x24x128xf32, #tpu.memory_space<hbm>>
        tpu.enqueue_indirect_dma source(%dma_start3A_114 : memref<10000x24x128xf32, #tpu.memory_space<hbm>>) target(%arg13 : memref<8x24x128xf32, #tpu.memory_space<vmem>>) offsets(%arg9 : memref<8xi32, #tpu.memory_space<vmem>>) semaphore(%arg18 : memref<!tpu.dma_semaphore, #tpu.memory_space<semaphore_mem>>)
        %gt3A_115 = arith.constant 0 : i32
        %gt3A_116 = arith.cmpi sgt, %while3A_94, %gt3A_115 : i32
        %convert_element_type3A_117 = arith.extui %gt3A_116 : i1 to i32
        %cond3A_118 = arith.constant 0 : i32
        %cond3A_119 = arith.cmpi ne, %convert_element_type3A_117, %cond3A_118 : i32
        scf.if %cond3A_119 {
          %dma_wait3A_153 = arith.constant 0 : i32
          %dma_wait3A_154 = arith.constant 0 : i32
          %dma_wait3A_155 = arith.constant 0 : i32
          %dma_wait3A_156 = tpu.memref_slice %arg15[%dma_wait3A_153, %dma_wait3A_154, %dma_wait3A_155] : memref<384x24x128xf32, #tpu.memory_space<vmem_shared>> -> memref<384x24x128xf32, #tpu.memory_space<vmem_shared>>
          tpu.wait_indirect_dma semaphore(%arg21 : memref<!tpu.dma_semaphore, #tpu.memory_space<semaphore_mem>>) src(%arg14 : memref<8x24x128xf32, #tpu.memory_space<vmem>>) dst(%dma_wait3A_156 : memref<384x24x128xf32, #tpu.memory_space<vmem_shared>>)
        } else {
        }
        %dma_start3A_120 = tpu.memref_slice %arg3[%multiple_of3A_104] : memref<170240xi32, #tpu.memory_space<hbm>> -> memref<8xi32, #tpu.memory_space<hbm>>
        %dma_start3A_121 = tpu.memref_slice %arg3[%multiple_of3A_104] : memref<170240xi32, #tpu.memory_space<hbm>> -> memref<8xi32, #tpu.memory_space<hbm>>
        tpu.enqueue_dma source(%dma_start3A_121 : memref<8xi32, #tpu.memory_space<hbm>>) target(%arg10 : memref<8xi32, #tpu.memory_space<vmem>>) target_semaphore(%arg17 : memref<!tpu.dma_semaphore, #tpu.memory_space<semaphore_mem>>)
        %dma_start3A_122 = tpu.memref_slice %arg4[%multiple_of3A_104] : memref<170240xi32, #tpu.memory_space<hbm>> -> memref<8xi32, #tpu.memory_space<hbm>>
        %dma_start3A_123 = tpu.memref_slice %arg4[%multiple_of3A_104] : memref<170240xi32, #tpu.memory_space<hbm>> -> memref<8xi32, #tpu.memory_space<hbm>>
        tpu.enqueue_dma source(%dma_start3A_123 : memref<8xi32, #tpu.memory_space<hbm>>) target(%arg12 : memref<8xi32, #tpu.memory_space<vmem>>) target_semaphore(%arg17 : memref<!tpu.dma_semaphore, #tpu.memory_space<semaphore_mem>>)
        %dma_wait3A_124 = tpu.memref_slice %arg3[%multiple_of3A_104] : memref<170240xi32, #tpu.memory_space<hbm>> -> memref<8xi32, #tpu.memory_space<hbm>>
        %dma_wait3A_125 = tpu.memref_slice %arg3[%multiple_of3A_104] : memref<170240xi32, #tpu.memory_space<hbm>> -> memref<8xi32, #tpu.memory_space<hbm>>
        tpu.wait_dma2 semaphore(%arg17 : memref<!tpu.dma_semaphore, #tpu.memory_space<semaphore_mem>>) src(%dma_wait3A_125 : memref<8xi32, #tpu.memory_space<hbm>>) dst(%arg10 : memref<8xi32, #tpu.memory_space<vmem>>)
        %dma_wait3A_126 = tpu.memref_slice %arg4[%multiple_of3A_104] : memref<170240xi32, #tpu.memory_space<hbm>> -> memref<8xi32, #tpu.memory_space<hbm>>
        %dma_wait3A_127 = tpu.memref_slice %arg4[%multiple_of3A_104] : memref<170240xi32, #tpu.memory_space<hbm>> -> memref<8xi32, #tpu.memory_space<hbm>>
        tpu.wait_dma2 semaphore(%arg17 : memref<!tpu.dma_semaphore, #tpu.memory_space<semaphore_mem>>) src(%dma_wait3A_127 : memref<8xi32, #tpu.memory_space<hbm>>) dst(%arg12 : memref<8xi32, #tpu.memory_space<vmem>>)
        %dma_start3A_128 = arith.constant 0 : i32
        %dma_start3A_129 = arith.constant 0 : i32
        %dma_start3A_130 = arith.constant 0 : i32
        %dma_start3A_131 = tpu.memref_slice %arg2[%dma_start3A_128, %dma_start3A_129, %dma_start3A_130] : memref<10000x24x128xf32, #tpu.memory_space<hbm>> -> memref<10000x24x128xf32, #tpu.memory_space<hbm>>
        tpu.enqueue_indirect_dma source(%dma_start3A_131 : memref<10000x24x128xf32, #tpu.memory_space<hbm>>) target(%arg14 : memref<8x24x128xf32, #tpu.memory_space<vmem>>) offsets(%arg10 : memref<8xi32, #tpu.memory_space<vmem>>) semaphore(%arg19 : memref<!tpu.dma_semaphore, #tpu.memory_space<semaphore_mem>>)
        %dma_wait3A_132 = arith.constant 0 : i32
        %dma_wait3A_133 = arith.constant 0 : i32
        %dma_wait3A_134 = arith.constant 0 : i32
        %dma_wait3A_135 = tpu.memref_slice %arg2[%dma_wait3A_132, %dma_wait3A_133, %dma_wait3A_134] : memref<10000x24x128xf32, #tpu.memory_space<hbm>> -> memref<10000x24x128xf32, #tpu.memory_space<hbm>>
        tpu.wait_indirect_dma semaphore(%arg18 : memref<!tpu.dma_semaphore, #tpu.memory_space<semaphore_mem>>) src(%dma_wait3A_135 : memref<10000x24x128xf32, #tpu.memory_space<hbm>>) dst(%arg13 : memref<8x24x128xf32, #tpu.memory_space<vmem>>)
        %dma_start3A_136 = arith.constant 0 : i32
        %dma_start3A_137 = arith.constant 0 : i32
        %dma_start3A_138 = arith.constant 0 : i32
        %dma_start3A_139 = tpu.memref_slice %arg15[%dma_start3A_136, %dma_start3A_137, %dma_start3A_138] : memref<384x24x128xf32, #tpu.memory_space<vmem_shared>> -> memref<384x24x128xf32, #tpu.memory_space<vmem_shared>>
        tpu.enqueue_indirect_dma source(%arg13 : memref<8x24x128xf32, #tpu.memory_space<vmem>>) target(%dma_start3A_139 : memref<384x24x128xf32, #tpu.memory_space<vmem_shared>>) offsets(%arg11 : memref<8xi32, #tpu.memory_space<vmem>>) semaphore(%arg20 : memref<!tpu.dma_semaphore, #tpu.memory_space<semaphore_mem>>) {add = true}
        %dma_wait3A_140 = arith.constant 0 : i32
        %dma_wait3A_141 = arith.constant 0 : i32
        %dma_wait3A_142 = arith.constant 0 : i32
        %dma_wait3A_143 = tpu.memref_slice %arg2[%dma_wait3A_140, %dma_wait3A_141, %dma_wait3A_142] : memref<10000x24x128xf32, #tpu.memory_space<hbm>> -> memref<10000x24x128xf32, #tpu.memory_space<hbm>>
        tpu.wait_indirect_dma semaphore(%arg19 : memref<!tpu.dma_semaphore, #tpu.memory_space<semaphore_mem>>) src(%dma_wait3A_143 : memref<10000x24x128xf32, #tpu.memory_space<hbm>>) dst(%arg14 : memref<8x24x128xf32, #tpu.memory_space<vmem>>)
        %dma_wait3A_144 = arith.constant 0 : i32
        %dma_wait3A_145 = arith.constant 0 : i32
        %dma_wait3A_146 = arith.constant 0 : i32
        %dma_wait3A_147 = tpu.memref_slice %arg15[%dma_wait3A_144, %dma_wait3A_145, %dma_wait3A_146] : memref<384x24x128xf32, #tpu.memory_space<vmem_shared>> -> memref<384x24x128xf32, #tpu.memory_space<vmem_shared>>
        tpu.wait_indirect_dma semaphore(%arg20 : memref<!tpu.dma_semaphore, #tpu.memory_space<semaphore_mem>>) src(%arg13 : memref<8x24x128xf32, #tpu.memory_space<vmem>>) dst(%dma_wait3A_147 : memref<384x24x128xf32, #tpu.memory_space<vmem_shared>>)
        %dma_start3A_148 = arith.constant 0 : i32
        %dma_start3A_149 = arith.constant 0 : i32
        %dma_start3A_150 = arith.constant 0 : i32
        %dma_start3A_151 = tpu.memref_slice %arg15[%dma_start3A_148, %dma_start3A_149, %dma_start3A_150] : memref<384x24x128xf32, #tpu.memory_space<vmem_shared>> -> memref<384x24x128xf32, #tpu.memory_space<vmem_shared>>
        tpu.enqueue_indirect_dma source(%arg14 : memref<8x24x128xf32, #tpu.memory_space<vmem>>) target(%dma_start3A_151 : memref<384x24x128xf32, #tpu.memory_space<vmem_shared>>) offsets(%arg12 : memref<8xi32, #tpu.memory_space<vmem>>) semaphore(%arg21 : memref<!tpu.dma_semaphore, #tpu.memory_space<semaphore_mem>>) {add = true}
        %while3A_152 = arith.constant 0 : i32
        scf.yield %while3A_152 : i32
      }
      %while3A_68 = arith.constant 1 : i32
      %while3A_69 = scf.for %while3A_94 = %while3A_65 to %while3A_61 step %while3A_68 iter_args(%while3A_95 = %while3A_67) -> (i32)  : i32 {
        %mul3A_96 = arith.constant 2 : i32
        %mul3A_97 = arith.muli %mul3A_96, %while3A_94 : i32
        %mul3A_98 = arith.constant 8 : i32
        %mul3A_99 = arith.muli %mul3A_97, %mul3A_98 : i32
        %add3A_100 = arith.addi %multiple_of3A, %mul3A_99 : i32
        %multiple_of3A_101 = tpu.assume_multiple %add3A_100, 8 : i32
        %add3A_102 = arith.constant 8 : i32
        %add3A_103 = arith.addi %multiple_of3A_101, %add3A_102 : i32
        %multiple_of3A_104 = tpu.assume_multiple %add3A_103, 8 : i32
        %dma_start3A = tpu.memref_slice %arg3[%multiple_of3A_101] : memref<170240xi32, #tpu.memory_space<hbm>> -> memref<8xi32, #tpu.memory_space<hbm>>
        %dma_start3A_105 = tpu.memref_slice %arg3[%multiple_of3A_101] : memref<170240xi32, #tpu.memory_space<hbm>> -> memref<8xi32, #tpu.memory_space<hbm>>
        tpu.enqueue_dma source(%dma_start3A_105 : memref<8xi32, #tpu.memory_space<hbm>>) target(%arg9 : memref<8xi32, #tpu.memory_space<vmem>>) target_semaphore(%arg16 : memref<!tpu.dma_semaphore, #tpu.memory_space<semaphore_mem>>)
        %dma_start3A_106 = tpu.memref_slice %arg4[%multiple_of3A_101] : memref<170240xi32, #tpu.memory_space<hbm>> -> memref<8xi32, #tpu.memory_space<hbm>>
        %dma_start3A_107 = tpu.memref_slice %arg4[%multiple_of3A_101] : memref<170240xi32, #tpu.memory_space<hbm>> -> memref<8xi32, #tpu.memory_space<hbm>>
        tpu.enqueue_dma source(%dma_start3A_107 : memref<8xi32, #tpu.memory_space<hbm>>) target(%arg11 : memref<8xi32, #tpu.memory_space<vmem>>) target_semaphore(%arg16 : memref<!tpu.dma_semaphore, #tpu.memory_space<semaphore_mem>>)
        %dma_wait3A = tpu.memref_slice %arg3[%multiple_of3A_101] : memref<170240xi32, #tpu.memory_space<hbm>> -> memref<8xi32, #tpu.memory_space<hbm>>
        %dma_wait3A_108 = tpu.memref_slice %arg3[%multiple_of3A_101] : memref<170240xi32, #tpu.memory_space<hbm>> -> memref<8xi32, #tpu.memory_space<hbm>>
        tpu.wait_dma2 semaphore(%arg16 : memref<!tpu.dma_semaphore, #tpu.memory_space<semaphore_mem>>) src(%dma_wait3A_108 : memref<8xi32, #tpu.memory_space<hbm>>) dst(%arg9 : memref<8xi32, #tpu.memory_space<vmem>>)
        %dma_wait3A_109 = tpu.memref_slice %arg4[%multiple_of3A_101] : memref<170240xi32, #tpu.memory_space<hbm>> -> memref<8xi32, #tpu.memory_space<hbm>>
        %dma_wait3A_110 = tpu.memref_slice %arg4[%multiple_of3A_101] : memref<170240xi32, #tpu.memory_space<hbm>> -> memref<8xi32, #tpu.memory_space<hbm>>
        tpu.wait_dma2 semaphore(%arg16 : memref<!tpu.dma_semaphore, #tpu.memory_space<semaphore_mem>>) src(%dma_wait3A_110 : memref<8xi32, #tpu.memory_space<hbm>>) dst(%arg11 : memref<8xi32, #tpu.memory_space<vmem>>)
        %dma_start3A_111 = arith.constant 0 : i32
        %dma_start3A_112 = arith.constant 0 : i32
        %dma_start3A_113 = arith.constant 0 : i32
        %dma_start3A_114 = tpu.memref_slice %arg2[%dma_start3A_111, %dma_start3A_112, %dma_start3A_113] : memref<10000x24x128xf32, #tpu.memory_space<hbm>> -> memref<10000x24x128xf32, #tpu.memory_space<hbm>>
        tpu.enqueue_indirect_dma source(%dma_start3A_114 : memref<10000x24x128xf32, #tpu.memory_space<hbm>>) target(%arg13 : memref<8x24x128xf32, #tpu.memory_space<vmem>>) offsets(%arg9 : memref<8xi32, #tpu.memory_space<vmem>>) semaphore(%arg18 : memref<!tpu.dma_semaphore, #tpu.memory_space<semaphore_mem>>)
        %gt3A_115 = arith.constant 0 : i32
        %gt3A_116 = arith.cmpi sgt, %while3A_94, %gt3A_115 : i32
        %convert_element_type3A_117 = arith.extui %gt3A_116 : i1 to i32
        %cond3A_118 = arith.constant 0 : i32
        %cond3A_119 = arith.cmpi ne, %convert_element_type3A_117, %cond3A_118 : i32
        scf.if %cond3A_119 {
          %dma_wait3A_153 = arith.constant 0 : i32
          %dma_wait3A_154 = arith.constant 0 : i32
          %dma_wait3A_155 = arith.constant 0 : i32
          %dma_wait3A_156 = tpu.memref_slice %arg15[%dma_wait3A_153, %dma_wait3A_154, %dma_wait3A_155] : memref<384x24x128xf32, #tpu.memory_space<vmem_shared>> -> memref<384x24x128xf32, #tpu.memory_space<vmem_shared>>
          tpu.wait_indirect_dma semaphore(%arg21 : memref<!tpu.dma_semaphore, #tpu.memory_space<semaphore_mem>>) src(%arg14 : memref<8x24x128xf32, #tpu.memory_space<vmem>>) dst(%dma_wait3A_156 : memref<384x24x128xf32, #tpu.memory_space<vmem_shared>>)
        } else {
        }
        %dma_start3A_120 = tpu.memref_slice %arg3[%multiple_of3A_104] : memref<170240xi32, #tpu.memory_space<hbm>> -> memref<8xi32, #tpu.memory_space<hbm>>
        %dma_start3A_121 = tpu.memref_slice %arg3[%multiple_of3A_104] : memref<170240xi32, #tpu.memory_space<hbm>> -> memref<8xi32, #tpu.memory_space<hbm>>
        tpu.enqueue_dma source(%dma_start3A_121 : memref<8xi32, #tpu.memory_space<hbm>>) target(%arg10 : memref<8xi32, #tpu.memory_space<vmem>>) target_semaphore(%arg17 : memref<!tpu.dma_semaphore, #tpu.memory_space<semaphore_mem>>)
        %dma_start3A_122 = tpu.memref_slice %arg4[%multiple_of3A_104] : memref<170240xi32, #tpu.memory_space<hbm>> -> memref<8xi32, #tpu.memory_space<hbm>>
        %dma_start3A_123 = tpu.memref_slice %arg4[%multiple_of3A_104] : memref<170240xi32, #tpu.memory_space<hbm>> -> memref<8xi32, #tpu.memory_space<hbm>>
        tpu.enqueue_dma source(%dma_start3A_123 : memref<8xi32, #tpu.memory_space<hbm>>) target(%arg12 : memref<8xi32, #tpu.memory_space<vmem>>) target_semaphore(%arg17 : memref<!tpu.dma_semaphore, #tpu.memory_space<semaphore_mem>>)
        %dma_wait3A_124 = tpu.memref_slice %arg3[%multiple_of3A_104] : memref<170240xi32, #tpu.memory_space<hbm>> -> memref<8xi32, #tpu.memory_space<hbm>>
        %dma_wait3A_125 = tpu.memref_slice %arg3[%multiple_of3A_104] : memref<170240xi32, #tpu.memory_space<hbm>> -> memref<8xi32, #tpu.memory_space<hbm>>
        tpu.wait_dma2 semaphore(%arg17 : memref<!tpu.dma_semaphore, #tpu.memory_space<semaphore_mem>>) src(%dma_wait3A_125 : memref<8xi32, #tpu.memory_space<hbm>>) dst(%arg10 : memref<8xi32, #tpu.memory_space<vmem>>)
        %dma_wait3A_126 = tpu.memref_slice %arg4[%multiple_of3A_104] : memref<170240xi32, #tpu.memory_space<hbm>> -> memref<8xi32, #tpu.memory_space<hbm>>
        %dma_wait3A_127 = tpu.memref_slice %arg4[%multiple_of3A_104] : memref<170240xi32, #tpu.memory_space<hbm>> -> memref<8xi32, #tpu.memory_space<hbm>>
        tpu.wait_dma2 semaphore(%arg17 : memref<!tpu.dma_semaphore, #tpu.memory_space<semaphore_mem>>) src(%dma_wait3A_127 : memref<8xi32, #tpu.memory_space<hbm>>) dst(%arg12 : memref<8xi32, #tpu.memory_space<vmem>>)
        %dma_start3A_128 = arith.constant 0 : i32
        %dma_start3A_129 = arith.constant 0 : i32
        %dma_start3A_130 = arith.constant 0 : i32
        %dma_start3A_131 = tpu.memref_slice %arg2[%dma_start3A_128, %dma_start3A_129, %dma_start3A_130] : memref<10000x24x128xf32, #tpu.memory_space<hbm>> -> memref<10000x24x128xf32, #tpu.memory_space<hbm>>
        tpu.enqueue_indirect_dma source(%dma_start3A_131 : memref<10000x24x128xf32, #tpu.memory_space<hbm>>) target(%arg14 : memref<8x24x128xf32, #tpu.memory_space<vmem>>) offsets(%arg10 : memref<8xi32, #tpu.memory_space<vmem>>) semaphore(%arg19 : memref<!tpu.dma_semaphore, #tpu.memory_space<semaphore_mem>>)
        %dma_wait3A_132 = arith.constant 0 : i32
        %dma_wait3A_133 = arith.constant 0 : i32
        %dma_wait3A_134 = arith.constant 0 : i32
        %dma_wait3A_135 = tpu.memref_slice %arg2[%dma_wait3A_132, %dma_wait3A_133, %dma_wait3A_134] : memref<10000x24x128xf32, #tpu.memory_space<hbm>> -> memref<10000x24x128xf32, #tpu.memory_space<hbm>>
        tpu.wait_indirect_dma semaphore(%arg18 : memref<!tpu.dma_semaphore, #tpu.memory_space<semaphore_mem>>) src(%dma_wait3A_135 : memref<10000x24x128xf32, #tpu.memory_space<hbm>>) dst(%arg13 : memref<8x24x128xf32, #tpu.memory_space<vmem>>)
        %dma_start3A_136 = arith.constant 0 : i32
        %dma_start3A_137 = arith.constant 0 : i32
        %dma_start3A_138 = arith.constant 0 : i32
        %dma_start3A_139 = tpu.memref_slice %arg15[%dma_start3A_136, %dma_start3A_137, %dma_start3A_138] : memref<384x24x128xf32, #tpu.memory_space<vmem_shared>> -> memref<384x24x128xf32, #tpu.memory_space<vmem_shared>>
        tpu.enqueue_indirect_dma source(%arg13 : memref<8x24x128xf32, #tpu.memory_space<vmem>>) target(%dma_start3A_139 : memref<384x24x128xf32, #tpu.memory_space<vmem_shared>>) offsets(%arg11 : memref<8xi32, #tpu.memory_space<vmem>>) semaphore(%arg20 : memref<!tpu.dma_semaphore, #tpu.memory_space<semaphore_mem>>) {add = true}
        %dma_wait3A_140 = arith.constant 0 : i32
        %dma_wait3A_141 = arith.constant 0 : i32
        %dma_wait3A_142 = arith.constant 0 : i32
        %dma_wait3A_143 = tpu.memref_slice %arg2[%dma_wait3A_140, %dma_wait3A_141, %dma_wait3A_142] : memref<10000x24x128xf32, #tpu.memory_space<hbm>> -> memref<10000x24x128xf32, #tpu.memory_space<hbm>>
        tpu.wait_indirect_dma semaphore(%arg19 : memref<!tpu.dma_semaphore, #tpu.memory_space<semaphore_mem>>) src(%dma_wait3A_143 : memref<10000x24x128xf32, #tpu.memory_space<hbm>>) dst(%arg14 : memref<8x24x128xf32, #tpu.memory_space<vmem>>)
        %dma_wait3A_144 = arith.constant 0 : i32
        %dma_wait3A_145 = arith.constant 0 : i32
        %dma_wait3A_146 = arith.constant 0 : i32
        %dma_wait3A_147 = tpu.memref_slice %arg15[%dma_wait3A_144, %dma_wait3A_145, %dma_wait3A_146] : memref<384x24x128xf32, #tpu.memory_space<vmem_shared>> -> memref<384x24x128xf32, #tpu.memory_space<vmem_shared>>
        tpu.wait_indirect_dma semaphore(%arg20 : memref<!tpu.dma_semaphore, #tpu.memory_space<semaphore_mem>>) src(%arg13 : memref<8x24x128xf32, #tpu.memory_space<vmem>>) dst(%dma_wait3A_147 : memref<384x24x128xf32, #tpu.memory_space<vmem_shared>>)
        %dma_start3A_148 = arith.constant 0 : i32
        %dma_start3A_149 = arith.constant 0 : i32
        %dma_start3A_150 = arith.constant 0 : i32
        %dma_start3A_151 = tpu.memref_slice %arg15[%dma_start3A_148, %dma_start3A_149, %dma_start3A_150] : memref<384x24x128xf32, #tpu.memory_space<vmem_shared>> -> memref<384x24x128xf32, #tpu.memory_space<vmem_shared>>
        tpu.enqueue_indirect_dma source(%arg14 : memref<8x24x128xf32, #tpu.memory_space<vmem>>) target(%dma_start3A_151 : memref<384x24x128xf32, #tpu.memory_space<vmem_shared>>) offsets(%arg12 : memref<8xi32, #tpu.memory_space<vmem>>) semaphore(%arg21 : memref<!tpu.dma_semaphore, #tpu.memory_space<semaphore_mem>>) {add = true}
        %while3A_152 = arith.constant 0 : i32
        scf.yield %while3A_152 : i32
      }
      %gt3A = arith.constant 0 : i32
      %gt3A_70 = arith.cmpi sgt, %select_n3A_58, %gt3A : i32
      %convert_element_type3A = arith.extui %gt3A_70 : i1 to i32
      %cond3A = arith.constant 0 : i32
      %cond3A_71 = arith.cmpi ne, %convert_element_type3A, %cond3A : i32
      scf.if %cond3A_71 {
        %dma_wait3A = arith.constant 0 : i32
        %dma_wait3A_94 = arith.constant 0 : i32
        %dma_wait3A_95 = arith.constant 0 : i32
        %dma_wait3A_96 = tpu.memref_slice %arg15[%dma_wait3A, %dma_wait3A_94, %dma_wait3A_95] : memref<384x24x128xf32, #tpu.memory_space<vmem_shared>> -> memref<384x24x128xf32, #tpu.memory_space<vmem_shared>>
        tpu.wait_indirect_dma semaphore(%arg21 : memref<!tpu.dma_semaphore, #tpu.memory_space<semaphore_mem>>) src(%arg14 : memref<8x24x128xf32, #tpu.memory_space<vmem>>) dst(%dma_wait3A_96 : memref<384x24x128xf32, #tpu.memory_space<vmem_shared>>)
      } else {
      }
      %jit3A_72 = arith.constant 2 : i32
      %eq3A = arith.constant 0 : i32
      %eq3A_73 = arith.cmpi eq, %jit3A_72, %eq3A : i32
      %jit3A_74 = arith.constant 1 : i32
      %select_n3A_75 = arith.select %eq3A_73, %jit3A_74, %jit3A_72 : i32
      %rem3A_76 = arith.remsi %select_n3A, %select_n3A_75 : i32
      %ne3A_77 = arith.constant 0 : i32
      %ne3A_78 = arith.cmpi ne, %rem3A_76, %ne3A_77 : i32
      %lt3A = arith.constant 0 : i32
      %lt3A_79 = arith.cmpi slt, %rem3A_76, %lt3A : i32
      %lt3A_80 = arith.constant 0 : i32
      %lt3A_81 = arith.cmpi slt, %select_n3A_75, %lt3A_80 : i32
      %ne3A_82 = arith.xori %lt3A_79, %lt3A_81 : i1
      %and3A_83 = arith.andi %ne3A_82, %ne3A_78 : i1
      %add3A_84 = arith.addi %rem3A_76, %select_n3A_75 : i32
      %select_n3A_85 = arith.select %and3A_83, %add3A_84, %rem3A_76 : i32
      %eq3A_86 = arith.constant 1 : i32
      %eq3A_87 = arith.cmpi eq, %select_n3A_85, %eq3A_86 : i32
      %convert_element_type3A_88 = arith.extui %eq3A_87 : i1 to i32
      %cond3A_89 = arith.constant 0 : i32
      %cond3A_90 = arith.cmpi ne, %convert_element_type3A_88, %cond3A_89 : i32
      scf.if %cond3A_90 {
        %sub3A_94 = arith.constant 1 : i32
        %sub3A_95 = arith.subi %select_n3A, %sub3A_94 : i32
        %mul3A_96 = arith.constant 8 : i32
        %mul3A_97 = arith.muli %sub3A_95, %mul3A_96 : i32
        %add3A_98 = arith.addi %multiple_of3A, %mul3A_97 : i32
        %multiple_of3A_99 = tpu.assume_multiple %add3A_98, 8 : i32
        %dma_start3A = tpu.memref_slice %arg3[%multiple_of3A_99] : memref<170240xi32, #tpu.memory_space<hbm>> -> memref<8xi32, #tpu.memory_space<hbm>>
        %dma_start3A_100 = tpu.memref_slice %arg3[%multiple_of3A_99] : memref<170240xi32, #tpu.memory_space<hbm>> -> memref<8xi32, #tpu.memory_space<hbm>>
        tpu.enqueue_dma source(%dma_start3A_100 : memref<8xi32, #tpu.memory_space<hbm>>) target(%arg9 : memref<8xi32, #tpu.memory_space<vmem>>) target_semaphore(%arg16 : memref<!tpu.dma_semaphore, #tpu.memory_space<semaphore_mem>>)
        %dma_start3A_101 = tpu.memref_slice %arg4[%multiple_of3A_99] : memref<170240xi32, #tpu.memory_space<hbm>> -> memref<8xi32, #tpu.memory_space<hbm>>
        %dma_start3A_102 = tpu.memref_slice %arg4[%multiple_of3A_99] : memref<170240xi32, #tpu.memory_space<hbm>> -> memref<8xi32, #tpu.memory_space<hbm>>
        tpu.enqueue_dma source(%dma_start3A_102 : memref<8xi32, #tpu.memory_space<hbm>>) target(%arg11 : memref<8xi32, #tpu.memory_space<vmem>>) target_semaphore(%arg16 : memref<!tpu.dma_semaphore, #tpu.memory_space<semaphore_mem>>)
        %dma_wait3A = tpu.memref_slice %arg3[%multiple_of3A_99] : memref<170240xi32, #tpu.memory_space<hbm>> -> memref<8xi32, #tpu.memory_space<hbm>>
        %dma_wait3A_103 = tpu.memref_slice %arg3[%multiple_of3A_99] : memref<170240xi32, #tpu.memory_space<hbm>> -> memref<8xi32, #tpu.memory_space<hbm>>
        tpu.wait_dma2 semaphore(%arg16 : memref<!tpu.dma_semaphore, #tpu.memory_space<semaphore_mem>>) src(%dma_wait3A_103 : memref<8xi32, #tpu.memory_space<hbm>>) dst(%arg9 : memref<8xi32, #tpu.memory_space<vmem>>)
        %dma_wait3A_104 = tpu.memref_slice %arg4[%multiple_of3A_99] : memref<170240xi32, #tpu.memory_space<hbm>> -> memref<8xi32, #tpu.memory_space<hbm>>
        %dma_wait3A_105 = tpu.memref_slice %arg4[%multiple_of3A_99] : memref<170240xi32, #tpu.memory_space<hbm>> -> memref<8xi32, #tpu.memory_space<hbm>>
        tpu.wait_dma2 semaphore(%arg16 : memref<!tpu.dma_semaphore, #tpu.memory_space<semaphore_mem>>) src(%dma_wait3A_105 : memref<8xi32, #tpu.memory_space<hbm>>) dst(%arg11 : memref<8xi32, #tpu.memory_space<vmem>>)
        %dma_start3A_106 = arith.constant 0 : i32
        %dma_start3A_107 = arith.constant 0 : i32
        %dma_start3A_108 = arith.constant 0 : i32
        %dma_start3A_109 = tpu.memref_slice %arg2[%dma_start3A_106, %dma_start3A_107, %dma_start3A_108] : memref<10000x24x128xf32, #tpu.memory_space<hbm>> -> memref<10000x24x128xf32, #tpu.memory_space<hbm>>
        tpu.enqueue_indirect_dma source(%dma_start3A_109 : memref<10000x24x128xf32, #tpu.memory_space<hbm>>) target(%arg13 : memref<8x24x128xf32, #tpu.memory_space<vmem>>) offsets(%arg9 : memref<8xi32, #tpu.memory_space<vmem>>) semaphore(%arg18 : memref<!tpu.dma_semaphore, #tpu.memory_space<semaphore_mem>>)
        %dma_wait3A_110 = arith.constant 0 : i32
        %dma_wait3A_111 = arith.constant 0 : i32
        %dma_wait3A_112 = arith.constant 0 : i32
        %dma_wait3A_113 = tpu.memref_slice %arg2[%dma_wait3A_110, %dma_wait3A_111, %dma_wait3A_112] : memref<10000x24x128xf32, #tpu.memory_space<hbm>> -> memref<10000x24x128xf32, #tpu.memory_space<hbm>>
        tpu.wait_indirect_dma semaphore(%arg18 : memref<!tpu.dma_semaphore, #tpu.memory_space<semaphore_mem>>) src(%dma_wait3A_113 : memref<10000x24x128xf32, #tpu.memory_space<hbm>>) dst(%arg13 : memref<8x24x128xf32, #tpu.memory_space<vmem>>)
        %dma_start3A_114 = arith.constant 0 : i32
        %dma_start3A_115 = arith.constant 0 : i32
        %dma_start3A_116 = arith.constant 0 : i32
        %dma_start3A_117 = tpu.memref_slice %arg15[%dma_start3A_114, %dma_start3A_115, %dma_start3A_116] : memref<384x24x128xf32, #tpu.memory_space<vmem_shared>> -> memref<384x24x128xf32, #tpu.memory_space<vmem_shared>>
        tpu.enqueue_indirect_dma source(%arg13 : memref<8x24x128xf32, #tpu.memory_space<vmem>>) target(%dma_start3A_117 : memref<384x24x128xf32, #tpu.memory_space<vmem_shared>>) offsets(%arg11 : memref<8xi32, #tpu.memory_space<vmem>>) semaphore(%arg20 : memref<!tpu.dma_semaphore, #tpu.memory_space<semaphore_mem>>) {add = true}
        %dma_wait3A_118 = arith.constant 0 : i32
        %dma_wait3A_119 = arith.constant 0 : i32
        %dma_wait3A_120 = arith.constant 0 : i32
        %dma_wait3A_121 = tpu.memref_slice %arg15[%dma_wait3A_118, %dma_wait3A_119, %dma_wait3A_120] : memref<384x24x128xf32, #tpu.memory_space<vmem_shared>> -> memref<384x24x128xf32, #tpu.memory_space<vmem_shared>>
        tpu.wait_indirect_dma semaphore(%arg20 : memref<!tpu.dma_semaphore, #tpu.memory_space<semaphore_mem>>) src(%arg13 : memref<8x24x128xf32, #tpu.memory_space<vmem>>) dst(%dma_wait3A_121 : memref<384x24x128xf32, #tpu.memory_space<vmem_shared>>)
      } else {
      }
      %mul3A_91 = arith.constant 16 : i32
      %mul3A_92 = arith.muli %add3A_13, %mul3A_91 : i32
      "tpu.region"() ({
        %run_scoped3A = tpu.sem_alloc : memref<!tpu.dma_semaphore, #tpu.memory_space<semaphore_mem>>
        %dma_start3A = arith.constant 0 : i32
        %dma_start3A_94 = arith.constant 0 : i32
        %dma_start3A_95 = tpu.memref_slice %arg7[%mul3A_92, %dma_start3A, %dma_start3A_94] : memref<10240x24x128xf32, #tpu.memory_space<hbm>> -> memref<16x24x128xf32, #tpu.memory_space<hbm>>
        %dma_start3A_96 = arith.constant 0 : i32
        %dma_start3A_97 = arith.constant 0 : i32
        %dma_start3A_98 = tpu.memref_slice %arg15[%mul3A_2, %dma_start3A_96, %dma_start3A_97] : memref<384x24x128xf32, #tpu.memory_space<vmem_shared>> -> memref<16x24x128xf32, #tpu.memory_space<vmem_shared>>
        tpu.enqueue_dma source(%dma_start3A_98 : memref<16x24x128xf32, #tpu.memory_space<vmem_shared>>) target(%dma_start3A_95 : memref<16x24x128xf32, #tpu.memory_space<hbm>>) target_semaphore(%run_scoped3A : memref<!tpu.dma_semaphore, #tpu.memory_space<semaphore_mem>>)
        %dma_wait3A = arith.constant 0 : i32
        %dma_wait3A_99 = arith.constant 0 : i32
        %dma_wait3A_100 = tpu.memref_slice %arg7[%mul3A_92, %dma_wait3A, %dma_wait3A_99] : memref<10240x24x128xf32, #tpu.memory_space<hbm>> -> memref<16x24x128xf32, #tpu.memory_space<hbm>>
        %dma_wait3A_101 = arith.constant 0 : i32
        %dma_wait3A_102 = arith.constant 0 : i32
        %dma_wait3A_103 = tpu.memref_slice %arg15[%mul3A_2, %dma_wait3A_101, %dma_wait3A_102] : memref<384x24x128xf32, #tpu.memory_space<vmem_shared>> -> memref<16x24x128xf32, #tpu.memory_space<vmem_shared>>
        tpu.wait_dma2 semaphore(%run_scoped3A : memref<!tpu.dma_semaphore, #tpu.memory_space<semaphore_mem>>) src(%dma_wait3A_103 : memref<16x24x128xf32, #tpu.memory_space<vmem_shared>>) dst(%dma_wait3A_100 : memref<16x24x128xf32, #tpu.memory_space<hbm>>)
        tpu.yield
      }) : () -> ()
      %scan3A_93 = arith.constant 0 : i32
      scf.yield %scan3A_93 : i32
    }
    %scan3A_8 = arith.constant 20 : i32
    return
  }
}

#map = affine_map<(d0, d1) -> (0, 0, 0)>
#map1 = affine_map<(d0, d1) -> (0)>
#map2 = affine_map<(d0, d1) -> (0, 0)>
module attributes {stable_mosaic.version = 14 : i64} {
  func.func @k(%arg0: i32, %arg1: i32, %arg2: memref<10000x24x128xf32, #tpu.memory_space<hbm>>, %arg3: memref<170240xi32, #tpu.memory_space<hbm>>, %arg4: memref<170240xi32, #tpu.memory_space<hbm>>, %arg5: memref<640x16xi32, #tpu.memory_space<hbm>>, %arg6: memref<24x24x128xf32, #tpu.memory_space<hbm>>, %arg7: memref<10240x24x128xf32, #tpu.memory_space<hbm>>, %arg8: memref<16xi32, #tpu.memory_space<vmem>>, %arg9: memref<8xi32, #tpu.memory_space<vmem>>, %arg10: memref<8xi32, #tpu.memory_space<vmem>>, %arg11: memref<8xi32, #tpu.memory_space<vmem>>, %arg12: memref<8xi32, #tpu.memory_space<vmem>>, %arg13: memref<8x24x128xf32, #tpu.memory_space<vmem>>, %arg14: memref<8x24x128xf32, #tpu.memory_space<vmem>>, %arg15: memref<384x24x128xf32, #tpu.memory_space<vmem_shared>>, %arg16: memref<!tpu.dma_semaphore, #tpu.memory_space<semaphore_mem>>, %arg17: memref<!tpu.dma_semaphore, #tpu.memory_space<semaphore_mem>>, %arg18: memref<!tpu.dma_semaphore, #tpu.memory_space<semaphore_mem>>, %arg19: memref<!tpu.dma_semaphore, #tpu.memory_space<semaphore_mem>>, %arg20: memref<!tpu.dma_semaphore, #tpu.memory_space<semaphore_mem>>, %arg21: memref<!tpu.dma_semaphore, #tpu.memory_space<semaphore_mem>>) attributes {dimension_semantics = [#tpu.dimension_semantics<core_parallel>, #tpu.dimension_semantics<subcore_parallel>], iteration_bounds = array<i64: 2, 16>, scalar_prefetch = 0 : i64, scratch_operands = 14 : i64, tpu.core_type = #tpu.core_type<sc_vector_subcore>, window_params = [{transform_indices = #map}, {transform_indices = #map1}, {transform_indices = #map1}, {transform_indices = #map2}, {transform_indices = #map}, {transform_indices = #map}]} {
    %mul3A = arith.constant 2 : i32
    %mul3A_0 = arith.muli %arg1, %mul3A : i32
    %add3A = arith.addi %mul3A_0, %arg0 : i32
    %mul3A_1 = arith.constant 24 : i32
    %mul3A_2 = arith.muli %arg1, %mul3A_1 : i32
    %scan3A = arith.constant 0 : i32
    %scan3A_3 = arith.constant 0 : i32
    %scan3A_4 = arith.constant 20 : i32
    %scan3A_5 = arith.addi %scan3A_3, %scan3A_4 : i32
    %scan3A_6 = arith.constant 1 : i32
    %scan3A_7 = scf.for %scan3A_9 = %scan3A_3 to %scan3A_5 step %scan3A_6 iter_args(%scan3A_10 = %scan3A) -> (i32)  : i32 {
      %mul3A_11 = arith.constant 20 : i32
      %mul3A_12 = arith.muli %add3A, %mul3A_11 : i32
      %add3A_13 = arith.addi %mul3A_12, %scan3A_9 : i32
      "tpu.region"() ({
        %run_scoped3A = tpu.sem_alloc : memref<!tpu.dma_semaphore, #tpu.memory_space<semaphore_mem>>
        %dma_start3A = arith.constant 0 : i32
        %dma_start3A_94 = tpu.memref_slice %arg5[%add3A_13, %dma_start3A] : memref<640x16xi32, #tpu.memory_space<hbm>> -> memref<1x16xi32, #tpu.memory_space<hbm>>
        %dma_start3A_95 = tpu.memref_squeeze %dma_start3A_94 : memref<1x16xi32, #tpu.memory_space<hbm>> -> memref<16xi32, #tpu.memory_space<hbm>>
        %dma_start3A_96 = arith.constant 0 : i32
        %dma_start3A_97 = tpu.memref_slice %arg5[%add3A_13, %dma_start3A_96] : memref<640x16xi32, #tpu.memory_space<hbm>> -> memref<1x16xi32, #tpu.memory_space<hbm>>
        %dma_start3A_98 = tpu.memref_squeeze %dma_start3A_97 : memref<1x16xi32, #tpu.memory_space<hbm>> -> memref<16xi32, #tpu.memory_space<hbm>>
        tpu.enqueue_dma source(%dma_start3A_98 : memref<16xi32, #tpu.memory_space<hbm>>) target(%arg8 : memref<16xi32, #tpu.memory_space<vmem>>) target_semaphore(%run_scoped3A : memref<!tpu.dma_semaphore, #tpu.memory_space<semaphore_mem>>)
        %dma_wait3A = arith.constant 0 : i32
        %dma_wait3A_99 = tpu.memref_slice %arg5[%add3A_13, %dma_wait3A] : memref<640x16xi32, #tpu.memory_space<hbm>> -> memref<1x16xi32, #tpu.memory_space<hbm>>
        %dma_wait3A_100 = tpu.memref_squeeze %dma_wait3A_99 : memref<1x16xi32, #tpu.memory_space<hbm>> -> memref<16xi32, #tpu.memory_space<hbm>>
        %dma_wait3A_101 = arith.constant 0 : i32
        %dma_wait3A_102 = tpu.memref_slice %arg5[%add3A_13, %dma_wait3A_101] : memref<640x16xi32, #tpu.memory_space<hbm>> -> memref<1x16xi32, #tpu.memory_space<hbm>>
        %dma_wait3A_103 = tpu.memref_squeeze %dma_wait3A_102 : memref<1x16xi32, #tpu.memory_space<hbm>> -> memref<16xi32, #tpu.memory_space<hbm>>
        tpu.wait_dma2 semaphore(%run_scoped3A : memref<!tpu.dma_semaphore, #tpu.memory_space<semaphore_mem>>) src(%dma_wait3A_103 : memref<16xi32, #tpu.memory_space<hbm>>) dst(%arg8 : memref<16xi32, #tpu.memory_space<vmem>>)
        tpu.yield
      }) : () -> ()
      %get3A = arith.constant 0 : index
      %get3A_14 = tpu.vector_load %arg8[%get3A] {strides = array<i32>} : memref<16xi32, #tpu.memory_space<vmem>>, vector<16xi32>,
      %get3A_15 = vector.shape_cast %get3A_14 : vector<16xi32> to vector<16xi32>
      %slice3A = vector.extract_strided_slice %get3A_15 {offsets = [0], sizes = [1], strides = [1]} : vector<16xi32> to vector<1xi32>
      %squeeze3A = vector.extract %slice3A[0] : i32 from vector<1xi32>
      %multiple_of3A = tpu.assume_multiple %squeeze3A, 16 : i32
      %slice3A_16 = vector.extract_strided_slice %get3A_15 {offsets = [1], sizes = [1], strides = [1]} : vector<16xi32> to vector<1xi32>
      %squeeze3A_17 = vector.extract %slice3A_16[0] : i32 from vector<1xi32>
      "tpu.region"() ({
        %run_scoped3A = tpu.sem_alloc : memref<!tpu.dma_semaphore, #tpu.memory_space<semaphore_mem>>
        %dma_start3A = arith.constant 0 : i32
        %dma_start3A_94 = arith.constant 0 : i32
        %dma_start3A_95 = tpu.memref_slice %arg15[%mul3A_2, %dma_start3A, %dma_start3A_94] : memref<384x24x128xf32, #tpu.memory_space<vmem_shared>> -> memref<24x24x128xf32, #tpu.memory_space<vmem_shared>>
        tpu.enqueue_dma source(%arg6 : memref<24x24x128xf32, #tpu.memory_space<hbm>>) target(%dma_start3A_95 : memref<24x24x128xf32, #tpu.memory_space<vmem_shared>>) target_semaphore(%run_scoped3A : memref<!tpu.dma_semaphore, #tpu.memory_space<semaphore_mem>>)
        %dma_wait3A = arith.constant 0 : i32
        %dma_wait3A_96 = arith.constant 0 : i32
        %dma_wait3A_97 = tpu.memref_slice %arg15[%mul3A_2, %dma_wait3A, %dma_wait3A_96] : memref<384x24x128xf32, #tpu.memory_space<vmem_shared>> -> memref<24x24x128xf32, #tpu.memory_space<vmem_shared>>
        tpu.wait_dma2 semaphore(%run_scoped3A : memref<!tpu.dma_semaphore, #tpu.memory_space<semaphore_mem>>) src(%arg6 : memref<24x24x128xf32, #tpu.memory_space<hbm>>) dst(%dma_wait3A_97 : memref<24x24x128xf32, #tpu.memory_space<vmem_shared>>)
        tpu.yield
      }) : () -> ()
      %sub3A = arith.subi %squeeze3A_17, %multiple_of3A : i32
      %jit3A = arith.constant 8 : i32
      %div3A = arith.divsi %sub3A, %jit3A : i32
      %sign3A = arith.constant 0 : i32
      %sign3A_18 = arith.cmpi sgt, %sub3A, %sign3A : i32
      %sign3A_19 = arith.extui %sign3A_18 : i1 to i32
      %sign3A_20 = arith.constant 0 : i32
      %sign3A_21 = arith.cmpi slt, %sub3A, %sign3A_20 : i32
      %sign3A_22 = arith.extui %sign3A_21 : i1 to i32
      %sign3A_23 = arith.subi %sign3A_19, %sign3A_22 : i32
      %sign3A_24 = arith.constant 0 : i32
      %sign3A_25 = arith.cmpi sgt, %jit3A, %sign3A_24 : i32
      %sign3A_26 = arith.extui %sign3A_25 : i1 to i32
      %sign3A_27 = arith.constant 0 : i32
      %sign3A_28 = arith.cmpi slt, %jit3A, %sign3A_27 : i32
      %sign3A_29 = arith.extui %sign3A_28 : i1 to i32
      %sign3A_30 = arith.subi %sign3A_26, %sign3A_29 : i32
      %ne3A = arith.cmpi ne, %sign3A_23, %sign3A_30 : i32
      %rem3A = arith.remsi %sub3A, %jit3A : i32
      %ne3A_31 = arith.constant 0 : i32
      %ne3A_32 = arith.cmpi ne, %rem3A, %ne3A_31 : i32
      %and3A = arith.andi %ne3A, %ne3A_32 : i1
      %sub3A_33 = arith.constant 1 : i32
      %sub3A_34 = arith.subi %div3A, %sub3A_33 : i32
      %select_n3A = arith.select %and3A, %sub3A_34, %div3A : i32
      %jit3A_35 = arith.constant 2 : i32
      %div3A_36 = arith.divsi %select_n3A, %jit3A_35 : i32
      %sign3A_37 = arith.constant 0 : i32
      %sign3A_38 = arith.cmpi sgt, %select_n3A, %sign3A_37 : i32
      %sign3A_39 = arith.extui %sign3A_38 : i1 to i32
      %sign3A_40 = arith.constant 0 : i32
      %sign3A_41 = arith.cmpi slt, %select_n3A, %sign3A_40 : i32
      %sign3A_42 = arith.extui %sign3A_41 : i1 to i32
      %sign3A_43 = arith.subi %sign3A_39, %sign3A_42 : i32
      %sign3A_44 = arith.constant 0 : i32
      %sign3A_45 = arith.cmpi sgt, %jit3A_35, %sign3A_44 : i32
      %sign3A_46 = arith.extui %sign3A_45 : i1 to i32
      %sign3A_47 = arith.constant 0 : i32
      %sign3A_48 = arith.cmpi slt, %jit3A_35, %sign3A_47 : i32
      %sign3A_49 = arith.extui %sign3A_48 : i1 to i32
      %sign3A_50 = arith.subi %sign3A_46, %sign3A_49 : i32
      %ne3A_51 = arith.cmpi ne, %sign3A_43, %sign3A_50 : i32
      %rem3A_52 = arith.remsi %select_n3A, %jit3A_35 : i32
      %ne3A_53 = arith.constant 0 : i32
      %ne3A_54 = arith.cmpi ne, %rem3A_52, %ne3A_53 : i32
      %and3A_55 = arith.andi %ne3A_51, %ne3A_54 : i1
      %sub3A_56 = arith.constant 1 : i32
      %sub3A_57 = arith.subi %div3A_36, %sub3A_56 : i32
      %select_n3A_58 = arith.select %and3A_55, %sub3A_57, %div3A_36 : i32
      %while3A = arith.constant 0 : i32
      %while3A_59 = arith.constant 0 : i32
      %while3A_60 = arith.subi %select_n3A_58, %while3A : i32
      %while3A_61 = arith.addi %while3A, %while3A_60 : i32
      %while3A_62 = arith.constant 1 : i32
      %while3A_63 = arith.divsi %while3A_60, %while3A_62 : i32
      %while3A_64 = arith.muli %while3A_63, %while3A_62 : i32
      %while3A_65 = arith.addi %while3A, %while3A_64 : i32
      %while3A_66 = arith.constant 1 : i32
      %while3A_67 = scf.for %while3A_94 = %while3A to %while3A_65 step %while3A_66 iter_args(%while3A_95 = %while3A_59) -> (i32)  : i32 {
        %mul3A_96 = arith.constant 2 : i32
        %mul3A_97 = arith.muli %mul3A_96, %while3A_94 : i32
        %mul3A_98 = arith.constant 8 : i32
        %mul3A_99 = arith.muli %mul3A_97, %mul3A_98 : i32
        %add3A_100 = arith.addi %multiple_of3A, %mul3A_99 : i32
        %multiple_of3A_101 = tpu.assume_multiple %add3A_100, 8 : i32
        %add3A_102 = arith.constant 8 : i32
        %add3A_103 = arith.addi %multiple_of3A_101, %add3A_102 : i32
        %multiple_of3A_104 = tpu.assume_multiple %add3A_103, 8 : i32
        %dma_start3A = tpu.memref_slice %arg3[%multiple_of3A_101] : memref<170240xi32, #tpu.memory_space<hbm>> -> memref<8xi32, #tpu.memory_space<hbm>>
        %dma_start3A_105 = tpu.memref_slice %arg3[%multiple_of3A_101] : memref<170240xi32, #tpu.memory_space<hbm>> -> memref<8xi32, #tpu.memory_space<hbm>>
        tpu.enqueue_dma source(%dma_start3A_105 : memref<8xi32, #tpu.memory_space<hbm>>) target(%arg9 : memref<8xi32, #tpu.memory_space<vmem>>) target_semaphore(%arg16 : memref<!tpu.dma_semaphore, #tpu.memory_space<semaphore_mem>>)
        %dma_start3A_106 = tpu.memref_slice %arg4[%multiple_of3A_101] : memref<170240xi32, #tpu.memory_space<hbm>> -> memref<8xi32, #tpu.memory_space<hbm>>
        %dma_start3A_107 = tpu.memref_slice %arg4[%multiple_of3A_101] : memref<170240xi32, #tpu.memory_space<hbm>> -> memref<8xi32, #tpu.memory_space<hbm>>
        tpu.enqueue_dma source(%dma_start3A_107 : memref<8xi32, #tpu.memory_space<hbm>>) target(%arg11 : memref<8xi32, #tpu.memory_space<vmem>>) target_semaphore(%arg16 : memref<!tpu.dma_semaphore, #tpu.memory_space<semaphore_mem>>)
        %dma_wait3A = tpu.memref_slice %arg3[%multiple_of3A_101] : memref<170240xi32, #tpu.memory_space<hbm>> -> memref<8xi32, #tpu.memory_space<hbm>>
        %dma_wait3A_108 = tpu.memref_slice %arg3[%multiple_of3A_101] : memref<170240xi32, #tpu.memory_space<hbm>> -> memref<8xi32, #tpu.memory_space<hbm>>
        tpu.wait_dma2 semaphore(%arg16 : memref<!tpu.dma_semaphore, #tpu.memory_space<semaphore_mem>>) src(%dma_wait3A_108 : memref<8xi32, #tpu.memory_space<hbm>>) dst(%arg9 : memref<8xi32, #tpu.memory_space<vmem>>)
        %dma_wait3A_109 = tpu.memref_slice %arg4[%multiple_of3A_101] : memref<170240xi32, #tpu.memory_space<hbm>> -> memref<8xi32, #tpu.memory_space<hbm>>
        %dma_wait3A_110 = tpu.memref_slice %arg4[%multiple_of3A_101] : memref<170240xi32, #tpu.memory_space<hbm>> -> memref<8xi32, #tpu.memory_space<hbm>>
        tpu.wait_dma2 semaphore(%arg16 : memref<!tpu.dma_semaphore, #tpu.memory_space<semaphore_mem>>) src(%dma_wait3A_110 : memref<8xi32, #tpu.memory_space<hbm>>) dst(%arg11 : memref<8xi32, #tpu.memory_space<vmem>>)
        %dma_start3A_111 = arith.constant 0 : i32
        %dma_start3A_112 = arith.constant 0 : i32
        %dma_start3A_113 = arith.constant 0 : i32
        %dma_start3A_114 = tpu.memref_slice %arg2[%dma_start3A_111, %dma_start3A_112, %dma_start3A_113] : memref<10000x24x128xf32, #tpu.memory_space<hbm>> -> memref<10000x24x128xf32, #tpu.memory_space<hbm>>
        tpu.enqueue_indirect_dma source(%dma_start3A_114 : memref<10000x24x128xf32, #tpu.memory_space<hbm>>) target(%arg13 : memref<8x24x128xf32, #tpu.memory_space<vmem>>) offsets(%arg9 : memref<8xi32, #tpu.memory_space<vmem>>) semaphore(%arg18 : memref<!tpu.dma_semaphore, #tpu.memory_space<semaphore_mem>>)
        %gt3A_115 = arith.constant 0 : i32
        %gt3A_116 = arith.cmpi sgt, %while3A_94, %gt3A_115 : i32
        %convert_element_type3A_117 = arith.extui %gt3A_116 : i1 to i32
        %cond3A_118 = arith.constant 0 : i32
        %cond3A_119 = arith.cmpi ne, %convert_element_type3A_117, %cond3A_118 : i32
        scf.if %cond3A_119 {
          %dma_wait3A_153 = arith.constant 0 : i32
          %dma_wait3A_154 = arith.constant 0 : i32
          %dma_wait3A_155 = arith.constant 0 : i32
          %dma_wait3A_156 = tpu.memref_slice %arg15[%dma_wait3A_153, %dma_wait3A_154, %dma_wait3A_155] : memref<384x24x128xf32, #tpu.memory_space<vmem_shared>> -> memref<384x24x128xf32, #tpu.memory_space<vmem_shared>>
          tpu.wait_indirect_dma semaphore(%arg21 : memref<!tpu.dma_semaphore, #tpu.memory_space<semaphore_mem>>) src(%arg14 : memref<8x24x128xf32, #tpu.memory_space<vmem>>) dst(%dma_wait3A_156 : memref<384x24x128xf32, #tpu.memory_space<vmem_shared>>)
        } else {
        }
        %dma_start3A_120 = tpu.memref_slice %arg3[%multiple_of3A_104] : memref<170240xi32, #tpu.memory_space<hbm>> -> memref<8xi32, #tpu.memory_space<hbm>>
        %dma_start3A_121 = tpu.memref_slice %arg3[%multiple_of3A_104] : memref<170240xi32, #tpu.memory_space<hbm>> -> memref<8xi32, #tpu.memory_space<hbm>>
        tpu.enqueue_dma source(%dma_start3A_121 : memref<8xi32, #tpu.memory_space<hbm>>) target(%arg10 : memref<8xi32, #tpu.memory_space<vmem>>) target_semaphore(%arg17 : memref<!tpu.dma_semaphore, #tpu.memory_space<semaphore_mem>>)
        %dma_start3A_122 = tpu.memref_slice %arg4[%multiple_of3A_104] : memref<170240xi32, #tpu.memory_space<hbm>> -> memref<8xi32, #tpu.memory_space<hbm>>
        %dma_start3A_123 = tpu.memref_slice %arg4[%multiple_of3A_104] : memref<170240xi32, #tpu.memory_space<hbm>> -> memref<8xi32, #tpu.memory_space<hbm>>
        tpu.enqueue_dma source(%dma_start3A_123 : memref<8xi32, #tpu.memory_space<hbm>>) target(%arg12 : memref<8xi32, #tpu.memory_space<vmem>>) target_semaphore(%arg17 : memref<!tpu.dma_semaphore, #tpu.memory_space<semaphore_mem>>)
        %dma_wait3A_124 = tpu.memref_slice %arg3[%multiple_of3A_104] : memref<170240xi32, #tpu.memory_space<hbm>> -> memref<8xi32, #tpu.memory_space<hbm>>
        %dma_wait3A_125 = tpu.memref_slice %arg3[%multiple_of3A_104] : memref<170240xi32, #tpu.memory_space<hbm>> -> memref<8xi32, #tpu.memory_space<hbm>>
        tpu.wait_dma2 semaphore(%arg17 : memref<!tpu.dma_semaphore, #tpu.memory_space<semaphore_mem>>) src(%dma_wait3A_125 : memref<8xi32, #tpu.memory_space<hbm>>) dst(%arg10 : memref<8xi32, #tpu.memory_space<vmem>>)
        %dma_wait3A_126 = tpu.memref_slice %arg4[%multiple_of3A_104] : memref<170240xi32, #tpu.memory_space<hbm>> -> memref<8xi32, #tpu.memory_space<hbm>>
        %dma_wait3A_127 = tpu.memref_slice %arg4[%multiple_of3A_104] : memref<170240xi32, #tpu.memory_space<hbm>> -> memref<8xi32, #tpu.memory_space<hbm>>
        tpu.wait_dma2 semaphore(%arg17 : memref<!tpu.dma_semaphore, #tpu.memory_space<semaphore_mem>>) src(%dma_wait3A_127 : memref<8xi32, #tpu.memory_space<hbm>>) dst(%arg12 : memref<8xi32, #tpu.memory_space<vmem>>)
        %dma_start3A_128 = arith.constant 0 : i32
        %dma_start3A_129 = arith.constant 0 : i32
        %dma_start3A_130 = arith.constant 0 : i32
        %dma_start3A_131 = tpu.memref_slice %arg2[%dma_start3A_128, %dma_start3A_129, %dma_start3A_130] : memref<10000x24x128xf32, #tpu.memory_space<hbm>> -> memref<10000x24x128xf32, #tpu.memory_space<hbm>>
        tpu.enqueue_indirect_dma source(%dma_start3A_131 : memref<10000x24x128xf32, #tpu.memory_space<hbm>>) target(%arg14 : memref<8x24x128xf32, #tpu.memory_space<vmem>>) offsets(%arg10 : memref<8xi32, #tpu.memory_space<vmem>>) semaphore(%arg19 : memref<!tpu.dma_semaphore, #tpu.memory_space<semaphore_mem>>)
        %dma_wait3A_132 = arith.constant 0 : i32
        %dma_wait3A_133 = arith.constant 0 : i32
        %dma_wait3A_134 = arith.constant 0 : i32
        %dma_wait3A_135 = tpu.memref_slice %arg2[%dma_wait3A_132, %dma_wait3A_133, %dma_wait3A_134] : memref<10000x24x128xf32, #tpu.memory_space<hbm>> -> memref<10000x24x128xf32, #tpu.memory_space<hbm>>
        tpu.wait_indirect_dma semaphore(%arg18 : memref<!tpu.dma_semaphore, #tpu.memory_space<semaphore_mem>>) src(%dma_wait3A_135 : memref<10000x24x128xf32, #tpu.memory_space<hbm>>) dst(%arg13 : memref<8x24x128xf32, #tpu.memory_space<vmem>>)
        %dma_start3A_136 = arith.constant 0 : i32
        %dma_start3A_137 = arith.constant 0 : i32
        %dma_start3A_138 = arith.constant 0 : i32
        %dma_start3A_139 = tpu.memref_slice %arg15[%dma_start3A_136, %dma_start3A_137, %dma_start3A_138] : memref<384x24x128xf32, #tpu.memory_space<vmem_shared>> -> memref<384x24x128xf32, #tpu.memory_space<vmem_shared>>
        tpu.enqueue_indirect_dma source(%arg13 : memref<8x24x128xf32, #tpu.memory_space<vmem>>) target(%dma_start3A_139 : memref<384x24x128xf32, #tpu.memory_space<vmem_shared>>) offsets(%arg11 : memref<8xi32, #tpu.memory_space<vmem>>) semaphore(%arg20 : memref<!tpu.dma_semaphore, #tpu.memory_space<semaphore_mem>>) {add = true}
        %dma_wait3A_140 = arith.constant 0 : i32
        %dma_wait3A_141 = arith.constant 0 : i32
        %dma_wait3A_142 = arith.constant 0 : i32
        %dma_wait3A_143 = tpu.memref_slice %arg2[%dma_wait3A_140, %dma_wait3A_141, %dma_wait3A_142] : memref<10000x24x128xf32, #tpu.memory_space<hbm>> -> memref<10000x24x128xf32, #tpu.memory_space<hbm>>
        tpu.wait_indirect_dma semaphore(%arg19 : memref<!tpu.dma_semaphore, #tpu.memory_space<semaphore_mem>>) src(%dma_wait3A_143 : memref<10000x24x128xf32, #tpu.memory_space<hbm>>) dst(%arg14 : memref<8x24x128xf32, #tpu.memory_space<vmem>>)
        %dma_wait3A_144 = arith.constant 0 : i32
        %dma_wait3A_145 = arith.constant 0 : i32
        %dma_wait3A_146 = arith.constant 0 : i32
        %dma_wait3A_147 = tpu.memref_slice %arg15[%dma_wait3A_144, %dma_wait3A_145, %dma_wait3A_146] : memref<384x24x128xf32, #tpu.memory_space<vmem_shared>> -> memref<384x24x128xf32, #tpu.memory_space<vmem_shared>>
        tpu.wait_indirect_dma semaphore(%arg20 : memref<!tpu.dma_semaphore, #tpu.memory_space<semaphore_mem>>) src(%arg13 : memref<8x24x128xf32, #tpu.memory_space<vmem>>) dst(%dma_wait3A_147 : memref<384x24x128xf32, #tpu.memory_space<vmem_shared>>)
        %dma_start3A_148 = arith.constant 0 : i32
        %dma_start3A_149 = arith.constant 0 : i32
        %dma_start3A_150 = arith.constant 0 : i32
        %dma_start3A_151 = tpu.memref_slice %arg15[%dma_start3A_148, %dma_start3A_149, %dma_start3A_150] : memref<384x24x128xf32, #tpu.memory_space<vmem_shared>> -> memref<384x24x128xf32, #tpu.memory_space<vmem_shared>>
        tpu.enqueue_indirect_dma source(%arg14 : memref<8x24x128xf32, #tpu.memory_space<vmem>>) target(%dma_start3A_151 : memref<384x24x128xf32, #tpu.memory_space<vmem_shared>>) offsets(%arg12 : memref<8xi32, #tpu.memory_space<vmem>>) semaphore(%arg21 : memref<!tpu.dma_semaphore, #tpu.memory_space<semaphore_mem>>) {add = true}
        %while3A_152 = arith.constant 0 : i32
        scf.yield %while3A_152 : i32
      }
      %while3A_68 = arith.constant 1 : i32
      %while3A_69 = scf.for %while3A_94 = %while3A_65 to %while3A_61 step %while3A_68 iter_args(%while3A_95 = %while3A_67) -> (i32)  : i32 {
        %mul3A_96 = arith.constant 2 : i32
        %mul3A_97 = arith.muli %mul3A_96, %while3A_94 : i32
        %mul3A_98 = arith.constant 8 : i32
        %mul3A_99 = arith.muli %mul3A_97, %mul3A_98 : i32
        %add3A_100 = arith.addi %multiple_of3A, %mul3A_99 : i32
        %multiple_of3A_101 = tpu.assume_multiple %add3A_100, 8 : i32
        %add3A_102 = arith.constant 8 : i32
        %add3A_103 = arith.addi %multiple_of3A_101, %add3A_102 : i32
        %multiple_of3A_104 = tpu.assume_multiple %add3A_103, 8 : i32
        %dma_start3A = tpu.memref_slice %arg3[%multiple_of3A_101] : memref<170240xi32, #tpu.memory_space<hbm>> -> memref<8xi32, #tpu.memory_space<hbm>>
        %dma_start3A_105 = tpu.memref_slice %arg3[%multiple_of3A_101] : memref<170240xi32, #tpu.memory_space<hbm>> -> memref<8xi32, #tpu.memory_space<hbm>>
        tpu.enqueue_dma source(%dma_start3A_105 : memref<8xi32, #tpu.memory_space<hbm>>) target(%arg9 : memref<8xi32, #tpu.memory_space<vmem>>) target_semaphore(%arg16 : memref<!tpu.dma_semaphore, #tpu.memory_space<semaphore_mem>>)
        %dma_start3A_106 = tpu.memref_slice %arg4[%multiple_of3A_101] : memref<170240xi32, #tpu.memory_space<hbm>> -> memref<8xi32, #tpu.memory_space<hbm>>
        %dma_start3A_107 = tpu.memref_slice %arg4[%multiple_of3A_101] : memref<170240xi32, #tpu.memory_space<hbm>> -> memref<8xi32, #tpu.memory_space<hbm>>
        tpu.enqueue_dma source(%dma_start3A_107 : memref<8xi32, #tpu.memory_space<hbm>>) target(%arg11 : memref<8xi32, #tpu.memory_space<vmem>>) target_semaphore(%arg16 : memref<!tpu.dma_semaphore, #tpu.memory_space<semaphore_mem>>)
        %dma_wait3A = tpu.memref_slice %arg3[%multiple_of3A_101] : memref<170240xi32, #tpu.memory_space<hbm>> -> memref<8xi32, #tpu.memory_space<hbm>>
        %dma_wait3A_108 = tpu.memref_slice %arg3[%multiple_of3A_101] : memref<170240xi32, #tpu.memory_space<hbm>> -> memref<8xi32, #tpu.memory_space<hbm>>
        tpu.wait_dma2 semaphore(%arg16 : memref<!tpu.dma_semaphore, #tpu.memory_space<semaphore_mem>>) src(%dma_wait3A_108 : memref<8xi32, #tpu.memory_space<hbm>>) dst(%arg9 : memref<8xi32, #tpu.memory_space<vmem>>)
        %dma_wait3A_109 = tpu.memref_slice %arg4[%multiple_of3A_101] : memref<170240xi32, #tpu.memory_space<hbm>> -> memref<8xi32, #tpu.memory_space<hbm>>
        %dma_wait3A_110 = tpu.memref_slice %arg4[%multiple_of3A_101] : memref<170240xi32, #tpu.memory_space<hbm>> -> memref<8xi32, #tpu.memory_space<hbm>>
        tpu.wait_dma2 semaphore(%arg16 : memref<!tpu.dma_semaphore, #tpu.memory_space<semaphore_mem>>) src(%dma_wait3A_110 : memref<8xi32, #tpu.memory_space<hbm>>) dst(%arg11 : memref<8xi32, #tpu.memory_space<vmem>>)
        %dma_start3A_111 = arith.constant 0 : i32
        %dma_start3A_112 = arith.constant 0 : i32
        %dma_start3A_113 = arith.constant 0 : i32
        %dma_start3A_114 = tpu.memref_slice %arg2[%dma_start3A_111, %dma_start3A_112, %dma_start3A_113] : memref<10000x24x128xf32, #tpu.memory_space<hbm>> -> memref<10000x24x128xf32, #tpu.memory_space<hbm>>
        tpu.enqueue_indirect_dma source(%dma_start3A_114 : memref<10000x24x128xf32, #tpu.memory_space<hbm>>) target(%arg13 : memref<8x24x128xf32, #tpu.memory_space<vmem>>) offsets(%arg9 : memref<8xi32, #tpu.memory_space<vmem>>) semaphore(%arg18 : memref<!tpu.dma_semaphore, #tpu.memory_space<semaphore_mem>>)
        %gt3A_115 = arith.constant 0 : i32
        %gt3A_116 = arith.cmpi sgt, %while3A_94, %gt3A_115 : i32
        %convert_element_type3A_117 = arith.extui %gt3A_116 : i1 to i32
        %cond3A_118 = arith.constant 0 : i32
        %cond3A_119 = arith.cmpi ne, %convert_element_type3A_117, %cond3A_118 : i32
        scf.if %cond3A_119 {
          %dma_wait3A_153 = arith.constant 0 : i32
          %dma_wait3A_154 = arith.constant 0 : i32
          %dma_wait3A_155 = arith.constant 0 : i32
          %dma_wait3A_156 = tpu.memref_slice %arg15[%dma_wait3A_153, %dma_wait3A_154, %dma_wait3A_155] : memref<384x24x128xf32, #tpu.memory_space<vmem_shared>> -> memref<384x24x128xf32, #tpu.memory_space<vmem_shared>>
          tpu.wait_indirect_dma semaphore(%arg21 : memref<!tpu.dma_semaphore, #tpu.memory_space<semaphore_mem>>) src(%arg14 : memref<8x24x128xf32, #tpu.memory_space<vmem>>) dst(%dma_wait3A_156 : memref<384x24x128xf32, #tpu.memory_space<vmem_shared>>)
        } else {
        }
        %dma_start3A_120 = tpu.memref_slice %arg3[%multiple_of3A_104] : memref<170240xi32, #tpu.memory_space<hbm>> -> memref<8xi32, #tpu.memory_space<hbm>>
        %dma_start3A_121 = tpu.memref_slice %arg3[%multiple_of3A_104] : memref<170240xi32, #tpu.memory_space<hbm>> -> memref<8xi32, #tpu.memory_space<hbm>>
        tpu.enqueue_dma source(%dma_start3A_121 : memref<8xi32, #tpu.memory_space<hbm>>) target(%arg10 : memref<8xi32, #tpu.memory_space<vmem>>) target_semaphore(%arg17 : memref<!tpu.dma_semaphore, #tpu.memory_space<semaphore_mem>>)
        %dma_start3A_122 = tpu.memref_slice %arg4[%multiple_of3A_104] : memref<170240xi32, #tpu.memory_space<hbm>> -> memref<8xi32, #tpu.memory_space<hbm>>
        %dma_start3A_123 = tpu.memref_slice %arg4[%multiple_of3A_104] : memref<170240xi32, #tpu.memory_space<hbm>> -> memref<8xi32, #tpu.memory_space<hbm>>
        tpu.enqueue_dma source(%dma_start3A_123 : memref<8xi32, #tpu.memory_space<hbm>>) target(%arg12 : memref<8xi32, #tpu.memory_space<vmem>>) target_semaphore(%arg17 : memref<!tpu.dma_semaphore, #tpu.memory_space<semaphore_mem>>)
        %dma_wait3A_124 = tpu.memref_slice %arg3[%multiple_of3A_104] : memref<170240xi32, #tpu.memory_space<hbm>> -> memref<8xi32, #tpu.memory_space<hbm>>
        %dma_wait3A_125 = tpu.memref_slice %arg3[%multiple_of3A_104] : memref<170240xi32, #tpu.memory_space<hbm>> -> memref<8xi32, #tpu.memory_space<hbm>>
        tpu.wait_dma2 semaphore(%arg17 : memref<!tpu.dma_semaphore, #tpu.memory_space<semaphore_mem>>) src(%dma_wait3A_125 : memref<8xi32, #tpu.memory_space<hbm>>) dst(%arg10 : memref<8xi32, #tpu.memory_space<vmem>>)
        %dma_wait3A_126 = tpu.memref_slice %arg4[%multiple_of3A_104] : memref<170240xi32, #tpu.memory_space<hbm>> -> memref<8xi32, #tpu.memory_space<hbm>>
        %dma_wait3A_127 = tpu.memref_slice %arg4[%multiple_of3A_104] : memref<170240xi32, #tpu.memory_space<hbm>> -> memref<8xi32, #tpu.memory_space<hbm>>
        tpu.wait_dma2 semaphore(%arg17 : memref<!tpu.dma_semaphore, #tpu.memory_space<semaphore_mem>>) src(%dma_wait3A_127 : memref<8xi32, #tpu.memory_space<hbm>>) dst(%arg12 : memref<8xi32, #tpu.memory_space<vmem>>)
        %dma_start3A_128 = arith.constant 0 : i32
        %dma_start3A_129 = arith.constant 0 : i32
        %dma_start3A_130 = arith.constant 0 : i32
        %dma_start3A_131 = tpu.memref_slice %arg2[%dma_start3A_128, %dma_start3A_129, %dma_start3A_130] : memref<10000x24x128xf32, #tpu.memory_space<hbm>> -> memref<10000x24x128xf32, #tpu.memory_space<hbm>>
        tpu.enqueue_indirect_dma source(%dma_start3A_131 : memref<10000x24x128xf32, #tpu.memory_space<hbm>>) target(%arg14 : memref<8x24x128xf32, #tpu.memory_space<vmem>>) offsets(%arg10 : memref<8xi32, #tpu.memory_space<vmem>>) semaphore(%arg19 : memref<!tpu.dma_semaphore, #tpu.memory_space<semaphore_mem>>)
        %dma_wait3A_132 = arith.constant 0 : i32
        %dma_wait3A_133 = arith.constant 0 : i32
        %dma_wait3A_134 = arith.constant 0 : i32
        %dma_wait3A_135 = tpu.memref_slice %arg2[%dma_wait3A_132, %dma_wait3A_133, %dma_wait3A_134] : memref<10000x24x128xf32, #tpu.memory_space<hbm>> -> memref<10000x24x128xf32, #tpu.memory_space<hbm>>
        tpu.wait_indirect_dma semaphore(%arg18 : memref<!tpu.dma_semaphore, #tpu.memory_space<semaphore_mem>>) src(%dma_wait3A_135 : memref<10000x24x128xf32, #tpu.memory_space<hbm>>) dst(%arg13 : memref<8x24x128xf32, #tpu.memory_space<vmem>>)
        %dma_start3A_136 = arith.constant 0 : i32
        %dma_start3A_137 = arith.constant 0 : i32
        %dma_start3A_138 = arith.constant 0 : i32
        %dma_start3A_139 = tpu.memref_slice %arg15[%dma_start3A_136, %dma_start3A_137, %dma_start3A_138] : memref<384x24x128xf32, #tpu.memory_space<vmem_shared>> -> memref<384x24x128xf32, #tpu.memory_space<vmem_shared>>
        tpu.enqueue_indirect_dma source(%arg13 : memref<8x24x128xf32, #tpu.memory_space<vmem>>) target(%dma_start3A_139 : memref<384x24x128xf32, #tpu.memory_space<vmem_shared>>) offsets(%arg11 : memref<8xi32, #tpu.memory_space<vmem>>) semaphore(%arg20 : memref<!tpu.dma_semaphore, #tpu.memory_space<semaphore_mem>>) {add = true}
        %dma_wait3A_140 = arith.constant 0 : i32
        %dma_wait3A_141 = arith.constant 0 : i32
        %dma_wait3A_142 = arith.constant 0 : i32
        %dma_wait3A_143 = tpu.memref_slice %arg2[%dma_wait3A_140, %dma_wait3A_141, %dma_wait3A_142] : memref<10000x24x128xf32, #tpu.memory_space<hbm>> -> memref<10000x24x128xf32, #tpu.memory_space<hbm>>
        tpu.wait_indirect_dma semaphore(%arg19 : memref<!tpu.dma_semaphore, #tpu.memory_space<semaphore_mem>>) src(%dma_wait3A_143 : memref<10000x24x128xf32, #tpu.memory_space<hbm>>) dst(%arg14 : memref<8x24x128xf32, #tpu.memory_space<vmem>>)
        %dma_wait3A_144 = arith.constant 0 : i32
        %dma_wait3A_145 = arith.constant 0 : i32
        %dma_wait3A_146 = arith.constant 0 : i32
        %dma_wait3A_147 = tpu.memref_slice %arg15[%dma_wait3A_144, %dma_wait3A_145, %dma_wait3A_146] : memref<384x24x128xf32, #tpu.memory_space<vmem_shared>> -> memref<384x24x128xf32, #tpu.memory_space<vmem_shared>>
        tpu.wait_indirect_dma semaphore(%arg20 : memref<!tpu.dma_semaphore, #tpu.memory_space<semaphore_mem>>) src(%arg13 : memref<8x24x128xf32, #tpu.memory_space<vmem>>) dst(%dma_wait3A_147 : memref<384x24x128xf32, #tpu.memory_space<vmem_shared>>)
        %dma_start3A_148 = arith.constant 0 : i32
        %dma_start3A_149 = arith.constant 0 : i32
        %dma_start3A_150 = arith.constant 0 : i32
        %dma_start3A_151 = tpu.memref_slice %arg15[%dma_start3A_148, %dma_start3A_149, %dma_start3A_150] : memref<384x24x128xf32, #tpu.memory_space<vmem_shared>> -> memref<384x24x128xf32, #tpu.memory_space<vmem_shared>>
        tpu.enqueue_indirect_dma source(%arg14 : memref<8x24x128xf32, #tpu.memory_space<vmem>>) target(%dma_start3A_151 : memref<384x24x128xf32, #tpu.memory_space<vmem_shared>>) offsets(%arg12 : memref<8xi32, #tpu.memory_space<vmem>>) semaphore(%arg21 : memref<!tpu.dma_semaphore, #tpu.memory_space<semaphore_mem>>) {add = true}
        %while3A_152 = arith.constant 0 : i32
        scf.yield %while3A_152 : i32
      }
      %gt3A = arith.constant 0 : i32
      %gt3A_70 = arith.cmpi sgt, %select_n3A_58, %gt3A : i32
      %convert_element_type3A = arith.extui %gt3A_70 : i1 to i32
      %cond3A = arith.constant 0 : i32
      %cond3A_71 = arith.cmpi ne, %convert_element_type3A, %cond3A : i32
      scf.if %cond3A_71 {
        %dma_wait3A = arith.constant 0 : i32
        %dma_wait3A_94 = arith.constant 0 : i32
        %dma_wait3A_95 = arith.constant 0 : i32
        %dma_wait3A_96 = tpu.memref_slice %arg15[%dma_wait3A, %dma_wait3A_94, %dma_wait3A_95] : memref<384x24x128xf32, #tpu.memory_space<vmem_shared>> -> memref<384x24x128xf32, #tpu.memory_space<vmem_shared>>
        tpu.wait_indirect_dma semaphore(%arg21 : memref<!tpu.dma_semaphore, #tpu.memory_space<semaphore_mem>>) src(%arg14 : memref<8x24x128xf32, #tpu.memory_space<vmem>>) dst(%dma_wait3A_96 : memref<384x24x128xf32, #tpu.memory_space<vmem_shared>>)
      } else {
      }
      %jit3A_72 = arith.constant 2 : i32
      %eq3A = arith.constant 0 : i32
      %eq3A_73 = arith.cmpi eq, %jit3A_72, %eq3A : i32
      %jit3A_74 = arith.constant 1 : i32
      %select_n3A_75 = arith.select %eq3A_73, %jit3A_74, %jit3A_72 : i32
      %rem3A_76 = arith.remsi %select_n3A, %select_n3A_75 : i32
      %ne3A_77 = arith.constant 0 : i32
      %ne3A_78 = arith.cmpi ne, %rem3A_76, %ne3A_77 : i32
      %lt3A = arith.constant 0 : i32
      %lt3A_79 = arith.cmpi slt, %rem3A_76, %lt3A : i32
      %lt3A_80 = arith.constant 0 : i32
      %lt3A_81 = arith.cmpi slt, %select_n3A_75, %lt3A_80 : i32
      %ne3A_82 = arith.xori %lt3A_79, %lt3A_81 : i1
      %and3A_83 = arith.andi %ne3A_82, %ne3A_78 : i1
      %add3A_84 = arith.addi %rem3A_76, %select_n3A_75 : i32
      %select_n3A_85 = arith.select %and3A_83, %add3A_84, %rem3A_76 : i32
      %eq3A_86 = arith.constant 1 : i32
      %eq3A_87 = arith.cmpi eq, %select_n3A_85, %eq3A_86 : i32
      %convert_element_type3A_88 = arith.extui %eq3A_87 : i1 to i32
      %cond3A_89 = arith.constant 0 : i32
      %cond3A_90 = arith.cmpi ne, %convert_element_type3A_88, %cond3A_89 : i32
      scf.if %cond3A_90 {
        %sub3A_94 = arith.constant 1 : i32
        %sub3A_95 = arith.subi %select_n3A, %sub3A_94 : i32
        %mul3A_96 = arith.constant 8 : i32
        %mul3A_97 = arith.muli %sub3A_95, %mul3A_96 : i32
        %add3A_98 = arith.addi %multiple_of3A, %mul3A_97 : i32
        %multiple_of3A_99 = tpu.assume_multiple %add3A_98, 8 : i32
        %dma_start3A = tpu.memref_slice %arg3[%multiple_of3A_99] : memref<170240xi32, #tpu.memory_space<hbm>> -> memref<8xi32, #tpu.memory_space<hbm>>
        %dma_start3A_100 = tpu.memref_slice %arg3[%multiple_of3A_99] : memref<170240xi32, #tpu.memory_space<hbm>> -> memref<8xi32, #tpu.memory_space<hbm>>
        tpu.enqueue_dma source(%dma_start3A_100 : memref<8xi32, #tpu.memory_space<hbm>>) target(%arg9 : memref<8xi32, #tpu.memory_space<vmem>>) target_semaphore(%arg16 : memref<!tpu.dma_semaphore, #tpu.memory_space<semaphore_mem>>)
        %dma_start3A_101 = tpu.memref_slice %arg4[%multiple_of3A_99] : memref<170240xi32, #tpu.memory_space<hbm>> -> memref<8xi32, #tpu.memory_space<hbm>>
        %dma_start3A_102 = tpu.memref_slice %arg4[%multiple_of3A_99] : memref<170240xi32, #tpu.memory_space<hbm>> -> memref<8xi32, #tpu.memory_space<hbm>>
        tpu.enqueue_dma source(%dma_start3A_102 : memref<8xi32, #tpu.memory_space<hbm>>) target(%arg11 : memref<8xi32, #tpu.memory_space<vmem>>) target_semaphore(%arg16 : memref<!tpu.dma_semaphore, #tpu.memory_space<semaphore_mem>>)
        %dma_wait3A = tpu.memref_slice %arg3[%multiple_of3A_99] : memref<170240xi32, #tpu.memory_space<hbm>> -> memref<8xi32, #tpu.memory_space<hbm>>
        %dma_wait3A_103 = tpu.memref_slice %arg3[%multiple_of3A_99] : memref<170240xi32, #tpu.memory_space<hbm>> -> memref<8xi32, #tpu.memory_space<hbm>>
        tpu.wait_dma2 semaphore(%arg16 : memref<!tpu.dma_semaphore, #tpu.memory_space<semaphore_mem>>) src(%dma_wait3A_103 : memref<8xi32, #tpu.memory_space<hbm>>) dst(%arg9 : memref<8xi32, #tpu.memory_space<vmem>>)
        %dma_wait3A_104 = tpu.memref_slice %arg4[%multiple_of3A_99] : memref<170240xi32, #tpu.memory_space<hbm>> -> memref<8xi32, #tpu.memory_space<hbm>>
        %dma_wait3A_105 = tpu.memref_slice %arg4[%multiple_of3A_99] : memref<170240xi32, #tpu.memory_space<hbm>> -> memref<8xi32, #tpu.memory_space<hbm>>
        tpu.wait_dma2 semaphore(%arg16 : memref<!tpu.dma_semaphore, #tpu.memory_space<semaphore_mem>>) src(%dma_wait3A_105 : memref<8xi32, #tpu.memory_space<hbm>>) dst(%arg11 : memref<8xi32, #tpu.memory_space<vmem>>)
        %dma_start3A_106 = arith.constant 0 : i32
        %dma_start3A_107 = arith.constant 0 : i32
        %dma_start3A_108 = arith.constant 0 : i32
        %dma_start3A_109 = tpu.memref_slice %arg2[%dma_start3A_106, %dma_start3A_107, %dma_start3A_108] : memref<10000x24x128xf32, #tpu.memory_space<hbm>> -> memref<10000x24x128xf32, #tpu.memory_space<hbm>>
        tpu.enqueue_indirect_dma source(%dma_start3A_109 : memref<10000x24x128xf32, #tpu.memory_space<hbm>>) target(%arg13 : memref<8x24x128xf32, #tpu.memory_space<vmem>>) offsets(%arg9 : memref<8xi32, #tpu.memory_space<vmem>>) semaphore(%arg18 : memref<!tpu.dma_semaphore, #tpu.memory_space<semaphore_mem>>)
        %dma_wait3A_110 = arith.constant 0 : i32
        %dma_wait3A_111 = arith.constant 0 : i32
        %dma_wait3A_112 = arith.constant 0 : i32
        %dma_wait3A_113 = tpu.memref_slice %arg2[%dma_wait3A_110, %dma_wait3A_111, %dma_wait3A_112] : memref<10000x24x128xf32, #tpu.memory_space<hbm>> -> memref<10000x24x128xf32, #tpu.memory_space<hbm>>
        tpu.wait_indirect_dma semaphore(%arg18 : memref<!tpu.dma_semaphore, #tpu.memory_space<semaphore_mem>>) src(%dma_wait3A_113 : memref<10000x24x128xf32, #tpu.memory_space<hbm>>) dst(%arg13 : memref<8x24x128xf32, #tpu.memory_space<vmem>>)
        %dma_start3A_114 = arith.constant 0 : i32
        %dma_start3A_115 = arith.constant 0 : i32
        %dma_start3A_116 = arith.constant 0 : i32
        %dma_start3A_117 = tpu.memref_slice %arg15[%dma_start3A_114, %dma_start3A_115, %dma_start3A_116] : memref<384x24x128xf32, #tpu.memory_space<vmem_shared>> -> memref<384x24x128xf32, #tpu.memory_space<vmem_shared>>
        tpu.enqueue_indirect_dma source(%arg13 : memref<8x24x128xf32, #tpu.memory_space<vmem>>) target(%dma_start3A_117 : memref<384x24x128xf32, #tpu.memory_space<vmem_shared>>) offsets(%arg11 : memref<8xi32, #tpu.memory_space<vmem>>) semaphore(%arg20 : memref<!tpu.dma_semaphore, #tpu.memory_space<semaphore_mem>>) {add = true}
        %dma_wait3A_118 = arith.constant 0 : i32
        %dma_wait3A_119 = arith.constant 0 : i32
        %dma_wait3A_120 = arith.constant 0 : i32
        %dma_wait3A_121 = tpu.memref_slice %arg15[%dma_wait3A_118, %dma_wait3A_119, %dma_wait3A_120] : memref<384x24x128xf32, #tpu.memory_space<vmem_shared>> -> memref<384x24x128xf32, #tpu.memory_space<vmem_shared>>
        tpu.wait_indirect_dma semaphore(%arg20 : memref<!tpu.dma_semaphore, #tpu.memory_space<semaphore_mem>>) src(%arg13 : memref<8x24x128xf32, #tpu.memory_space<vmem>>) dst(%dma_wait3A_121 : memref<384x24x128xf32, #tpu.memory_space<vmem_shared>>)
      } else {
      }
      %mul3A_91 = arith.constant 16 : i32
      %mul3A_92 = arith.muli %add3A_13, %mul3A_91 : i32
      "tpu.region"() ({
        %run_scoped3A = tpu.sem_alloc : memref<!tpu.dma_semaphore, #tpu.memory_space<semaphore_mem>>
        %dma_start3A = arith.constant 0 : i32
        %dma_start3A_94 = arith.constant 0 : i32
        %dma_start3A_95 = tpu.memref_slice %arg7[%mul3A_92, %dma_start3A, %dma_start3A_94] : memref<10240x24x128xf32, #tpu.memory_space<hbm>> -> memref<16x24x128xf32, #tpu.memory_space<hbm>>
        %dma_start3A_96 = arith.constant 0 : i32
        %dma_start3A_97 = arith.constant 0 : i32
        %dma_start3A_98 = tpu.memref_slice %arg15[%mul3A_2, %dma_start3A_96, %dma_start3A_97] : memref<384x24x128xf32, #tpu.memory_space<vmem_shared>> -> memref<16x24x128xf32, #tpu.memory_space<vmem_shared>>
        tpu.enqueue_dma source(%dma_start3A_98 : memref<16x24x128xf32, #tpu.memory_space<vmem_shared>>) target(%dma_start3A_95 : memref<16x24x128xf32, #tpu.memory_space<hbm>>) target_semaphore(%run_scoped3A : memref<!tpu.dma_semaphore, #tpu.memory_space<semaphore_mem>>)
        %dma_wait3A = arith.constant 0 : i32
        %dma_wait3A_99 = arith.constant 0 : i32
        %dma_wait3A_100 = tpu.memref_slice %arg7[%mul3A_92, %dma_wait3A, %dma_wait3A_99] : memref<10240x24x128xf32, #tpu.memory_space<hbm>> -> memref<16x24x128xf32, #tpu.memory_space<hbm>>
        %dma_wait3A_101 = arith.constant 0 : i32
        %dma_wait3A_102 = arith.constant 0 : i32
        %dma_wait3A_103 = tpu.memref_slice %arg15[%mul3A_2, %dma_wait3A_101, %dma_wait3A_102] : memref<384x24x128xf32, #tpu.memory_space<vmem_shared>> -> memref<16x24x128xf32, #tpu.memory_space<vmem_shared>>
        tpu.wait_dma2 semaphore(%run_scoped3A : memref<!tpu.dma_semaphore, #tpu.memory_space<semaphore_mem>>) src(%dma_wait3A_103 : memref<16x24x128xf32, #tpu.memory_space<vmem_shared>>) dst(%dma_wait3A_100 : memref<16x24x128xf32, #tpu.memory_space<hbm>>)
        tpu.yield
      }) : () -> ()
      %scan3A_93 = arith.constant 0 : i32
      scf.yield %scan3A_93 : i32
    }
    %scan3A_8 = arith.constant 20 : i32
    return
  }
}

module attributes {stable_mosaic.version = 14 : i64} {
  func.func @_k0_body(%arg0: i32, %arg1: memref<400x384xf32, #tpu.memory_space<vmem>>, %arg2: memref<400x8xf32, #tpu.memory_space<vmem>>, %arg3: memref<400x3072xf32, #tpu.memory_space<vmem>>, %arg4: memref<400x384xf32, #tpu.memory_space<vmem>>) attributes {dimension_semantics = [#tpu.dimension_semantics<arbitrary>], iteration_bounds = array<i64: 25>, scalar_prefetch = 0 : i64, scratch_operands = 0 : i64, tpu.core_type = #tpu.core_type<tc>, window_params = [{transform_indices = @transform_0, window_bounds = array<i64: 400, 384>}, {transform_indices = @transform_1, window_bounds = array<i64: 400, 8>}, {transform_indices = @transform_2, window_bounds = array<i64: 400, 3072>}, {transform_indices = @transform_3, window_bounds = array<i64: 400, 384>}]} {
    %get3A = arith.constant 0 : index
    %get3A_0 = arith.constant 0 : index
    %get3A_1 = vector.load %arg1[%get3A, %get3A_0] : memref<400x384xf32, #tpu.memory_space<vmem>>, vector<400x384xf32>
    %get3A_2 = arith.constant 0 : index
    %get3A_3 = arith.constant 0 : index
    %get3A_4 = vector.load %arg2[%get3A_2, %get3A_3] : memref<400x8xf32, #tpu.memory_space<vmem>>, vector<400x8xf32>
    %broadcast_in_dim3A = arith.constant 0.000000e+00 : f32
    %broadcast_in_dim3A_5 = vector.broadcast %broadcast_in_dim3A : f32 to vector<400x384xf32>
    %slice3A = vector.extract_strided_slice %get3A_4 {offsets = [0, 0], sizes = [400, 1], strides = [1, 1]} : vector<400x8xf32> to vector<400x1xf32>
    %sub3A = arith.constant 1.000000e+00 : f32
    %sub3A_6 = vector.broadcast %sub3A : f32 to vector<400x1xf32>
    %sub3A_7 = arith.subf %sub3A_6, %slice3A : vector<400x1xf32>
    %mul3A = vector.broadcast %sub3A_7 : vector<400x1xf32> to vector<400x384xf32>
    %mul3A_8 = arith.mulf %get3A_1, %mul3A : vector<400x384xf32>
    %swap3A = arith.constant 0 : index
    %swap3A_9 = arith.constant 0 : index
    %swap3A_10 = vector.load %arg3[%swap3A, %swap3A_9] : memref<400x3072xf32, #tpu.memory_space<vmem>>, vector<400x384xf32>
    tpu.vector_store %arg3[%swap3A, %swap3A_9], %mul3A_8 {strides = array<i32>} : memref<400x3072xf32, #tpu.memory_space<vmem>>, vector<400x384xf32>,
    %add3A = arith.addf %broadcast_in_dim3A_5, %mul3A_8 : vector<400x384xf32>
    %slice3A_11 = vector.extract_strided_slice %get3A_4 {offsets = [0, 1], sizes = [400, 1], strides = [1, 1]} : vector<400x8xf32> to vector<400x1xf32>
    %sub3A_12 = arith.constant 1.000000e+00 : f32
    %sub3A_13 = vector.broadcast %sub3A_12 : f32 to vector<400x1xf32>
    %sub3A_14 = arith.subf %sub3A_13, %slice3A_11 : vector<400x1xf32>
    %mul3A_15 = vector.broadcast %sub3A_14 : vector<400x1xf32> to vector<400x384xf32>
    %mul3A_16 = arith.mulf %get3A_1, %mul3A_15 : vector<400x384xf32>
    %swap3A_17 = arith.constant 0 : index
    %swap3A_18 = arith.constant 384 : index
    %swap3A_19 = vector.load %arg3[%swap3A_17, %swap3A_18] : memref<400x3072xf32, #tpu.memory_space<vmem>>, vector<400x384xf32>
    tpu.vector_store %arg3[%swap3A_17, %swap3A_18], %mul3A_16 {strides = array<i32>} : memref<400x3072xf32, #tpu.memory_space<vmem>>, vector<400x384xf32>,
    %add3A_20 = arith.addf %add3A, %mul3A_16 : vector<400x384xf32>
    %slice3A_21 = vector.extract_strided_slice %get3A_4 {offsets = [0, 2], sizes = [400, 1], strides = [1, 1]} : vector<400x8xf32> to vector<400x1xf32>
    %sub3A_22 = arith.constant 1.000000e+00 : f32
    %sub3A_23 = vector.broadcast %sub3A_22 : f32 to vector<400x1xf32>
    %sub3A_24 = arith.subf %sub3A_23, %slice3A_21 : vector<400x1xf32>
    %mul3A_25 = vector.broadcast %sub3A_24 : vector<400x1xf32> to vector<400x384xf32>
    %mul3A_26 = arith.mulf %get3A_1, %mul3A_25 : vector<400x384xf32>
    %swap3A_27 = arith.constant 0 : index
    %swap3A_28 = arith.constant 768 : index
    %swap3A_29 = vector.load %arg3[%swap3A_27, %swap3A_28] : memref<400x3072xf32, #tpu.memory_space<vmem>>, vector<400x384xf32>
    tpu.vector_store %arg3[%swap3A_27, %swap3A_28], %mul3A_26 {strides = array<i32>} : memref<400x3072xf32, #tpu.memory_space<vmem>>, vector<400x384xf32>,
    %add3A_30 = arith.addf %add3A_20, %mul3A_26 : vector<400x384xf32>
    %slice3A_31 = vector.extract_strided_slice %get3A_4 {offsets = [0, 3], sizes = [400, 1], strides = [1, 1]} : vector<400x8xf32> to vector<400x1xf32>
    %sub3A_32 = arith.constant 1.000000e+00 : f32
    %sub3A_33 = vector.broadcast %sub3A_32 : f32 to vector<400x1xf32>
    %sub3A_34 = arith.subf %sub3A_33, %slice3A_31 : vector<400x1xf32>
    %mul3A_35 = vector.broadcast %sub3A_34 : vector<400x1xf32> to vector<400x384xf32>
    %mul3A_36 = arith.mulf %get3A_1, %mul3A_35 : vector<400x384xf32>
    %swap3A_37 = arith.constant 0 : index
    %swap3A_38 = arith.constant 1152 : index
    %swap3A_39 = vector.load %arg3[%swap3A_37, %swap3A_38] : memref<400x3072xf32, #tpu.memory_space<vmem>>, vector<400x384xf32>
    tpu.vector_store %arg3[%swap3A_37, %swap3A_38], %mul3A_36 {strides = array<i32>} : memref<400x3072xf32, #tpu.memory_space<vmem>>, vector<400x384xf32>,
    %add3A_40 = arith.addf %add3A_30, %mul3A_36 : vector<400x384xf32>
    %slice3A_41 = vector.extract_strided_slice %get3A_4 {offsets = [0, 4], sizes = [400, 1], strides = [1, 1]} : vector<400x8xf32> to vector<400x1xf32>
    %sub3A_42 = arith.constant 1.000000e+00 : f32
    %sub3A_43 = vector.broadcast %sub3A_42 : f32 to vector<400x1xf32>
    %sub3A_44 = arith.subf %sub3A_43, %slice3A_41 : vector<400x1xf32>
    %mul3A_45 = vector.broadcast %sub3A_44 : vector<400x1xf32> to vector<400x384xf32>
    %mul3A_46 = arith.mulf %get3A_1, %mul3A_45 : vector<400x384xf32>
    %swap3A_47 = arith.constant 0 : index
    %swap3A_48 = arith.constant 1536 : index
    %swap3A_49 = vector.load %arg3[%swap3A_47, %swap3A_48] : memref<400x3072xf32, #tpu.memory_space<vmem>>, vector<400x384xf32>
    tpu.vector_store %arg3[%swap3A_47, %swap3A_48], %mul3A_46 {strides = array<i32>} : memref<400x3072xf32, #tpu.memory_space<vmem>>, vector<400x384xf32>,
    %add3A_50 = arith.addf %add3A_40, %mul3A_46 : vector<400x384xf32>
    %slice3A_51 = vector.extract_strided_slice %get3A_4 {offsets = [0, 5], sizes = [400, 1], strides = [1, 1]} : vector<400x8xf32> to vector<400x1xf32>
    %sub3A_52 = arith.constant 1.000000e+00 : f32
    %sub3A_53 = vector.broadcast %sub3A_52 : f32 to vector<400x1xf32>
    %sub3A_54 = arith.subf %sub3A_53, %slice3A_51 : vector<400x1xf32>
    %mul3A_55 = vector.broadcast %sub3A_54 : vector<400x1xf32> to vector<400x384xf32>
    %mul3A_56 = arith.mulf %get3A_1, %mul3A_55 : vector<400x384xf32>
    %swap3A_57 = arith.constant 0 : index
    %swap3A_58 = arith.constant 1920 : index
    %swap3A_59 = vector.load %arg3[%swap3A_57, %swap3A_58] : memref<400x3072xf32, #tpu.memory_space<vmem>>, vector<400x384xf32>
    tpu.vector_store %arg3[%swap3A_57, %swap3A_58], %mul3A_56 {strides = array<i32>} : memref<400x3072xf32, #tpu.memory_space<vmem>>, vector<400x384xf32>,
    %add3A_60 = arith.addf %add3A_50, %mul3A_56 : vector<400x384xf32>
    %slice3A_61 = vector.extract_strided_slice %get3A_4 {offsets = [0, 6], sizes = [400, 1], strides = [1, 1]} : vector<400x8xf32> to vector<400x1xf32>
    %sub3A_62 = arith.constant 1.000000e+00 : f32
    %sub3A_63 = vector.broadcast %sub3A_62 : f32 to vector<400x1xf32>
    %sub3A_64 = arith.subf %sub3A_63, %slice3A_61 : vector<400x1xf32>
    %mul3A_65 = vector.broadcast %sub3A_64 : vector<400x1xf32> to vector<400x384xf32>
    %mul3A_66 = arith.mulf %get3A_1, %mul3A_65 : vector<400x384xf32>
    %swap3A_67 = arith.constant 0 : index
    %swap3A_68 = arith.constant 2304 : index
    %swap3A_69 = vector.load %arg3[%swap3A_67, %swap3A_68] : memref<400x3072xf32, #tpu.memory_space<vmem>>, vector<400x384xf32>
    tpu.vector_store %arg3[%swap3A_67, %swap3A_68], %mul3A_66 {strides = array<i32>} : memref<400x3072xf32, #tpu.memory_space<vmem>>, vector<400x384xf32>,
    %add3A_70 = arith.addf %add3A_60, %mul3A_66 : vector<400x384xf32>
    %slice3A_71 = vector.extract_strided_slice %get3A_4 {offsets = [0, 7], sizes = [400, 1], strides = [1, 1]} : vector<400x8xf32> to vector<400x1xf32>
    %sub3A_72 = arith.constant 1.000000e+00 : f32
    %sub3A_73 = vector.broadcast %sub3A_72 : f32 to vector<400x1xf32>
    %sub3A_74 = arith.subf %sub3A_73, %slice3A_71 : vector<400x1xf32>
    %mul3A_75 = vector.broadcast %sub3A_74 : vector<400x1xf32> to vector<400x384xf32>
    %mul3A_76 = arith.mulf %get3A_1, %mul3A_75 : vector<400x384xf32>
    %swap3A_77 = arith.constant 0 : index
    %swap3A_78 = arith.constant 2688 : index
    %swap3A_79 = vector.load %arg3[%swap3A_77, %swap3A_78] : memref<400x3072xf32, #tpu.memory_space<vmem>>, vector<400x384xf32>
    tpu.vector_store %arg3[%swap3A_77, %swap3A_78], %mul3A_76 {strides = array<i32>} : memref<400x3072xf32, #tpu.memory_space<vmem>>, vector<400x384xf32>,
    %add3A_80 = arith.addf %add3A_70, %mul3A_76 : vector<400x384xf32>
    %mul3A_81 = arith.constant 1.250000e-01 : f32
    %mul3A_82 = vector.broadcast %mul3A_81 : f32 to vector<400x384xf32>
    %mul3A_83 = arith.mulf %add3A_80, %mul3A_82 : vector<400x384xf32>
    %swap3A_84 = arith.constant 0 : index
    %swap3A_85 = arith.constant 0 : index
    %swap3A_86 = vector.load %arg4[%swap3A_84, %swap3A_85] : memref<400x384xf32, #tpu.memory_space<vmem>>, vector<400x384xf32>
    tpu.vector_store %arg4[%swap3A_84, %swap3A_85], %mul3A_83 {strides = array<i32>} : memref<400x384xf32, #tpu.memory_space<vmem>>, vector<400x384xf32>,
    return
  }
  func.func @transform_0(%arg0: i32) -> (i32, i32) {
    %c0_i32 = arith.constant 0 : i32
    %c0_i32_0 = arith.constant 0 : i32
    return %arg0, %c0_i32 : i32, i32
  }
  func.func @transform_1(%arg0: i32) -> (i32, i32) {
    %c0_i32 = arith.constant 0 : i32
    %c0_i32_0 = arith.constant 0 : i32
    return %arg0, %c0_i32 : i32, i32
  }
  func.func @transform_2(%arg0: i32) -> (i32, i32) {
    %c0_i32 = arith.constant 0 : i32
    %c0_i32_0 = arith.constant 0 : i32
    return %arg0, %c0_i32 : i32, i32
  }
  func.func @transform_3(%arg0: i32) -> (i32, i32) {
    %c0_i32 = arith.constant 0 : i32
    %c0_i32_0 = arith.constant 0 : i32
    return %arg0, %c0_i32 : i32, i32
  }
}

module attributes {stable_mosaic.version = 14 : i64} {
  func.func @_k1_body(%arg0: i32, %arg1: memref<400x3072xf32, #tpu.memory_space<vmem>>, %arg2: memref<400x3072xf32, #tpu.memory_space<vmem>>, %arg3: memref<384x384xf32, #tpu.memory_space<vmem>>, %arg4: memref<1x384xf32, #tpu.memory_space<vmem>>, %arg5: memref<400x3072xf32, #tpu.memory_space<vmem>>, %arg6: memref<1x384xf32, #tpu.memory_space<vmem>>, %arg7: memref<1x384xf32, #tpu.memory_space<vmem>>) attributes {dimension_semantics = [#tpu.dimension_semantics<arbitrary>], iteration_bounds = array<i64: 25>, scalar_prefetch = 0 : i64, scratch_operands = 0 : i64, tpu.core_type = #tpu.core_type<tc>, window_params = [{transform_indices = @transform_0, window_bounds = array<i64: 400, 3072>}, {transform_indices = @transform_1, window_bounds = array<i64: 400, 3072>}, {pipeline_mode = #tpu.pipeline_mode<synchronous>, transform_indices = @transform_2, window_bounds = array<i64: 384, 384>}, {pipeline_mode = #tpu.pipeline_mode<synchronous>, transform_indices = @transform_3, window_bounds = array<i64: 1, 384>}, {transform_indices = @transform_4, window_bounds = array<i64: 400, 3072>}, {pipeline_mode = #tpu.pipeline_mode<synchronous>, transform_indices = @transform_5, window_bounds = array<i64: 1, 384>}, {pipeline_mode = #tpu.pipeline_mode<synchronous>, transform_indices = @transform_6, window_bounds = array<i64: 1, 384>}]} {
    %eq3A = arith.constant 0 : i32
    %eq3A_0 = arith.cmpi eq, %arg0, %eq3A : i32
    %get3A = arith.constant 0 : index
    %get3A_1 = arith.constant 0 : index
    %get3A_2 = vector.load %arg1[%get3A, %get3A_1] : memref<400x3072xf32, #tpu.memory_space<vmem>>, vector<400x3072xf32>
    %get3A_3 = arith.constant 0 : index
    %get3A_4 = arith.constant 0 : index
    %get3A_5 = vector.load %arg2[%get3A_3, %get3A_4] : memref<400x3072xf32, #tpu.memory_space<vmem>>, vector<400x3072xf32>
    %get3A_6 = arith.constant 0 : index
    %get3A_7 = arith.constant 0 : index
    %get3A_8 = vector.load %arg3[%get3A_6, %get3A_7] : memref<384x384xf32, #tpu.memory_space<vmem>>, vector<384x384xf32>
    %get3A_9 = arith.constant 0 : index
    %get3A_10 = arith.constant 0 : index
    %get3A_11 = vector.load %arg4[%get3A_9, %get3A_10] : memref<1x384xf32, #tpu.memory_space<vmem>>, vector<1x384xf32>
    %broadcast_in_dim3A = arith.constant 0.000000e+00 : f32
    %broadcast_in_dim3A_12 = vector.broadcast %broadcast_in_dim3A : f32 to vector<1x384xf32>
    %broadcast_in_dim3A_13 = arith.constant 0.000000e+00 : f32
    %broadcast_in_dim3A_14 = vector.broadcast %broadcast_in_dim3A_13 : f32 to vector<1x384xf32>
    %slice3A = vector.extract_strided_slice %get3A_2 {offsets = [0, 0], sizes = [400, 384], strides = [1, 1]} : vector<400x3072xf32> to vector<400x384xf32>
    %slice3A_15 = vector.extract_strided_slice %get3A_5 {offsets = [0, 0], sizes = [400, 384], strides = [1, 1]} : vector<400x3072xf32> to vector<400x384xf32>
    %add3A = arith.addf %slice3A, %slice3A_15 : vector<400x384xf32>
    %dot_general3A = arith.constant dense<0.000000e+00> : vector<400x384xf32>
    %dot_general3A_16 = tpu.matmul %add3A, %get3A_8, %dot_general3A {dimension_numbers = #tpu.dot_dimension_numbers<[1], [0], [0], [1], [0, 0, 1, 1], [], []>, transpose_lhs_hint = false} : vector<400x384xf32>, vector<384x384xf32>, vector<400x384xf32> -> vector<400x384xf32>
    %add3A_17 = vector.broadcast %get3A_11 : vector<1x384xf32> to vector<400x384xf32>
    %add3A_18 = arith.addf %dot_general3A_16, %add3A_17 : vector<400x384xf32>
    %swap3A = arith.constant 0 : index
    %swap3A_19 = arith.constant 0 : index
    %swap3A_20 = vector.load %arg5[%swap3A, %swap3A_19] : memref<400x3072xf32, #tpu.memory_space<vmem>>, vector<400x384xf32>
    tpu.vector_store %arg5[%swap3A, %swap3A_19], %add3A_18 {strides = array<i32>} : memref<400x3072xf32, #tpu.memory_space<vmem>>, vector<400x384xf32>,
    %reduce_sum3A = arith.constant dense<0.000000e+00> : vector<384xf32>
    %reduce_sum3A_21 = vector.multi_reduction <add>, %add3A_18, %reduce_sum3A [0] : vector<400x384xf32> to vector<384xf32>
    %broadcast_in_dim3A_22 = vector.shape_cast %reduce_sum3A_21 : vector<384xf32> to vector<1x384xf32>
    %add3A_23 = arith.addf %broadcast_in_dim3A_12, %broadcast_in_dim3A_22 : vector<1x384xf32>
    %mul3A = arith.mulf %add3A_18, %add3A_18 : vector<400x384xf32>
    %reduce_sum3A_24 = arith.constant dense<0.000000e+00> : vector<384xf32>
    %reduce_sum3A_25 = vector.multi_reduction <add>, %mul3A, %reduce_sum3A_24 [0] : vector<400x384xf32> to vector<384xf32>
    %broadcast_in_dim3A_26 = vector.shape_cast %reduce_sum3A_25 : vector<384xf32> to vector<1x384xf32>
    %add3A_27 = arith.addf %broadcast_in_dim3A_14, %broadcast_in_dim3A_26 : vector<1x384xf32>
    %slice3A_28 = vector.extract_strided_slice %get3A_2 {offsets = [0, 384], sizes = [400, 384], strides = [1, 1]} : vector<400x3072xf32> to vector<400x384xf32>
    %slice3A_29 = vector.extract_strided_slice %get3A_5 {offsets = [0, 384], sizes = [400, 384], strides = [1, 1]} : vector<400x3072xf32> to vector<400x384xf32>
    %add3A_30 = arith.addf %slice3A_28, %slice3A_29 : vector<400x384xf32>
    %dot_general3A_31 = arith.constant dense<0.000000e+00> : vector<400x384xf32>
    %dot_general3A_32 = tpu.matmul %add3A_30, %get3A_8, %dot_general3A_31 {dimension_numbers = #tpu.dot_dimension_numbers<[1], [0], [0], [1], [0, 0, 1, 1], [], []>, transpose_lhs_hint = false} : vector<400x384xf32>, vector<384x384xf32>, vector<400x384xf32> -> vector<400x384xf32>
    %add3A_33 = vector.broadcast %get3A_11 : vector<1x384xf32> to vector<400x384xf32>
    %add3A_34 = arith.addf %dot_general3A_32, %add3A_33 : vector<400x384xf32>
    %swap3A_35 = arith.constant 0 : index
    %swap3A_36 = arith.constant 384 : index
    %swap3A_37 = vector.load %arg5[%swap3A_35, %swap3A_36] : memref<400x3072xf32, #tpu.memory_space<vmem>>, vector<400x384xf32>
    tpu.vector_store %arg5[%swap3A_35, %swap3A_36], %add3A_34 {strides = array<i32>} : memref<400x3072xf32, #tpu.memory_space<vmem>>, vector<400x384xf32>,
    %reduce_sum3A_38 = arith.constant dense<0.000000e+00> : vector<384xf32>
    %reduce_sum3A_39 = vector.multi_reduction <add>, %add3A_34, %reduce_sum3A_38 [0] : vector<400x384xf32> to vector<384xf32>
    %broadcast_in_dim3A_40 = vector.shape_cast %reduce_sum3A_39 : vector<384xf32> to vector<1x384xf32>
    %add3A_41 = arith.addf %add3A_23, %broadcast_in_dim3A_40 : vector<1x384xf32>
    %mul3A_42 = arith.mulf %add3A_34, %add3A_34 : vector<400x384xf32>
    %reduce_sum3A_43 = arith.constant dense<0.000000e+00> : vector<384xf32>
    %reduce_sum3A_44 = vector.multi_reduction <add>, %mul3A_42, %reduce_sum3A_43 [0] : vector<400x384xf32> to vector<384xf32>
    %broadcast_in_dim3A_45 = vector.shape_cast %reduce_sum3A_44 : vector<384xf32> to vector<1x384xf32>
    %add3A_46 = arith.addf %add3A_27, %broadcast_in_dim3A_45 : vector<1x384xf32>
    %slice3A_47 = vector.extract_strided_slice %get3A_2 {offsets = [0, 768], sizes = [400, 384], strides = [1, 1]} : vector<400x3072xf32> to vector<400x384xf32>
    %slice3A_48 = vector.extract_strided_slice %get3A_5 {offsets = [0, 768], sizes = [400, 384], strides = [1, 1]} : vector<400x3072xf32> to vector<400x384xf32>
    %add3A_49 = arith.addf %slice3A_47, %slice3A_48 : vector<400x384xf32>
    %dot_general3A_50 = arith.constant dense<0.000000e+00> : vector<400x384xf32>
    %dot_general3A_51 = tpu.matmul %add3A_49, %get3A_8, %dot_general3A_50 {dimension_numbers = #tpu.dot_dimension_numbers<[1], [0], [0], [1], [0, 0, 1, 1], [], []>, transpose_lhs_hint = false} : vector<400x384xf32>, vector<384x384xf32>, vector<400x384xf32> -> vector<400x384xf32>
    %add3A_52 = vector.broadcast %get3A_11 : vector<1x384xf32> to vector<400x384xf32>
    %add3A_53 = arith.addf %dot_general3A_51, %add3A_52 : vector<400x384xf32>
    %swap3A_54 = arith.constant 0 : index
    %swap3A_55 = arith.constant 768 : index
    %swap3A_56 = vector.load %arg5[%swap3A_54, %swap3A_55] : memref<400x3072xf32, #tpu.memory_space<vmem>>, vector<400x384xf32>
    tpu.vector_store %arg5[%swap3A_54, %swap3A_55], %add3A_53 {strides = array<i32>} : memref<400x3072xf32, #tpu.memory_space<vmem>>, vector<400x384xf32>,
    %reduce_sum3A_57 = arith.constant dense<0.000000e+00> : vector<384xf32>
    %reduce_sum3A_58 = vector.multi_reduction <add>, %add3A_53, %reduce_sum3A_57 [0] : vector<400x384xf32> to vector<384xf32>
    %broadcast_in_dim3A_59 = vector.shape_cast %reduce_sum3A_58 : vector<384xf32> to vector<1x384xf32>
    %add3A_60 = arith.addf %add3A_41, %broadcast_in_dim3A_59 : vector<1x384xf32>
    %mul3A_61 = arith.mulf %add3A_53, %add3A_53 : vector<400x384xf32>
    %reduce_sum3A_62 = arith.constant dense<0.000000e+00> : vector<384xf32>
    %reduce_sum3A_63 = vector.multi_reduction <add>, %mul3A_61, %reduce_sum3A_62 [0] : vector<400x384xf32> to vector<384xf32>
    %broadcast_in_dim3A_64 = vector.shape_cast %reduce_sum3A_63 : vector<384xf32> to vector<1x384xf32>
    %add3A_65 = arith.addf %add3A_46, %broadcast_in_dim3A_64 : vector<1x384xf32>
    %slice3A_66 = vector.extract_strided_slice %get3A_2 {offsets = [0, 1152], sizes = [400, 384], strides = [1, 1]} : vector<400x3072xf32> to vector<400x384xf32>
    %slice3A_67 = vector.extract_strided_slice %get3A_5 {offsets = [0, 1152], sizes = [400, 384], strides = [1, 1]} : vector<400x3072xf32> to vector<400x384xf32>
    %add3A_68 = arith.addf %slice3A_66, %slice3A_67 : vector<400x384xf32>
    %dot_general3A_69 = arith.constant dense<0.000000e+00> : vector<400x384xf32>
    %dot_general3A_70 = tpu.matmul %add3A_68, %get3A_8, %dot_general3A_69 {dimension_numbers = #tpu.dot_dimension_numbers<[1], [0], [0], [1], [0, 0, 1, 1], [], []>, transpose_lhs_hint = false} : vector<400x384xf32>, vector<384x384xf32>, vector<400x384xf32> -> vector<400x384xf32>
    %add3A_71 = vector.broadcast %get3A_11 : vector<1x384xf32> to vector<400x384xf32>
    %add3A_72 = arith.addf %dot_general3A_70, %add3A_71 : vector<400x384xf32>
    %swap3A_73 = arith.constant 0 : index
    %swap3A_74 = arith.constant 1152 : index
    %swap3A_75 = vector.load %arg5[%swap3A_73, %swap3A_74] : memref<400x3072xf32, #tpu.memory_space<vmem>>, vector<400x384xf32>
    tpu.vector_store %arg5[%swap3A_73, %swap3A_74], %add3A_72 {strides = array<i32>} : memref<400x3072xf32, #tpu.memory_space<vmem>>, vector<400x384xf32>,
    %reduce_sum3A_76 = arith.constant dense<0.000000e+00> : vector<384xf32>
    %reduce_sum3A_77 = vector.multi_reduction <add>, %add3A_72, %reduce_sum3A_76 [0] : vector<400x384xf32> to vector<384xf32>
    %broadcast_in_dim3A_78 = vector.shape_cast %reduce_sum3A_77 : vector<384xf32> to vector<1x384xf32>
    %add3A_79 = arith.addf %add3A_60, %broadcast_in_dim3A_78 : vector<1x384xf32>
    %mul3A_80 = arith.mulf %add3A_72, %add3A_72 : vector<400x384xf32>
    %reduce_sum3A_81 = arith.constant dense<0.000000e+00> : vector<384xf32>
    %reduce_sum3A_82 = vector.multi_reduction <add>, %mul3A_80, %reduce_sum3A_81 [0] : vector<400x384xf32> to vector<384xf32>
    %broadcast_in_dim3A_83 = vector.shape_cast %reduce_sum3A_82 : vector<384xf32> to vector<1x384xf32>
    %add3A_84 = arith.addf %add3A_65, %broadcast_in_dim3A_83 : vector<1x384xf32>
    %slice3A_85 = vector.extract_strided_slice %get3A_2 {offsets = [0, 1536], sizes = [400, 384], strides = [1, 1]} : vector<400x3072xf32> to vector<400x384xf32>
    %slice3A_86 = vector.extract_strided_slice %get3A_5 {offsets = [0, 1536], sizes = [400, 384], strides = [1, 1]} : vector<400x3072xf32> to vector<400x384xf32>
    %add3A_87 = arith.addf %slice3A_85, %slice3A_86 : vector<400x384xf32>
    %dot_general3A_88 = arith.constant dense<0.000000e+00> : vector<400x384xf32>
    %dot_general3A_89 = tpu.matmul %add3A_87, %get3A_8, %dot_general3A_88 {dimension_numbers = #tpu.dot_dimension_numbers<[1], [0], [0], [1], [0, 0, 1, 1], [], []>, transpose_lhs_hint = false} : vector<400x384xf32>, vector<384x384xf32>, vector<400x384xf32> -> vector<400x384xf32>
    %add3A_90 = vector.broadcast %get3A_11 : vector<1x384xf32> to vector<400x384xf32>
    %add3A_91 = arith.addf %dot_general3A_89, %add3A_90 : vector<400x384xf32>
    %swap3A_92 = arith.constant 0 : index
    %swap3A_93 = arith.constant 1536 : index
    %swap3A_94 = vector.load %arg5[%swap3A_92, %swap3A_93] : memref<400x3072xf32, #tpu.memory_space<vmem>>, vector<400x384xf32>
    tpu.vector_store %arg5[%swap3A_92, %swap3A_93], %add3A_91 {strides = array<i32>} : memref<400x3072xf32, #tpu.memory_space<vmem>>, vector<400x384xf32>,
    %reduce_sum3A_95 = arith.constant dense<0.000000e+00> : vector<384xf32>
    %reduce_sum3A_96 = vector.multi_reduction <add>, %add3A_91, %reduce_sum3A_95 [0] : vector<400x384xf32> to vector<384xf32>
    %broadcast_in_dim3A_97 = vector.shape_cast %reduce_sum3A_96 : vector<384xf32> to vector<1x384xf32>
    %add3A_98 = arith.addf %add3A_79, %broadcast_in_dim3A_97 : vector<1x384xf32>
    %mul3A_99 = arith.mulf %add3A_91, %add3A_91 : vector<400x384xf32>
    %reduce_sum3A_100 = arith.constant dense<0.000000e+00> : vector<384xf32>
    %reduce_sum3A_101 = vector.multi_reduction <add>, %mul3A_99, %reduce_sum3A_100 [0] : vector<400x384xf32> to vector<384xf32>
    %broadcast_in_dim3A_102 = vector.shape_cast %reduce_sum3A_101 : vector<384xf32> to vector<1x384xf32>
    %add3A_103 = arith.addf %add3A_84, %broadcast_in_dim3A_102 : vector<1x384xf32>
    %slice3A_104 = vector.extract_strided_slice %get3A_2 {offsets = [0, 1920], sizes = [400, 384], strides = [1, 1]} : vector<400x3072xf32> to vector<400x384xf32>
    %slice3A_105 = vector.extract_strided_slice %get3A_5 {offsets = [0, 1920], sizes = [400, 384], strides = [1, 1]} : vector<400x3072xf32> to vector<400x384xf32>
    %add3A_106 = arith.addf %slice3A_104, %slice3A_105 : vector<400x384xf32>
    %dot_general3A_107 = arith.constant dense<0.000000e+00> : vector<400x384xf32>
    %dot_general3A_108 = tpu.matmul %add3A_106, %get3A_8, %dot_general3A_107 {dimension_numbers = #tpu.dot_dimension_numbers<[1], [0], [0], [1], [0, 0, 1, 1], [], []>, transpose_lhs_hint = false} : vector<400x384xf32>, vector<384x384xf32>, vector<400x384xf32> -> vector<400x384xf32>
    %add3A_109 = vector.broadcast %get3A_11 : vector<1x384xf32> to vector<400x384xf32>
    %add3A_110 = arith.addf %dot_general3A_108, %add3A_109 : vector<400x384xf32>
    %swap3A_111 = arith.constant 0 : index
    %swap3A_112 = arith.constant 1920 : index
    %swap3A_113 = vector.load %arg5[%swap3A_111, %swap3A_112] : memref<400x3072xf32, #tpu.memory_space<vmem>>, vector<400x384xf32>
    tpu.vector_store %arg5[%swap3A_111, %swap3A_112], %add3A_110 {strides = array<i32>} : memref<400x3072xf32, #tpu.memory_space<vmem>>, vector<400x384xf32>,
    %reduce_sum3A_114 = arith.constant dense<0.000000e+00> : vector<384xf32>
    %reduce_sum3A_115 = vector.multi_reduction <add>, %add3A_110, %reduce_sum3A_114 [0] : vector<400x384xf32> to vector<384xf32>
    %broadcast_in_dim3A_116 = vector.shape_cast %reduce_sum3A_115 : vector<384xf32> to vector<1x384xf32>
    %add3A_117 = arith.addf %add3A_98, %broadcast_in_dim3A_116 : vector<1x384xf32>
    %mul3A_118 = arith.mulf %add3A_110, %add3A_110 : vector<400x384xf32>
    %reduce_sum3A_119 = arith.constant dense<0.000000e+00> : vector<384xf32>
    %reduce_sum3A_120 = vector.multi_reduction <add>, %mul3A_118, %reduce_sum3A_119 [0] : vector<400x384xf32> to vector<384xf32>
    %broadcast_in_dim3A_121 = vector.shape_cast %reduce_sum3A_120 : vector<384xf32> to vector<1x384xf32>
    %add3A_122 = arith.addf %add3A_103, %broadcast_in_dim3A_121 : vector<1x384xf32>
    %slice3A_123 = vector.extract_strided_slice %get3A_2 {offsets = [0, 2304], sizes = [400, 384], strides = [1, 1]} : vector<400x3072xf32> to vector<400x384xf32>
    %slice3A_124 = vector.extract_strided_slice %get3A_5 {offsets = [0, 2304], sizes = [400, 384], strides = [1, 1]} : vector<400x3072xf32> to vector<400x384xf32>
    %add3A_125 = arith.addf %slice3A_123, %slice3A_124 : vector<400x384xf32>
    %dot_general3A_126 = arith.constant dense<0.000000e+00> : vector<400x384xf32>
    %dot_general3A_127 = tpu.matmul %add3A_125, %get3A_8, %dot_general3A_126 {dimension_numbers = #tpu.dot_dimension_numbers<[1], [0], [0], [1], [0, 0, 1, 1], [], []>, transpose_lhs_hint = false} : vector<400x384xf32>, vector<384x384xf32>, vector<400x384xf32> -> vector<400x384xf32>
    %add3A_128 = vector.broadcast %get3A_11 : vector<1x384xf32> to vector<400x384xf32>
    %add3A_129 = arith.addf %dot_general3A_127, %add3A_128 : vector<400x384xf32>
    %swap3A_130 = arith.constant 0 : index
    %swap3A_131 = arith.constant 2304 : index
    %swap3A_132 = vector.load %arg5[%swap3A_130, %swap3A_131] : memref<400x3072xf32, #tpu.memory_space<vmem>>, vector<400x384xf32>
    tpu.vector_store %arg5[%swap3A_130, %swap3A_131], %add3A_129 {strides = array<i32>} : memref<400x3072xf32, #tpu.memory_space<vmem>>, vector<400x384xf32>,
    %reduce_sum3A_133 = arith.constant dense<0.000000e+00> : vector<384xf32>
    %reduce_sum3A_134 = vector.multi_reduction <add>, %add3A_129, %reduce_sum3A_133 [0] : vector<400x384xf32> to vector<384xf32>
    %broadcast_in_dim3A_135 = vector.shape_cast %reduce_sum3A_134 : vector<384xf32> to vector<1x384xf32>
    %add3A_136 = arith.addf %add3A_117, %broadcast_in_dim3A_135 : vector<1x384xf32>
    %mul3A_137 = arith.mulf %add3A_129, %add3A_129 : vector<400x384xf32>
    %reduce_sum3A_138 = arith.constant dense<0.000000e+00> : vector<384xf32>
    %reduce_sum3A_139 = vector.multi_reduction <add>, %mul3A_137, %reduce_sum3A_138 [0] : vector<400x384xf32> to vector<384xf32>
    %broadcast_in_dim3A_140 = vector.shape_cast %reduce_sum3A_139 : vector<384xf32> to vector<1x384xf32>
    %add3A_141 = arith.addf %add3A_122, %broadcast_in_dim3A_140 : vector<1x384xf32>
    %slice3A_142 = vector.extract_strided_slice %get3A_2 {offsets = [0, 2688], sizes = [400, 384], strides = [1, 1]} : vector<400x3072xf32> to vector<400x384xf32>
    %slice3A_143 = vector.extract_strided_slice %get3A_5 {offsets = [0, 2688], sizes = [400, 384], strides = [1, 1]} : vector<400x3072xf32> to vector<400x384xf32>
    %add3A_144 = arith.addf %slice3A_142, %slice3A_143 : vector<400x384xf32>
    %dot_general3A_145 = arith.constant dense<0.000000e+00> : vector<400x384xf32>
    %dot_general3A_146 = tpu.matmul %add3A_144, %get3A_8, %dot_general3A_145 {dimension_numbers = #tpu.dot_dimension_numbers<[1], [0], [0], [1], [0, 0, 1, 1], [], []>, transpose_lhs_hint = false} : vector<400x384xf32>, vector<384x384xf32>, vector<400x384xf32> -> vector<400x384xf32>
    %add3A_147 = vector.broadcast %get3A_11 : vector<1x384xf32> to vector<400x384xf32>
    %add3A_148 = arith.addf %dot_general3A_146, %add3A_147 : vector<400x384xf32>
    %swap3A_149 = arith.constant 0 : index
    %swap3A_150 = arith.constant 2688 : index
    %swap3A_151 = vector.load %arg5[%swap3A_149, %swap3A_150] : memref<400x3072xf32, #tpu.memory_space<vmem>>, vector<400x384xf32>
    tpu.vector_store %arg5[%swap3A_149, %swap3A_150], %add3A_148 {strides = array<i32>} : memref<400x3072xf32, #tpu.memory_space<vmem>>, vector<400x384xf32>,
    %reduce_sum3A_152 = arith.constant dense<0.000000e+00> : vector<384xf32>
    %reduce_sum3A_153 = vector.multi_reduction <add>, %add3A_148, %reduce_sum3A_152 [0] : vector<400x384xf32> to vector<384xf32>
    %broadcast_in_dim3A_154 = vector.shape_cast %reduce_sum3A_153 : vector<384xf32> to vector<1x384xf32>
    %add3A_155 = arith.addf %add3A_136, %broadcast_in_dim3A_154 : vector<1x384xf32>
    %mul3A_156 = arith.mulf %add3A_148, %add3A_148 : vector<400x384xf32>
    %reduce_sum3A_157 = arith.constant dense<0.000000e+00> : vector<384xf32>
    %reduce_sum3A_158 = vector.multi_reduction <add>, %mul3A_156, %reduce_sum3A_157 [0] : vector<400x384xf32> to vector<384xf32>
    %broadcast_in_dim3A_159 = vector.shape_cast %reduce_sum3A_158 : vector<384xf32> to vector<1x384xf32>
    %add3A_160 = arith.addf %add3A_141, %broadcast_in_dim3A_159 : vector<1x384xf32>
    %convert_element_type3A = arith.extui %eq3A_0 : i1 to i32
    %cond3A = arith.constant 0 : i32
    %cond3A_161 = arith.cmpi ne, %convert_element_type3A, %cond3A : i32
    scf.if %cond3A_161 {
      %broadcast_in_dim3A_176 = arith.constant 0.000000e+00 : f32
      %broadcast_in_dim3A_177 = vector.broadcast %broadcast_in_dim3A_176 : f32 to vector<1x384xf32>
      %swap3A_178 = arith.constant 0 : index
      %swap3A_179 = arith.constant 0 : index
      %swap3A_180 = vector.load %arg6[%swap3A_178, %swap3A_179] : memref<1x384xf32, #tpu.memory_space<vmem>>, vector<1x384xf32>
      tpu.vector_store %arg6[%swap3A_178, %swap3A_179], %broadcast_in_dim3A_177 {strides = array<i32>} : memref<1x384xf32, #tpu.memory_space<vmem>>, vector<1x384xf32>,
      %broadcast_in_dim3A_181 = arith.constant 0.000000e+00 : f32
      %broadcast_in_dim3A_182 = vector.broadcast %broadcast_in_dim3A_181 : f32 to vector<1x384xf32>
      %swap3A_183 = arith.constant 0 : index
      %swap3A_184 = arith.constant 0 : index
      %swap3A_185 = vector.load %arg7[%swap3A_183, %swap3A_184] : memref<1x384xf32, #tpu.memory_space<vmem>>, vector<1x384xf32>
      tpu.vector_store %arg7[%swap3A_183, %swap3A_184], %broadcast_in_dim3A_182 {strides = array<i32>} : memref<1x384xf32, #tpu.memory_space<vmem>>, vector<1x384xf32>,
    } else {
    }
    %get3A_162 = arith.constant 0 : index
    %get3A_163 = arith.constant 0 : index
    %get3A_164 = vector.load %arg6[%get3A_162, %get3A_163] : memref<1x384xf32, #tpu.memory_space<vmem>>, vector<1x384xf32>
    %add3A_165 = arith.addf %get3A_164, %add3A_155 : vector<1x384xf32>
    %swap3A_166 = arith.constant 0 : index
    %swap3A_167 = arith.constant 0 : index
    %swap3A_168 = vector.load %arg6[%swap3A_166, %swap3A_167] : memref<1x384xf32, #tpu.memory_space<vmem>>, vector<1x384xf32>
    tpu.vector_store %arg6[%swap3A_166, %swap3A_167], %add3A_165 {strides = array<i32>} : memref<1x384xf32, #tpu.memory_space<vmem>>, vector<1x384xf32>,
    %get3A_169 = arith.constant 0 : index
    %get3A_170 = arith.constant 0 : index
    %get3A_171 = vector.load %arg7[%get3A_169, %get3A_170] : memref<1x384xf32, #tpu.memory_space<vmem>>, vector<1x384xf32>
    %add3A_172 = arith.addf %get3A_171, %add3A_160 : vector<1x384xf32>
    %swap3A_173 = arith.constant 0 : index
    %swap3A_174 = arith.constant 0 : index
    %swap3A_175 = vector.load %arg7[%swap3A_173, %swap3A_174] : memref<1x384xf32, #tpu.memory_space<vmem>>, vector<1x384xf32>
    tpu.vector_store %arg7[%swap3A_173, %swap3A_174], %add3A_172 {strides = array<i32>} : memref<1x384xf32, #tpu.memory_space<vmem>>, vector<1x384xf32>,
    return
  }
  func.func @transform_0(%arg0: i32) -> (i32, i32) {
    %c0_i32 = arith.constant 0 : i32
    %c0_i32_0 = arith.constant 0 : i32
    return %arg0, %c0_i32 : i32, i32
  }
  func.func @transform_1(%arg0: i32) -> (i32, i32) {
    %c0_i32 = arith.constant 0 : i32
    %c0_i32_0 = arith.constant 0 : i32
    return %arg0, %c0_i32 : i32, i32
  }
  func.func @transform_2(%arg0: i32) -> (i32, i32) {
    %c0_i32 = arith.constant 0 : i32
    %c0_i32_0 = arith.constant 0 : i32
    %c0_i32_1 = arith.constant 0 : i32
    return %c0_i32, %c0_i32_0 : i32, i32
  }
  func.func @transform_3(%arg0: i32) -> (i32, i32) {
    %c0_i32 = arith.constant 0 : i32
    %c0_i32_0 = arith.constant 0 : i32
    %c0_i32_1 = arith.constant 0 : i32
    return %c0_i32, %c0_i32_0 : i32, i32
  }
  func.func @transform_4(%arg0: i32) -> (i32, i32) {
    %c0_i32 = arith.constant 0 : i32
    %c0_i32_0 = arith.constant 0 : i32
    return %arg0, %c0_i32 : i32, i32
  }
  func.func @transform_5(%arg0: i32) -> (i32, i32) {
    %c0_i32 = arith.constant 0 : i32
    %c0_i32_0 = arith.constant 0 : i32
    %c0_i32_1 = arith.constant 0 : i32
    return %c0_i32, %c0_i32_0 : i32, i32
  }
  func.func @transform_6(%arg0: i32) -> (i32, i32) {
    %c0_i32 = arith.constant 0 : i32
    %c0_i32_0 = arith.constant 0 : i32
    %c0_i32_1 = arith.constant 0 : i32
    return %c0_i32, %c0_i32_0 : i32, i32
  }
}

module attributes {stable_mosaic.version = 14 : i64} {
  func.func @_k2_body(%arg0: i32, %arg1: memref<400x3072xf32, #tpu.memory_space<vmem>>, %arg2: memref<1x384xf32, #tpu.memory_space<vmem>>, %arg3: memref<1x384xf32, #tpu.memory_space<vmem>>, %arg4: memref<1x384xf32, #tpu.memory_space<vmem>>, %arg5: memref<1x384xf32, #tpu.memory_space<vmem>>, %arg6: memref<384x384xf32, #tpu.memory_space<vmem>>, %arg7: memref<1x384xf32, #tpu.memory_space<vmem>>, %arg8: memref<400x3072xf32, #tpu.memory_space<vmem>>, %arg9: memref<1x384xf32, #tpu.memory_space<vmem>>, %arg10: memref<1x384xf32, #tpu.memory_space<vmem>>) attributes {dimension_semantics = [#tpu.dimension_semantics<arbitrary>], iteration_bounds = array<i64: 25>, scalar_prefetch = 0 : i64, scratch_operands = 0 : i64, tpu.core_type = #tpu.core_type<tc>, window_params = [{transform_indices = @transform_0, window_bounds = array<i64: 400, 3072>}, {pipeline_mode = #tpu.pipeline_mode<synchronous>, transform_indices = @transform_1, window_bounds = array<i64: 1, 384>}, {pipeline_mode = #tpu.pipeline_mode<synchronous>, transform_indices = @transform_2, window_bounds = array<i64: 1, 384>}, {pipeline_mode = #tpu.pipeline_mode<synchronous>, transform_indices = @transform_3, window_bounds = array<i64: 1, 384>}, {pipeline_mode = #tpu.pipeline_mode<synchronous>, transform_indices = @transform_4, window_bounds = array<i64: 1, 384>}, {pipeline_mode = #tpu.pipeline_mode<synchronous>, transform_indices = @transform_5, window_bounds = array<i64: 384, 384>}, {pipeline_mode = #tpu.pipeline_mode<synchronous>, transform_indices = @transform_6, window_bounds = array<i64: 1, 384>}, {transform_indices = @transform_7, window_bounds = array<i64: 400, 3072>}, {pipeline_mode = #tpu.pipeline_mode<synchronous>, transform_indices = @transform_8, window_bounds = array<i64: 1, 384>}, {pipeline_mode = #tpu.pipeline_mode<synchronous>, transform_indices = @transform_9, window_bounds = array<i64: 1, 384>}]} {
    %eq3A = arith.constant 0 : i32
    %eq3A_0 = arith.cmpi eq, %arg0, %eq3A : i32
    %get3A = arith.constant 0 : index
    %get3A_1 = arith.constant 0 : index
    %get3A_2 = vector.load %arg2[%get3A, %get3A_1] : memref<1x384xf32, #tpu.memory_space<vmem>>, vector<1x384xf32>
    %get3A_3 = arith.constant 0 : index
    %get3A_4 = arith.constant 0 : index
    %get3A_5 = vector.load %arg3[%get3A_3, %get3A_4] : memref<1x384xf32, #tpu.memory_space<vmem>>, vector<1x384xf32>
    %get3A_6 = arith.constant 0 : index
    %get3A_7 = arith.constant 0 : index
    %get3A_8 = vector.load %arg4[%get3A_6, %get3A_7] : memref<1x384xf32, #tpu.memory_space<vmem>>, vector<1x384xf32>
    %get3A_9 = arith.constant 0 : index
    %get3A_10 = arith.constant 0 : index
    %get3A_11 = vector.load %arg5[%get3A_9, %get3A_10] : memref<1x384xf32, #tpu.memory_space<vmem>>, vector<1x384xf32>
    %mul3A = arith.constant 1.250000e-05 : f32
    %mul3A_12 = vector.broadcast %mul3A : f32 to vector<1x384xf32>
    %mul3A_13 = arith.mulf %get3A_2, %mul3A_12 : vector<1x384xf32>
    %mul3A_14 = arith.constant 1.250000e-05 : f32
    %mul3A_15 = vector.broadcast %mul3A_14 : f32 to vector<1x384xf32>
    %mul3A_16 = arith.mulf %get3A_5, %mul3A_15 : vector<1x384xf32>
    %mul3A_17 = arith.mulf %mul3A_13, %mul3A_13 : vector<1x384xf32>
    %sub3A = arith.subf %mul3A_16, %mul3A_17 : vector<1x384xf32>
    %add3A = arith.constant 9.99999974E-6 : f32
    %add3A_18 = vector.broadcast %add3A : f32 to vector<1x384xf32>
    %add3A_19 = arith.addf %sub3A, %add3A_18 : vector<1x384xf32>
    %rsqrt3A = math.rsqrt %add3A_19 : vector<1x384xf32>
    %mul3A_20 = arith.mulf %get3A_8, %rsqrt3A : vector<1x384xf32>
    %mul3A_21 = arith.mulf %mul3A_13, %mul3A_20 : vector<1x384xf32>
    %sub3A_22 = arith.subf %get3A_11, %mul3A_21 : vector<1x384xf32>
    %get3A_23 = arith.constant 0 : index
    %get3A_24 = arith.constant 0 : index
    %get3A_25 = vector.load %arg1[%get3A_23, %get3A_24] : memref<400x3072xf32, #tpu.memory_space<vmem>>, vector<400x3072xf32>
    %get3A_26 = arith.constant 0 : index
    %get3A_27 = arith.constant 0 : index
    %get3A_28 = vector.load %arg6[%get3A_26, %get3A_27] : memref<384x384xf32, #tpu.memory_space<vmem>>, vector<384x384xf32>
    %get3A_29 = arith.constant 0 : index
    %get3A_30 = arith.constant 0 : index
    %get3A_31 = vector.load %arg7[%get3A_29, %get3A_30] : memref<1x384xf32, #tpu.memory_space<vmem>>, vector<1x384xf32>
    %broadcast_in_dim3A = arith.constant 0.000000e+00 : f32
    %broadcast_in_dim3A_32 = vector.broadcast %broadcast_in_dim3A : f32 to vector<1x384xf32>
    %broadcast_in_dim3A_33 = arith.constant 0.000000e+00 : f32
    %broadcast_in_dim3A_34 = vector.broadcast %broadcast_in_dim3A_33 : f32 to vector<1x384xf32>
    %slice3A = vector.extract_strided_slice %get3A_25 {offsets = [0, 0], sizes = [400, 384], strides = [1, 1]} : vector<400x3072xf32> to vector<400x384xf32>
    %mul3A_35 = vector.broadcast %mul3A_20 : vector<1x384xf32> to vector<400x384xf32>
    %mul3A_36 = arith.mulf %slice3A, %mul3A_35 : vector<400x384xf32>
    %add3A_37 = vector.broadcast %sub3A_22 : vector<1x384xf32> to vector<400x384xf32>
    %add3A_38 = arith.addf %mul3A_36, %add3A_37 : vector<400x384xf32>
    %max3A = arith.constant 0.000000e+00 : f32
    %max3A_39 = vector.broadcast %max3A : f32 to vector<400x384xf32>
    %max3A_40 = arith.maximumf %add3A_38, %max3A_39 : vector<400x384xf32>
    %dot_general3A = arith.constant dense<0.000000e+00> : vector<400x384xf32>
    %dot_general3A_41 = tpu.matmul %max3A_40, %get3A_28, %dot_general3A {dimension_numbers = #tpu.dot_dimension_numbers<[1], [0], [0], [1], [0, 0, 1, 1], [], []>, transpose_lhs_hint = false} : vector<400x384xf32>, vector<384x384xf32>, vector<400x384xf32> -> vector<400x384xf32>
    %add3A_42 = vector.broadcast %get3A_31 : vector<1x384xf32> to vector<400x384xf32>
    %add3A_43 = arith.addf %dot_general3A_41, %add3A_42 : vector<400x384xf32>
    %swap3A = arith.constant 0 : index
    %swap3A_44 = arith.constant 0 : index
    %swap3A_45 = vector.load %arg8[%swap3A, %swap3A_44] : memref<400x3072xf32, #tpu.memory_space<vmem>>, vector<400x384xf32>
    tpu.vector_store %arg8[%swap3A, %swap3A_44], %add3A_43 {strides = array<i32>} : memref<400x3072xf32, #tpu.memory_space<vmem>>, vector<400x384xf32>,
    %reduce_sum3A = arith.constant dense<0.000000e+00> : vector<384xf32>
    %reduce_sum3A_46 = vector.multi_reduction <add>, %add3A_43, %reduce_sum3A [0] : vector<400x384xf32> to vector<384xf32>
    %broadcast_in_dim3A_47 = vector.shape_cast %reduce_sum3A_46 : vector<384xf32> to vector<1x384xf32>
    %add3A_48 = arith.addf %broadcast_in_dim3A_32, %broadcast_in_dim3A_47 : vector<1x384xf32>
    %mul3A_49 = arith.mulf %add3A_43, %add3A_43 : vector<400x384xf32>
    %reduce_sum3A_50 = arith.constant dense<0.000000e+00> : vector<384xf32>
    %reduce_sum3A_51 = vector.multi_reduction <add>, %mul3A_49, %reduce_sum3A_50 [0] : vector<400x384xf32> to vector<384xf32>
    %broadcast_in_dim3A_52 = vector.shape_cast %reduce_sum3A_51 : vector<384xf32> to vector<1x384xf32>
    %add3A_53 = arith.addf %broadcast_in_dim3A_34, %broadcast_in_dim3A_52 : vector<1x384xf32>
    %slice3A_54 = vector.extract_strided_slice %get3A_25 {offsets = [0, 384], sizes = [400, 384], strides = [1, 1]} : vector<400x3072xf32> to vector<400x384xf32>
    %mul3A_55 = vector.broadcast %mul3A_20 : vector<1x384xf32> to vector<400x384xf32>
    %mul3A_56 = arith.mulf %slice3A_54, %mul3A_55 : vector<400x384xf32>
    %add3A_57 = vector.broadcast %sub3A_22 : vector<1x384xf32> to vector<400x384xf32>
    %add3A_58 = arith.addf %mul3A_56, %add3A_57 : vector<400x384xf32>
    %max3A_59 = arith.constant 0.000000e+00 : f32
    %max3A_60 = vector.broadcast %max3A_59 : f32 to vector<400x384xf32>
    %max3A_61 = arith.maximumf %add3A_58, %max3A_60 : vector<400x384xf32>
    %dot_general3A_62 = arith.constant dense<0.000000e+00> : vector<400x384xf32>
    %dot_general3A_63 = tpu.matmul %max3A_61, %get3A_28, %dot_general3A_62 {dimension_numbers = #tpu.dot_dimension_numbers<[1], [0], [0], [1], [0, 0, 1, 1], [], []>, transpose_lhs_hint = false} : vector<400x384xf32>, vector<384x384xf32>, vector<400x384xf32> -> vector<400x384xf32>
    %add3A_64 = vector.broadcast %get3A_31 : vector<1x384xf32> to vector<400x384xf32>
    %add3A_65 = arith.addf %dot_general3A_63, %add3A_64 : vector<400x384xf32>
    %swap3A_66 = arith.constant 0 : index
    %swap3A_67 = arith.constant 384 : index
    %swap3A_68 = vector.load %arg8[%swap3A_66, %swap3A_67] : memref<400x3072xf32, #tpu.memory_space<vmem>>, vector<400x384xf32>
    tpu.vector_store %arg8[%swap3A_66, %swap3A_67], %add3A_65 {strides = array<i32>} : memref<400x3072xf32, #tpu.memory_space<vmem>>, vector<400x384xf32>,
    %reduce_sum3A_69 = arith.constant dense<0.000000e+00> : vector<384xf32>
    %reduce_sum3A_70 = vector.multi_reduction <add>, %add3A_65, %reduce_sum3A_69 [0] : vector<400x384xf32> to vector<384xf32>
    %broadcast_in_dim3A_71 = vector.shape_cast %reduce_sum3A_70 : vector<384xf32> to vector<1x384xf32>
    %add3A_72 = arith.addf %add3A_48, %broadcast_in_dim3A_71 : vector<1x384xf32>
    %mul3A_73 = arith.mulf %add3A_65, %add3A_65 : vector<400x384xf32>
    %reduce_sum3A_74 = arith.constant dense<0.000000e+00> : vector<384xf32>
    %reduce_sum3A_75 = vector.multi_reduction <add>, %mul3A_73, %reduce_sum3A_74 [0] : vector<400x384xf32> to vector<384xf32>
    %broadcast_in_dim3A_76 = vector.shape_cast %reduce_sum3A_75 : vector<384xf32> to vector<1x384xf32>
    %add3A_77 = arith.addf %add3A_53, %broadcast_in_dim3A_76 : vector<1x384xf32>
    %slice3A_78 = vector.extract_strided_slice %get3A_25 {offsets = [0, 768], sizes = [400, 384], strides = [1, 1]} : vector<400x3072xf32> to vector<400x384xf32>
    %mul3A_79 = vector.broadcast %mul3A_20 : vector<1x384xf32> to vector<400x384xf32>
    %mul3A_80 = arith.mulf %slice3A_78, %mul3A_79 : vector<400x384xf32>
    %add3A_81 = vector.broadcast %sub3A_22 : vector<1x384xf32> to vector<400x384xf32>
    %add3A_82 = arith.addf %mul3A_80, %add3A_81 : vector<400x384xf32>
    %max3A_83 = arith.constant 0.000000e+00 : f32
    %max3A_84 = vector.broadcast %max3A_83 : f32 to vector<400x384xf32>
    %max3A_85 = arith.maximumf %add3A_82, %max3A_84 : vector<400x384xf32>
    %dot_general3A_86 = arith.constant dense<0.000000e+00> : vector<400x384xf32>
    %dot_general3A_87 = tpu.matmul %max3A_85, %get3A_28, %dot_general3A_86 {dimension_numbers = #tpu.dot_dimension_numbers<[1], [0], [0], [1], [0, 0, 1, 1], [], []>, transpose_lhs_hint = false} : vector<400x384xf32>, vector<384x384xf32>, vector<400x384xf32> -> vector<400x384xf32>
    %add3A_88 = vector.broadcast %get3A_31 : vector<1x384xf32> to vector<400x384xf32>
    %add3A_89 = arith.addf %dot_general3A_87, %add3A_88 : vector<400x384xf32>
    %swap3A_90 = arith.constant 0 : index
    %swap3A_91 = arith.constant 768 : index
    %swap3A_92 = vector.load %arg8[%swap3A_90, %swap3A_91] : memref<400x3072xf32, #tpu.memory_space<vmem>>, vector<400x384xf32>
    tpu.vector_store %arg8[%swap3A_90, %swap3A_91], %add3A_89 {strides = array<i32>} : memref<400x3072xf32, #tpu.memory_space<vmem>>, vector<400x384xf32>,
    %reduce_sum3A_93 = arith.constant dense<0.000000e+00> : vector<384xf32>
    %reduce_sum3A_94 = vector.multi_reduction <add>, %add3A_89, %reduce_sum3A_93 [0] : vector<400x384xf32> to vector<384xf32>
    %broadcast_in_dim3A_95 = vector.shape_cast %reduce_sum3A_94 : vector<384xf32> to vector<1x384xf32>
    %add3A_96 = arith.addf %add3A_72, %broadcast_in_dim3A_95 : vector<1x384xf32>
    %mul3A_97 = arith.mulf %add3A_89, %add3A_89 : vector<400x384xf32>
    %reduce_sum3A_98 = arith.constant dense<0.000000e+00> : vector<384xf32>
    %reduce_sum3A_99 = vector.multi_reduction <add>, %mul3A_97, %reduce_sum3A_98 [0] : vector<400x384xf32> to vector<384xf32>
    %broadcast_in_dim3A_100 = vector.shape_cast %reduce_sum3A_99 : vector<384xf32> to vector<1x384xf32>
    %add3A_101 = arith.addf %add3A_77, %broadcast_in_dim3A_100 : vector<1x384xf32>
    %slice3A_102 = vector.extract_strided_slice %get3A_25 {offsets = [0, 1152], sizes = [400, 384], strides = [1, 1]} : vector<400x3072xf32> to vector<400x384xf32>
    %mul3A_103 = vector.broadcast %mul3A_20 : vector<1x384xf32> to vector<400x384xf32>
    %mul3A_104 = arith.mulf %slice3A_102, %mul3A_103 : vector<400x384xf32>
    %add3A_105 = vector.broadcast %sub3A_22 : vector<1x384xf32> to vector<400x384xf32>
    %add3A_106 = arith.addf %mul3A_104, %add3A_105 : vector<400x384xf32>
    %max3A_107 = arith.constant 0.000000e+00 : f32
    %max3A_108 = vector.broadcast %max3A_107 : f32 to vector<400x384xf32>
    %max3A_109 = arith.maximumf %add3A_106, %max3A_108 : vector<400x384xf32>
    %dot_general3A_110 = arith.constant dense<0.000000e+00> : vector<400x384xf32>
    %dot_general3A_111 = tpu.matmul %max3A_109, %get3A_28, %dot_general3A_110 {dimension_numbers = #tpu.dot_dimension_numbers<[1], [0], [0], [1], [0, 0, 1, 1], [], []>, transpose_lhs_hint = false} : vector<400x384xf32>, vector<384x384xf32>, vector<400x384xf32> -> vector<400x384xf32>
    %add3A_112 = vector.broadcast %get3A_31 : vector<1x384xf32> to vector<400x384xf32>
    %add3A_113 = arith.addf %dot_general3A_111, %add3A_112 : vector<400x384xf32>
    %swap3A_114 = arith.constant 0 : index
    %swap3A_115 = arith.constant 1152 : index
    %swap3A_116 = vector.load %arg8[%swap3A_114, %swap3A_115] : memref<400x3072xf32, #tpu.memory_space<vmem>>, vector<400x384xf32>
    tpu.vector_store %arg8[%swap3A_114, %swap3A_115], %add3A_113 {strides = array<i32>} : memref<400x3072xf32, #tpu.memory_space<vmem>>, vector<400x384xf32>,
    %reduce_sum3A_117 = arith.constant dense<0.000000e+00> : vector<384xf32>
    %reduce_sum3A_118 = vector.multi_reduction <add>, %add3A_113, %reduce_sum3A_117 [0] : vector<400x384xf32> to vector<384xf32>
    %broadcast_in_dim3A_119 = vector.shape_cast %reduce_sum3A_118 : vector<384xf32> to vector<1x384xf32>
    %add3A_120 = arith.addf %add3A_96, %broadcast_in_dim3A_119 : vector<1x384xf32>
    %mul3A_121 = arith.mulf %add3A_113, %add3A_113 : vector<400x384xf32>
    %reduce_sum3A_122 = arith.constant dense<0.000000e+00> : vector<384xf32>
    %reduce_sum3A_123 = vector.multi_reduction <add>, %mul3A_121, %reduce_sum3A_122 [0] : vector<400x384xf32> to vector<384xf32>
    %broadcast_in_dim3A_124 = vector.shape_cast %reduce_sum3A_123 : vector<384xf32> to vector<1x384xf32>
    %add3A_125 = arith.addf %add3A_101, %broadcast_in_dim3A_124 : vector<1x384xf32>
    %slice3A_126 = vector.extract_strided_slice %get3A_25 {offsets = [0, 1536], sizes = [400, 384], strides = [1, 1]} : vector<400x3072xf32> to vector<400x384xf32>
    %mul3A_127 = vector.broadcast %mul3A_20 : vector<1x384xf32> to vector<400x384xf32>
    %mul3A_128 = arith.mulf %slice3A_126, %mul3A_127 : vector<400x384xf32>
    %add3A_129 = vector.broadcast %sub3A_22 : vector<1x384xf32> to vector<400x384xf32>
    %add3A_130 = arith.addf %mul3A_128, %add3A_129 : vector<400x384xf32>
    %max3A_131 = arith.constant 0.000000e+00 : f32
    %max3A_132 = vector.broadcast %max3A_131 : f32 to vector<400x384xf32>
    %max3A_133 = arith.maximumf %add3A_130, %max3A_132 : vector<400x384xf32>
    %dot_general3A_134 = arith.constant dense<0.000000e+00> : vector<400x384xf32>
    %dot_general3A_135 = tpu.matmul %max3A_133, %get3A_28, %dot_general3A_134 {dimension_numbers = #tpu.dot_dimension_numbers<[1], [0], [0], [1], [0, 0, 1, 1], [], []>, transpose_lhs_hint = false} : vector<400x384xf32>, vector<384x384xf32>, vector<400x384xf32> -> vector<400x384xf32>
    %add3A_136 = vector.broadcast %get3A_31 : vector<1x384xf32> to vector<400x384xf32>
    %add3A_137 = arith.addf %dot_general3A_135, %add3A_136 : vector<400x384xf32>
    %swap3A_138 = arith.constant 0 : index
    %swap3A_139 = arith.constant 1536 : index
    %swap3A_140 = vector.load %arg8[%swap3A_138, %swap3A_139] : memref<400x3072xf32, #tpu.memory_space<vmem>>, vector<400x384xf32>
    tpu.vector_store %arg8[%swap3A_138, %swap3A_139], %add3A_137 {strides = array<i32>} : memref<400x3072xf32, #tpu.memory_space<vmem>>, vector<400x384xf32>,
    %reduce_sum3A_141 = arith.constant dense<0.000000e+00> : vector<384xf32>
    %reduce_sum3A_142 = vector.multi_reduction <add>, %add3A_137, %reduce_sum3A_141 [0] : vector<400x384xf32> to vector<384xf32>
    %broadcast_in_dim3A_143 = vector.shape_cast %reduce_sum3A_142 : vector<384xf32> to vector<1x384xf32>
    %add3A_144 = arith.addf %add3A_120, %broadcast_in_dim3A_143 : vector<1x384xf32>
    %mul3A_145 = arith.mulf %add3A_137, %add3A_137 : vector<400x384xf32>
    %reduce_sum3A_146 = arith.constant dense<0.000000e+00> : vector<384xf32>
    %reduce_sum3A_147 = vector.multi_reduction <add>, %mul3A_145, %reduce_sum3A_146 [0] : vector<400x384xf32> to vector<384xf32>
    %broadcast_in_dim3A_148 = vector.shape_cast %reduce_sum3A_147 : vector<384xf32> to vector<1x384xf32>
    %add3A_149 = arith.addf %add3A_125, %broadcast_in_dim3A_148 : vector<1x384xf32>
    %slice3A_150 = vector.extract_strided_slice %get3A_25 {offsets = [0, 1920], sizes = [400, 384], strides = [1, 1]} : vector<400x3072xf32> to vector<400x384xf32>
    %mul3A_151 = vector.broadcast %mul3A_20 : vector<1x384xf32> to vector<400x384xf32>
    %mul3A_152 = arith.mulf %slice3A_150, %mul3A_151 : vector<400x384xf32>
    %add3A_153 = vector.broadcast %sub3A_22 : vector<1x384xf32> to vector<400x384xf32>
    %add3A_154 = arith.addf %mul3A_152, %add3A_153 : vector<400x384xf32>
    %max3A_155 = arith.constant 0.000000e+00 : f32
    %max3A_156 = vector.broadcast %max3A_155 : f32 to vector<400x384xf32>
    %max3A_157 = arith.maximumf %add3A_154, %max3A_156 : vector<400x384xf32>
    %dot_general3A_158 = arith.constant dense<0.000000e+00> : vector<400x384xf32>
    %dot_general3A_159 = tpu.matmul %max3A_157, %get3A_28, %dot_general3A_158 {dimension_numbers = #tpu.dot_dimension_numbers<[1], [0], [0], [1], [0, 0, 1, 1], [], []>, transpose_lhs_hint = false} : vector<400x384xf32>, vector<384x384xf32>, vector<400x384xf32> -> vector<400x384xf32>
    %add3A_160 = vector.broadcast %get3A_31 : vector<1x384xf32> to vector<400x384xf32>
    %add3A_161 = arith.addf %dot_general3A_159, %add3A_160 : vector<400x384xf32>
    %swap3A_162 = arith.constant 0 : index
    %swap3A_163 = arith.constant 1920 : index
    %swap3A_164 = vector.load %arg8[%swap3A_162, %swap3A_163] : memref<400x3072xf32, #tpu.memory_space<vmem>>, vector<400x384xf32>
    tpu.vector_store %arg8[%swap3A_162, %swap3A_163], %add3A_161 {strides = array<i32>} : memref<400x3072xf32, #tpu.memory_space<vmem>>, vector<400x384xf32>,
    %reduce_sum3A_165 = arith.constant dense<0.000000e+00> : vector<384xf32>
    %reduce_sum3A_166 = vector.multi_reduction <add>, %add3A_161, %reduce_sum3A_165 [0] : vector<400x384xf32> to vector<384xf32>
    %broadcast_in_dim3A_167 = vector.shape_cast %reduce_sum3A_166 : vector<384xf32> to vector<1x384xf32>
    %add3A_168 = arith.addf %add3A_144, %broadcast_in_dim3A_167 : vector<1x384xf32>
    %mul3A_169 = arith.mulf %add3A_161, %add3A_161 : vector<400x384xf32>
    %reduce_sum3A_170 = arith.constant dense<0.000000e+00> : vector<384xf32>
    %reduce_sum3A_171 = vector.multi_reduction <add>, %mul3A_169, %reduce_sum3A_170 [0] : vector<400x384xf32> to vector<384xf32>
    %broadcast_in_dim3A_172 = vector.shape_cast %reduce_sum3A_171 : vector<384xf32> to vector<1x384xf32>
    %add3A_173 = arith.addf %add3A_149, %broadcast_in_dim3A_172 : vector<1x384xf32>
    %slice3A_174 = vector.extract_strided_slice %get3A_25 {offsets = [0, 2304], sizes = [400, 384], strides = [1, 1]} : vector<400x3072xf32> to vector<400x384xf32>
    %mul3A_175 = vector.broadcast %mul3A_20 : vector<1x384xf32> to vector<400x384xf32>
    %mul3A_176 = arith.mulf %slice3A_174, %mul3A_175 : vector<400x384xf32>
    %add3A_177 = vector.broadcast %sub3A_22 : vector<1x384xf32> to vector<400x384xf32>
    %add3A_178 = arith.addf %mul3A_176, %add3A_177 : vector<400x384xf32>
    %max3A_179 = arith.constant 0.000000e+00 : f32
    %max3A_180 = vector.broadcast %max3A_179 : f32 to vector<400x384xf32>
    %max3A_181 = arith.maximumf %add3A_178, %max3A_180 : vector<400x384xf32>
    %dot_general3A_182 = arith.constant dense<0.000000e+00> : vector<400x384xf32>
    %dot_general3A_183 = tpu.matmul %max3A_181, %get3A_28, %dot_general3A_182 {dimension_numbers = #tpu.dot_dimension_numbers<[1], [0], [0], [1], [0, 0, 1, 1], [], []>, transpose_lhs_hint = false} : vector<400x384xf32>, vector<384x384xf32>, vector<400x384xf32> -> vector<400x384xf32>
    %add3A_184 = vector.broadcast %get3A_31 : vector<1x384xf32> to vector<400x384xf32>
    %add3A_185 = arith.addf %dot_general3A_183, %add3A_184 : vector<400x384xf32>
    %swap3A_186 = arith.constant 0 : index
    %swap3A_187 = arith.constant 2304 : index
    %swap3A_188 = vector.load %arg8[%swap3A_186, %swap3A_187] : memref<400x3072xf32, #tpu.memory_space<vmem>>, vector<400x384xf32>
    tpu.vector_store %arg8[%swap3A_186, %swap3A_187], %add3A_185 {strides = array<i32>} : memref<400x3072xf32, #tpu.memory_space<vmem>>, vector<400x384xf32>,
    %reduce_sum3A_189 = arith.constant dense<0.000000e+00> : vector<384xf32>
    %reduce_sum3A_190 = vector.multi_reduction <add>, %add3A_185, %reduce_sum3A_189 [0] : vector<400x384xf32> to vector<384xf32>
    %broadcast_in_dim3A_191 = vector.shape_cast %reduce_sum3A_190 : vector<384xf32> to vector<1x384xf32>
    %add3A_192 = arith.addf %add3A_168, %broadcast_in_dim3A_191 : vector<1x384xf32>
    %mul3A_193 = arith.mulf %add3A_185, %add3A_185 : vector<400x384xf32>
    %reduce_sum3A_194 = arith.constant dense<0.000000e+00> : vector<384xf32>
    %reduce_sum3A_195 = vector.multi_reduction <add>, %mul3A_193, %reduce_sum3A_194 [0] : vector<400x384xf32> to vector<384xf32>
    %broadcast_in_dim3A_196 = vector.shape_cast %reduce_sum3A_195 : vector<384xf32> to vector<1x384xf32>
    %add3A_197 = arith.addf %add3A_173, %broadcast_in_dim3A_196 : vector<1x384xf32>
    %slice3A_198 = vector.extract_strided_slice %get3A_25 {offsets = [0, 2688], sizes = [400, 384], strides = [1, 1]} : vector<400x3072xf32> to vector<400x384xf32>
    %mul3A_199 = vector.broadcast %mul3A_20 : vector<1x384xf32> to vector<400x384xf32>
    %mul3A_200 = arith.mulf %slice3A_198, %mul3A_199 : vector<400x384xf32>
    %add3A_201 = vector.broadcast %sub3A_22 : vector<1x384xf32> to vector<400x384xf32>
    %add3A_202 = arith.addf %mul3A_200, %add3A_201 : vector<400x384xf32>
    %max3A_203 = arith.constant 0.000000e+00 : f32
    %max3A_204 = vector.broadcast %max3A_203 : f32 to vector<400x384xf32>
    %max3A_205 = arith.maximumf %add3A_202, %max3A_204 : vector<400x384xf32>
    %dot_general3A_206 = arith.constant dense<0.000000e+00> : vector<400x384xf32>
    %dot_general3A_207 = tpu.matmul %max3A_205, %get3A_28, %dot_general3A_206 {dimension_numbers = #tpu.dot_dimension_numbers<[1], [0], [0], [1], [0, 0, 1, 1], [], []>, transpose_lhs_hint = false} : vector<400x384xf32>, vector<384x384xf32>, vector<400x384xf32> -> vector<400x384xf32>
    %add3A_208 = vector.broadcast %get3A_31 : vector<1x384xf32> to vector<400x384xf32>
    %add3A_209 = arith.addf %dot_general3A_207, %add3A_208 : vector<400x384xf32>
    %swap3A_210 = arith.constant 0 : index
    %swap3A_211 = arith.constant 2688 : index
    %swap3A_212 = vector.load %arg8[%swap3A_210, %swap3A_211] : memref<400x3072xf32, #tpu.memory_space<vmem>>, vector<400x384xf32>
    tpu.vector_store %arg8[%swap3A_210, %swap3A_211], %add3A_209 {strides = array<i32>} : memref<400x3072xf32, #tpu.memory_space<vmem>>, vector<400x384xf32>,
    %reduce_sum3A_213 = arith.constant dense<0.000000e+00> : vector<384xf32>
    %reduce_sum3A_214 = vector.multi_reduction <add>, %add3A_209, %reduce_sum3A_213 [0] : vector<400x384xf32> to vector<384xf32>
    %broadcast_in_dim3A_215 = vector.shape_cast %reduce_sum3A_214 : vector<384xf32> to vector<1x384xf32>
    %add3A_216 = arith.addf %add3A_192, %broadcast_in_dim3A_215 : vector<1x384xf32>
    %mul3A_217 = arith.mulf %add3A_209, %add3A_209 : vector<400x384xf32>
    %reduce_sum3A_218 = arith.constant dense<0.000000e+00> : vector<384xf32>
    %reduce_sum3A_219 = vector.multi_reduction <add>, %mul3A_217, %reduce_sum3A_218 [0] : vector<400x384xf32> to vector<384xf32>
    %broadcast_in_dim3A_220 = vector.shape_cast %reduce_sum3A_219 : vector<384xf32> to vector<1x384xf32>
    %add3A_221 = arith.addf %add3A_197, %broadcast_in_dim3A_220 : vector<1x384xf32>
    %convert_element_type3A = arith.extui %eq3A_0 : i1 to i32
    %cond3A = arith.constant 0 : i32
    %cond3A_222 = arith.cmpi ne, %convert_element_type3A, %cond3A : i32
    scf.if %cond3A_222 {
      %broadcast_in_dim3A_237 = arith.constant 0.000000e+00 : f32
      %broadcast_in_dim3A_238 = vector.broadcast %broadcast_in_dim3A_237 : f32 to vector<1x384xf32>
      %swap3A_239 = arith.constant 0 : index
      %swap3A_240 = arith.constant 0 : index
      %swap3A_241 = vector.load %arg9[%swap3A_239, %swap3A_240] : memref<1x384xf32, #tpu.memory_space<vmem>>, vector<1x384xf32>
      tpu.vector_store %arg9[%swap3A_239, %swap3A_240], %broadcast_in_dim3A_238 {strides = array<i32>} : memref<1x384xf32, #tpu.memory_space<vmem>>, vector<1x384xf32>,
      %broadcast_in_dim3A_242 = arith.constant 0.000000e+00 : f32
      %broadcast_in_dim3A_243 = vector.broadcast %broadcast_in_dim3A_242 : f32 to vector<1x384xf32>
      %swap3A_244 = arith.constant 0 : index
      %swap3A_245 = arith.constant 0 : index
      %swap3A_246 = vector.load %arg10[%swap3A_244, %swap3A_245] : memref<1x384xf32, #tpu.memory_space<vmem>>, vector<1x384xf32>
      tpu.vector_store %arg10[%swap3A_244, %swap3A_245], %broadcast_in_dim3A_243 {strides = array<i32>} : memref<1x384xf32, #tpu.memory_space<vmem>>, vector<1x384xf32>,
    } else {
    }
    %get3A_223 = arith.constant 0 : index
    %get3A_224 = arith.constant 0 : index
    %get3A_225 = vector.load %arg9[%get3A_223, %get3A_224] : memref<1x384xf32, #tpu.memory_space<vmem>>, vector<1x384xf32>
    %add3A_226 = arith.addf %get3A_225, %add3A_216 : vector<1x384xf32>
    %swap3A_227 = arith.constant 0 : index
    %swap3A_228 = arith.constant 0 : index
    %swap3A_229 = vector.load %arg9[%swap3A_227, %swap3A_228] : memref<1x384xf32, #tpu.memory_space<vmem>>, vector<1x384xf32>
    tpu.vector_store %arg9[%swap3A_227, %swap3A_228], %add3A_226 {strides = array<i32>} : memref<1x384xf32, #tpu.memory_space<vmem>>, vector<1x384xf32>,
    %get3A_230 = arith.constant 0 : index
    %get3A_231 = arith.constant 0 : index
    %get3A_232 = vector.load %arg10[%get3A_230, %get3A_231] : memref<1x384xf32, #tpu.memory_space<vmem>>, vector<1x384xf32>
    %add3A_233 = arith.addf %get3A_232, %add3A_221 : vector<1x384xf32>
    %swap3A_234 = arith.constant 0 : index
    %swap3A_235 = arith.constant 0 : index
    %swap3A_236 = vector.load %arg10[%swap3A_234, %swap3A_235] : memref<1x384xf32, #tpu.memory_space<vmem>>, vector<1x384xf32>
    tpu.vector_store %arg10[%swap3A_234, %swap3A_235], %add3A_233 {strides = array<i32>} : memref<1x384xf32, #tpu.memory_space<vmem>>, vector<1x384xf32>,
    return
  }
  func.func @transform_0(%arg0: i32) -> (i32, i32) {
    %c0_i32 = arith.constant 0 : i32
    %c0_i32_0 = arith.constant 0 : i32
    return %arg0, %c0_i32 : i32, i32
  }
  func.func @transform_1(%arg0: i32) -> (i32, i32) {
    %c0_i32 = arith.constant 0 : i32
    %c0_i32_0 = arith.constant 0 : i32
    %c0_i32_1 = arith.constant 0 : i32
    return %c0_i32, %c0_i32_0 : i32, i32
  }
  func.func @transform_2(%arg0: i32) -> (i32, i32) {
    %c0_i32 = arith.constant 0 : i32
    %c0_i32_0 = arith.constant 0 : i32
    %c0_i32_1 = arith.constant 0 : i32
    return %c0_i32, %c0_i32_0 : i32, i32
  }
  func.func @transform_3(%arg0: i32) -> (i32, i32) {
    %c0_i32 = arith.constant 0 : i32
    %c0_i32_0 = arith.constant 0 : i32
    %c0_i32_1 = arith.constant 0 : i32
    return %c0_i32, %c0_i32_0 : i32, i32
  }
  func.func @transform_4(%arg0: i32) -> (i32, i32) {
    %c0_i32 = arith.constant 0 : i32
    %c0_i32_0 = arith.constant 0 : i32
    %c0_i32_1 = arith.constant 0 : i32
    return %c0_i32, %c0_i32_0 : i32, i32
  }
  func.func @transform_5(%arg0: i32) -> (i32, i32) {
    %c0_i32 = arith.constant 0 : i32
    %c0_i32_0 = arith.constant 0 : i32
    %c0_i32_1 = arith.constant 0 : i32
    return %c0_i32, %c0_i32_0 : i32, i32
  }
  func.func @transform_6(%arg0: i32) -> (i32, i32) {
    %c0_i32 = arith.constant 0 : i32
    %c0_i32_0 = arith.constant 0 : i32
    %c0_i32_1 = arith.constant 0 : i32
    return %c0_i32, %c0_i32_0 : i32, i32
  }
  func.func @transform_7(%arg0: i32) -> (i32, i32) {
    %c0_i32 = arith.constant 0 : i32
    %c0_i32_0 = arith.constant 0 : i32
    return %arg0, %c0_i32 : i32, i32
  }
  func.func @transform_8(%arg0: i32) -> (i32, i32) {
    %c0_i32 = arith.constant 0 : i32
    %c0_i32_0 = arith.constant 0 : i32
    %c0_i32_1 = arith.constant 0 : i32
    return %c0_i32, %c0_i32_0 : i32, i32
  }
  func.func @transform_9(%arg0: i32) -> (i32, i32) {
    %c0_i32 = arith.constant 0 : i32
    %c0_i32_0 = arith.constant 0 : i32
    %c0_i32_1 = arith.constant 0 : i32
    return %c0_i32, %c0_i32_0 : i32, i32
  }
}

module attributes {stable_mosaic.version = 14 : i64} {
  func.func @_k3_body(%arg0: i32, %arg1: memref<400x3072xf32, #tpu.memory_space<vmem>>, %arg2: memref<1x384xf32, #tpu.memory_space<vmem>>, %arg3: memref<1x384xf32, #tpu.memory_space<vmem>>, %arg4: memref<1x384xf32, #tpu.memory_space<vmem>>, %arg5: memref<1x384xf32, #tpu.memory_space<vmem>>, %arg6: memref<400x3072xf32, #tpu.memory_space<vmem>>, %arg7: memref<400x384xf32, #tpu.memory_space<vmem>>) attributes {dimension_semantics = [#tpu.dimension_semantics<arbitrary>], iteration_bounds = array<i64: 25>, scalar_prefetch = 0 : i64, scratch_operands = 0 : i64, tpu.core_type = #tpu.core_type<tc>, window_params = [{transform_indices = @transform_0, window_bounds = array<i64: 400, 3072>}, {pipeline_mode = #tpu.pipeline_mode<synchronous>, transform_indices = @transform_1, window_bounds = array<i64: 1, 384>}, {pipeline_mode = #tpu.pipeline_mode<synchronous>, transform_indices = @transform_2, window_bounds = array<i64: 1, 384>}, {pipeline_mode = #tpu.pipeline_mode<synchronous>, transform_indices = @transform_3, window_bounds = array<i64: 1, 384>}, {pipeline_mode = #tpu.pipeline_mode<synchronous>, transform_indices = @transform_4, window_bounds = array<i64: 1, 384>}, {transform_indices = @transform_5, window_bounds = array<i64: 400, 3072>}, {transform_indices = @transform_6, window_bounds = array<i64: 400, 384>}]} {
    %get3A = arith.constant 0 : index
    %get3A_0 = arith.constant 0 : index
    %get3A_1 = vector.load %arg2[%get3A, %get3A_0] : memref<1x384xf32, #tpu.memory_space<vmem>>, vector<1x384xf32>
    %get3A_2 = arith.constant 0 : index
    %get3A_3 = arith.constant 0 : index
    %get3A_4 = vector.load %arg3[%get3A_2, %get3A_3] : memref<1x384xf32, #tpu.memory_space<vmem>>, vector<1x384xf32>
    %get3A_5 = arith.constant 0 : index
    %get3A_6 = arith.constant 0 : index
    %get3A_7 = vector.load %arg4[%get3A_5, %get3A_6] : memref<1x384xf32, #tpu.memory_space<vmem>>, vector<1x384xf32>
    %get3A_8 = arith.constant 0 : index
    %get3A_9 = arith.constant 0 : index
    %get3A_10 = vector.load %arg5[%get3A_8, %get3A_9] : memref<1x384xf32, #tpu.memory_space<vmem>>, vector<1x384xf32>
    %mul3A = arith.constant 1.250000e-05 : f32
    %mul3A_11 = vector.broadcast %mul3A : f32 to vector<1x384xf32>
    %mul3A_12 = arith.mulf %get3A_1, %mul3A_11 : vector<1x384xf32>
    %mul3A_13 = arith.constant 1.250000e-05 : f32
    %mul3A_14 = vector.broadcast %mul3A_13 : f32 to vector<1x384xf32>
    %mul3A_15 = arith.mulf %get3A_4, %mul3A_14 : vector<1x384xf32>
    %mul3A_16 = arith.mulf %mul3A_12, %mul3A_12 : vector<1x384xf32>
    %sub3A = arith.subf %mul3A_15, %mul3A_16 : vector<1x384xf32>
    %add3A = arith.constant 9.99999974E-6 : f32
    %add3A_17 = vector.broadcast %add3A : f32 to vector<1x384xf32>
    %add3A_18 = arith.addf %sub3A, %add3A_17 : vector<1x384xf32>
    %rsqrt3A = math.rsqrt %add3A_18 : vector<1x384xf32>
    %mul3A_19 = arith.mulf %get3A_7, %rsqrt3A : vector<1x384xf32>
    %mul3A_20 = arith.mulf %mul3A_12, %mul3A_19 : vector<1x384xf32>
    %sub3A_21 = arith.subf %get3A_10, %mul3A_20 : vector<1x384xf32>
    %get3A_22 = arith.constant 0 : index
    %get3A_23 = arith.constant 0 : index
    %get3A_24 = vector.load %arg1[%get3A_22, %get3A_23] : memref<400x3072xf32, #tpu.memory_space<vmem>>, vector<400x3072xf32>
    %broadcast_in_dim3A = arith.constant 0.000000e+00 : f32
    %broadcast_in_dim3A_25 = vector.broadcast %broadcast_in_dim3A : f32 to vector<400x384xf32>
    %slice3A = vector.extract_strided_slice %get3A_24 {offsets = [0, 0], sizes = [400, 384], strides = [1, 1]} : vector<400x3072xf32> to vector<400x384xf32>
    %mul3A_26 = vector.broadcast %mul3A_19 : vector<1x384xf32> to vector<400x384xf32>
    %mul3A_27 = arith.mulf %slice3A, %mul3A_26 : vector<400x384xf32>
    %add3A_28 = vector.broadcast %sub3A_21 : vector<1x384xf32> to vector<400x384xf32>
    %add3A_29 = arith.addf %mul3A_27, %add3A_28 : vector<400x384xf32>
    %max3A = arith.constant 0.000000e+00 : f32
    %max3A_30 = vector.broadcast %max3A : f32 to vector<400x384xf32>
    %max3A_31 = arith.maximumf %add3A_29, %max3A_30 : vector<400x384xf32>
    %swap3A = arith.constant 0 : index
    %swap3A_32 = arith.constant 0 : index
    %swap3A_33 = vector.load %arg6[%swap3A, %swap3A_32] : memref<400x3072xf32, #tpu.memory_space<vmem>>, vector<400x384xf32>
    tpu.vector_store %arg6[%swap3A, %swap3A_32], %max3A_31 {strides = array<i32>} : memref<400x3072xf32, #tpu.memory_space<vmem>>, vector<400x384xf32>,
    %add3A_34 = arith.addf %broadcast_in_dim3A_25, %max3A_31 : vector<400x384xf32>
    %slice3A_35 = vector.extract_strided_slice %get3A_24 {offsets = [0, 384], sizes = [400, 384], strides = [1, 1]} : vector<400x3072xf32> to vector<400x384xf32>
    %mul3A_36 = vector.broadcast %mul3A_19 : vector<1x384xf32> to vector<400x384xf32>
    %mul3A_37 = arith.mulf %slice3A_35, %mul3A_36 : vector<400x384xf32>
    %add3A_38 = vector.broadcast %sub3A_21 : vector<1x384xf32> to vector<400x384xf32>
    %add3A_39 = arith.addf %mul3A_37, %add3A_38 : vector<400x384xf32>
    %max3A_40 = arith.constant 0.000000e+00 : f32
    %max3A_41 = vector.broadcast %max3A_40 : f32 to vector<400x384xf32>
    %max3A_42 = arith.maximumf %add3A_39, %max3A_41 : vector<400x384xf32>
    %swap3A_43 = arith.constant 0 : index
    %swap3A_44 = arith.constant 384 : index
    %swap3A_45 = vector.load %arg6[%swap3A_43, %swap3A_44] : memref<400x3072xf32, #tpu.memory_space<vmem>>, vector<400x384xf32>
    tpu.vector_store %arg6[%swap3A_43, %swap3A_44], %max3A_42 {strides = array<i32>} : memref<400x3072xf32, #tpu.memory_space<vmem>>, vector<400x384xf32>,
    %add3A_46 = arith.addf %add3A_34, %max3A_42 : vector<400x384xf32>
    %slice3A_47 = vector.extract_strided_slice %get3A_24 {offsets = [0, 768], sizes = [400, 384], strides = [1, 1]} : vector<400x3072xf32> to vector<400x384xf32>
    %mul3A_48 = vector.broadcast %mul3A_19 : vector<1x384xf32> to vector<400x384xf32>
    %mul3A_49 = arith.mulf %slice3A_47, %mul3A_48 : vector<400x384xf32>
    %add3A_50 = vector.broadcast %sub3A_21 : vector<1x384xf32> to vector<400x384xf32>
    %add3A_51 = arith.addf %mul3A_49, %add3A_50 : vector<400x384xf32>
    %max3A_52 = arith.constant 0.000000e+00 : f32
    %max3A_53 = vector.broadcast %max3A_52 : f32 to vector<400x384xf32>
    %max3A_54 = arith.maximumf %add3A_51, %max3A_53 : vector<400x384xf32>
    %swap3A_55 = arith.constant 0 : index
    %swap3A_56 = arith.constant 768 : index
    %swap3A_57 = vector.load %arg6[%swap3A_55, %swap3A_56] : memref<400x3072xf32, #tpu.memory_space<vmem>>, vector<400x384xf32>
    tpu.vector_store %arg6[%swap3A_55, %swap3A_56], %max3A_54 {strides = array<i32>} : memref<400x3072xf32, #tpu.memory_space<vmem>>, vector<400x384xf32>,
    %add3A_58 = arith.addf %add3A_46, %max3A_54 : vector<400x384xf32>
    %slice3A_59 = vector.extract_strided_slice %get3A_24 {offsets = [0, 1152], sizes = [400, 384], strides = [1, 1]} : vector<400x3072xf32> to vector<400x384xf32>
    %mul3A_60 = vector.broadcast %mul3A_19 : vector<1x384xf32> to vector<400x384xf32>
    %mul3A_61 = arith.mulf %slice3A_59, %mul3A_60 : vector<400x384xf32>
    %add3A_62 = vector.broadcast %sub3A_21 : vector<1x384xf32> to vector<400x384xf32>
    %add3A_63 = arith.addf %mul3A_61, %add3A_62 : vector<400x384xf32>
    %max3A_64 = arith.constant 0.000000e+00 : f32
    %max3A_65 = vector.broadcast %max3A_64 : f32 to vector<400x384xf32>
    %max3A_66 = arith.maximumf %add3A_63, %max3A_65 : vector<400x384xf32>
    %swap3A_67 = arith.constant 0 : index
    %swap3A_68 = arith.constant 1152 : index
    %swap3A_69 = vector.load %arg6[%swap3A_67, %swap3A_68] : memref<400x3072xf32, #tpu.memory_space<vmem>>, vector<400x384xf32>
    tpu.vector_store %arg6[%swap3A_67, %swap3A_68], %max3A_66 {strides = array<i32>} : memref<400x3072xf32, #tpu.memory_space<vmem>>, vector<400x384xf32>,
    %add3A_70 = arith.addf %add3A_58, %max3A_66 : vector<400x384xf32>
    %slice3A_71 = vector.extract_strided_slice %get3A_24 {offsets = [0, 1536], sizes = [400, 384], strides = [1, 1]} : vector<400x3072xf32> to vector<400x384xf32>
    %mul3A_72 = vector.broadcast %mul3A_19 : vector<1x384xf32> to vector<400x384xf32>
    %mul3A_73 = arith.mulf %slice3A_71, %mul3A_72 : vector<400x384xf32>
    %add3A_74 = vector.broadcast %sub3A_21 : vector<1x384xf32> to vector<400x384xf32>
    %add3A_75 = arith.addf %mul3A_73, %add3A_74 : vector<400x384xf32>
    %max3A_76 = arith.constant 0.000000e+00 : f32
    %max3A_77 = vector.broadcast %max3A_76 : f32 to vector<400x384xf32>
    %max3A_78 = arith.maximumf %add3A_75, %max3A_77 : vector<400x384xf32>
    %swap3A_79 = arith.constant 0 : index
    %swap3A_80 = arith.constant 1536 : index
    %swap3A_81 = vector.load %arg6[%swap3A_79, %swap3A_80] : memref<400x3072xf32, #tpu.memory_space<vmem>>, vector<400x384xf32>
    tpu.vector_store %arg6[%swap3A_79, %swap3A_80], %max3A_78 {strides = array<i32>} : memref<400x3072xf32, #tpu.memory_space<vmem>>, vector<400x384xf32>,
    %add3A_82 = arith.addf %add3A_70, %max3A_78 : vector<400x384xf32>
    %slice3A_83 = vector.extract_strided_slice %get3A_24 {offsets = [0, 1920], sizes = [400, 384], strides = [1, 1]} : vector<400x3072xf32> to vector<400x384xf32>
    %mul3A_84 = vector.broadcast %mul3A_19 : vector<1x384xf32> to vector<400x384xf32>
    %mul3A_85 = arith.mulf %slice3A_83, %mul3A_84 : vector<400x384xf32>
    %add3A_86 = vector.broadcast %sub3A_21 : vector<1x384xf32> to vector<400x384xf32>
    %add3A_87 = arith.addf %mul3A_85, %add3A_86 : vector<400x384xf32>
    %max3A_88 = arith.constant 0.000000e+00 : f32
    %max3A_89 = vector.broadcast %max3A_88 : f32 to vector<400x384xf32>
    %max3A_90 = arith.maximumf %add3A_87, %max3A_89 : vector<400x384xf32>
    %swap3A_91 = arith.constant 0 : index
    %swap3A_92 = arith.constant 1920 : index
    %swap3A_93 = vector.load %arg6[%swap3A_91, %swap3A_92] : memref<400x3072xf32, #tpu.memory_space<vmem>>, vector<400x384xf32>
    tpu.vector_store %arg6[%swap3A_91, %swap3A_92], %max3A_90 {strides = array<i32>} : memref<400x3072xf32, #tpu.memory_space<vmem>>, vector<400x384xf32>,
    %add3A_94 = arith.addf %add3A_82, %max3A_90 : vector<400x384xf32>
    %slice3A_95 = vector.extract_strided_slice %get3A_24 {offsets = [0, 2304], sizes = [400, 384], strides = [1, 1]} : vector<400x3072xf32> to vector<400x384xf32>
    %mul3A_96 = vector.broadcast %mul3A_19 : vector<1x384xf32> to vector<400x384xf32>
    %mul3A_97 = arith.mulf %slice3A_95, %mul3A_96 : vector<400x384xf32>
    %add3A_98 = vector.broadcast %sub3A_21 : vector<1x384xf32> to vector<400x384xf32>
    %add3A_99 = arith.addf %mul3A_97, %add3A_98 : vector<400x384xf32>
    %max3A_100 = arith.constant 0.000000e+00 : f32
    %max3A_101 = vector.broadcast %max3A_100 : f32 to vector<400x384xf32>
    %max3A_102 = arith.maximumf %add3A_99, %max3A_101 : vector<400x384xf32>
    %swap3A_103 = arith.constant 0 : index
    %swap3A_104 = arith.constant 2304 : index
    %swap3A_105 = vector.load %arg6[%swap3A_103, %swap3A_104] : memref<400x3072xf32, #tpu.memory_space<vmem>>, vector<400x384xf32>
    tpu.vector_store %arg6[%swap3A_103, %swap3A_104], %max3A_102 {strides = array<i32>} : memref<400x3072xf32, #tpu.memory_space<vmem>>, vector<400x384xf32>,
    %add3A_106 = arith.addf %add3A_94, %max3A_102 : vector<400x384xf32>
    %slice3A_107 = vector.extract_strided_slice %get3A_24 {offsets = [0, 2688], sizes = [400, 384], strides = [1, 1]} : vector<400x3072xf32> to vector<400x384xf32>
    %mul3A_108 = vector.broadcast %mul3A_19 : vector<1x384xf32> to vector<400x384xf32>
    %mul3A_109 = arith.mulf %slice3A_107, %mul3A_108 : vector<400x384xf32>
    %add3A_110 = vector.broadcast %sub3A_21 : vector<1x384xf32> to vector<400x384xf32>
    %add3A_111 = arith.addf %mul3A_109, %add3A_110 : vector<400x384xf32>
    %max3A_112 = arith.constant 0.000000e+00 : f32
    %max3A_113 = vector.broadcast %max3A_112 : f32 to vector<400x384xf32>
    %max3A_114 = arith.maximumf %add3A_111, %max3A_113 : vector<400x384xf32>
    %swap3A_115 = arith.constant 0 : index
    %swap3A_116 = arith.constant 2688 : index
    %swap3A_117 = vector.load %arg6[%swap3A_115, %swap3A_116] : memref<400x3072xf32, #tpu.memory_space<vmem>>, vector<400x384xf32>
    tpu.vector_store %arg6[%swap3A_115, %swap3A_116], %max3A_114 {strides = array<i32>} : memref<400x3072xf32, #tpu.memory_space<vmem>>, vector<400x384xf32>,
    %add3A_118 = arith.addf %add3A_106, %max3A_114 : vector<400x384xf32>
    %mul3A_119 = arith.constant 1.250000e-01 : f32
    %mul3A_120 = vector.broadcast %mul3A_119 : f32 to vector<400x384xf32>
    %mul3A_121 = arith.mulf %add3A_118, %mul3A_120 : vector<400x384xf32>
    %swap3A_122 = arith.constant 0 : index
    %swap3A_123 = arith.constant 0 : index
    %swap3A_124 = vector.load %arg7[%swap3A_122, %swap3A_123] : memref<400x384xf32, #tpu.memory_space<vmem>>, vector<400x384xf32>
    tpu.vector_store %arg7[%swap3A_122, %swap3A_123], %mul3A_121 {strides = array<i32>} : memref<400x384xf32, #tpu.memory_space<vmem>>, vector<400x384xf32>,
    return
  }
  func.func @transform_0(%arg0: i32) -> (i32, i32) {
    %c0_i32 = arith.constant 0 : i32
    %c0_i32_0 = arith.constant 0 : i32
    return %arg0, %c0_i32 : i32, i32
  }
  func.func @transform_1(%arg0: i32) -> (i32, i32) {
    %c0_i32 = arith.constant 0 : i32
    %c0_i32_0 = arith.constant 0 : i32
    %c0_i32_1 = arith.constant 0 : i32
    return %c0_i32, %c0_i32_0 : i32, i32
  }
  func.func @transform_2(%arg0: i32) -> (i32, i32) {
    %c0_i32 = arith.constant 0 : i32
    %c0_i32_0 = arith.constant 0 : i32
    %c0_i32_1 = arith.constant 0 : i32
    return %c0_i32, %c0_i32_0 : i32, i32
  }
  func.func @transform_3(%arg0: i32) -> (i32, i32) {
    %c0_i32 = arith.constant 0 : i32
    %c0_i32_0 = arith.constant 0 : i32
    %c0_i32_1 = arith.constant 0 : i32
    return %c0_i32, %c0_i32_0 : i32, i32
  }
  func.func @transform_4(%arg0: i32) -> (i32, i32) {
    %c0_i32 = arith.constant 0 : i32
    %c0_i32_0 = arith.constant 0 : i32
    %c0_i32_1 = arith.constant 0 : i32
    return %c0_i32, %c0_i32_0 : i32, i32
  }
  func.func @transform_5(%arg0: i32) -> (i32, i32) {
    %c0_i32 = arith.constant 0 : i32
    %c0_i32_0 = arith.constant 0 : i32
    return %arg0, %c0_i32 : i32, i32
  }
  func.func @transform_6(%arg0: i32) -> (i32, i32) {
    %c0_i32 = arith.constant 0 : i32
    %c0_i32_0 = arith.constant 0 : i32
    return %arg0, %c0_i32 : i32, i32
  }
}

module attributes {stable_mosaic.version = 14 : i64} {
  func.func @_k4a_body(%arg0: i32, %arg1: memref<400x1xi32, #tpu.memory_space<vmem>>, %arg2: memref<400x384xf32, #tpu.memory_space<vmem>>, %arg3: memref<400x384xf32, #tpu.memory_space<vmem>>, %arg4: memref<400x384xf32, #tpu.memory_space<vmem>>, %arg5: memref<400x384xf32, #tpu.memory_space<vmem>>, %arg6: memref<400x384xf32, #tpu.memory_space<vmem>>, %arg7: memref<5x64x384xf32, #tpu.memory_space<vmem>>, %arg8: memref<64x1xf32, #tpu.memory_space<vmem>>) attributes {dimension_semantics = [#tpu.dimension_semantics<arbitrary>], iteration_bounds = array<i64: 25>, scalar_prefetch = 0 : i64, scratch_operands = 0 : i64, tpu.core_type = #tpu.core_type<tc>, window_params = [{transform_indices = @transform_0, window_bounds = array<i64: 400, 1>}, {transform_indices = @transform_1, window_bounds = array<i64: 400, 384>}, {transform_indices = @transform_2, window_bounds = array<i64: 400, 384>}, {transform_indices = @transform_3, window_bounds = array<i64: 400, 384>}, {transform_indices = @transform_4, window_bounds = array<i64: 400, 384>}, {transform_indices = @transform_5, window_bounds = array<i64: 400, 384>}, {pipeline_mode = #tpu.pipeline_mode<synchronous>, transform_indices = @transform_6, window_bounds = array<i64: 5, 64, 384>}, {pipeline_mode = #tpu.pipeline_mode<synchronous>, transform_indices = @transform_7, window_bounds = array<i64: 64, 1>}]} {
    %eq3A = arith.constant 0 : i32
    %eq3A_0 = arith.cmpi eq, %arg0, %eq3A : i32
    %iota3A = tpu.iota {dimensions = array<i32: 1>} : vector<1x64xi32>
    %get3A = arith.constant 0 : index
    %get3A_1 = arith.constant 0 : index
    %get3A_2 = vector.load %arg1[%get3A, %get3A_1] : memref<400x1xi32, #tpu.memory_space<vmem>>, vector<400x1xi32>
    %eq3A_3 = vector.broadcast %get3A_2 : vector<400x1xi32> to vector<400x64xi32>
    %eq3A_4 = vector.broadcast %iota3A : vector<1x64xi32> to vector<400x64xi32>
    %eq3A_5 = arith.cmpi eq, %eq3A_3, %eq3A_4 : vector<400x64xi32>
    %convert_element_type3A = arith.extui %eq3A_5 : vector<400x64xi1> to vector<400x64xi32>
    %convert_element_type3A_6 = arith.sitofp %convert_element_type3A : vector<400x64xi32> to vector<400x64xf32>
    %convert_element_type3A_7 = arith.extui %eq3A_0 : i1 to i32
    %cond3A = arith.constant 0 : i32
    %cond3A_8 = arith.cmpi ne, %convert_element_type3A_7, %cond3A : i32
    scf.if %cond3A_8 {
      %broadcast_in_dim3A_99 = arith.constant 0.000000e+00 : f32
      %broadcast_in_dim3A_100 = vector.broadcast %broadcast_in_dim3A_99 : f32 to vector<5x64x384xf32>
      %swap3A_101 = arith.constant 0 : index
      %swap3A_102 = arith.constant 0 : index
      %swap3A_103 = arith.constant 0 : index
      %swap3A_104 = vector.load %arg7[%swap3A_101, %swap3A_102, %swap3A_103] : memref<5x64x384xf32, #tpu.memory_space<vmem>>, vector<5x64x384xf32>
      tpu.vector_store %arg7[%swap3A_101, %swap3A_102, %swap3A_103], %broadcast_in_dim3A_100 {strides = array<i32>} : memref<5x64x384xf32, #tpu.memory_space<vmem>>, vector<5x64x384xf32>,
      %broadcast_in_dim3A_105 = arith.constant 0.000000e+00 : f32
      %broadcast_in_dim3A_106 = vector.broadcast %broadcast_in_dim3A_105 : f32 to vector<64x1xf32>
      %swap3A_107 = arith.constant 0 : index
      %swap3A_108 = arith.constant 0 : index
      %swap3A_109 = vector.load %arg8[%swap3A_107, %swap3A_108] : memref<64x1xf32, #tpu.memory_space<vmem>>, vector<64x1xf32>
      tpu.vector_store %arg8[%swap3A_107, %swap3A_108], %broadcast_in_dim3A_106 {strides = array<i32>} : memref<64x1xf32, #tpu.memory_space<vmem>>, vector<64x1xf32>,
    } else {
    }
    %get3A_9 = arith.constant 0 : index
    %get3A_10 = arith.constant 0 : index
    %get3A_11 = vector.load %arg8[%get3A_9, %get3A_10] : memref<64x1xf32, #tpu.memory_space<vmem>>, vector<64x1xf32>
    %reduce_sum3A = arith.constant dense<0.000000e+00> : vector<64xf32>
    %reduce_sum3A_12 = vector.multi_reduction <add>, %convert_element_type3A_6, %reduce_sum3A [0] : vector<400x64xf32> to vector<64xf32>
    %broadcast_in_dim3A = vector.shape_cast %reduce_sum3A_12 : vector<64xf32> to vector<64x1xf32>
    %add3A = arith.addf %get3A_11, %broadcast_in_dim3A : vector<64x1xf32>
    %swap3A = arith.constant 0 : index
    %swap3A_13 = arith.constant 0 : index
    %swap3A_14 = vector.load %arg8[%swap3A, %swap3A_13] : memref<64x1xf32, #tpu.memory_space<vmem>>, vector<64x1xf32>
    tpu.vector_store %arg8[%swap3A, %swap3A_13], %add3A {strides = array<i32>} : memref<64x1xf32, #tpu.memory_space<vmem>>, vector<64x1xf32>,
    %get3A_15 = arith.constant 0 : index
    %get3A_16 = arith.constant 0 : index
    %get3A_17 = arith.constant 0 : index
    %get3A_18 = vector.load %arg7[%get3A_15, %get3A_16, %get3A_17] : memref<5x64x384xf32, #tpu.memory_space<vmem>>, vector<1x64x384xf32>
    %get3A_19 = vector.shape_cast %get3A_18 : vector<1x64x384xf32> to vector<64x384xf32>
    %get3A_20 = arith.constant 0 : index
    %get3A_21 = arith.constant 0 : index
    %get3A_22 = vector.load %arg2[%get3A_20, %get3A_21] : memref<400x384xf32, #tpu.memory_space<vmem>>, vector<400x384xf32>
    %dot_general3A = arith.constant dense<0.000000e+00> : vector<64x384xf32>
    %dot_general3A_23 = tpu.matmul %convert_element_type3A_6, %get3A_22, %dot_general3A {dimension_numbers = #tpu.dot_dimension_numbers<[0], [0], [1], [1], [0, 1, 1, 1], [], []>, transpose_lhs_hint = false} : vector<400x64xf32>, vector<400x384xf32>, vector<64x384xf32> -> vector<64x384xf32>
    %add3A_24 = arith.addf %get3A_19, %dot_general3A_23 : vector<64x384xf32>
    %swap3A_25 = arith.constant 0 : index
    %swap3A_26 = arith.constant 0 : index
    %swap3A_27 = arith.constant 0 : index
    %swap3A_28 = vector.load %arg7[%swap3A_25, %swap3A_26, %swap3A_27] : memref<5x64x384xf32, #tpu.memory_space<vmem>>, vector<1x64x384xf32>
    %swap3A_29 = vector.shape_cast %swap3A_28 : vector<1x64x384xf32> to vector<64x384xf32>
    %swap3A_30 = vector.shape_cast %add3A_24 : vector<64x384xf32> to vector<1x64x384xf32>
    tpu.vector_store %arg7[%swap3A_25, %swap3A_26, %swap3A_27], %swap3A_30 {strides = array<i32>} : memref<5x64x384xf32, #tpu.memory_space<vmem>>, vector<1x64x384xf32>,
    %get3A_31 = arith.constant 1 : index
    %get3A_32 = arith.constant 0 : index
    %get3A_33 = arith.constant 0 : index
    %get3A_34 = vector.load %arg7[%get3A_31, %get3A_32, %get3A_33] : memref<5x64x384xf32, #tpu.memory_space<vmem>>, vector<1x64x384xf32>
    %get3A_35 = vector.shape_cast %get3A_34 : vector<1x64x384xf32> to vector<64x384xf32>
    %get3A_36 = arith.constant 0 : index
    %get3A_37 = arith.constant 0 : index
    %get3A_38 = vector.load %arg3[%get3A_36, %get3A_37] : memref<400x384xf32, #tpu.memory_space<vmem>>, vector<400x384xf32>
    %dot_general3A_39 = arith.constant dense<0.000000e+00> : vector<64x384xf32>
    %dot_general3A_40 = tpu.matmul %convert_element_type3A_6, %get3A_38, %dot_general3A_39 {dimension_numbers = #tpu.dot_dimension_numbers<[0], [0], [1], [1], [0, 1, 1, 1], [], []>, transpose_lhs_hint = false} : vector<400x64xf32>, vector<400x384xf32>, vector<64x384xf32> -> vector<64x384xf32>
    %add3A_41 = arith.addf %get3A_35, %dot_general3A_40 : vector<64x384xf32>
    %swap3A_42 = arith.constant 1 : index
    %swap3A_43 = arith.constant 0 : index
    %swap3A_44 = arith.constant 0 : index
    %swap3A_45 = vector.load %arg7[%swap3A_42, %swap3A_43, %swap3A_44] : memref<5x64x384xf32, #tpu.memory_space<vmem>>, vector<1x64x384xf32>
    %swap3A_46 = vector.shape_cast %swap3A_45 : vector<1x64x384xf32> to vector<64x384xf32>
    %swap3A_47 = vector.shape_cast %add3A_41 : vector<64x384xf32> to vector<1x64x384xf32>
    tpu.vector_store %arg7[%swap3A_42, %swap3A_43, %swap3A_44], %swap3A_47 {strides = array<i32>} : memref<5x64x384xf32, #tpu.memory_space<vmem>>, vector<1x64x384xf32>,
    %get3A_48 = arith.constant 2 : index
    %get3A_49 = arith.constant 0 : index
    %get3A_50 = arith.constant 0 : index
    %get3A_51 = vector.load %arg7[%get3A_48, %get3A_49, %get3A_50] : memref<5x64x384xf32, #tpu.memory_space<vmem>>, vector<1x64x384xf32>
    %get3A_52 = vector.shape_cast %get3A_51 : vector<1x64x384xf32> to vector<64x384xf32>
    %get3A_53 = arith.constant 0 : index
    %get3A_54 = arith.constant 0 : index
    %get3A_55 = vector.load %arg4[%get3A_53, %get3A_54] : memref<400x384xf32, #tpu.memory_space<vmem>>, vector<400x384xf32>
    %dot_general3A_56 = arith.constant dense<0.000000e+00> : vector<64x384xf32>
    %dot_general3A_57 = tpu.matmul %convert_element_type3A_6, %get3A_55, %dot_general3A_56 {dimension_numbers = #tpu.dot_dimension_numbers<[0], [0], [1], [1], [0, 1, 1, 1], [], []>, transpose_lhs_hint = false} : vector<400x64xf32>, vector<400x384xf32>, vector<64x384xf32> -> vector<64x384xf32>
    %add3A_58 = arith.addf %get3A_52, %dot_general3A_57 : vector<64x384xf32>
    %swap3A_59 = arith.constant 2 : index
    %swap3A_60 = arith.constant 0 : index
    %swap3A_61 = arith.constant 0 : index
    %swap3A_62 = vector.load %arg7[%swap3A_59, %swap3A_60, %swap3A_61] : memref<5x64x384xf32, #tpu.memory_space<vmem>>, vector<1x64x384xf32>
    %swap3A_63 = vector.shape_cast %swap3A_62 : vector<1x64x384xf32> to vector<64x384xf32>
    %swap3A_64 = vector.shape_cast %add3A_58 : vector<64x384xf32> to vector<1x64x384xf32>
    tpu.vector_store %arg7[%swap3A_59, %swap3A_60, %swap3A_61], %swap3A_64 {strides = array<i32>} : memref<5x64x384xf32, #tpu.memory_space<vmem>>, vector<1x64x384xf32>,
    %get3A_65 = arith.constant 3 : index
    %get3A_66 = arith.constant 0 : index
    %get3A_67 = arith.constant 0 : index
    %get3A_68 = vector.load %arg7[%get3A_65, %get3A_66, %get3A_67] : memref<5x64x384xf32, #tpu.memory_space<vmem>>, vector<1x64x384xf32>
    %get3A_69 = vector.shape_cast %get3A_68 : vector<1x64x384xf32> to vector<64x384xf32>
    %get3A_70 = arith.constant 0 : index
    %get3A_71 = arith.constant 0 : index
    %get3A_72 = vector.load %arg5[%get3A_70, %get3A_71] : memref<400x384xf32, #tpu.memory_space<vmem>>, vector<400x384xf32>
    %dot_general3A_73 = arith.constant dense<0.000000e+00> : vector<64x384xf32>
    %dot_general3A_74 = tpu.matmul %convert_element_type3A_6, %get3A_72, %dot_general3A_73 {dimension_numbers = #tpu.dot_dimension_numbers<[0], [0], [1], [1], [0, 1, 1, 1], [], []>, transpose_lhs_hint = false} : vector<400x64xf32>, vector<400x384xf32>, vector<64x384xf32> -> vector<64x384xf32>
    %add3A_75 = arith.addf %get3A_69, %dot_general3A_74 : vector<64x384xf32>
    %swap3A_76 = arith.constant 3 : index
    %swap3A_77 = arith.constant 0 : index
    %swap3A_78 = arith.constant 0 : index
    %swap3A_79 = vector.load %arg7[%swap3A_76, %swap3A_77, %swap3A_78] : memref<5x64x384xf32, #tpu.memory_space<vmem>>, vector<1x64x384xf32>
    %swap3A_80 = vector.shape_cast %swap3A_79 : vector<1x64x384xf32> to vector<64x384xf32>
    %swap3A_81 = vector.shape_cast %add3A_75 : vector<64x384xf32> to vector<1x64x384xf32>
    tpu.vector_store %arg7[%swap3A_76, %swap3A_77, %swap3A_78], %swap3A_81 {strides = array<i32>} : memref<5x64x384xf32, #tpu.memory_space<vmem>>, vector<1x64x384xf32>,
    %get3A_82 = arith.constant 4 : index
    %get3A_83 = arith.constant 0 : index
    %get3A_84 = arith.constant 0 : index
    %get3A_85 = vector.load %arg7[%get3A_82, %get3A_83, %get3A_84] : memref<5x64x384xf32, #tpu.memory_space<vmem>>, vector<1x64x384xf32>
    %get3A_86 = vector.shape_cast %get3A_85 : vector<1x64x384xf32> to vector<64x384xf32>
    %get3A_87 = arith.constant 0 : index
    %get3A_88 = arith.constant 0 : index
    %get3A_89 = vector.load %arg6[%get3A_87, %get3A_88] : memref<400x384xf32, #tpu.memory_space<vmem>>, vector<400x384xf32>
    %dot_general3A_90 = arith.constant dense<0.000000e+00> : vector<64x384xf32>
    %dot_general3A_91 = tpu.matmul %convert_element_type3A_6, %get3A_89, %dot_general3A_90 {dimension_numbers = #tpu.dot_dimension_numbers<[0], [0], [1], [1], [0, 1, 1, 1], [], []>, transpose_lhs_hint = false} : vector<400x64xf32>, vector<400x384xf32>, vector<64x384xf32> -> vector<64x384xf32>
    %add3A_92 = arith.addf %get3A_86, %dot_general3A_91 : vector<64x384xf32>
    %swap3A_93 = arith.constant 4 : index
    %swap3A_94 = arith.constant 0 : index
    %swap3A_95 = arith.constant 0 : index
    %swap3A_96 = vector.load %arg7[%swap3A_93, %swap3A_94, %swap3A_95] : memref<5x64x384xf32, #tpu.memory_space<vmem>>, vector<1x64x384xf32>
    %swap3A_97 = vector.shape_cast %swap3A_96 : vector<1x64x384xf32> to vector<64x384xf32>
    %swap3A_98 = vector.shape_cast %add3A_92 : vector<64x384xf32> to vector<1x64x384xf32>
    tpu.vector_store %arg7[%swap3A_93, %swap3A_94, %swap3A_95], %swap3A_98 {strides = array<i32>} : memref<5x64x384xf32, #tpu.memory_space<vmem>>, vector<1x64x384xf32>,
    return
  }
  func.func @transform_0(%arg0: i32) -> (i32, i32) {
    %c0_i32 = arith.constant 0 : i32
    %c0_i32_0 = arith.constant 0 : i32
    return %arg0, %c0_i32 : i32, i32
  }
  func.func @transform_1(%arg0: i32) -> (i32, i32) {
    %c0_i32 = arith.constant 0 : i32
    %c0_i32_0 = arith.constant 0 : i32
    return %arg0, %c0_i32 : i32, i32
  }
  func.func @transform_2(%arg0: i32) -> (i32, i32) {
    %c0_i32 = arith.constant 0 : i32
    %c0_i32_0 = arith.constant 0 : i32
    return %arg0, %c0_i32 : i32, i32
  }
  func.func @transform_3(%arg0: i32) -> (i32, i32) {
    %c0_i32 = arith.constant 0 : i32
    %c0_i32_0 = arith.constant 0 : i32
    return %arg0, %c0_i32 : i32, i32
  }
  func.func @transform_4(%arg0: i32) -> (i32, i32) {
    %c0_i32 = arith.constant 0 : i32
    %c0_i32_0 = arith.constant 0 : i32
    return %arg0, %c0_i32 : i32, i32
  }
  func.func @transform_5(%arg0: i32) -> (i32, i32) {
    %c0_i32 = arith.constant 0 : i32
    %c0_i32_0 = arith.constant 0 : i32
    return %arg0, %c0_i32 : i32, i32
  }
  func.func @transform_6(%arg0: i32) -> (i32, i32, i32) {
    %c0_i32 = arith.constant 0 : i32
    %c0_i32_0 = arith.constant 0 : i32
    %c0_i32_1 = arith.constant 0 : i32
    %c0_i32_2 = arith.constant 0 : i32
    return %c0_i32, %c0_i32_0, %c0_i32_1 : i32, i32, i32
  }
  func.func @transform_7(%arg0: i32) -> (i32, i32) {
    %c0_i32 = arith.constant 0 : i32
    %c0_i32_0 = arith.constant 0 : i32
    %c0_i32_1 = arith.constant 0 : i32
    return %c0_i32, %c0_i32_0 : i32, i32
  }
}

module attributes {stable_mosaic.version = 14 : i64} {
  func.func @_k4b_body(%arg0: memref<5x64x384xf32, #tpu.memory_space<vmem>>, %arg1: memref<64x1xf32, #tpu.memory_space<vmem>>, %arg2: memref<5x384x128xf32, #tpu.memory_space<vmem>>, %arg3: memref<1x128xf32, #tpu.memory_space<vmem>>, %arg4: memref<64x128xf32, #tpu.memory_space<vmem>>) attributes {dimension_semantics = [], scalar_prefetch = 0 : i64, scratch_operands = 0 : i64, tpu.core_type = #tpu.core_type<tc>} {
    %get3A = arith.constant 0 : index
    %get3A_0 = arith.constant 0 : index
    %get3A_1 = vector.load %arg1[%get3A, %get3A_0] : memref<64x1xf32, #tpu.memory_space<vmem>>, vector<64x1xf32>
    %max3A = arith.constant 1.000000e+00 : f32
    %max3A_2 = vector.broadcast %max3A : f32 to vector<64x1xf32>
    %max3A_3 = arith.maximumf %get3A_1, %max3A_2 : vector<64x1xf32>
    %div3A = arith.constant 1.000000e+00 : f32
    %div3A_4 = vector.broadcast %div3A : f32 to vector<64x1xf32>
    %div3A_5 = arith.divf %div3A_4, %max3A_3 : vector<64x1xf32>
    %get3A_6 = arith.constant 0 : index
    %get3A_7 = arith.constant 0 : index
    %get3A_8 = vector.load %arg3[%get3A_6, %get3A_7] : memref<1x128xf32, #tpu.memory_space<vmem>>, vector<1x128xf32>
    %broadcast_in_dim3A = vector.shape_cast %get3A_8 : vector<1x128xf32> to vector<1x128xf32>
    %broadcast_in_dim3A_9 = vector.broadcast %broadcast_in_dim3A : vector<1x128xf32> to vector<64x128xf32>
    %get3A_10 = arith.constant 0 : index
    %get3A_11 = arith.constant 0 : index
    %get3A_12 = arith.constant 0 : index
    %get3A_13 = vector.load %arg0[%get3A_10, %get3A_11, %get3A_12] : memref<5x64x384xf32, #tpu.memory_space<vmem>>, vector<1x64x384xf32>
    %get3A_14 = vector.shape_cast %get3A_13 : vector<1x64x384xf32> to vector<64x384xf32>
    %mul3A = vector.broadcast %div3A_5 : vector<64x1xf32> to vector<64x384xf32>
    %mul3A_15 = arith.mulf %get3A_14, %mul3A : vector<64x384xf32>
    %get3A_16 = arith.constant 0 : index
    %get3A_17 = arith.constant 0 : index
    %get3A_18 = arith.constant 0 : index
    %get3A_19 = vector.load %arg2[%get3A_16, %get3A_17, %get3A_18] : memref<5x384x128xf32, #tpu.memory_space<vmem>>, vector<1x384x128xf32>
    %get3A_20 = vector.shape_cast %get3A_19 : vector<1x384x128xf32> to vector<384x128xf32>
    %dot_general3A = arith.constant dense<0.000000e+00> : vector<64x128xf32>
    %dot_general3A_21 = tpu.matmul %mul3A_15, %get3A_20, %dot_general3A {dimension_numbers = #tpu.dot_dimension_numbers<[1], [0], [0], [1], [0, 0, 1, 1], [], []>, transpose_lhs_hint = false} : vector<64x384xf32>, vector<384x128xf32>, vector<64x128xf32> -> vector<64x128xf32>
    %add3A = arith.addf %broadcast_in_dim3A_9, %dot_general3A_21 : vector<64x128xf32>
    %get3A_22 = arith.constant 1 : index
    %get3A_23 = arith.constant 0 : index
    %get3A_24 = arith.constant 0 : index
    %get3A_25 = vector.load %arg0[%get3A_22, %get3A_23, %get3A_24] : memref<5x64x384xf32, #tpu.memory_space<vmem>>, vector<1x64x384xf32>
    %get3A_26 = vector.shape_cast %get3A_25 : vector<1x64x384xf32> to vector<64x384xf32>
    %mul3A_27 = vector.broadcast %div3A_5 : vector<64x1xf32> to vector<64x384xf32>
    %mul3A_28 = arith.mulf %get3A_26, %mul3A_27 : vector<64x384xf32>
    %get3A_29 = arith.constant 1 : index
    %get3A_30 = arith.constant 0 : index
    %get3A_31 = arith.constant 0 : index
    %get3A_32 = vector.load %arg2[%get3A_29, %get3A_30, %get3A_31] : memref<5x384x128xf32, #tpu.memory_space<vmem>>, vector<1x384x128xf32>
    %get3A_33 = vector.shape_cast %get3A_32 : vector<1x384x128xf32> to vector<384x128xf32>
    %dot_general3A_34 = arith.constant dense<0.000000e+00> : vector<64x128xf32>
    %dot_general3A_35 = tpu.matmul %mul3A_28, %get3A_33, %dot_general3A_34 {dimension_numbers = #tpu.dot_dimension_numbers<[1], [0], [0], [1], [0, 0, 1, 1], [], []>, transpose_lhs_hint = false} : vector<64x384xf32>, vector<384x128xf32>, vector<64x128xf32> -> vector<64x128xf32>
    %add3A_36 = arith.addf %add3A, %dot_general3A_35 : vector<64x128xf32>
    %get3A_37 = arith.constant 2 : index
    %get3A_38 = arith.constant 0 : index
    %get3A_39 = arith.constant 0 : index
    %get3A_40 = vector.load %arg0[%get3A_37, %get3A_38, %get3A_39] : memref<5x64x384xf32, #tpu.memory_space<vmem>>, vector<1x64x384xf32>
    %get3A_41 = vector.shape_cast %get3A_40 : vector<1x64x384xf32> to vector<64x384xf32>
    %mul3A_42 = vector.broadcast %div3A_5 : vector<64x1xf32> to vector<64x384xf32>
    %mul3A_43 = arith.mulf %get3A_41, %mul3A_42 : vector<64x384xf32>
    %get3A_44 = arith.constant 2 : index
    %get3A_45 = arith.constant 0 : index
    %get3A_46 = arith.constant 0 : index
    %get3A_47 = vector.load %arg2[%get3A_44, %get3A_45, %get3A_46] : memref<5x384x128xf32, #tpu.memory_space<vmem>>, vector<1x384x128xf32>
    %get3A_48 = vector.shape_cast %get3A_47 : vector<1x384x128xf32> to vector<384x128xf32>
    %dot_general3A_49 = arith.constant dense<0.000000e+00> : vector<64x128xf32>
    %dot_general3A_50 = tpu.matmul %mul3A_43, %get3A_48, %dot_general3A_49 {dimension_numbers = #tpu.dot_dimension_numbers<[1], [0], [0], [1], [0, 0, 1, 1], [], []>, transpose_lhs_hint = false} : vector<64x384xf32>, vector<384x128xf32>, vector<64x128xf32> -> vector<64x128xf32>
    %add3A_51 = arith.addf %add3A_36, %dot_general3A_50 : vector<64x128xf32>
    %get3A_52 = arith.constant 3 : index
    %get3A_53 = arith.constant 0 : index
    %get3A_54 = arith.constant 0 : index
    %get3A_55 = vector.load %arg0[%get3A_52, %get3A_53, %get3A_54] : memref<5x64x384xf32, #tpu.memory_space<vmem>>, vector<1x64x384xf32>
    %get3A_56 = vector.shape_cast %get3A_55 : vector<1x64x384xf32> to vector<64x384xf32>
    %mul3A_57 = vector.broadcast %div3A_5 : vector<64x1xf32> to vector<64x384xf32>
    %mul3A_58 = arith.mulf %get3A_56, %mul3A_57 : vector<64x384xf32>
    %get3A_59 = arith.constant 3 : index
    %get3A_60 = arith.constant 0 : index
    %get3A_61 = arith.constant 0 : index
    %get3A_62 = vector.load %arg2[%get3A_59, %get3A_60, %get3A_61] : memref<5x384x128xf32, #tpu.memory_space<vmem>>, vector<1x384x128xf32>
    %get3A_63 = vector.shape_cast %get3A_62 : vector<1x384x128xf32> to vector<384x128xf32>
    %dot_general3A_64 = arith.constant dense<0.000000e+00> : vector<64x128xf32>
    %dot_general3A_65 = tpu.matmul %mul3A_58, %get3A_63, %dot_general3A_64 {dimension_numbers = #tpu.dot_dimension_numbers<[1], [0], [0], [1], [0, 0, 1, 1], [], []>, transpose_lhs_hint = false} : vector<64x384xf32>, vector<384x128xf32>, vector<64x128xf32> -> vector<64x128xf32>
    %add3A_66 = arith.addf %add3A_51, %dot_general3A_65 : vector<64x128xf32>
    %get3A_67 = arith.constant 4 : index
    %get3A_68 = arith.constant 0 : index
    %get3A_69 = arith.constant 0 : index
    %get3A_70 = vector.load %arg0[%get3A_67, %get3A_68, %get3A_69] : memref<5x64x384xf32, #tpu.memory_space<vmem>>, vector<1x64x384xf32>
    %get3A_71 = vector.shape_cast %get3A_70 : vector<1x64x384xf32> to vector<64x384xf32>
    %mul3A_72 = vector.broadcast %div3A_5 : vector<64x1xf32> to vector<64x384xf32>
    %mul3A_73 = arith.mulf %get3A_71, %mul3A_72 : vector<64x384xf32>
    %get3A_74 = arith.constant 4 : index
    %get3A_75 = arith.constant 0 : index
    %get3A_76 = arith.constant 0 : index
    %get3A_77 = vector.load %arg2[%get3A_74, %get3A_75, %get3A_76] : memref<5x384x128xf32, #tpu.memory_space<vmem>>, vector<1x384x128xf32>
    %get3A_78 = vector.shape_cast %get3A_77 : vector<1x384x128xf32> to vector<384x128xf32>
    %dot_general3A_79 = arith.constant dense<0.000000e+00> : vector<64x128xf32>
    %dot_general3A_80 = tpu.matmul %mul3A_73, %get3A_78, %dot_general3A_79 {dimension_numbers = #tpu.dot_dimension_numbers<[1], [0], [0], [1], [0, 0, 1, 1], [], []>, transpose_lhs_hint = false} : vector<64x384xf32>, vector<384x128xf32>, vector<64x128xf32> -> vector<64x128xf32>
    %add3A_81 = arith.addf %add3A_66, %dot_general3A_80 : vector<64x128xf32>
    %swap3A = arith.constant 0 : index
    %swap3A_82 = arith.constant 0 : index
    %swap3A_83 = vector.load %arg4[%swap3A, %swap3A_82] : memref<64x128xf32, #tpu.memory_space<vmem>>, vector<64x128xf32>
    tpu.vector_store %arg4[%swap3A, %swap3A_82], %add3A_81 {strides = array<i32>} : memref<64x128xf32, #tpu.memory_space<vmem>>, vector<64x128xf32>,
    return
  }
}

</mosaic_0001>

<sc_bundles>
// kernel: kernel.21.cloned.1.call-start
scs
__scs_entry_jumppad:
0x0: {  	(pc) =	sbr.rel $0x88, $3  }
0x1: {  	(tag) =	ssettag $0x0;
	lr =	simm.s32 $0x1  }
0x2: {  	[smem:$0x3F73] =	sst lr;
	_ =	strace $0xD0000000  }
0x3: {  	_ = 	snop  }
0x4: {  	_ = 	snop  }
0x5: {  	_ = 	snop  }
0x6: {  	_ = 	snop  }
0x7: {  	_ = 	snop  }
__scs_overlays_trampoline_lowered:
0x8: {  	[smem:$0x3F82] =	sst s0  }
0x9: {  	[smem:$0x3F83] =	sst s1  }
0xa: {  	[smem:$0x3F84] =	sst s2  }
0xb: {  	[smem:$0x3F85] =	sst s3  }
0xc: {  	[smem:$0x3F86] =	sst s4  }
0xd: {  	[smem:$0x3F87] =	sst s5  }
0xe: {  	[smem:$0x3F88] =	sst s6  }
0xf: {  	[smem:$0x3F89] =	sst s7  }
0x10: {  	[smem:$0x3F8A] =	sst s8  }
0x11: {  	[smem:$0x3F8B] =	sst s9;
	s0 =	simm.s32 @!p0 $0x0  }
0x12: {  	s1 =	sld [smem:$0x3F71];
	s0 =	simm.s32 @p0 $0x1  }
0x13: {  	[smem:$0x3F8C] =	sst s0;
	s0 =	simm.s32 @!p1 $0x0  }
0x14: {  	s2 =	sld [smem:$0x3F70];
	s0 =	simm.s32 @p1 $0x1  }
0x15: {  	[smem:$0x3F8D] =	sst s0;
	s0 =	simm.s32 @!p2 $0x0  }
0x16: {  	s3 =	sld [smem:$0x3FDB];
	s0 =	simm.s32 @p2 $0x1  }
0x17: {  	s4 =	simm.s32 $0x1BF5;
	[smem:$0x3F8F] =	sst s0  }
0x18: {  	s0 =	sld [smem:$0x3F72];
	_ =	swait.ge [sflag:s4], $0x0  }
0x19: {  	s7 =	sld [smem:$0x3F73]  }
0x1a: {  	s8 =	sadd.s32 $0xFFFFE003, lr  }
0x1b: {  	s9 =	sadd.s32 $0xFFFFFEF7, lr;
	s5 =	simm.s32 $0xFFFFFFFF;
	p2 =	slt.u32 s8, $0xFFFFF086  }
0x1c: {  	p1 =	slt.u32 s9, $0xF7A;
	s5 =	simm.s32 @!p2 $0x0  }
0x1d: {  	s5 =	simm.s32 @p1 $0x1;
	p0 =	seq.s32 s7, s2  }
0x1e: {  	s7 =	smul.u32 @!p0 $0xF7A, s2;
	p2 =	seq.s32 @!p0 s5, $0x0  }
0x1f: {  	s9 =	smul.u32 $0xF7A, s1;
	s8 =	simm.s32 @!p0 $0x1BF5;
	p2 =	por !p2, p0  }
0x20: {  	[sflag:s8] =	ssyncset.s32 @!p0 $0xFFFFF086;
	s6 =	sadd.s32 @!p0 s3, s7;
	s7 =	simm.s32 @!p0 $0x108  }
0x21: {  	s3 =	sadd.s32 s3, s9;
	s6 =	sadd.s32 @!p0 $0x88, s6;
	s7 =	simm.s32 @p2 $0x1082  }
0x22: {  	[simem:s7], [sflag:s8] =	dma.local @!p0 [hbm:s6], $0xF7A  }
0x23: {  	s9 =	sor.u32 $0xD0000000, s2;
	s6 =	simm.s32 $0x108;
	_ =	swait.ge @!p0 [sflag:s8], $0x0  }
0x24: {  	s3 =	sadd.s32 $0x88, s3;
	s6 =	simm.s32 @!p1 $0x1082;
	[sflag:s4] =	ssyncset.s32 $0xFFFFF086  }
0x25: {  	[simem:s6], [sflag:s4] =	dma.local [hbm:s3], $0xF7A  }
0x26: {  	[smem:$0x3F73] =	sst s1;
	(tag) =	ssettag s2;
	_ =	strace s9  }
0x27: {  	s1 =	sld [smem:$0x3F83]  }
0x28: {  	s2 =	sld [smem:$0x3F84]  }
0x29: {  	s4 =	sld [smem:$0x3F86]  }
0x2a: {  	p0 =	seq.s32 s5, $0x0;
	s5 =	sld [smem:$0x3F87]  }
0x2b: {  	s6 =	sld [smem:$0x3F88]  }
0x2c: {  	s7 =	sld [smem:$0x3F89]  }
0x2d: {  	s3 =	simm.s32 $0x108;
	s8 =	sld [smem:$0x3F8A]  }
0x2e: {  	s3 =	simm.s32 @!p0 $0x1082;
	s9 =	sld [smem:$0x3F8B]  }
0x2f: {  	lr =	sadd.s32 s0, s3;
	s0 =	sld [smem:$0x3F82]  }
0x30: {  	s3 =	sld [smem:$0x3F85]  }
0x31: {  	[smem:$0x3F8E] =	sst s10  }
0x32: {  	s10 =	sld [smem:$0x3F8C];
	_ =	sdelay $0x3  }
0x33: {  	p0 =	seq.s32 s10, $0x1;
	s10 =	sld [smem:$0x3F8E];
	_ =	sdelay $0x3  }
0x34: {  	[smem:$0x3F8E] =	sst s10  }
0x35: {  	s10 =	sld [smem:$0x3F8D];
	_ =	sdelay $0x3  }
0x36: {  	p1 =	seq.s32 s10, $0x1;
	s10 =	sld [smem:$0x3F8E];
	_ =	sdelay $0x3  }
0x37: {  	[smem:$0x3F8E] =	sst s10  }
0x38: {  	s10 =	sld [smem:$0x3F8F]  }
0x39: {  	_ = 	snop;
	(pc) =	sbr.ind lr, $3  }
0x3a: {  	_ = 	snop  }
0x3b: {  	_ = 	snop  }
0x3c: {  	p2 =	seq.s32 s10, $0x1;
	s10 =	sld [smem:$0x3F8E]  }
0x3d: {  	_ =	shalt  }
0x3e: {  	_ =	shalt  }
0x3f: {  	_ =	shalt  }
0x40: {  	_ =	shalt  }
0x41: {  	_ =	shalt  }
0x42: {  	_ =	shalt  }
0x43: {  	_ =	shalt  }
0x44: {  	_ =	shalt  }
0x45: {  	_ =	shalt  }
0x46: {  	_ =	shalt  }
0x47: {  	_ =	shalt  }
0x48: {  	_ =	shalt  }
0x49: {  	_ =	shalt  }
0x4a: {  	_ =	shalt  }
0x4b: {  	_ =	shalt  }
0x4c: {  	_ =	shalt  }
0x4d: {  	_ =	shalt  }
0x4e: {  	_ =	shalt  }
0x4f: {  	_ =	shalt  }
0x50: {  	_ =	shalt  }
0x51: {  	_ =	shalt  }
0x52: {  	_ =	shalt  }
0x53: {  	_ =	shalt  }
0x54: {  	_ =	shalt  }
0x55: {  	_ =	shalt  }
0x56: {  	_ =	shalt  }
0x57: {  	_ =	shalt  }
0x58: {  	_ =	shalt  }
0x59: {  	_ =	shalt  }
0x5a: {  	_ =	shalt  }
0x5b: {  	_ =	shalt  }
0x5c: {  	_ =	shalt  }
0x5d: {  	_ =	shalt  }
0x5e: {  	_ =	shalt  }
0x5f: {  	_ =	shalt  }
0x60: {  	_ =	shalt  }
0x61: {  	_ =	shalt  }
0x62: {  	_ =	shalt  }
0x63: {  	_ =	shalt  }
0x64: {  	_ =	shalt  }
0x65: {  	_ =	shalt  }
0x66: {  	_ =	shalt  }
0x67: {  	_ =	shalt  }
0x68: {  	_ =	shalt  }
0x69: {  	_ =	shalt  }
0x6a: {  	_ =	shalt  }
0x6b: {  	_ =	shalt  }
0x6c: {  	_ =	shalt  }
0x6d: {  	_ =	shalt  }
0x6e: {  	_ =	shalt  }
0x6f: {  	_ =	shalt  }
0x70: {  	_ =	shalt  }
0x71: {  	_ =	shalt  }
0x72: {  	_ =	shalt  }
0x73: {  	_ =	shalt  }
0x74: {  	_ =	shalt  }
0x75: {  	_ =	shalt  }
0x76: {  	_ =	shalt  }
0x77: {  	_ =	shalt  }
0x78: {  	_ =	shalt  }
0x79: {  	_ =	shalt  }
0x7a: {  	_ =	shalt  }
0x7b: {  	_ =	shalt  }
0x7c: {  	_ =	shalt  }
0x7d: {  	_ =	shalt  }
0x7e: {  	_ =	shalt  }
0x7f: {  	_ =	shalt  }
0x80: {  	_ =	shalt  }
0x81: {  	_ =	shalt  }
0x82: {  	_ =	shalt  }
0x83: {  	_ =	shalt  }
0x84: {  	_ =	shalt  }
0x85: {  	_ =	shalt  }
0x86: {  	_ =	shalt  }
0x87: {  	_ =	shalt  }
.Lfunc_end0:
.L_simem_size_0:
called_computation.8_lowered:
.L_overlay_start_0:
0x88: {  	s2 =	sld [smem:$0x3FD9]  }
0x89: {  	s3 =	sld [smem:$0x3FFE];
	_ =	sdelay $0x1  }
0x8a: {  	s1 =	srdreg.scid  }
0x8b: {  	s0 =	sand.u32 $0x1, s1  }
0x8c: {  	s16 =	sshll.u32 s0, $0xA;
	s2 =	sadd.s32 s3, s2  }
0x8d: {  	s2 =	sadd.s32 s2, s16  }
0x8e: {  	[smem:$0x3F9A] =	sst s2  }
0x8f: {  	_ = 	snop  }
0x90: {  	(tm) =	ssettm $0x1  }
0x91: {  	s17 =	sld [smem:$0x3FFB];
	_ =	sdelay $0x3  }
0x92: {  	_ =	strace s17  }
0x93: {  	s2 =	sld [smem:$0x3FFC];
	_ =	sdelay $0x3  }
0x94: {  	_ =	strace s2  }
0x95: {  	s2 =	sld [smem:$0x3FFD];
	_ =	sdelay $0x3  }
0x96: {  	_ =	strace s2  }
0x97: {  	_ =	strace $0x8FFFFFFF  }
0x98: {  	s18 =	sld [smem:$0x3FDB];
	_ =	sdelay $0x1  }
0x99: {  	s19 =	simm.s32 $_scs_section_size  }
0x9a: {  	s4 =	simm.s32 $_size__tile_overlayer_lowered;
	s5 =	simm.s32 $_tile_overlayer_lowered  }
0x9b: {  	s22 =	simm.s32 $0x1BFF;
	s21 =	sshll.u32 s5, $0x1;
	s2 =	sadd.s32 s19, s18  }
0x9c: {  	s6 =	simm.s32 $0x0;
	s20 =	sshll.u32 s4, $0x1;
	s4 =	sadd.s32 s21, s2  }
0x9d: {  	[timem:s6], [sflag:s22] =	dma.local [hbm:s4], s20  }
0x9e: {  	_ =	swait.ge [sflag:s22], s20  }
0x9f: {  	s3 =	ssub.s32 $0x0, s20;
	[sflag:s22] =	ssyncset.done $0x0  }
0xa0: {  	[sflag:s22] =	ssyncadd.s32 s3;
	_ =	sdelay $0x1  }
0xa1: {  	s23 =	simm.s32 $0x1B8B  }
0xa2: {  	_ =	swait.ge [sflag:s23], $0x1  }
0xa3: {  	[sflag:s23] =	ssyncset.done $0x0  }
0xa4: {  	s25 =	simm.s32 $0x1B8E;
	s24 =	sld [smem:$0x3FFE];
	[sflag:s23] =	ssyncadd.s32 $0xFFFFFFFF  }
0xa5: {  	s26 =	simm.s32 $execute0_lowered;
	[smem:$0x3FD2] =	sst s25  }
0xa6: {  	s4 =	sshll.u32 s26, $0x1;
	_ =	strace $0x80000049;
	[dreg:$0x1] =	wrdreg $0xFFFFFFFF  }
0xa7: {  	s28 =	simm.s32 $_size_execute0_lowered;
	s2 =	sadd.s32 s2, s4;
	[dreg:$0x0] =	wrdreg $0x0  }
0xa8: {  	s4 =	sshll.u32 s28, $0x1;
	[dreg:$0x2] =	wrdreg s2  }
0xa9: {  	[dreg:$0x3] =	wrdreg s4  }
0xaa: {  	[dreg:$0x4] =	wrdreg $0xC0  }
0xab: {  	_ =	task [dreg:s6], $0x5FFFF  }
0xac: {  	[dreg:$0x1] =	wrdreg $0xFFFFFFFF  }
0xad: {  	[dreg:$0x0] =	wrdreg $0x60  }
0xae: {  	[dreg:$0x2] =	wrdreg s24  }
0xaf: {  	[dreg:$0x3] =	wrdreg $0xC2800  }
0xb0: {  	[dreg:$0x4] =	wrdreg $0x9  }
0xb1: {  	_ =	task.clear_ibuf [dreg:s6], $0x5FFFF;
	_ =	strace $0x90000049  }
0xb2: {  	s29 =	simm.s32 $0x9;
	_ =	strace $0x8000004B  }
0xb3: {  	_ =	swait.ge [sflag:s29], $0x1  }
0xb4: {  	[sflag:s29] =	ssyncadd.s32 $0xFFFFFFFF  }
0xb5: {  	_ =	strace $0x9000004B  }
0xb6: {  	_ =	sfence  }
0xb7: {  	s30 =	sld [smem:$0x0];
	_ =	sdelay $0x2  }
0xb8: {  	s31 =	sshll.u32 s1, $0xD;
	s1 =	sshrl.u32 s1, $0x2  }
0xb9: {  	s3 =	sand.u32 $0x4000, s31;
	s1 =	sadd.s32 s1, s30  }
0xba: {  	s0 =	sor.u32 s3, s0;
	s1 =	sshll.u32 s1, $0x11  }
0xbb: {  	s0 =	sor.u32 s1, s0  }
0xbc: {  	s0 =	sadd.s32 $0x8F2B, s0  }
0xbd: {  	[sflag:s0] =	ssyncadd.remote.s32 $0x1  }
0xbe: {  	_ =	sfence.sel $0xFFFF  }
0xbf: {  	[dreg:$0x0] =	wrdreg $0xFFFFFFFF;
	(pc) =	sbr.abs _section_cstart, $3  }
0xc0: {  	[dreg:$0x1] =	wrdreg $0xFFFFFFFF  }
0xc1: {  	_ =	task.clear_ibuf [dreg:s6], $0x2FFFF;
	_ =	strace $0x9FFFFFFF  }
0xc2: {  	(tm) =	ssettm $0x7FFFFFFF  }
0xc3: {  	_ =	shalt  }
tec
execute0_lowered:
.L_overlay_start_1:
0x0: {  	(tag) =	ssettag $0x1  }
0x1: {  	s0 =	rddreg [dreg:$0x0]  }
0x2: {  	s1 =	rddreg [dreg:$0x1]  }
0x3: {  	s2 =	simm.s32 $0x0;
	s4 =	srdreg.scid;
	s9 =	stileid.u32  }
0x4: {  	s15 =	simm.s32 $0x1;
	s16 =	simm.s32 $0x80;
	s17 =	simm.s32 $0x180  }
0x5: {  	s18 =	simm.s32 $0x8;
	s19 =	simm.s32 $0x280;
	s20 =	simm.s32 $0x100  }
0x6: {  	s21 =	simm.s32 $0x200;
	s22 =	simm.s32 $0x2;
	s23 =	simm.s32 $0x6280  }
0x7: {  	s24 =	simm.s32 $0x3;
	s25 =	simm.s32 $0x4;
	s28 =	simm.s32 $0x6  }
0x8: {  	[smem:$0x7FF] =	sst s2;
	s3 =	sadd.s32 $0x49D000, s0;
	s5 =	sadd.s32 $0x8D400, s0  }
0x9: {  	s6 =	sadd.s32 $0x7E400, s0;
	s11 =	sadd.s32 $0x83800, s0;
	s4 =	sand.u32 $0x1, s4  }
0xa: {  	s12 =	sadd.s32 $0x86000, s0;
	s8 =	smul.u32 $0x48000, s9;
	s0 =	sadd.s32 $0x846800, s0  }
0xb: {  	s10 =	sshll.u32 s9, $0x1;
	s31 =	sshll.u32 s9, $0x6;
	_ =	strace $0x8000004A  }
0xc: {  	s7 =	ssub.s32 $0x2, s4;
	[dreg:$0x5] =	wrdreg s0;
	s4 =	sor.u32 s4, s10  }
0xd: {  	s10 =	smov.u32 s11;
	s9 =	smov.u32 s12;
	s12 =	simm.s32 $0x7  }
.Ltmp0:
0xe: {  	s13 =	sor.u32 $0x1C07, s31;
	s26 =	sshrl.u32 s7, $0x1;
	(pc) =	sbr.rel .LBB2_1-.Ltmp0, $4  }
0xf: {  	s29 =	sshrl.u32 s8, $0x2;
	s4 =	smul.u32 $0x14, s4;
	[dreg:$0x3] =	wrdreg s10  }
0x10: {  	[dreg:$0x4] =	wrdreg s9;
	s0 =	ssub.s32 s7, s26;
	s30 =	sadd.s32 s29, s1  }
0x11: {  	s26 =	simm.s32 $0x5;
	[dreg:$0x6] =	wrdreg s4;
	s0 =	smax.u32 s0, $0x1  }
0x12: {  	s14 =	sshrl.u32 s30, $0x3;
	s4 =	simm.s32 $0x0;
	[dreg:$0x7] =	wrdreg s0  }
.LBB2_12:
0x13: {  	s4 =	rddreg [dreg:$0x8]  }
0x14: {  	s0 =	rddreg [dreg:$0x7];
	s4 =	sadd.s32 $0x1, s4  }
0x15: {  	p0 =	sne.s32 s4, s0  }
.Ltmp1:
0x16: {  	_ = 	snop;
	(pc) =	sbr.rel @!p0 .LBB2_13-.Ltmp1, $1  }
0x17: {  	_ =	sdelay $0x3  }
.LBB2_1:
.Ltmp2:
0x18: {  	(pc) =	sbr.rel .LBB2_2-.Ltmp2, $2  }
0x19: {  	_ =	sdelay $0x2  }
0x1a: {  	[dreg:$0x8] =	wrdreg s4;
	s30 =	simm.s32 $0x0  }
.LBB2_6:
0x1b: {  	s10 =	rddreg [dreg:$0x3]  }
.LBB2_9:
0x1c: {  	[spmem:s1] =	stream.indirect.scatter.add.f32 @p0 [tilespmem:s23], [sflag:$0x6], $0xC00, s21, s18, $0xb8;
	[tilespmem:$0x1E280] =	vst v63  }
0x1d: {  	s7 =	sadd.s32 s5, s29  }
0x1e: {  	[tilespmem:s16], [sflag:$0x1] =	stream.linear.gather [hbm4b:s7+s2], $0x8, $0x38;
	[tilespmem:$0x1E280] =	vst v63  }
0x1f: {  	s8 =	sadd.s32 s6, s29  }
0x20: {  	[tilespmem:s17], [sflag:$0x1] =	stream.linear.gather [hbm4b:s8+s2], $0x8, $0x38;
	[tilespmem:$0x1E280] =	vst v63  }
0x21: {  	_ =	swait.ge [sflag:s15], $0x8  }
0x22: {  	[sflag:s15] =	ssyncset.done $0x0  }
0x23: {  	[sflag:s15] =	ssyncadd.s32 $0xFFFFFFF8  }
0x24: {  	_ =	swait.ge [sflag:s15], $0x8  }
0x25: {  	[sflag:s15] =	ssyncset.done $0x0  }
0x26: {  	[sflag:s15] =	ssyncadd.s32 $0xFFFFFFF8  }
0x27: {  	[tilespmem:s19], [sflag:$0x3] =	stream.indirect.gather [hbm4b:s3+s18], $0xC00, s16, s18, $0xb8;
	[tilespmem:$0x1E280] =	vst v63  }
0x28: {  	_ =	swait.ge [sflag:s28], $0x6000  }
0x29: {  	[sflag:s28] =	ssyncset.done $0x0  }
0x2a: {  	s9 =	sadd.s32 s5, s11;
	[sflag:s28] =	ssyncadd.s32 $0xFFFFA000  }
0x2b: {  	[tilespmem:s20], [sflag:$0x2] =	stream.linear.gather [hbm4b:s9+s2], $0x8, $0x38;
	[tilespmem:$0x1E280] =	vst v63  }
0x2c: {  	s29 =	sadd.s32 s6, s11  }
0x2d: {  	[tilespmem:s21], [sflag:$0x2] =	stream.linear.gather [hbm4b:s29+s2], $0x8, $0x38;
	[tilespmem:$0x1E280] =	vst v63  }
0x2e: {  	_ =	swait.ge [sflag:s22], $0x8  }
0x2f: {  	[sflag:s22] =	ssyncset.done $0x0  }
0x30: {  	[sflag:s22] =	ssyncadd.s32 $0xFFFFFFF8  }
0x31: {  	_ =	swait.ge [sflag:s22], $0x8  }
0x32: {  	[sflag:s22] =	ssyncset.done $0x0  }
0x33: {  	[sflag:s22] =	ssyncadd.s32 $0xFFFFFFF8  }
0x34: {  	[tilespmem:s23], [sflag:$0x4] =	stream.indirect.gather [hbm4b:s3+s18], $0xC00, s20, s18, $0xb8;
	[tilespmem:$0x1E280] =	vst v63  }
0x35: {  	_ =	swait.ge [sflag:s24], $0x6000  }
0x36: {  	[sflag:s24] =	ssyncset.done $0x0  }
0x37: {  	[sflag:s24] =	ssyncadd.s32 $0xFFFFA000  }
0x38: {  	[spmem:s1] =	stream.indirect.scatter.add.f32 [tilespmem:s19], [sflag:$0x5], $0xC00, s17, s18, $0xb8;
	[tilespmem:$0x1E280] =	vst v63  }
0x39: {  	_ =	swait.ge [sflag:s25], $0x6000  }
0x3a: {  	[sflag:s25] =	ssyncset.done $0x0  }
0x3b: {  	[sflag:s25] =	ssyncadd.s32 $0xFFFFA000  }
0x3c: {  	_ =	swait.ge [sflag:s26], $0x6000  }
0x3d: {  	[sflag:s26] =	ssyncset.done $0x0  }
0x3e: {  	s9 =	rddreg [dreg:$0x4];
	[sflag:s26] =	ssyncadd.s32 $0xFFFFA000  }
0x3f: {  	[spmem:s1] =	stream.indirect.scatter.add.f32 [tilespmem:s23], [sflag:$0x6], $0xC00, s21, s18, $0xb8;
	[tilespmem:$0x1E280] =	vst v63  }
.LBB2_10:
0x40: {  	_ =	swait.ge [sflag:s28], $0x6000  }
0x41: {  	[sflag:s28] =	ssyncset.done $0x0  }
0x42: {  	[sflag:s28] =	ssyncadd.s32 $0xFFFFA000  }
.LBB2_11:
0x43: {  	s7 =	sand.u32 $0x1, s4  }
0x44: {  	p0 =	seq.s32 s7, $0x0  }
0x45: {  	s0 =	sadd.s32 @!p0 $0xFFFFFFF8, s0  }
0x46: {  	s0 =	sshrl.u32 @!p0 s0, $0x3  }
0x47: {  	s0 =	sadd.s32 @!p0 s4, s0  }
0x48: {  	s0 =	sand.u32 @!p0 $0x1FFFFFFE, s0  }
0x49: {  	s7 =	simm.s32 @!p0 $0x0;
	s8 =	simm.s32 @!p0 $0x80;
	s4 =	sadd.s32 @!p0 s5, s0  }
0x4a: {  	[tilespmem:s8], [sflag:$0x1] =	stream.linear.gather @!p0 [hbm4b:s4+s7], $0x8, $0x38;
	[tilespmem:$0x1E280] =	vst v63  }
0x4b: {  	s0 =	sadd.s32 @!p0 s6, s0;
	s4 =	simm.s32 @!p0 $0x180  }
0x4c: {  	[tilespmem:s4], [sflag:$0x1] =	stream.linear.gather @!p0 [hbm4b:s0+s7], $0x8, $0x38;
	[tilespmem:$0x1E280] =	vst v63  }
0x4d: {  	s0 =	simm.s32 @!p0 $0x1  }
0x4e: {  	_ =	swait.ge @!p0 [sflag:s0], $0x8  }
0x4f: {  	[sflag:s0] =	ssyncset.done @!p0 $0x0  }
0x50: {  	[sflag:s0] =	ssyncadd.s32 @!p0 $0xFFFFFFF8  }
0x51: {  	_ =	swait.ge @!p0 [sflag:s0], $0x8  }
0x52: {  	[sflag:s0] =	ssyncset.done @!p0 $0x0  }
0x53: {  	s7 =	simm.s32 @!p0 $0x280;
	[sflag:s0] =	ssyncadd.s32 @!p0 $0xFFFFFFF8;
	s0 =	simm.s32 @!p0 $0x8  }
0x54: {  	[tilespmem:s7], [sflag:$0x3] =	stream.indirect.gather @!p0 [hbm4b:s3+s0], $0xC00, s8, s0, $0xb8;
	[tilespmem:$0x1E280] =	vst v63  }
0x55: {  	s8 =	simm.s32 @!p0 $0x3  }
0x56: {  	_ =	swait.ge @!p0 [sflag:s8], $0x6000  }
0x57: {  	[sflag:s8] =	ssyncset.done @!p0 $0x0  }
0x58: {  	[sflag:s8] =	ssyncadd.s32 @!p0 $0xFFFFA000  }
0x59: {  	[spmem:s1] =	stream.indirect.scatter.add.f32 @!p0 [tilespmem:s7], [sflag:$0x5], $0xC00, s4, s0, $0xb8;
	[tilespmem:$0x1E280] =	vst v63  }
0x5a: {  	s0 =	simm.s32 @!p0 $0x5  }
0x5b: {  	_ =	swait.ge @!p0 [sflag:s0], $0x6000  }
0x5c: {  	s29 =	smul.u32 $0x1800, s31;
	s30 =	sadd.s32 $0x1, s30;
	[sflag:s0] =	ssyncset.done @!p0 $0x0  }
0x5d: {  	s31 =	rddreg [dreg:$0x5];
	[sflag:s0] =	ssyncadd.s32 @!p0 $0xFFFFA000;
	p0 =	sne.s32 s30, $0x14  }
.Ltmp3:
0x5e: {  	s0 =	sadd.s32 s31, s29;
	(pc) =	sbr.rel @!p0 .LBB2_12-.Ltmp3, $4  }
0x5f: {  	[hbm:s0], [sflag:s13] =	dma.local [spmem:s14], $0x1800  }
0x60: {  	_ =	swait.ge [sflag:s12], $0x1800  }
0x61: {  	[sflag:s12] =	ssyncset.done $0x0  }
0x62: {  	[sflag:s12] =	ssyncadd.s32 $0xFFFFE800  }
.LBB2_2:
0x63: {  	s0 =	rddreg [dreg:$0x6]  }
0x64: {  	s31 =	sadd.s32 s0, s30  }
0x65: {  	s0 =	sshll.u32 s31, $0x4  }
0x66: {  	s0 =	sadd.s32 s10, s0  }
0x67: {  	[tilespmem:s2], [sflag:$0x7] =	stream.linear.gather [hbm4b:s0+s2], $0x80, $0x38;
	[tilespmem:$0x1E280] =	vst v63  }
0x68: {  	_ =	swait.ge [sflag:s12], $0x80  }
0x69: {  	[sflag:s12] =	ssyncset.done $0x0  }
0x6a: {  	[sflag:s12] =	ssyncadd.s32 $0xFFFFFF80  }
0x6b: {  	v0 =	vld [tilespmem:$0x0];
	_ =	sdelay $0x4  }
0x6c: {  	(v2sf) =	vpush v0, $0x0  }
0x6d: {  	(v2sf) =	vpush v0, $0x1;
	_ =	sdelay $0xd  }
0x6e: {  	s0 =	spop (v2sf)  }
0x6f: {  	s4 =	spop (v2sf)  }
0x70: {  	s8 =	simm.s32 $0x1;
	s7 =	ssub.s32 s4, s0;
	p0 =	sne.s32 s4, s0  }
0x71: {  	s11 =	sshra.s32 s7, $0x1F;
	s8 =	simm.s32 @!p0 $0x0  }
0x72: {  	s4 =	sand.u32 $0x7, s4;
	s8 =	sor.u32 s8, s11  }
0x73: {  	p1 =	sne.s32 s4, $0x0;
	p4 =	sne.s32 s8, $0x1  }
0x74: {  	s11 =	sshrl.u32 s11, $0x1D;
	p0 =	por !p1, !p4  }
0x75: {  	s4 =	sadd.s32 s11, s7;
	s7 =	simm.s32 $0x1;
	p0 =	por !p0, !p0  }
0x76: {  	s4 =	sshra.s32 s4, $0x3;
	s7 =	simm.s32 @!p0 $0x0  }
0x77: {  	s4 =	ssub.s32 s4, s7  }
0x78: {  	s7 =	sshrl.u32 s4, $0x1F  }
0x79: {  	s7 =	sadd.s32 s7, s4  }
0x7a: {  	s29 =	sand.u32 $0xFFFFFFFE, s7  }
0x7b: {  	p5 =	slt.s32 s4, $0x1;
	p6 =	sne.s32 s4, s29  }
0x7c: {  	p0 =	por !p5, !p6  }
0x7d: {  	s8 =	simm.s32 $0x1;
	p0 =	por !p0, !p0  }
0x7e: {  	s7 =	sshra.s32 s7, $0x1;
	s8 =	simm.s32 @!p0 $0x0  }
0x7f: {  	s8 =	ssub.s32 s7, s8  }
0x80: {  	p1 =	slt.s32 s8, $0x1  }
.Ltmp4:
0x81: {  	_ = 	snop;
	(pc) =	sbr.rel @p1 .LBB2_11-.Ltmp4, $4  }
0x82: {  	[spmem:s14], [sflag:s13] =	dma.local [hbm:s9], $0x2400  }
0x83: {  	_ =	swait.ge [sflag:s12], $0x2400  }
0x84: {  	[sflag:s12] =	ssyncset.done $0x0  }
0x85: {  	[sflag:s12] =	ssyncadd.s32 $0xFFFFDC00  }
0x86: {  	s11 =	sshrl.u32 s0, $0x3  }
0x87: {  	s29 =	sadd.s32 s5, s11  }
0x88: {  	[tilespmem:s16], [sflag:$0x1] =	stream.linear.gather [hbm4b:s29+s2], $0x8, $0x38;
	[tilespmem:$0x1E280] =	vst v63  }
0x89: {  	s29 =	sadd.s32 s6, s11  }
0x8a: {  	[tilespmem:s17], [sflag:$0x1] =	stream.linear.gather [hbm4b:s29+s2], $0x8, $0x38;
	[tilespmem:$0x1E280] =	vst v63  }
0x8b: {  	_ =	swait.ge [sflag:s15], $0x8  }
0x8c: {  	[sflag:s15] =	ssyncset.done $0x0  }
0x8d: {  	[sflag:s15] =	ssyncadd.s32 $0xFFFFFFF8  }
0x8e: {  	_ =	swait.ge [sflag:s15], $0x8  }
0x8f: {  	[sflag:s15] =	ssyncset.done $0x0  }
0x90: {  	s11 =	sor.u32 $0x1, s11;
	[sflag:s15] =	ssyncadd.s32 $0xFFFFFFF8  }
0x91: {  	[tilespmem:s19], [sflag:$0x3] =	stream.indirect.gather [hbm4b:s3+s18], $0xC00, s16, s18, $0xb8;
	[tilespmem:$0x1E280] =	vst v63  }
0x92: {  	s29 =	sadd.s32 s5, s11  }
0x93: {  	[tilespmem:s20], [sflag:$0x2] =	stream.linear.gather [hbm4b:s29+s2], $0x8, $0x38;
	[tilespmem:$0x1E280] =	vst v63  }
0x94: {  	s11 =	sadd.s32 s6, s11  }
0x95: {  	[tilespmem:s21], [sflag:$0x2] =	stream.linear.gather [hbm4b:s11+s2], $0x8, $0x38;
	[tilespmem:$0x1E280] =	vst v63  }
0x96: {  	_ =	swait.ge [sflag:s22], $0x8  }
0x97: {  	[sflag:s22] =	ssyncset.done $0x0  }
0x98: {  	[sflag:s22] =	ssyncadd.s32 $0xFFFFFFF8  }
0x99: {  	_ =	swait.ge [sflag:s22], $0x8  }
0x9a: {  	[sflag:s22] =	ssyncset.done $0x0  }
0x9b: {  	[sflag:s22] =	ssyncadd.s32 $0xFFFFFFF8  }
0x9c: {  	[tilespmem:s23], [sflag:$0x4] =	stream.indirect.gather [hbm4b:s3+s18], $0xC00, s20, s18, $0xb8;
	[tilespmem:$0x1E280] =	vst v63  }
0x9d: {  	_ =	swait.ge [sflag:s24], $0x6000  }
0x9e: {  	[sflag:s24] =	ssyncset.done $0x0  }
0x9f: {  	[sflag:s24] =	ssyncadd.s32 $0xFFFFA000  }
0xa0: {  	[spmem:s1] =	stream.indirect.scatter.add.f32 [tilespmem:s19], [sflag:$0x5], $0xC00, s17, s18, $0xb8;
	[tilespmem:$0x1E280] =	vst v63  }
0xa1: {  	_ =	swait.ge [sflag:s25], $0x6000  }
0xa2: {  	p1 =	seq.s32 s8, $0x1;
	[sflag:s25] =	ssyncset.done $0x0  }
.Ltmp5:
0xa3: {  	[sflag:s25] =	ssyncadd.s32 $0xFFFFA000;
	(pc) =	sbr.rel @p1 .LBB2_10-.Ltmp5, $4  }
0xa4: {  	_ =	swait.ge [sflag:s26], $0x6000  }
0xa5: {  	[sflag:s26] =	ssyncset.done $0x0  }
0xa6: {  	[sflag:s26] =	ssyncadd.s32 $0xFFFFA000  }
0xa7: {  	[spmem:s1] =	stream.indirect.scatter.add.f32 [tilespmem:s23], [sflag:$0x6], $0xC00, s21, s18, $0xb8;
	[tilespmem:$0x1E280] =	vst v63  }
0xa8: {  	s8 =	simm.s32 $0xFFFFFFFF  }
0xa9: {  	s8 =	simm.s32 @!p0 $0x0  }
0xaa: {  	s7 =	sadd.s32 s8, s7  }
0xab: {  	s7 =	sadd.s32 $0xFFFFFFFF, s7  }
0xac: {  	p1 =	sne.s32 s7, $0x1  }
.Ltmp6:
0xad: {  	_ = 	snop;
	(pc) =	sbr.rel @!p1 .LBB2_9-.Ltmp6, $4  }
0xae: {  	_ = 	snop  }
0xaf: {  	s9 =	sadd.s32 $0x10, s0  }
0xb0: {  	s29 =	sshrl.u32 s9, $0x3;
	p0 =	por $0x0, $0x0  }
0xb1: {  	s11 =	sor.u32 $0x1, s29;
	s8 =	sadd.s32 $0x10, s9;
	s7 =	sadd.s32 $0xFFFFFFFF, s7  }
0xb2: {  	s9 =	sadd.s32 s5, s29  }
0xb3: {  	[tilespmem:s16], [sflag:$0x1] =	stream.linear.gather [hbm4b:s9+s2], $0x8, $0x38;
	[tilespmem:$0x1E280] =	vst v63  }
0xb4: {  	s10 =	sadd.s32 s6, s29  }
0xb5: {  	[tilespmem:s17], [sflag:$0x1] =	stream.linear.gather [hbm4b:s10+s2], $0x8, $0x38;
	[tilespmem:$0x1E280] =	vst v63  }
0xb6: {  	_ =	swait.ge [sflag:s15], $0x8  }
0xb7: {  	[sflag:s15] =	ssyncset.done $0x0  }
0xb8: {  	[sflag:s15] =	ssyncadd.s32 $0xFFFFFFF8  }
0xb9: {  	_ =	swait.ge [sflag:s15], $0x8  }
0xba: {  	[sflag:s15] =	ssyncset.done $0x0  }
0xbb: {  	[sflag:s15] =	ssyncadd.s32 $0xFFFFFFF8  }
0xbc: {  	[tilespmem:s19], [sflag:$0x3] =	stream.indirect.gather [hbm4b:s3+s18], $0xC00, s16, s18, $0xb8;
	[tilespmem:$0x1E280] =	vst v63  }
0xbd: {  	_ =	swait.ge [sflag:s28], $0x6000  }
0xbe: {  	[sflag:s28] =	ssyncset.done $0x0  }
0xbf: {  	s10 =	sadd.s32 s5, s11;
	[sflag:s28] =	ssyncadd.s32 $0xFFFFA000  }
0xc0: {  	[tilespmem:s20], [sflag:$0x2] =	stream.linear.gather [hbm4b:s10+s2], $0x8, $0x38;
	[tilespmem:$0x1E280] =	vst v63  }
0xc1: {  	s11 =	sadd.s32 s6, s11  }
0xc2: {  	[tilespmem:s21], [sflag:$0x2] =	stream.linear.gather [hbm4b:s11+s2], $0x8, $0x38;
	[tilespmem:$0x1E280] =	vst v63  }
0xc3: {  	_ =	swait.ge [sflag:s22], $0x8  }
0xc4: {  	[sflag:s22] =	ssyncset.done $0x0  }
0xc5: {  	[sflag:s22] =	ssyncadd.s32 $0xFFFFFFF8  }
0xc6: {  	_ =	swait.ge [sflag:s22], $0x8  }
0xc7: {  	[sflag:s22] =	ssyncset.done $0x0  }
0xc8: {  	[sflag:s22] =	ssyncadd.s32 $0xFFFFFFF8  }
0xc9: {  	[tilespmem:s23], [sflag:$0x4] =	stream.indirect.gather [hbm4b:s3+s18], $0xC00, s20, s18, $0xb8;
	[tilespmem:$0x1E280] =	vst v63  }
0xca: {  	_ =	swait.ge [sflag:s24], $0x6000  }
0xcb: {  	[sflag:s24] =	ssyncset.done $0x0  }
0xcc: {  	[sflag:s24] =	ssyncadd.s32 $0xFFFFA000  }
0xcd: {  	[spmem:s1] =	stream.indirect.scatter.add.f32 [tilespmem:s19], [sflag:$0x5], $0xC00, s17, s18, $0xb8;
	[tilespmem:$0x1E280] =	vst v63  }
0xce: {  	p1 =	sne.s32 s7, $0x1;
	_ =	swait.ge [sflag:s25], $0x6000  }
.Ltmp7:
0xcf: {  	[sflag:s25] =	ssyncset.done $0x0;
	(pc) =	sbr.rel @!p1 .LBB2_6-.Ltmp7, $4  }
0xd0: {  	[sflag:s25] =	ssyncadd.s32 $0xFFFFA000  }
0xd1: {  	s29 =	sshrl.u32 s8, $0x3;
	_ =	swait.ge [sflag:s26], $0x6000  }
0xd2: {  	s7 =	sadd.s32 $0xFFFFFFFF, s7;
	s8 =	sadd.s32 $0x10, s8;
	[sflag:s26] =	ssyncset.done $0x0  }
0xd3: {  	p0 =	por $0x1, $0x1;
	s11 =	sor.u32 $0x1, s29;
	[sflag:s26] =	ssyncadd.s32 $0xFFFFA000  }
.LBB2_7:
0xd4: {  	[spmem:s1] =	stream.indirect.scatter.add.f32 [tilespmem:s23], [sflag:$0x6], $0xC00, s21, s18, $0xb8;
	[tilespmem:$0x1E280] =	vst v63  }
0xd5: {  	s9 =	sshrl.u32 s8, $0x3;
	p1 =	sne.s32 s7, $0x1;
	s10 =	sadd.s32 s5, s29  }
0xd6: {  	[tilespmem:s16], [sflag:$0x1] =	stream.linear.gather [hbm4b:s10+s2], $0x8, $0x38;
	[tilespmem:$0x1E280] =	vst v63  }
0xd7: {  	s7 =	sadd.s32 $0xFFFFFFFF, s7;
	s29 =	sadd.s32 s6, s29;
	s10 =	sor.u32 $0x1, s9  }
0xd8: {  	[tilespmem:s17], [sflag:$0x1] =	stream.linear.gather [hbm4b:s29+s2], $0x8, $0x38;
	[tilespmem:$0x1E280] =	vst v63  }
0xd9: {  	s29 =	smov.u32 s9;
	_ =	swait.ge [sflag:s15], $0x8  }
0xda: {  	[sflag:s15] =	ssyncset.done $0x0  }
0xdb: {  	[sflag:s15] =	ssyncadd.s32 $0xFFFFFFF8  }
0xdc: {  	_ =	swait.ge [sflag:s15], $0x8  }
0xdd: {  	[sflag:s15] =	ssyncset.done $0x0  }
0xde: {  	[sflag:s15] =	ssyncadd.s32 $0xFFFFFFF8  }
0xdf: {  	[tilespmem:s19], [sflag:$0x3] =	stream.indirect.gather [hbm4b:s3+s18], $0xC00, s16, s18, $0xb8;
	[tilespmem:$0x1E280] =	vst v63  }
0xe0: {  	_ =	swait.ge [sflag:s28], $0x6000  }
0xe1: {  	[sflag:s28] =	ssyncset.done $0x0  }
0xe2: {  	s9 =	sadd.s32 s5, s11;
	[sflag:s28] =	ssyncadd.s32 $0xFFFFA000  }
0xe3: {  	[tilespmem:s20], [sflag:$0x2] =	stream.linear.gather [hbm4b:s9+s2], $0x8, $0x38;
	[tilespmem:$0x1E280] =	vst v63  }
0xe4: {  	s9 =	sadd.s32 s6, s11;
	s11 =	smov.u32 s10  }
0xe5: {  	[tilespmem:s21], [sflag:$0x2] =	stream.linear.gather [hbm4b:s9+s2], $0x8, $0x38;
	[tilespmem:$0x1E280] =	vst v63  }
0xe6: {  	_ =	swait.ge [sflag:s22], $0x8  }
0xe7: {  	[sflag:s22] =	ssyncset.done $0x0  }
0xe8: {  	[sflag:s22] =	ssyncadd.s32 $0xFFFFFFF8  }
0xe9: {  	_ =	swait.ge [sflag:s22], $0x8  }
0xea: {  	[sflag:s22] =	ssyncset.done $0x0  }
0xeb: {  	[sflag:s22] =	ssyncadd.s32 $0xFFFFFFF8  }
0xec: {  	[tilespmem:s23], [sflag:$0x4] =	stream.indirect.gather [hbm4b:s3+s18], $0xC00, s20, s18, $0xb8;
	[tilespmem:$0x1E280] =	vst v63  }
0xed: {  	_ =	swait.ge [sflag:s24], $0x6000  }
0xee: {  	[sflag:s24] =	ssyncset.done $0x0  }
0xef: {  	[sflag:s24] =	ssyncadd.s32 $0xFFFFA000  }
0xf0: {  	[spmem:s1] =	stream.indirect.scatter.add.f32 [tilespmem:s19], [sflag:$0x5], $0xC00, s17, s18, $0xb8;
	[tilespmem:$0x1E280] =	vst v63  }
0xf1: {  	_ =	swait.ge [sflag:s25], $0x6000  }
.Ltmp8:
0xf2: {  	[sflag:s25] =	ssyncset.done $0x0;
	(pc) =	sbr.rel @p1 .LBB2_7-.Ltmp8, $4  }
0xf3: {  	[sflag:s25] =	ssyncadd.s32 $0xFFFFA000  }
0xf4: {  	_ =	swait.ge [sflag:s26], $0x6000  }
0xf5: {  	[sflag:s26] =	ssyncset.done $0x0  }
0xf6: {  	s8 =	sadd.s32 $0x10, s8;
	[sflag:s26] =	ssyncadd.s32 $0xFFFFA000  }
.Ltmp9:
0xf7: {  	(pc) =	sbr.rel .LBB2_9-.Ltmp9, $2  }
0xf8: {  	_ =	sdelay $0x2  }
0xf9: {  	s10 =	rddreg [dreg:$0x3]  }
.LBB2_13:
0xfa: {  	_ =	sfence.sel $0x180000  }
0xfb: {  	[bflag:$0x0] =	sbarrier.arrive $0xFFFF  }
0xfc: {  	_ =	strace $0x9000004A  }
0xfd: {  	s0 =	stileid.u32;
	[bflag:$0x2] =	sbarrier.arrive $0xFFFF  }
0xfe: {  	p0 =	sne.s32 s0, $0x0;
	s0 =	rddreg [dreg:$0x2]  }
0xff: {  	s0 =	sadd.s32 @!p0 $0x100000, s0  }
0x100: {  	[sflag:s0] =	ssyncadd.tile.s32 @!p0 $0x1;
	_ =	shalt  }
.Lfunc_end2:
_tile_overlayer_lowered:
.L_overlay_start_2:
0x101: {  	(tag) =	ssettag $0x2  }
0x102: {  	s0 =	rddreg [dreg:$0x0];
	s2 =	stileid.u32  }
0x103: {  	s1 =	rddreg [dreg:$0x1];
	p0 =	sne.s32 s2, $0x0  }
0x104: {  	s3 =	rddreg [dreg:$0x2];
	[bflag:$0x3] =	sbarrier.arrive $0xFFFF;
	s2 =	simm.s32 @!p0 $0x1C07  }
0x105: {  	[timem:s3], [sflag:s2] =	dma.local @!p0 [hbm:s0], s1  }
0x106: {  	s0 =	simm.s32 @!p0 $0x7  }
0x107: {  	_ =	swait.ge @!p0 [sflag:s0], s1  }
0x108: {  	s1 =	ssub.s32 @!p0 $0x0, s1;
	[sflag:s0] =	ssyncset.done @!p0 $0x0  }
0x109: {  	[sflag:s0] =	ssyncadd.s32 @!p0 s1  }
0x10a: {  	[bflag:$0x3] =	sbarrier.arrive $0xFFFF  }
0x10b: {  	_ =	shalt  }

// kernel: kernel.24.cloned.1.call-start
scs
__scs_entry_jumppad:
0x0: {  	(pc) =	sbr.rel $0x88, $3  }
0x1: {  	(tag) =	ssettag $0x0;
	lr =	simm.s32 $0x1  }
0x2: {  	[smem:$0x3F73] =	sst lr;
	_ =	strace $0xD0000000  }
0x3: {  	_ = 	snop  }
0x4: {  	_ = 	snop  }
0x5: {  	_ = 	snop  }
0x6: {  	_ = 	snop  }
0x7: {  	_ = 	snop  }
__scs_overlays_trampoline_lowered:
0x8: {  	[smem:$0x3F82] =	sst s0  }
0x9: {  	[smem:$0x3F83] =	sst s1  }
0xa: {  	[smem:$0x3F84] =	sst s2  }
0xb: {  	[smem:$0x3F85] =	sst s3  }
0xc: {  	[smem:$0x3F86] =	sst s4  }
0xd: {  	[smem:$0x3F87] =	sst s5  }
0xe: {  	[smem:$0x3F88] =	sst s6  }
0xf: {  	[smem:$0x3F89] =	sst s7  }
0x10: {  	[smem:$0x3F8A] =	sst s8  }
0x11: {  	[smem:$0x3F8B] =	sst s9;
	s0 =	simm.s32 @!p0 $0x0  }
0x12: {  	s1 =	sld [smem:$0x3F71];
	s0 =	simm.s32 @p0 $0x1  }
0x13: {  	[smem:$0x3F8C] =	sst s0;
	s0 =	simm.s32 @!p1 $0x0  }
0x14: {  	s2 =	sld [smem:$0x3F70];
	s0 =	simm.s32 @p1 $0x1  }
0x15: {  	[smem:$0x3F8D] =	sst s0;
	s0 =	simm.s32 @!p2 $0x0  }
0x16: {  	s3 =	sld [smem:$0x3FDB];
	s0 =	simm.s32 @p2 $0x1  }
0x17: {  	s4 =	simm.s32 $0x1BF5;
	[smem:$0x3F8F] =	sst s0  }
0x18: {  	s0 =	sld [smem:$0x3F72];
	_ =	swait.ge [sflag:s4], $0x0  }
0x19: {  	s7 =	sld [smem:$0x3F73]  }
0x1a: {  	s8 =	sadd.s32 $0xFFFFE003, lr  }
0x1b: {  	s9 =	sadd.s32 $0xFFFFFEF7, lr;
	s5 =	simm.s32 $0xFFFFFFFF;
	p2 =	slt.u32 s8, $0xFFFFF086  }
0x1c: {  	p1 =	slt.u32 s9, $0xF7A;
	s5 =	simm.s32 @!p2 $0x0  }
0x1d: {  	s5 =	simm.s32 @p1 $0x1;
	p0 =	seq.s32 s7, s2  }
0x1e: {  	s7 =	smul.u32 @!p0 $0xF7A, s2;
	p2 =	seq.s32 @!p0 s5, $0x0  }
0x1f: {  	s9 =	smul.u32 $0xF7A, s1;
	s8 =	simm.s32 @!p0 $0x1BF5;
	p2 =	por !p2, p0  }
0x20: {  	[sflag:s8] =	ssyncset.s32 @!p0 $0xFFFFF086;
	s6 =	sadd.s32 @!p0 s3, s7;
	s7 =	simm.s32 @!p0 $0x108  }
0x21: {  	s3 =	sadd.s32 s3, s9;
	s6 =	sadd.s32 @!p0 $0x88, s6;
	s7 =	simm.s32 @p2 $0x1082  }
0x22: {  	[simem:s7], [sflag:s8] =	dma.local @!p0 [hbm:s6], $0xF7A  }
0x23: {  	s9 =	sor.u32 $0xD0000000, s2;
	s6 =	simm.s32 $0x108;
	_ =	swait.ge @!p0 [sflag:s8], $0x0  }
0x24: {  	s3 =	sadd.s32 $0x88, s3;
	s6 =	simm.s32 @!p1 $0x1082;
	[sflag:s4] =	ssyncset.s32 $0xFFFFF086  }
0x25: {  	[simem:s6], [sflag:s4] =	dma.local [hbm:s3], $0xF7A  }
0x26: {  	[smem:$0x3F73] =	sst s1;
	(tag) =	ssettag s2;
	_ =	strace s9  }
0x27: {  	s1 =	sld [smem:$0x3F83]  }
0x28: {  	s2 =	sld [smem:$0x3F84]  }
0x29: {  	s4 =	sld [smem:$0x3F86]  }
0x2a: {  	p0 =	seq.s32 s5, $0x0;
	s5 =	sld [smem:$0x3F87]  }
0x2b: {  	s6 =	sld [smem:$0x3F88]  }
0x2c: {  	s7 =	sld [smem:$0x3F89]  }
0x2d: {  	s3 =	simm.s32 $0x108;
	s8 =	sld [smem:$0x3F8A]  }
0x2e: {  	s3 =	simm.s32 @!p0 $0x1082;
	s9 =	sld [smem:$0x3F8B]  }
0x2f: {  	lr =	sadd.s32 s0, s3;
	s0 =	sld [smem:$0x3F82]  }
0x30: {  	s3 =	sld [smem:$0x3F85]  }
0x31: {  	[smem:$0x3F8E] =	sst s10  }
0x32: {  	s10 =	sld [smem:$0x3F8C];
	_ =	sdelay $0x3  }
0x33: {  	p0 =	seq.s32 s10, $0x1;
	s10 =	sld [smem:$0x3F8E];
	_ =	sdelay $0x3  }
0x34: {  	[smem:$0x3F8E] =	sst s10  }
0x35: {  	s10 =	sld [smem:$0x3F8D];
	_ =	sdelay $0x3  }
0x36: {  	p1 =	seq.s32 s10, $0x1;
	s10 =	sld [smem:$0x3F8E];
	_ =	sdelay $0x3  }
0x37: {  	[smem:$0x3F8E] =	sst s10  }
0x38: {  	s10 =	sld [smem:$0x3F8F]  }
0x39: {  	_ = 	snop;
	(pc) =	sbr.ind lr, $3  }
0x3a: {  	_ = 	snop  }
0x3b: {  	_ = 	snop  }
0x3c: {  	p2 =	seq.s32 s10, $0x1;
	s10 =	sld [smem:$0x3F8E]  }
0x3d: {  	_ =	shalt  }
0x3e: {  	_ =	shalt  }
0x3f: {  	_ =	shalt  }
0x40: {  	_ =	shalt  }
0x41: {  	_ =	shalt  }
0x42: {  	_ =	shalt  }
0x43: {  	_ =	shalt  }
0x44: {  	_ =	shalt  }
0x45: {  	_ =	shalt  }
0x46: {  	_ =	shalt  }
0x47: {  	_ =	shalt  }
0x48: {  	_ =	shalt  }
0x49: {  	_ =	shalt  }
0x4a: {  	_ =	shalt  }
0x4b: {  	_ =	shalt  }
0x4c: {  	_ =	shalt  }
0x4d: {  	_ =	shalt  }
0x4e: {  	_ =	shalt  }
0x4f: {  	_ =	shalt  }
0x50: {  	_ =	shalt  }
0x51: {  	_ =	shalt  }
0x52: {  	_ =	shalt  }
0x53: {  	_ =	shalt  }
0x54: {  	_ =	shalt  }
0x55: {  	_ =	shalt  }
0x56: {  	_ =	shalt  }
0x57: {  	_ =	shalt  }
0x58: {  	_ =	shalt  }
0x59: {  	_ =	shalt  }
0x5a: {  	_ =	shalt  }
0x5b: {  	_ =	shalt  }
0x5c: {  	_ =	shalt  }
0x5d: {  	_ =	shalt  }
0x5e: {  	_ =	shalt  }
0x5f: {  	_ =	shalt  }
0x60: {  	_ =	shalt  }
0x61: {  	_ =	shalt  }
0x62: {  	_ =	shalt  }
0x63: {  	_ =	shalt  }
0x64: {  	_ =	shalt  }
0x65: {  	_ =	shalt  }
0x66: {  	_ =	shalt  }
0x67: {  	_ =	shalt  }
0x68: {  	_ =	shalt  }
0x69: {  	_ =	shalt  }
0x6a: {  	_ =	shalt  }
0x6b: {  	_ =	shalt  }
0x6c: {  	_ =	shalt  }
0x6d: {  	_ =	shalt  }
0x6e: {  	_ =	shalt  }
0x6f: {  	_ =	shalt  }
0x70: {  	_ =	shalt  }
0x71: {  	_ =	shalt  }
0x72: {  	_ =	shalt  }
0x73: {  	_ =	shalt  }
0x74: {  	_ =	shalt  }
0x75: {  	_ =	shalt  }
0x76: {  	_ =	shalt  }
0x77: {  	_ =	shalt  }
0x78: {  	_ =	shalt  }
0x79: {  	_ =	shalt  }
0x7a: {  	_ =	shalt  }
0x7b: {  	_ =	shalt  }
0x7c: {  	_ =	shalt  }
0x7d: {  	_ =	shalt  }
0x7e: {  	_ =	shalt  }
0x7f: {  	_ =	shalt  }
0x80: {  	_ =	shalt  }
0x81: {  	_ =	shalt  }
0x82: {  	_ =	shalt  }
0x83: {  	_ =	shalt  }
0x84: {  	_ =	shalt  }
0x85: {  	_ =	shalt  }
0x86: {  	_ =	shalt  }
0x87: {  	_ =	shalt  }
.Lfunc_end0:
.L_simem_size_0:
called_computation.9_lowered:
.L_overlay_start_0:
0x88: {  	s2 =	sld [smem:$0x3FD9]  }
0x89: {  	s3 =	sld [smem:$0x3FFE];
	_ =	sdelay $0x1  }
0x8a: {  	s1 =	srdreg.scid  }
0x8b: {  	s0 =	sand.u32 $0x1, s1  }
0x8c: {  	s16 =	sshll.u32 s0, $0xA;
	s2 =	sadd.s32 s3, s2  }
0x8d: {  	s2 =	sadd.s32 s2, s16  }
0x8e: {  	[smem:$0x3F9A] =	sst s2  }
0x8f: {  	_ = 	snop  }
0x90: {  	(tm) =	ssettm $0x1  }
0x91: {  	s17 =	sld [smem:$0x3FFB];
	_ =	sdelay $0x3  }
0x92: {  	_ =	strace s17  }
0x93: {  	s2 =	sld [smem:$0x3FFC];
	_ =	sdelay $0x3  }
0x94: {  	_ =	strace s2  }
0x95: {  	s2 =	sld [smem:$0x3FFD];
	_ =	sdelay $0x3  }
0x96: {  	_ =	strace s2  }
0x97: {  	_ =	strace $0x8FFFFFFF  }
0x98: {  	s18 =	sld [smem:$0x3FDB];
	_ =	sdelay $0x1  }
0x99: {  	s19 =	simm.s32 $_scs_section_size  }
0x9a: {  	s4 =	simm.s32 $_size__tile_overlayer_lowered;
	s5 =	simm.s32 $_tile_overlayer_lowered  }
0x9b: {  	s22 =	simm.s32 $0x1BFF;
	s21 =	sshll.u32 s5, $0x1;
	s2 =	sadd.s32 s19, s18  }
0x9c: {  	s6 =	simm.s32 $0x0;
	s20 =	sshll.u32 s4, $0x1;
	s4 =	sadd.s32 s21, s2  }
0x9d: {  	[timem:s6], [sflag:s22] =	dma.local [hbm:s4], s20  }
0x9e: {  	_ =	swait.ge [sflag:s22], s20  }
0x9f: {  	s3 =	ssub.s32 $0x0, s20;
	[sflag:s22] =	ssyncset.done $0x0  }
0xa0: {  	[sflag:s22] =	ssyncadd.s32 s3;
	_ =	sdelay $0x1  }
0xa1: {  	s23 =	simm.s32 $0x1B8B  }
0xa2: {  	_ =	swait.ge [sflag:s23], $0x1  }
0xa3: {  	[sflag:s23] =	ssyncset.done $0x0  }
0xa4: {  	s25 =	simm.s32 $0x1B8E;
	s24 =	sld [smem:$0x3FFE];
	[sflag:s23] =	ssyncadd.s32 $0xFFFFFFFF  }
0xa5: {  	s26 =	simm.s32 $execute0_lowered;
	[smem:$0x3FD2] =	sst s25  }
0xa6: {  	s4 =	sshll.u32 s26, $0x1;
	_ =	strace $0x80000052;
	[dreg:$0x1] =	wrdreg $0xFFFFFFFF  }
0xa7: {  	s28 =	simm.s32 $_size_execute0_lowered;
	s2 =	sadd.s32 s2, s4;
	[dreg:$0x0] =	wrdreg $0x0  }
0xa8: {  	s4 =	sshll.u32 s28, $0x1;
	[dreg:$0x2] =	wrdreg s2  }
0xa9: {  	[dreg:$0x3] =	wrdreg s4  }
0xaa: {  	[dreg:$0x4] =	wrdreg $0xC0  }
0xab: {  	_ =	task [dreg:s6], $0x5FFFF  }
0xac: {  	[dreg:$0x1] =	wrdreg $0xFFFFFFFF  }
0xad: {  	[dreg:$0x0] =	wrdreg $0x60  }
0xae: {  	[dreg:$0x2] =	wrdreg s24  }
0xaf: {  	[dreg:$0x3] =	wrdreg $0xC2800  }
0xb0: {  	[dreg:$0x4] =	wrdreg $0x9  }
0xb1: {  	_ =	task.clear_ibuf [dreg:s6], $0x5FFFF;
	_ =	strace $0x90000052  }
0xb2: {  	s29 =	simm.s32 $0x9;
	_ =	strace $0x80000054  }
0xb3: {  	_ =	swait.ge [sflag:s29], $0x1  }
0xb4: {  	[sflag:s29] =	ssyncadd.s32 $0xFFFFFFFF  }
0xb5: {  	_ =	strace $0x90000054  }
0xb6: {  	_ =	sfence  }
0xb7: {  	s30 =	sld [smem:$0x0];
	_ =	sdelay $0x2  }
0xb8: {  	s31 =	sshll.u32 s1, $0xD;
	s1 =	sshrl.u32 s1, $0x2  }
0xb9: {  	s3 =	sand.u32 $0x4000, s31;
	s1 =	sadd.s32 s1, s30  }
0xba: {  	s0 =	sor.u32 s3, s0;
	s1 =	sshll.u32 s1, $0x11  }
0xbb: {  	s0 =	sor.u32 s1, s0  }
0xbc: {  	s0 =	sadd.s32 $0x8F2B, s0  }
0xbd: {  	[sflag:s0] =	ssyncadd.remote.s32 $0x1  }
0xbe: {  	_ =	sfence.sel $0xFFFF  }
0xbf: {  	[dreg:$0x0] =	wrdreg $0xFFFFFFFF;
	(pc) =	sbr.abs _section_cstart, $3  }
0xc0: {  	[dreg:$0x1] =	wrdreg $0xFFFFFFFF  }
0xc1: {  	_ =	task.clear_ibuf [dreg:s6], $0x2FFFF;
	_ =	strace $0x9FFFFFFF  }
0xc2: {  	(tm) =	ssettm $0x7FFFFFFF  }
0xc3: {  	_ =	shalt  }
tec
execute0_lowered:
.L_overlay_start_1:
0x0: {  	(tag) =	ssettag $0x1  }
0x1: {  	s0 =	rddreg [dreg:$0x0]  }
0x2: {  	s1 =	rddreg [dreg:$0x1]  }
0x3: {  	s2 =	simm.s32 $0x0;
	s4 =	srdreg.scid;
	s9 =	stileid.u32  }
0x4: {  	s15 =	simm.s32 $0x1;
	s16 =	simm.s32 $0x80;
	s17 =	simm.s32 $0x180  }
0x5: {  	s18 =	simm.s32 $0x8;
	s19 =	simm.s32 $0x280;
	s20 =	simm.s32 $0x100  }
0x6: {  	s21 =	simm.s32 $0x200;
	s22 =	simm.s32 $0x2;
	s23 =	simm.s32 $0x6280  }
0x7: {  	s24 =	simm.s32 $0x3;
	s25 =	simm.s32 $0x4;
	s28 =	simm.s32 $0x6  }
0x8: {  	[smem:$0x7FF] =	sst s2;
	s3 =	sadd.s32 $0x7E5800, s0;
	s5 =	sadd.s32 $0x8D400, s0  }
0x9: {  	s6 =	sadd.s32 $0x7E400, s0;
	s11 =	sadd.s32 $0x83800, s0;
	s4 =	sand.u32 $0x1, s4  }
0xa: {  	s12 =	sadd.s32 $0x86000, s0;
	s8 =	smul.u32 $0x48000, s9;
	s0 =	sadd.s32 $0xB8F000, s0  }
0xb: {  	s10 =	sshll.u32 s9, $0x1;
	s31 =	sshll.u32 s9, $0x6;
	_ =	strace $0x80000053  }
0xc: {  	s7 =	ssub.s32 $0x2, s4;
	[dreg:$0x5] =	wrdreg s0;
	s4 =	sor.u32 s4, s10  }
0xd: {  	s10 =	smov.u32 s11;
	s9 =	smov.u32 s12;
	s12 =	simm.s32 $0x7  }
.Ltmp0:
0xe: {  	s13 =	sor.u32 $0x1C07, s31;
	s26 =	sshrl.u32 s7, $0x1;
	(pc) =	sbr.rel .LBB2_1-.Ltmp0, $4  }
0xf: {  	s29 =	sshrl.u32 s8, $0x2;
	s4 =	smul.u32 $0x14, s4;
	[dreg:$0x3] =	wrdreg s10  }
0x10: {  	[dreg:$0x4] =	wrdreg s9;
	s0 =	ssub.s32 s7, s26;
	s30 =	sadd.s32 s29, s1  }
0x11: {  	s26 =	simm.s32 $0x5;
	[dreg:$0x6] =	wrdreg s4;
	s0 =	smax.u32 s0, $0x1  }
0x12: {  	s14 =	sshrl.u32 s30, $0x3;
	s4 =	simm.s32 $0x0;
	[dreg:$0x7] =	wrdreg s0  }
.LBB2_12:
0x13: {  	s4 =	rddreg [dreg:$0x8]  }
0x14: {  	s0 =	rddreg [dreg:$0x7];
	s4 =	sadd.s32 $0x1, s4  }
0x15: {  	p0 =	sne.s32 s4, s0  }
.Ltmp1:
0x16: {  	_ = 	snop;
	(pc) =	sbr.rel @!p0 .LBB2_13-.Ltmp1, $1  }
0x17: {  	_ =	sdelay $0x3  }
.LBB2_1:
.Ltmp2:
0x18: {  	(pc) =	sbr.rel .LBB2_2-.Ltmp2, $2  }
0x19: {  	_ =	sdelay $0x2  }
0x1a: {  	[dreg:$0x8] =	wrdreg s4;
	s30 =	simm.s32 $0x0  }
.LBB2_6:
0x1b: {  	s10 =	rddreg [dreg:$0x3]  }
.LBB2_9:
0x1c: {  	[spmem:s1] =	stream.indirect.scatter.add.f32 @p0 [tilespmem:s23], [sflag:$0x6], $0xC00, s21, s18, $0xb8;
	[tilespmem:$0x1E280] =	vst v63  }
0x1d: {  	s7 =	sadd.s32 s5, s29  }
0x1e: {  	[tilespmem:s16], [sflag:$0x1] =	stream.linear.gather [hbm4b:s7+s2], $0x8, $0x38;
	[tilespmem:$0x1E280] =	vst v63  }
0x1f: {  	s8 =	sadd.s32 s6, s29  }
0x20: {  	[tilespmem:s17], [sflag:$0x1] =	stream.linear.gather [hbm4b:s8+s2], $0x8, $0x38;
	[tilespmem:$0x1E280] =	vst v63  }
0x21: {  	_ =	swait.ge [sflag:s15], $0x8  }
0x22: {  	[sflag:s15] =	ssyncset.done $0x0  }
0x23: {  	[sflag:s15] =	ssyncadd.s32 $0xFFFFFFF8  }
0x24: {  	_ =	swait.ge [sflag:s15], $0x8  }
0x25: {  	[sflag:s15] =	ssyncset.done $0x0  }
0x26: {  	[sflag:s15] =	ssyncadd.s32 $0xFFFFFFF8  }
0x27: {  	[tilespmem:s19], [sflag:$0x3] =	stream.indirect.gather [hbm4b:s3+s18], $0xC00, s16, s18, $0xb8;
	[tilespmem:$0x1E280] =	vst v63  }
0x28: {  	_ =	swait.ge [sflag:s28], $0x6000  }
0x29: {  	[sflag:s28] =	ssyncset.done $0x0  }
0x2a: {  	s9 =	sadd.s32 s5, s11;
	[sflag:s28] =	ssyncadd.s32 $0xFFFFA000  }
0x2b: {  	[tilespmem:s20], [sflag:$0x2] =	stream.linear.gather [hbm4b:s9+s2], $0x8, $0x38;
	[tilespmem:$0x1E280] =	vst v63  }
0x2c: {  	s29 =	sadd.s32 s6, s11  }
0x2d: {  	[tilespmem:s21], [sflag:$0x2] =	stream.linear.gather [hbm4b:s29+s2], $0x8, $0x38;
	[tilespmem:$0x1E280] =	vst v63  }
0x2e: {  	_ =	swait.ge [sflag:s22], $0x8  }
0x2f: {  	[sflag:s22] =	ssyncset.done $0x0  }
0x30: {  	[sflag:s22] =	ssyncadd.s32 $0xFFFFFFF8  }
0x31: {  	_ =	swait.ge [sflag:s22], $0x8  }
0x32: {  	[sflag:s22] =	ssyncset.done $0x0  }
0x33: {  	[sflag:s22] =	ssyncadd.s32 $0xFFFFFFF8  }
0x34: {  	[tilespmem:s23], [sflag:$0x4] =	stream.indirect.gather [hbm4b:s3+s18], $0xC00, s20, s18, $0xb8;
	[tilespmem:$0x1E280] =	vst v63  }
0x35: {  	_ =	swait.ge [sflag:s24], $0x6000  }
0x36: {  	[sflag:s24] =	ssyncset.done $0x0  }
0x37: {  	[sflag:s24] =	ssyncadd.s32 $0xFFFFA000  }
0x38: {  	[spmem:s1] =	stream.indirect.scatter.add.f32 [tilespmem:s19], [sflag:$0x5], $0xC00, s17, s18, $0xb8;
	[tilespmem:$0x1E280] =	vst v63  }
0x39: {  	_ =	swait.ge [sflag:s25], $0x6000  }
0x3a: {  	[sflag:s25] =	ssyncset.done $0x0  }
0x3b: {  	[sflag:s25] =	ssyncadd.s32 $0xFFFFA000  }
0x3c: {  	_ =	swait.ge [sflag:s26], $0x6000  }
0x3d: {  	[sflag:s26] =	ssyncset.done $0x0  }
0x3e: {  	s9 =	rddreg [dreg:$0x4];
	[sflag:s26] =	ssyncadd.s32 $0xFFFFA000  }
0x3f: {  	[spmem:s1] =	stream.indirect.scatter.add.f32 [tilespmem:s23], [sflag:$0x6], $0xC00, s21, s18, $0xb8;
	[tilespmem:$0x1E280] =	vst v63  }
.LBB2_10:
0x40: {  	_ =	swait.ge [sflag:s28], $0x6000  }
0x41: {  	[sflag:s28] =	ssyncset.done $0x0  }
0x42: {  	[sflag:s28] =	ssyncadd.s32 $0xFFFFA000  }
.LBB2_11:
0x43: {  	s7 =	sand.u32 $0x1, s4  }
0x44: {  	p0 =	seq.s32 s7, $0x0  }
0x45: {  	s0 =	sadd.s32 @!p0 $0xFFFFFFF8, s0  }
0x46: {  	s0 =	sshrl.u32 @!p0 s0, $0x3  }
0x47: {  	s0 =	sadd.s32 @!p0 s4, s0  }
0x48: {  	s0 =	sand.u32 @!p0 $0x1FFFFFFE, s0  }
0x49: {  	s7 =	simm.s32 @!p0 $0x0;
	s8 =	simm.s32 @!p0 $0x80;
	s4 =	sadd.s32 @!p0 s5, s0  }
0x4a: {  	[tilespmem:s8], [sflag:$0x1] =	stream.linear.gather @!p0 [hbm4b:s4+s7], $0x8, $0x38;
	[tilespmem:$0x1E280] =	vst v63  }
0x4b: {  	s0 =	sadd.s32 @!p0 s6, s0;
	s4 =	simm.s32 @!p0 $0x180  }
0x4c: {  	[tilespmem:s4], [sflag:$0x1] =	stream.linear.gather @!p0 [hbm4b:s0+s7], $0x8, $0x38;
	[tilespmem:$0x1E280] =	vst v63  }
0x4d: {  	s0 =	simm.s32 @!p0 $0x1  }
0x4e: {  	_ =	swait.ge @!p0 [sflag:s0], $0x8  }
0x4f: {  	[sflag:s0] =	ssyncset.done @!p0 $0x0  }
0x50: {  	[sflag:s0] =	ssyncadd.s32 @!p0 $0xFFFFFFF8  }
0x51: {  	_ =	swait.ge @!p0 [sflag:s0], $0x8  }
0x52: {  	[sflag:s0] =	ssyncset.done @!p0 $0x0  }
0x53: {  	s7 =	simm.s32 @!p0 $0x280;
	[sflag:s0] =	ssyncadd.s32 @!p0 $0xFFFFFFF8;
	s0 =	simm.s32 @!p0 $0x8  }
0x54: {  	[tilespmem:s7], [sflag:$0x3] =	stream.indirect.gather @!p0 [hbm4b:s3+s0], $0xC00, s8, s0, $0xb8;
	[tilespmem:$0x1E280] =	vst v63  }
0x55: {  	s8 =	simm.s32 @!p0 $0x3  }
0x56: {  	_ =	swait.ge @!p0 [sflag:s8], $0x6000  }
0x57: {  	[sflag:s8] =	ssyncset.done @!p0 $0x0  }
0x58: {  	[sflag:s8] =	ssyncadd.s32 @!p0 $0xFFFFA000  }
0x59: {  	[spmem:s1] =	stream.indirect.scatter.add.f32 @!p0 [tilespmem:s7], [sflag:$0x5], $0xC00, s4, s0, $0xb8;
	[tilespmem:$0x1E280] =	vst v63  }
0x5a: {  	s0 =	simm.s32 @!p0 $0x5  }
0x5b: {  	_ =	swait.ge @!p0 [sflag:s0], $0x6000  }
0x5c: {  	s29 =	smul.u32 $0x1800, s31;
	s30 =	sadd.s32 $0x1, s30;
	[sflag:s0] =	ssyncset.done @!p0 $0x0  }
0x5d: {  	s31 =	rddreg [dreg:$0x5];
	[sflag:s0] =	ssyncadd.s32 @!p0 $0xFFFFA000;
	p0 =	sne.s32 s30, $0x14  }
.Ltmp3:
0x5e: {  	s0 =	sadd.s32 s31, s29;
	(pc) =	sbr.rel @!p0 .LBB2_12-.Ltmp3, $4  }
0x5f: {  	[hbm:s0], [sflag:s13] =	dma.local [spmem:s14], $0x1800  }
0x60: {  	_ =	swait.ge [sflag:s12], $0x1800  }
0x61: {  	[sflag:s12] =	ssyncset.done $0x0  }
0x62: {  	[sflag:s12] =	ssyncadd.s32 $0xFFFFE800  }
.LBB2_2:
0x63: {  	s0 =	rddreg [dreg:$0x6]  }
0x64: {  	s31 =	sadd.s32 s0, s30  }
0x65: {  	s0 =	sshll.u32 s31, $0x4  }
0x66: {  	s0 =	sadd.s32 s10, s0  }
0x67: {  	[tilespmem:s2], [sflag:$0x7] =	stream.linear.gather [hbm4b:s0+s2], $0x80, $0x38;
	[tilespmem:$0x1E280] =	vst v63  }
0x68: {  	_ =	swait.ge [sflag:s12], $0x80  }
0x69: {  	[sflag:s12] =	ssyncset.done $0x0  }
0x6a: {  	[sflag:s12] =	ssyncadd.s32 $0xFFFFFF80  }
0x6b: {  	v0 =	vld [tilespmem:$0x0];
	_ =	sdelay $0x4  }
0x6c: {  	(v2sf) =	vpush v0, $0x0  }
0x6d: {  	(v2sf) =	vpush v0, $0x1;
	_ =	sdelay $0xd  }
0x6e: {  	s0 =	spop (v2sf)  }
0x6f: {  	s4 =	spop (v2sf)  }
0x70: {  	s8 =	simm.s32 $0x1;
	s7 =	ssub.s32 s4, s0;
	p0 =	sne.s32 s4, s0  }
0x71: {  	s11 =	sshra.s32 s7, $0x1F;
	s8 =	simm.s32 @!p0 $0x0  }
0x72: {  	s4 =	sand.u32 $0x7, s4;
	s8 =	sor.u32 s8, s11  }
0x73: {  	p1 =	sne.s32 s4, $0x0;
	p4 =	sne.s32 s8, $0x1  }
0x74: {  	s11 =	sshrl.u32 s11, $0x1D;
	p0 =	por !p1, !p4  }
0x75: {  	s4 =	sadd.s32 s11, s7;
	s7 =	simm.s32 $0x1;
	p0 =	por !p0, !p0  }
0x76: {  	s4 =	sshra.s32 s4, $0x3;
	s7 =	simm.s32 @!p0 $0x0  }
0x77: {  	s4 =	ssub.s32 s4, s7  }
0x78: {  	s7 =	sshrl.u32 s4, $0x1F  }
0x79: {  	s7 =	sadd.s32 s7, s4  }
0x7a: {  	s29 =	sand.u32 $0xFFFFFFFE, s7  }
0x7b: {  	p5 =	slt.s32 s4, $0x1;
	p6 =	sne.s32 s4, s29  }
0x7c: {  	p0 =	por !p5, !p6  }
0x7d: {  	s8 =	simm.s32 $0x1;
	p0 =	por !p0, !p0  }
0x7e: {  	s7 =	sshra.s32 s7, $0x1;
	s8 =	simm.s32 @!p0 $0x0  }
0x7f: {  	s8 =	ssub.s32 s7, s8  }
0x80: {  	p1 =	slt.s32 s8, $0x1  }
.Ltmp4:
0x81: {  	_ = 	snop;
	(pc) =	sbr.rel @p1 .LBB2_11-.Ltmp4, $4  }
0x82: {  	[spmem:s14], [sflag:s13] =	dma.local [hbm:s9], $0x2400  }
0x83: {  	_ =	swait.ge [sflag:s12], $0x2400  }
0x84: {  	[sflag:s12] =	ssyncset.done $0x0  }
0x85: {  	[sflag:s12] =	ssyncadd.s32 $0xFFFFDC00  }
0x86: {  	s11 =	sshrl.u32 s0, $0x3  }
0x87: {  	s29 =	sadd.s32 s5, s11  }
0x88: {  	[tilespmem:s16], [sflag:$0x1] =	stream.linear.gather [hbm4b:s29+s2], $0x8, $0x38;
	[tilespmem:$0x1E280] =	vst v63  }
0x89: {  	s29 =	sadd.s32 s6, s11  }
0x8a: {  	[tilespmem:s17], [sflag:$0x1] =	stream.linear.gather [hbm4b:s29+s2], $0x8, $0x38;
	[tilespmem:$0x1E280] =	vst v63  }
0x8b: {  	_ =	swait.ge [sflag:s15], $0x8  }
0x8c: {  	[sflag:s15] =	ssyncset.done $0x0  }
0x8d: {  	[sflag:s15] =	ssyncadd.s32 $0xFFFFFFF8  }
0x8e: {  	_ =	swait.ge [sflag:s15], $0x8  }
0x8f: {  	[sflag:s15] =	ssyncset.done $0x0  }
0x90: {  	s11 =	sor.u32 $0x1, s11;
	[sflag:s15] =	ssyncadd.s32 $0xFFFFFFF8  }
0x91: {  	[tilespmem:s19], [sflag:$0x3] =	stream.indirect.gather [hbm4b:s3+s18], $0xC00, s16, s18, $0xb8;
	[tilespmem:$0x1E280] =	vst v63  }
0x92: {  	s29 =	sadd.s32 s5, s11  }
0x93: {  	[tilespmem:s20], [sflag:$0x2] =	stream.linear.gather [hbm4b:s29+s2], $0x8, $0x38;
	[tilespmem:$0x1E280] =	vst v63  }
0x94: {  	s11 =	sadd.s32 s6, s11  }
0x95: {  	[tilespmem:s21], [sflag:$0x2] =	stream.linear.gather [hbm4b:s11+s2], $0x8, $0x38;
	[tilespmem:$0x1E280] =	vst v63  }
0x96: {  	_ =	swait.ge [sflag:s22], $0x8  }
0x97: {  	[sflag:s22] =	ssyncset.done $0x0  }
0x98: {  	[sflag:s22] =	ssyncadd.s32 $0xFFFFFFF8  }
0x99: {  	_ =	swait.ge [sflag:s22], $0x8  }
0x9a: {  	[sflag:s22] =	ssyncset.done $0x0  }
0x9b: {  	[sflag:s22] =	ssyncadd.s32 $0xFFFFFFF8  }
0x9c: {  	[tilespmem:s23], [sflag:$0x4] =	stream.indirect.gather [hbm4b:s3+s18], $0xC00, s20, s18, $0xb8;
	[tilespmem:$0x1E280] =	vst v63  }
0x9d: {  	_ =	swait.ge [sflag:s24], $0x6000  }
0x9e: {  	[sflag:s24] =	ssyncset.done $0x0  }
0x9f: {  	[sflag:s24] =	ssyncadd.s32 $0xFFFFA000  }
0xa0: {  	[spmem:s1] =	stream.indirect.scatter.add.f32 [tilespmem:s19], [sflag:$0x5], $0xC00, s17, s18, $0xb8;
	[tilespmem:$0x1E280] =	vst v63  }
0xa1: {  	_ =	swait.ge [sflag:s25], $0x6000  }
0xa2: {  	p1 =	seq.s32 s8, $0x1;
	[sflag:s25] =	ssyncset.done $0x0  }
.Ltmp5:
0xa3: {  	[sflag:s25] =	ssyncadd.s32 $0xFFFFA000;
	(pc) =	sbr.rel @p1 .LBB2_10-.Ltmp5, $4  }
0xa4: {  	_ =	swait.ge [sflag:s26], $0x6000  }
0xa5: {  	[sflag:s26] =	ssyncset.done $0x0  }
0xa6: {  	[sflag:s26] =	ssyncadd.s32 $0xFFFFA000  }
0xa7: {  	[spmem:s1] =	stream.indirect.scatter.add.f32 [tilespmem:s23], [sflag:$0x6], $0xC00, s21, s18, $0xb8;
	[tilespmem:$0x1E280] =	vst v63  }
0xa8: {  	s8 =	simm.s32 $0xFFFFFFFF  }
0xa9: {  	s8 =	simm.s32 @!p0 $0x0  }
0xaa: {  	s7 =	sadd.s32 s8, s7  }
0xab: {  	s7 =	sadd.s32 $0xFFFFFFFF, s7  }
0xac: {  	p1 =	sne.s32 s7, $0x1  }
.Ltmp6:
0xad: {  	_ = 	snop;
	(pc) =	sbr.rel @!p1 .LBB2_9-.Ltmp6, $4  }
0xae: {  	_ = 	snop  }
0xaf: {  	s9 =	sadd.s32 $0x10, s0  }
0xb0: {  	s29 =	sshrl.u32 s9, $0x3;
	p0 =	por $0x0, $0x0  }
0xb1: {  	s11 =	sor.u32 $0x1, s29;
	s8 =	sadd.s32 $0x10, s9;
	s7 =	sadd.s32 $0xFFFFFFFF, s7  }
0xb2: {  	s9 =	sadd.s32 s5, s29  }
0xb3: {  	[tilespmem:s16], [sflag:$0x1] =	stream.linear.gather [hbm4b:s9+s2], $0x8, $0x38;
	[tilespmem:$0x1E280] =	vst v63  }
0xb4: {  	s10 =	sadd.s32 s6, s29  }
0xb5: {  	[tilespmem:s17], [sflag:$0x1] =	stream.linear.gather [hbm4b:s10+s2], $0x8, $0x38;
	[tilespmem:$0x1E280] =	vst v63  }
0xb6: {  	_ =	swait.ge [sflag:s15], $0x8  }
0xb7: {  	[sflag:s15] =	ssyncset.done $0x0  }
0xb8: {  	[sflag:s15] =	ssyncadd.s32 $0xFFFFFFF8  }
0xb9: {  	_ =	swait.ge [sflag:s15], $0x8  }
0xba: {  	[sflag:s15] =	ssyncset.done $0x0  }
0xbb: {  	[sflag:s15] =	ssyncadd.s32 $0xFFFFFFF8  }
0xbc: {  	[tilespmem:s19], [sflag:$0x3] =	stream.indirect.gather [hbm4b:s3+s18], $0xC00, s16, s18, $0xb8;
	[tilespmem:$0x1E280] =	vst v63  }
0xbd: {  	_ =	swait.ge [sflag:s28], $0x6000  }
0xbe: {  	[sflag:s28] =	ssyncset.done $0x0  }
0xbf: {  	s10 =	sadd.s32 s5, s11;
	[sflag:s28] =	ssyncadd.s32 $0xFFFFA000  }
0xc0: {  	[tilespmem:s20], [sflag:$0x2] =	stream.linear.gather [hbm4b:s10+s2], $0x8, $0x38;
	[tilespmem:$0x1E280] =	vst v63  }
0xc1: {  	s11 =	sadd.s32 s6, s11  }
0xc2: {  	[tilespmem:s21], [sflag:$0x2] =	stream.linear.gather [hbm4b:s11+s2], $0x8, $0x38;
	[tilespmem:$0x1E280] =	vst v63  }
0xc3: {  	_ =	swait.ge [sflag:s22], $0x8  }
0xc4: {  	[sflag:s22] =	ssyncset.done $0x0  }
0xc5: {  	[sflag:s22] =	ssyncadd.s32 $0xFFFFFFF8  }
0xc6: {  	_ =	swait.ge [sflag:s22], $0x8  }
0xc7: {  	[sflag:s22] =	ssyncset.done $0x0  }
0xc8: {  	[sflag:s22] =	ssyncadd.s32 $0xFFFFFFF8  }
0xc9: {  	[tilespmem:s23], [sflag:$0x4] =	stream.indirect.gather [hbm4b:s3+s18], $0xC00, s20, s18, $0xb8;
	[tilespmem:$0x1E280] =	vst v63  }
0xca: {  	_ =	swait.ge [sflag:s24], $0x6000  }
0xcb: {  	[sflag:s24] =	ssyncset.done $0x0  }
0xcc: {  	[sflag:s24] =	ssyncadd.s32 $0xFFFFA000  }
0xcd: {  	[spmem:s1] =	stream.indirect.scatter.add.f32 [tilespmem:s19], [sflag:$0x5], $0xC00, s17, s18, $0xb8;
	[tilespmem:$0x1E280] =	vst v63  }
0xce: {  	p1 =	sne.s32 s7, $0x1;
	_ =	swait.ge [sflag:s25], $0x6000  }
.Ltmp7:
0xcf: {  	[sflag:s25] =	ssyncset.done $0x0;
	(pc) =	sbr.rel @!p1 .LBB2_6-.Ltmp7, $4  }
0xd0: {  	[sflag:s25] =	ssyncadd.s32 $0xFFFFA000  }
0xd1: {  	s29 =	sshrl.u32 s8, $0x3;
	_ =	swait.ge [sflag:s26], $0x6000  }
0xd2: {  	s7 =	sadd.s32 $0xFFFFFFFF, s7;
	s8 =	sadd.s32 $0x10, s8;
	[sflag:s26] =	ssyncset.done $0x0  }
0xd3: {  	p0 =	por $0x1, $0x1;
	s11 =	sor.u32 $0x1, s29;
	[sflag:s26] =	ssyncadd.s32 $0xFFFFA000  }
.LBB2_7:
0xd4: {  	[spmem:s1] =	stream.indirect.scatter.add.f32 [tilespmem:s23], [sflag:$0x6], $0xC00, s21, s18, $0xb8;
	[tilespmem:$0x1E280] =	vst v63  }
0xd5: {  	s9 =	sshrl.u32 s8, $0x3;
	p1 =	sne.s32 s7, $0x1;
	s10 =	sadd.s32 s5, s29  }
0xd6: {  	[tilespmem:s16], [sflag:$0x1] =	stream.linear.gather [hbm4b:s10+s2], $0x8, $0x38;
	[tilespmem:$0x1E280] =	vst v63  }
0xd7: {  	s7 =	sadd.s32 $0xFFFFFFFF, s7;
	s29 =	sadd.s32 s6, s29;
	s10 =	sor.u32 $0x1, s9  }
0xd8: {  	[tilespmem:s17], [sflag:$0x1] =	stream.linear.gather [hbm4b:s29+s2], $0x8, $0x38;
	[tilespmem:$0x1E280] =	vst v63  }
0xd9: {  	s29 =	smov.u32 s9;
	_ =	swait.ge [sflag:s15], $0x8  }
0xda: {  	[sflag:s15] =	ssyncset.done $0x0  }
0xdb: {  	[sflag:s15] =	ssyncadd.s32 $0xFFFFFFF8  }
0xdc: {  	_ =	swait.ge [sflag:s15], $0x8  }
0xdd: {  	[sflag:s15] =	ssyncset.done $0x0  }
0xde: {  	[sflag:s15] =	ssyncadd.s32 $0xFFFFFFF8  }
0xdf: {  	[tilespmem:s19], [sflag:$0x3] =	stream.indirect.gather [hbm4b:s3+s18], $0xC00, s16, s18, $0xb8;
	[tilespmem:$0x1E280] =	vst v63  }
0xe0: {  	_ =	swait.ge [sflag:s28], $0x6000  }
0xe1: {  	[sflag:s28] =	ssyncset.done $0x0  }
0xe2: {  	s9 =	sadd.s32 s5, s11;
	[sflag:s28] =	ssyncadd.s32 $0xFFFFA000  }
0xe3: {  	[tilespmem:s20], [sflag:$0x2] =	stream.linear.gather [hbm4b:s9+s2], $0x8, $0x38;
	[tilespmem:$0x1E280] =	vst v63  }
0xe4: {  	s9 =	sadd.s32 s6, s11;
	s11 =	smov.u32 s10  }
0xe5: {  	[tilespmem:s21], [sflag:$0x2] =	stream.linear.gather [hbm4b:s9+s2], $0x8, $0x38;
	[tilespmem:$0x1E280] =	vst v63  }
0xe6: {  	_ =	swait.ge [sflag:s22], $0x8  }
0xe7: {  	[sflag:s22] =	ssyncset.done $0x0  }
0xe8: {  	[sflag:s22] =	ssyncadd.s32 $0xFFFFFFF8  }
0xe9: {  	_ =	swait.ge [sflag:s22], $0x8  }
0xea: {  	[sflag:s22] =	ssyncset.done $0x0  }
0xeb: {  	[sflag:s22] =	ssyncadd.s32 $0xFFFFFFF8  }
0xec: {  	[tilespmem:s23], [sflag:$0x4] =	stream.indirect.gather [hbm4b:s3+s18], $0xC00, s20, s18, $0xb8;
	[tilespmem:$0x1E280] =	vst v63  }
0xed: {  	_ =	swait.ge [sflag:s24], $0x6000  }
0xee: {  	[sflag:s24] =	ssyncset.done $0x0  }
0xef: {  	[sflag:s24] =	ssyncadd.s32 $0xFFFFA000  }
0xf0: {  	[spmem:s1] =	stream.indirect.scatter.add.f32 [tilespmem:s19], [sflag:$0x5], $0xC00, s17, s18, $0xb8;
	[tilespmem:$0x1E280] =	vst v63  }
0xf1: {  	_ =	swait.ge [sflag:s25], $0x6000  }
.Ltmp8:
0xf2: {  	[sflag:s25] =	ssyncset.done $0x0;
	(pc) =	sbr.rel @p1 .LBB2_7-.Ltmp8, $4  }
0xf3: {  	[sflag:s25] =	ssyncadd.s32 $0xFFFFA000  }
0xf4: {  	_ =	swait.ge [sflag:s26], $0x6000  }
0xf5: {  	[sflag:s26] =	ssyncset.done $0x0  }
0xf6: {  	s8 =	sadd.s32 $0x10, s8;
	[sflag:s26] =	ssyncadd.s32 $0xFFFFA000  }
.Ltmp9:
0xf7: {  	(pc) =	sbr.rel .LBB2_9-.Ltmp9, $2  }
0xf8: {  	_ =	sdelay $0x2  }
0xf9: {  	s10 =	rddreg [dreg:$0x3]  }
.LBB2_13:
0xfa: {  	_ =	sfence.sel $0x180000  }
0xfb: {  	[bflag:$0x0] =	sbarrier.arrive $0xFFFF  }
0xfc: {  	_ =	strace $0x90000053  }
0xfd: {  	s0 =	stileid.u32;
	[bflag:$0x2] =	sbarrier.arrive $0xFFFF  }
0xfe: {  	p0 =	sne.s32 s0, $0x0;
	s0 =	rddreg [dreg:$0x2]  }
0xff: {  	s0 =	sadd.s32 @!p0 $0x100000, s0  }
0x100: {  	[sflag:s0] =	ssyncadd.tile.s32 @!p0 $0x1;
	_ =	shalt  }
.Lfunc_end2:
_tile_overlayer_lowered:
.L_overlay_start_2:
0x101: {  	(tag) =	ssettag $0x2  }
0x102: {  	s0 =	rddreg [dreg:$0x0];
	s2 =	stileid.u32  }
0x103: {  	s1 =	rddreg [dreg:$0x1];
	p0 =	sne.s32 s2, $0x0  }
0x104: {  	s3 =	rddreg [dreg:$0x2];
	[bflag:$0x3] =	sbarrier.arrive $0xFFFF;
	s2 =	simm.s32 @!p0 $0x1C07  }
0x105: {  	[timem:s3], [sflag:s2] =	dma.local @!p0 [hbm:s0], s1  }
0x106: {  	s0 =	simm.s32 @!p0 $0x7  }
0x107: {  	_ =	swait.ge @!p0 [sflag:s0], s1  }
0x108: {  	s1 =	ssub.s32 @!p0 $0x0, s1;
	[sflag:s0] =	ssyncset.done @!p0 $0x0  }
0x109: {  	[sflag:s0] =	ssyncadd.s32 @!p0 s1  }
0x10a: {  	[bflag:$0x3] =	sbarrier.arrive $0xFFFF  }
0x10b: {  	_ =	shalt  }

// kernel: kernel.27.cloned.1.call-start
scs
__scs_entry_jumppad:
0x0: {  	(pc) =	sbr.rel $0x88, $3  }
0x1: {  	(tag) =	ssettag $0x0;
	lr =	simm.s32 $0x1  }
0x2: {  	[smem:$0x3F73] =	sst lr;
	_ =	strace $0xD0000000  }
0x3: {  	_ = 	snop  }
0x4: {  	_ = 	snop  }
0x5: {  	_ = 	snop  }
0x6: {  	_ = 	snop  }
0x7: {  	_ = 	snop  }
__scs_overlays_trampoline_lowered:
0x8: {  	[smem:$0x3F82] =	sst s0  }
0x9: {  	[smem:$0x3F83] =	sst s1  }
0xa: {  	[smem:$0x3F84] =	sst s2  }
0xb: {  	[smem:$0x3F85] =	sst s3  }
0xc: {  	[smem:$0x3F86] =	sst s4  }
0xd: {  	[smem:$0x3F87] =	sst s5  }
0xe: {  	[smem:$0x3F88] =	sst s6  }
0xf: {  	[smem:$0x3F89] =	sst s7  }
0x10: {  	[smem:$0x3F8A] =	sst s8  }
0x11: {  	[smem:$0x3F8B] =	sst s9;
	s0 =	simm.s32 @!p0 $0x0  }
0x12: {  	s1 =	sld [smem:$0x3F71];
	s0 =	simm.s32 @p0 $0x1  }
0x13: {  	[smem:$0x3F8C] =	sst s0;
	s0 =	simm.s32 @!p1 $0x0  }
0x14: {  	s2 =	sld [smem:$0x3F70];
	s0 =	simm.s32 @p1 $0x1  }
0x15: {  	[smem:$0x3F8D] =	sst s0;
	s0 =	simm.s32 @!p2 $0x0  }
0x16: {  	s3 =	sld [smem:$0x3FDB];
	s0 =	simm.s32 @p2 $0x1  }
0x17: {  	s4 =	simm.s32 $0x1BF5;
	[smem:$0x3F8F] =	sst s0  }
0x18: {  	s0 =	sld [smem:$0x3F72];
	_ =	swait.ge [sflag:s4], $0x0  }
0x19: {  	s7 =	sld [smem:$0x3F73]  }
0x1a: {  	s8 =	sadd.s32 $0xFFFFE003, lr  }
0x1b: {  	s9 =	sadd.s32 $0xFFFFFEF7, lr;
	s5 =	simm.s32 $0xFFFFFFFF;
	p2 =	slt.u32 s8, $0xFFFFF086  }
0x1c: {  	p1 =	slt.u32 s9, $0xF7A;
	s5 =	simm.s32 @!p2 $0x0  }
0x1d: {  	s5 =	simm.s32 @p1 $0x1;
	p0 =	seq.s32 s7, s2  }
0x1e: {  	s7 =	smul.u32 @!p0 $0xF7A, s2;
	p2 =	seq.s32 @!p0 s5, $0x0  }
0x1f: {  	s9 =	smul.u32 $0xF7A, s1;
	s8 =	simm.s32 @!p0 $0x1BF5;
	p2 =	por !p2, p0  }
0x20: {  	[sflag:s8] =	ssyncset.s32 @!p0 $0xFFFFF086;
	s6 =	sadd.s32 @!p0 s3, s7;
	s7 =	simm.s32 @!p0 $0x108  }
0x21: {  	s3 =	sadd.s32 s3, s9;
	s6 =	sadd.s32 @!p0 $0x88, s6;
	s7 =	simm.s32 @p2 $0x1082  }
0x22: {  	[simem:s7], [sflag:s8] =	dma.local @!p0 [hbm:s6], $0xF7A  }
0x23: {  	s9 =	sor.u32 $0xD0000000, s2;
	s6 =	simm.s32 $0x108;
	_ =	swait.ge @!p0 [sflag:s8], $0x0  }
0x24: {  	s3 =	sadd.s32 $0x88, s3;
	s6 =	simm.s32 @!p1 $0x1082;
	[sflag:s4] =	ssyncset.s32 $0xFFFFF086  }
0x25: {  	[simem:s6], [sflag:s4] =	dma.local [hbm:s3], $0xF7A  }
0x26: {  	[smem:$0x3F73] =	sst s1;
	(tag) =	ssettag s2;
	_ =	strace s9  }
0x27: {  	s1 =	sld [smem:$0x3F83]  }
0x28: {  	s2 =	sld [smem:$0x3F84]  }
0x29: {  	s4 =	sld [smem:$0x3F86]  }
0x2a: {  	p0 =	seq.s32 s5, $0x0;
	s5 =	sld [smem:$0x3F87]  }
0x2b: {  	s6 =	sld [smem:$0x3F88]  }
0x2c: {  	s7 =	sld [smem:$0x3F89]  }
0x2d: {  	s3 =	simm.s32 $0x108;
	s8 =	sld [smem:$0x3F8A]  }
0x2e: {  	s3 =	simm.s32 @!p0 $0x1082;
	s9 =	sld [smem:$0x3F8B]  }
0x2f: {  	lr =	sadd.s32 s0, s3;
	s0 =	sld [smem:$0x3F82]  }
0x30: {  	s3 =	sld [smem:$0x3F85]  }
0x31: {  	[smem:$0x3F8E] =	sst s10  }
0x32: {  	s10 =	sld [smem:$0x3F8C];
	_ =	sdelay $0x3  }
0x33: {  	p0 =	seq.s32 s10, $0x1;
	s10 =	sld [smem:$0x3F8E];
	_ =	sdelay $0x3  }
0x34: {  	[smem:$0x3F8E] =	sst s10  }
0x35: {  	s10 =	sld [smem:$0x3F8D];
	_ =	sdelay $0x3  }
0x36: {  	p1 =	seq.s32 s10, $0x1;
	s10 =	sld [smem:$0x3F8E];
	_ =	sdelay $0x3  }
0x37: {  	[smem:$0x3F8E] =	sst s10  }
0x38: {  	s10 =	sld [smem:$0x3F8F]  }
0x39: {  	_ = 	snop;
	(pc) =	sbr.ind lr, $3  }
0x3a: {  	_ = 	snop  }
0x3b: {  	_ = 	snop  }
0x3c: {  	p2 =	seq.s32 s10, $0x1;
	s10 =	sld [smem:$0x3F8E]  }
0x3d: {  	_ =	shalt  }
0x3e: {  	_ =	shalt  }
0x3f: {  	_ =	shalt  }
0x40: {  	_ =	shalt  }
0x41: {  	_ =	shalt  }
0x42: {  	_ =	shalt  }
0x43: {  	_ =	shalt  }
0x44: {  	_ =	shalt  }
0x45: {  	_ =	shalt  }
0x46: {  	_ =	shalt  }
0x47: {  	_ =	shalt  }
0x48: {  	_ =	shalt  }
0x49: {  	_ =	shalt  }
0x4a: {  	_ =	shalt  }
0x4b: {  	_ =	shalt  }
0x4c: {  	_ =	shalt  }
0x4d: {  	_ =	shalt  }
0x4e: {  	_ =	shalt  }
0x4f: {  	_ =	shalt  }
0x50: {  	_ =	shalt  }
0x51: {  	_ =	shalt  }
0x52: {  	_ =	shalt  }
0x53: {  	_ =	shalt  }
0x54: {  	_ =	shalt  }
0x55: {  	_ =	shalt  }
0x56: {  	_ =	shalt  }
0x57: {  	_ =	shalt  }
0x58: {  	_ =	shalt  }
0x59: {  	_ =	shalt  }
0x5a: {  	_ =	shalt  }
0x5b: {  	_ =	shalt  }
0x5c: {  	_ =	shalt  }
0x5d: {  	_ =	shalt  }
0x5e: {  	_ =	shalt  }
0x5f: {  	_ =	shalt  }
0x60: {  	_ =	shalt  }
0x61: {  	_ =	shalt  }
0x62: {  	_ =	shalt  }
0x63: {  	_ =	shalt  }
0x64: {  	_ =	shalt  }
0x65: {  	_ =	shalt  }
0x66: {  	_ =	shalt  }
0x67: {  	_ =	shalt  }
0x68: {  	_ =	shalt  }
0x69: {  	_ =	shalt  }
0x6a: {  	_ =	shalt  }
0x6b: {  	_ =	shalt  }
0x6c: {  	_ =	shalt  }
0x6d: {  	_ =	shalt  }
0x6e: {  	_ =	shalt  }
0x6f: {  	_ =	shalt  }
0x70: {  	_ =	shalt  }
0x71: {  	_ =	shalt  }
0x72: {  	_ =	shalt  }
0x73: {  	_ =	shalt  }
0x74: {  	_ =	shalt  }
0x75: {  	_ =	shalt  }
0x76: {  	_ =	shalt  }
0x77: {  	_ =	shalt  }
0x78: {  	_ =	shalt  }
0x79: {  	_ =	shalt  }
0x7a: {  	_ =	shalt  }
0x7b: {  	_ =	shalt  }
0x7c: {  	_ =	shalt  }
0x7d: {  	_ =	shalt  }
0x7e: {  	_ =	shalt  }
0x7f: {  	_ =	shalt  }
0x80: {  	_ =	shalt  }
0x81: {  	_ =	shalt  }
0x82: {  	_ =	shalt  }
0x83: {  	_ =	shalt  }
0x84: {  	_ =	shalt  }
0x85: {  	_ =	shalt  }
0x86: {  	_ =	shalt  }
0x87: {  	_ =	shalt  }
.Lfunc_end0:
.L_simem_size_0:
called_computation.10_lowered:
.L_overlay_start_0:
0x88: {  	s2 =	sld [smem:$0x3FD9]  }
0x89: {  	s3 =	sld [smem:$0x3FFE];
	_ =	sdelay $0x1  }
0x8a: {  	s1 =	srdreg.scid  }
0x8b: {  	s0 =	sand.u32 $0x1, s1  }
0x8c: {  	s16 =	sshll.u32 s0, $0xA;
	s2 =	sadd.s32 s3, s2  }
0x8d: {  	s2 =	sadd.s32 s2, s16  }
0x8e: {  	[smem:$0x3F9A] =	sst s2  }
0x8f: {  	_ = 	snop  }
0x90: {  	(tm) =	ssettm $0x1  }
0x91: {  	s17 =	sld [smem:$0x3FFB];
	_ =	sdelay $0x3  }
0x92: {  	_ =	strace s17  }
0x93: {  	s2 =	sld [smem:$0x3FFC];
	_ =	sdelay $0x3  }
0x94: {  	_ =	strace s2  }
0x95: {  	s2 =	sld [smem:$0x3FFD];
	_ =	sdelay $0x3  }
0x96: {  	_ =	strace s2  }
0x97: {  	_ =	strace $0x8FFFFFFF  }
0x98: {  	s18 =	sld [smem:$0x3FDB];
	_ =	sdelay $0x1  }
0x99: {  	s19 =	simm.s32 $_scs_section_size  }
0x9a: {  	s4 =	simm.s32 $_size__tile_overlayer_lowered;
	s5 =	simm.s32 $_tile_overlayer_lowered  }
0x9b: {  	s22 =	simm.s32 $0x1BFF;
	s21 =	sshll.u32 s5, $0x1;
	s2 =	sadd.s32 s19, s18  }
0x9c: {  	s6 =	simm.s32 $0x0;
	s20 =	sshll.u32 s4, $0x1;
	s4 =	sadd.s32 s21, s2  }
0x9d: {  	[timem:s6], [sflag:s22] =	dma.local [hbm:s4], s20  }
0x9e: {  	_ =	swait.ge [sflag:s22], s20  }
0x9f: {  	s3 =	ssub.s32 $0x0, s20;
	[sflag:s22] =	ssyncset.done $0x0  }
0xa0: {  	[sflag:s22] =	ssyncadd.s32 s3;
	_ =	sdelay $0x1  }
0xa1: {  	s23 =	simm.s32 $0x1B8B  }
0xa2: {  	_ =	swait.ge [sflag:s23], $0x1  }
0xa3: {  	[sflag:s23] =	ssyncset.done $0x0  }
0xa4: {  	s25 =	simm.s32 $0x1B8E;
	s24 =	sld [smem:$0x3FFE];
	[sflag:s23] =	ssyncadd.s32 $0xFFFFFFFF  }
0xa5: {  	s26 =	simm.s32 $execute0_lowered;
	[smem:$0x3FD2] =	sst s25  }
0xa6: {  	s4 =	sshll.u32 s26, $0x1;
	_ =	strace $0x8000005B;
	[dreg:$0x1] =	wrdreg $0xFFFFFFFF  }
0xa7: {  	s28 =	simm.s32 $_size_execute0_lowered;
	s2 =	sadd.s32 s2, s4;
	[dreg:$0x0] =	wrdreg $0x0  }
0xa8: {  	s4 =	sshll.u32 s28, $0x1;
	[dreg:$0x2] =	wrdreg s2  }
0xa9: {  	[dreg:$0x3] =	wrdreg s4  }
0xaa: {  	[dreg:$0x4] =	wrdreg $0xC0  }
0xab: {  	_ =	task [dreg:s6], $0x5FFFF  }
0xac: {  	[dreg:$0x1] =	wrdreg $0xFFFFFFFF  }
0xad: {  	[dreg:$0x0] =	wrdreg $0x60  }
0xae: {  	[dreg:$0x2] =	wrdreg s24  }
0xaf: {  	[dreg:$0x3] =	wrdreg $0xC2800  }
0xb0: {  	[dreg:$0x4] =	wrdreg $0x9  }
0xb1: {  	_ =	task.clear_ibuf [dreg:s6], $0x5FFFF;
	_ =	strace $0x9000005B  }
0xb2: {  	s29 =	simm.s32 $0x9;
	_ =	strace $0x8000005D  }
0xb3: {  	_ =	swait.ge [sflag:s29], $0x1  }
0xb4: {  	[sflag:s29] =	ssyncadd.s32 $0xFFFFFFFF  }
0xb5: {  	_ =	strace $0x9000005D  }
0xb6: {  	_ =	sfence  }
0xb7: {  	s30 =	sld [smem:$0x0];
	_ =	sdelay $0x2  }
0xb8: {  	s31 =	sshll.u32 s1, $0xD;
	s1 =	sshrl.u32 s1, $0x2  }
0xb9: {  	s3 =	sand.u32 $0x4000, s31;
	s1 =	sadd.s32 s1, s30  }
0xba: {  	s0 =	sor.u32 s3, s0;
	s1 =	sshll.u32 s1, $0x11  }
0xbb: {  	s0 =	sor.u32 s1, s0  }
0xbc: {  	s0 =	sadd.s32 $0x8F2B, s0  }
0xbd: {  	[sflag:s0] =	ssyncadd.remote.s32 $0x1  }
0xbe: {  	_ =	sfence.sel $0xFFFF  }
0xbf: {  	[dreg:$0x0] =	wrdreg $0xFFFFFFFF;
	(pc) =	sbr.abs _section_cstart, $3  }
0xc0: {  	[dreg:$0x1] =	wrdreg $0xFFFFFFFF  }
0xc1: {  	_ =	task.clear_ibuf [dreg:s6], $0x2FFFF;
	_ =	strace $0x9FFFFFFF  }
0xc2: {  	(tm) =	ssettm $0x7FFFFFFF  }
0xc3: {  	_ =	shalt  }
tec
execute0_lowered:
.L_overlay_start_1:
0x0: {  	(tag) =	ssettag $0x1  }
0x1: {  	s0 =	rddreg [dreg:$0x0]  }
0x2: {  	s1 =	rddreg [dreg:$0x1]  }
0x3: {  	s2 =	simm.s32 $0x0;
	s4 =	srdreg.scid;
	s9 =	stileid.u32  }
0x4: {  	s15 =	simm.s32 $0x1;
	s16 =	simm.s32 $0x80;
	s17 =	simm.s32 $0x180  }
0x5: {  	s18 =	simm.s32 $0x8;
	s19 =	simm.s32 $0x280;
	s20 =	simm.s32 $0x100  }
0x6: {  	s21 =	simm.s32 $0x200;
	s22 =	simm.s32 $0x2;
	s23 =	simm.s32 $0x6280  }
0x7: {  	s24 =	simm.s32 $0x3;
	s25 =	simm.s32 $0x4;
	s28 =	simm.s32 $0x6  }
0x8: {  	[smem:$0x7FF] =	sst s2;
	s3 =	sadd.s32 $0x85AC00, s0;
	s5 =	sadd.s32 $0x8D400, s0  }
0x9: {  	s6 =	sadd.s32 $0x7E400, s0;
	s11 =	sadd.s32 $0x83800, s0;
	s4 =	sand.u32 $0x1, s4  }
0xa: {  	s12 =	sadd.s32 $0x86000, s0;
	s8 =	smul.u32 $0x48000, s9;
	s0 =	sadd.s32 $0xC04400, s0  }
0xb: {  	s10 =	sshll.u32 s9, $0x1;
	s31 =	sshll.u32 s9, $0x6;
	_ =	strace $0x8000005C  }
0xc: {  	s7 =	ssub.s32 $0x2, s4;
	[dreg:$0x5] =	wrdreg s0;
	s4 =	sor.u32 s4, s10  }
0xd: {  	s10 =	smov.u32 s11;
	s9 =	smov.u32 s12;
	s12 =	simm.s32 $0x7  }
.Ltmp0:
0xe: {  	s13 =	sor.u32 $0x1C07, s31;
	s26 =	sshrl.u32 s7, $0x1;
	(pc) =	sbr.rel .LBB2_1-.Ltmp0, $4  }
0xf: {  	s29 =	sshrl.u32 s8, $0x2;
	s4 =	smul.u32 $0x14, s4;
	[dreg:$0x3] =	wrdreg s10  }
0x10: {  	[dreg:$0x4] =	wrdreg s9;
	s0 =	ssub.s32 s7, s26;
	s30 =	sadd.s32 s29, s1  }
0x11: {  	s26 =	simm.s32 $0x5;
	[dreg:$0x6] =	wrdreg s4;
	s0 =	smax.u32 s0, $0x1  }
0x12: {  	s14 =	sshrl.u32 s30, $0x3;
	s4 =	simm.s32 $0x0;
	[dreg:$0x7] =	wrdreg s0  }
.LBB2_12:
0x13: {  	s4 =	rddreg [dreg:$0x8]  }
0x14: {  	s0 =	rddreg [dreg:$0x7];
	s4 =	sadd.s32 $0x1, s4  }
0x15: {  	p0 =	sne.s32 s4, s0  }
.Ltmp1:
0x16: {  	_ = 	snop;
	(pc) =	sbr.rel @!p0 .LBB2_13-.Ltmp1, $1  }
0x17: {  	_ =	sdelay $0x3  }
.LBB2_1:
.Ltmp2:
0x18: {  	(pc) =	sbr.rel .LBB2_2-.Ltmp2, $2  }
0x19: {  	_ =	sdelay $0x2  }
0x1a: {  	[dreg:$0x8] =	wrdreg s4;
	s30 =	simm.s32 $0x0  }
.LBB2_6:
0x1b: {  	s10 =	rddreg [dreg:$0x3]  }
.LBB2_9:
0x1c: {  	[spmem:s1] =	stream.indirect.scatter.add.f32 @p0 [tilespmem:s23], [sflag:$0x6], $0xC00, s21, s18, $0xb8;
	[tilespmem:$0x1E280] =	vst v63  }
0x1d: {  	s7 =	sadd.s32 s5, s29  }
0x1e: {  	[tilespmem:s16], [sflag:$0x1] =	stream.linear.gather [hbm4b:s7+s2], $0x8, $0x38;
	[tilespmem:$0x1E280] =	vst v63  }
0x1f: {  	s8 =	sadd.s32 s6, s29  }
0x20: {  	[tilespmem:s17], [sflag:$0x1] =	stream.linear.gather [hbm4b:s8+s2], $0x8, $0x38;
	[tilespmem:$0x1E280] =	vst v63  }
0x21: {  	_ =	swait.ge [sflag:s15], $0x8  }
0x22: {  	[sflag:s15] =	ssyncset.done $0x0  }
0x23: {  	[sflag:s15] =	ssyncadd.s32 $0xFFFFFFF8  }
0x24: {  	_ =	swait.ge [sflag:s15], $0x8  }
0x25: {  	[sflag:s15] =	ssyncset.done $0x0  }
0x26: {  	[sflag:s15] =	ssyncadd.s32 $0xFFFFFFF8  }
0x27: {  	[tilespmem:s19], [sflag:$0x3] =	stream.indirect.gather [hbm4b:s3+s18], $0xC00, s16, s18, $0xb8;
	[tilespmem:$0x1E280] =	vst v63  }
0x28: {  	_ =	swait.ge [sflag:s28], $0x6000  }
0x29: {  	[sflag:s28] =	ssyncset.done $0x0  }
0x2a: {  	s9 =	sadd.s32 s5, s11;
	[sflag:s28] =	ssyncadd.s32 $0xFFFFA000  }
0x2b: {  	[tilespmem:s20], [sflag:$0x2] =	stream.linear.gather [hbm4b:s9+s2], $0x8, $0x38;
	[tilespmem:$0x1E280] =	vst v63  }
0x2c: {  	s29 =	sadd.s32 s6, s11  }
0x2d: {  	[tilespmem:s21], [sflag:$0x2] =	stream.linear.gather [hbm4b:s29+s2], $0x8, $0x38;
	[tilespmem:$0x1E280] =	vst v63  }
0x2e: {  	_ =	swait.ge [sflag:s22], $0x8  }
0x2f: {  	[sflag:s22] =	ssyncset.done $0x0  }
0x30: {  	[sflag:s22] =	ssyncadd.s32 $0xFFFFFFF8  }
0x31: {  	_ =	swait.ge [sflag:s22], $0x8  }
0x32: {  	[sflag:s22] =	ssyncset.done $0x0  }
0x33: {  	[sflag:s22] =	ssyncadd.s32 $0xFFFFFFF8  }
0x34: {  	[tilespmem:s23], [sflag:$0x4] =	stream.indirect.gather [hbm4b:s3+s18], $0xC00, s20, s18, $0xb8;
	[tilespmem:$0x1E280] =	vst v63  }
0x35: {  	_ =	swait.ge [sflag:s24], $0x6000  }
0x36: {  	[sflag:s24] =	ssyncset.done $0x0  }
0x37: {  	[sflag:s24] =	ssyncadd.s32 $0xFFFFA000  }
0x38: {  	[spmem:s1] =	stream.indirect.scatter.add.f32 [tilespmem:s19], [sflag:$0x5], $0xC00, s17, s18, $0xb8;
	[tilespmem:$0x1E280] =	vst v63  }
0x39: {  	_ =	swait.ge [sflag:s25], $0x6000  }
0x3a: {  	[sflag:s25] =	ssyncset.done $0x0  }
0x3b: {  	[sflag:s25] =	ssyncadd.s32 $0xFFFFA000  }
0x3c: {  	_ =	swait.ge [sflag:s26], $0x6000  }
0x3d: {  	[sflag:s26] =	ssyncset.done $0x0  }
0x3e: {  	s9 =	rddreg [dreg:$0x4];
	[sflag:s26] =	ssyncadd.s32 $0xFFFFA000  }
0x3f: {  	[spmem:s1] =	stream.indirect.scatter.add.f32 [tilespmem:s23], [sflag:$0x6], $0xC00, s21, s18, $0xb8;
	[tilespmem:$0x1E280] =	vst v63  }
.LBB2_10:
0x40: {  	_ =	swait.ge [sflag:s28], $0x6000  }
0x41: {  	[sflag:s28] =	ssyncset.done $0x0  }
0x42: {  	[sflag:s28] =	ssyncadd.s32 $0xFFFFA000  }
.LBB2_11:
0x43: {  	s7 =	sand.u32 $0x1, s4  }
0x44: {  	p0 =	seq.s32 s7, $0x0  }
0x45: {  	s0 =	sadd.s32 @!p0 $0xFFFFFFF8, s0  }
0x46: {  	s0 =	sshrl.u32 @!p0 s0, $0x3  }
0x47: {  	s0 =	sadd.s32 @!p0 s4, s0  }
0x48: {  	s0 =	sand.u32 @!p0 $0x1FFFFFFE, s0  }
0x49: {  	s7 =	simm.s32 @!p0 $0x0;
	s8 =	simm.s32 @!p0 $0x80;
	s4 =	sadd.s32 @!p0 s5, s0  }
0x4a: {  	[tilespmem:s8], [sflag:$0x1] =	stream.linear.gather @!p0 [hbm4b:s4+s7], $0x8, $0x38;
	[tilespmem:$0x1E280] =	vst v63  }
0x4b: {  	s0 =	sadd.s32 @!p0 s6, s0;
	s4 =	simm.s32 @!p0 $0x180  }
0x4c: {  	[tilespmem:s4], [sflag:$0x1] =	stream.linear.gather @!p0 [hbm4b:s0+s7], $0x8, $0x38;
	[tilespmem:$0x1E280] =	vst v63  }
0x4d: {  	s0 =	simm.s32 @!p0 $0x1  }
0x4e: {  	_ =	swait.ge @!p0 [sflag:s0], $0x8  }
0x4f: {  	[sflag:s0] =	ssyncset.done @!p0 $0x0  }
0x50: {  	[sflag:s0] =	ssyncadd.s32 @!p0 $0xFFFFFFF8  }
0x51: {  	_ =	swait.ge @!p0 [sflag:s0], $0x8  }
0x52: {  	[sflag:s0] =	ssyncset.done @!p0 $0x0  }
0x53: {  	s7 =	simm.s32 @!p0 $0x280;
	[sflag:s0] =	ssyncadd.s32 @!p0 $0xFFFFFFF8;
	s0 =	simm.s32 @!p0 $0x8  }
0x54: {  	[tilespmem:s7], [sflag:$0x3] =	stream.indirect.gather @!p0 [hbm4b:s3+s0], $0xC00, s8, s0, $0xb8;
	[tilespmem:$0x1E280] =	vst v63  }
0x55: {  	s8 =	simm.s32 @!p0 $0x3  }
0x56: {  	_ =	swait.ge @!p0 [sflag:s8], $0x6000  }
0x57: {  	[sflag:s8] =	ssyncset.done @!p0 $0x0  }
0x58: {  	[sflag:s8] =	ssyncadd.s32 @!p0 $0xFFFFA000  }
0x59: {  	[spmem:s1] =	stream.indirect.scatter.add.f32 @!p0 [tilespmem:s7], [sflag:$0x5], $0xC00, s4, s0, $0xb8;
	[tilespmem:$0x1E280] =	vst v63  }
0x5a: {  	s0 =	simm.s32 @!p0 $0x5  }
0x5b: {  	_ =	swait.ge @!p0 [sflag:s0], $0x6000  }
0x5c: {  	s29 =	smul.u32 $0x1800, s31;
	s30 =	sadd.s32 $0x1, s30;
	[sflag:s0] =	ssyncset.done @!p0 $0x0  }
0x5d: {  	s31 =	rddreg [dreg:$0x5];
	[sflag:s0] =	ssyncadd.s32 @!p0 $0xFFFFA000;
	p0 =	sne.s32 s30, $0x14  }
.Ltmp3:
0x5e: {  	s0 =	sadd.s32 s31, s29;
	(pc) =	sbr.rel @!p0 .LBB2_12-.Ltmp3, $4  }
0x5f: {  	[hbm:s0], [sflag:s13] =	dma.local [spmem:s14], $0x1800  }
0x60: {  	_ =	swait.ge [sflag:s12], $0x1800  }
0x61: {  	[sflag:s12] =	ssyncset.done $0x0  }
0x62: {  	[sflag:s12] =	ssyncadd.s32 $0xFFFFE800  }
.LBB2_2:
0x63: {  	s0 =	rddreg [dreg:$0x6]  }
0x64: {  	s31 =	sadd.s32 s0, s30  }
0x65: {  	s0 =	sshll.u32 s31, $0x4  }
0x66: {  	s0 =	sadd.s32 s10, s0  }
0x67: {  	[tilespmem:s2], [sflag:$0x7] =	stream.linear.gather [hbm4b:s0+s2], $0x80, $0x38;
	[tilespmem:$0x1E280] =	vst v63  }
0x68: {  	_ =	swait.ge [sflag:s12], $0x80  }
0x69: {  	[sflag:s12] =	ssyncset.done $0x0  }
0x6a: {  	[sflag:s12] =	ssyncadd.s32 $0xFFFFFF80  }
0x6b: {  	v0 =	vld [tilespmem:$0x0];
	_ =	sdelay $0x4  }
0x6c: {  	(v2sf) =	vpush v0, $0x0  }
0x6d: {  	(v2sf) =	vpush v0, $0x1;
	_ =	sdelay $0xd  }
0x6e: {  	s0 =	spop (v2sf)  }
0x6f: {  	s4 =	spop (v2sf)  }
0x70: {  	s8 =	simm.s32 $0x1;
	s7 =	ssub.s32 s4, s0;
	p0 =	sne.s32 s4, s0  }
0x71: {  	s11 =	sshra.s32 s7, $0x1F;
	s8 =	simm.s32 @!p0 $0x0  }
0x72: {  	s4 =	sand.u32 $0x7, s4;
	s8 =	sor.u32 s8, s11  }
0x73: {  	p1 =	sne.s32 s4, $0x0;
	p4 =	sne.s32 s8, $0x1  }
0x74: {  	s11 =	sshrl.u32 s11, $0x1D;
	p0 =	por !p1, !p4  }
0x75: {  	s4 =	sadd.s32 s11, s7;
	s7 =	simm.s32 $0x1;
	p0 =	por !p0, !p0  }
0x76: {  	s4 =	sshra.s32 s4, $0x3;
	s7 =	simm.s32 @!p0 $0x0  }
0x77: {  	s4 =	ssub.s32 s4, s7  }
0x78: {  	s7 =	sshrl.u32 s4, $0x1F  }
0x79: {  	s7 =	sadd.s32 s7, s4  }
0x7a: {  	s29 =	sand.u32 $0xFFFFFFFE, s7  }
0x7b: {  	p5 =	slt.s32 s4, $0x1;
	p6 =	sne.s32 s4, s29  }
0x7c: {  	p0 =	por !p5, !p6  }
0x7d: {  	s8 =	simm.s32 $0x1;
	p0 =	por !p0, !p0  }
0x7e: {  	s7 =	sshra.s32 s7, $0x1;
	s8 =	simm.s32 @!p0 $0x0  }
0x7f: {  	s8 =	ssub.s32 s7, s8  }
0x80: {  	p1 =	slt.s32 s8, $0x1  }
.Ltmp4:
0x81: {  	_ = 	snop;
	(pc) =	sbr.rel @p1 .LBB2_11-.Ltmp4, $4  }
0x82: {  	[spmem:s14], [sflag:s13] =	dma.local [hbm:s9], $0x2400  }
0x83: {  	_ =	swait.ge [sflag:s12], $0x2400  }
0x84: {  	[sflag:s12] =	ssyncset.done $0x0  }
0x85: {  	[sflag:s12] =	ssyncadd.s32 $0xFFFFDC00  }
0x86: {  	s11 =	sshrl.u32 s0, $0x3  }
0x87: {  	s29 =	sadd.s32 s5, s11  }
0x88: {  	[tilespmem:s16], [sflag:$0x1] =	stream.linear.gather [hbm4b:s29+s2], $0x8, $0x38;
	[tilespmem:$0x1E280] =	vst v63  }
0x89: {  	s29 =	sadd.s32 s6, s11  }
0x8a: {  	[tilespmem:s17], [sflag:$0x1] =	stream.linear.gather [hbm4b:s29+s2], $0x8, $0x38;
	[tilespmem:$0x1E280] =	vst v63  }
0x8b: {  	_ =	swait.ge [sflag:s15], $0x8  }
0x8c: {  	[sflag:s15] =	ssyncset.done $0x0  }
0x8d: {  	[sflag:s15] =	ssyncadd.s32 $0xFFFFFFF8  }
0x8e: {  	_ =	swait.ge [sflag:s15], $0x8  }
0x8f: {  	[sflag:s15] =	ssyncset.done $0x0  }
0x90: {  	s11 =	sor.u32 $0x1, s11;
	[sflag:s15] =	ssyncadd.s32 $0xFFFFFFF8  }
0x91: {  	[tilespmem:s19], [sflag:$0x3] =	stream.indirect.gather [hbm4b:s3+s18], $0xC00, s16, s18, $0xb8;
	[tilespmem:$0x1E280] =	vst v63  }
0x92: {  	s29 =	sadd.s32 s5, s11  }
0x93: {  	[tilespmem:s20], [sflag:$0x2] =	stream.linear.gather [hbm4b:s29+s2], $0x8, $0x38;
	[tilespmem:$0x1E280] =	vst v63  }
0x94: {  	s11 =	sadd.s32 s6, s11  }
0x95: {  	[tilespmem:s21], [sflag:$0x2] =	stream.linear.gather [hbm4b:s11+s2], $0x8, $0x38;
	[tilespmem:$0x1E280] =	vst v63  }
0x96: {  	_ =	swait.ge [sflag:s22], $0x8  }
0x97: {  	[sflag:s22] =	ssyncset.done $0x0  }
0x98: {  	[sflag:s22] =	ssyncadd.s32 $0xFFFFFFF8  }
0x99: {  	_ =	swait.ge [sflag:s22], $0x8  }
0x9a: {  	[sflag:s22] =	ssyncset.done $0x0  }
0x9b: {  	[sflag:s22] =	ssyncadd.s32 $0xFFFFFFF8  }
0x9c: {  	[tilespmem:s23], [sflag:$0x4] =	stream.indirect.gather [hbm4b:s3+s18], $0xC00, s20, s18, $0xb8;
	[tilespmem:$0x1E280] =	vst v63  }
0x9d: {  	_ =	swait.ge [sflag:s24], $0x6000  }
0x9e: {  	[sflag:s24] =	ssyncset.done $0x0  }
0x9f: {  	[sflag:s24] =	ssyncadd.s32 $0xFFFFA000  }
0xa0: {  	[spmem:s1] =	stream.indirect.scatter.add.f32 [tilespmem:s19], [sflag:$0x5], $0xC00, s17, s18, $0xb8;
	[tilespmem:$0x1E280] =	vst v63  }
0xa1: {  	_ =	swait.ge [sflag:s25], $0x6000  }
0xa2: {  	p1 =	seq.s32 s8, $0x1;
	[sflag:s25] =	ssyncset.done $0x0  }
.Ltmp5:
0xa3: {  	[sflag:s25] =	ssyncadd.s32 $0xFFFFA000;
	(pc) =	sbr.rel @p1 .LBB2_10-.Ltmp5, $4  }
0xa4: {  	_ =	swait.ge [sflag:s26], $0x6000  }
0xa5: {  	[sflag:s26] =	ssyncset.done $0x0  }
0xa6: {  	[sflag:s26] =	ssyncadd.s32 $0xFFFFA000  }
0xa7: {  	[spmem:s1] =	stream.indirect.scatter.add.f32 [tilespmem:s23], [sflag:$0x6], $0xC00, s21, s18, $0xb8;
	[tilespmem:$0x1E280] =	vst v63  }
0xa8: {  	s8 =	simm.s32 $0xFFFFFFFF  }
0xa9: {  	s8 =	simm.s32 @!p0 $0x0  }
0xaa: {  	s7 =	sadd.s32 s8, s7  }
0xab: {  	s7 =	sadd.s32 $0xFFFFFFFF, s7  }
0xac: {  	p1 =	sne.s32 s7, $0x1  }
.Ltmp6:
0xad: {  	_ = 	snop;
	(pc) =	sbr.rel @!p1 .LBB2_9-.Ltmp6, $4  }
0xae: {  	_ = 	snop  }
0xaf: {  	s9 =	sadd.s32 $0x10, s0  }
0xb0: {  	s29 =	sshrl.u32 s9, $0x3;
	p0 =	por $0x0, $0x0  }
0xb1: {  	s11 =	sor.u32 $0x1, s29;
	s8 =	sadd.s32 $0x10, s9;
	s7 =	sadd.s32 $0xFFFFFFFF, s7  }
0xb2: {  	s9 =	sadd.s32 s5, s29  }
0xb3: {  	[tilespmem:s16], [sflag:$0x1] =	stream.linear.gather [hbm4b:s9+s2], $0x8, $0x38;
	[tilespmem:$0x1E280] =	vst v63  }
0xb4: {  	s10 =	sadd.s32 s6, s29  }
0xb5: {  	[tilespmem:s17], [sflag:$0x1] =	stream.linear.gather [hbm4b:s10+s2], $0x8, $0x38;
	[tilespmem:$0x1E280] =	vst v63  }
0xb6: {  	_ =	swait.ge [sflag:s15], $0x8  }
0xb7: {  	[sflag:s15] =	ssyncset.done $0x0  }
0xb8: {  	[sflag:s15] =	ssyncadd.s32 $0xFFFFFFF8  }
0xb9: {  	_ =	swait.ge [sflag:s15], $0x8  }
0xba: {  	[sflag:s15] =	ssyncset.done $0x0  }
0xbb: {  	[sflag:s15] =	ssyncadd.s32 $0xFFFFFFF8  }
0xbc: {  	[tilespmem:s19], [sflag:$0x3] =	stream.indirect.gather [hbm4b:s3+s18], $0xC00, s16, s18, $0xb8;
	[tilespmem:$0x1E280] =	vst v63  }
0xbd: {  	_ =	swait.ge [sflag:s28], $0x6000  }
0xbe: {  	[sflag:s28] =	ssyncset.done $0x0  }
0xbf: {  	s10 =	sadd.s32 s5, s11;
	[sflag:s28] =	ssyncadd.s32 $0xFFFFA000  }
0xc0: {  	[tilespmem:s20], [sflag:$0x2] =	stream.linear.gather [hbm4b:s10+s2], $0x8, $0x38;
	[tilespmem:$0x1E280] =	vst v63  }
0xc1: {  	s11 =	sadd.s32 s6, s11  }
0xc2: {  	[tilespmem:s21], [sflag:$0x2] =	stream.linear.gather [hbm4b:s11+s2], $0x8, $0x38;
	[tilespmem:$0x1E280] =	vst v63  }
0xc3: {  	_ =	swait.ge [sflag:s22], $0x8  }
0xc4: {  	[sflag:s22] =	ssyncset.done $0x0  }
0xc5: {  	[sflag:s22] =	ssyncadd.s32 $0xFFFFFFF8  }
0xc6: {  	_ =	swait.ge [sflag:s22], $0x8  }
0xc7: {  	[sflag:s22] =	ssyncset.done $0x0  }
0xc8: {  	[sflag:s22] =	ssyncadd.s32 $0xFFFFFFF8  }
0xc9: {  	[tilespmem:s23], [sflag:$0x4] =	stream.indirect.gather [hbm4b:s3+s18], $0xC00, s20, s18, $0xb8;
	[tilespmem:$0x1E280] =	vst v63  }
0xca: {  	_ =	swait.ge [sflag:s24], $0x6000  }
0xcb: {  	[sflag:s24] =	ssyncset.done $0x0  }
0xcc: {  	[sflag:s24] =	ssyncadd.s32 $0xFFFFA000  }
0xcd: {  	[spmem:s1] =	stream.indirect.scatter.add.f32 [tilespmem:s19], [sflag:$0x5], $0xC00, s17, s18, $0xb8;
	[tilespmem:$0x1E280] =	vst v63  }
0xce: {  	p1 =	sne.s32 s7, $0x1;
	_ =	swait.ge [sflag:s25], $0x6000  }
.Ltmp7:
0xcf: {  	[sflag:s25] =	ssyncset.done $0x0;
	(pc) =	sbr.rel @!p1 .LBB2_6-.Ltmp7, $4  }
0xd0: {  	[sflag:s25] =	ssyncadd.s32 $0xFFFFA000  }
0xd1: {  	s29 =	sshrl.u32 s8, $0x3;
	_ =	swait.ge [sflag:s26], $0x6000  }
0xd2: {  	s7 =	sadd.s32 $0xFFFFFFFF, s7;
	s8 =	sadd.s32 $0x10, s8;
	[sflag:s26] =	ssyncset.done $0x0  }
0xd3: {  	p0 =	por $0x1, $0x1;
	s11 =	sor.u32 $0x1, s29;
	[sflag:s26] =	ssyncadd.s32 $0xFFFFA000  }
.LBB2_7:
0xd4: {  	[spmem:s1] =	stream.indirect.scatter.add.f32 [tilespmem:s23], [sflag:$0x6], $0xC00, s21, s18, $0xb8;
	[tilespmem:$0x1E280] =	vst v63  }
0xd5: {  	s9 =	sshrl.u32 s8, $0x3;
	p1 =	sne.s32 s7, $0x1;
	s10 =	sadd.s32 s5, s29  }
0xd6: {  	[tilespmem:s16], [sflag:$0x1] =	stream.linear.gather [hbm4b:s10+s2], $0x8, $0x38;
	[tilespmem:$0x1E280] =	vst v63  }
0xd7: {  	s7 =	sadd.s32 $0xFFFFFFFF, s7;
	s29 =	sadd.s32 s6, s29;
	s10 =	sor.u32 $0x1, s9  }
0xd8: {  	[tilespmem:s17], [sflag:$0x1] =	stream.linear.gather [hbm4b:s29+s2], $0x8, $0x38;
	[tilespmem:$0x1E280] =	vst v63  }
0xd9: {  	s29 =	smov.u32 s9;
	_ =	swait.ge [sflag:s15], $0x8  }
0xda: {  	[sflag:s15] =	ssyncset.done $0x0  }
0xdb: {  	[sflag:s15] =	ssyncadd.s32 $0xFFFFFFF8  }
0xdc: {  	_ =	swait.ge [sflag:s15], $0x8  }
0xdd: {  	[sflag:s15] =	ssyncset.done $0x0  }
0xde: {  	[sflag:s15] =	ssyncadd.s32 $0xFFFFFFF8  }
0xdf: {  	[tilespmem:s19], [sflag:$0x3] =	stream.indirect.gather [hbm4b:s3+s18], $0xC00, s16, s18, $0xb8;
	[tilespmem:$0x1E280] =	vst v63  }
0xe0: {  	_ =	swait.ge [sflag:s28], $0x6000  }
0xe1: {  	[sflag:s28] =	ssyncset.done $0x0  }
0xe2: {  	s9 =	sadd.s32 s5, s11;
	[sflag:s28] =	ssyncadd.s32 $0xFFFFA000  }
0xe3: {  	[tilespmem:s20], [sflag:$0x2] =	stream.linear.gather [hbm4b:s9+s2], $0x8, $0x38;
	[tilespmem:$0x1E280] =	vst v63  }
0xe4: {  	s9 =	sadd.s32 s6, s11;
	s11 =	smov.u32 s10  }
0xe5: {  	[tilespmem:s21], [sflag:$0x2] =	stream.linear.gather [hbm4b:s9+s2], $0x8, $0x38;
	[tilespmem:$0x1E280] =	vst v63  }
0xe6: {  	_ =	swait.ge [sflag:s22], $0x8  }
0xe7: {  	[sflag:s22] =	ssyncset.done $0x0  }
0xe8: {  	[sflag:s22] =	ssyncadd.s32 $0xFFFFFFF8  }
0xe9: {  	_ =	swait.ge [sflag:s22], $0x8  }
0xea: {  	[sflag:s22] =	ssyncset.done $0x0  }
0xeb: {  	[sflag:s22] =	ssyncadd.s32 $0xFFFFFFF8  }
0xec: {  	[tilespmem:s23], [sflag:$0x4] =	stream.indirect.gather [hbm4b:s3+s18], $0xC00, s20, s18, $0xb8;
	[tilespmem:$0x1E280] =	vst v63  }
0xed: {  	_ =	swait.ge [sflag:s24], $0x6000  }
0xee: {  	[sflag:s24] =	ssyncset.done $0x0  }
0xef: {  	[sflag:s24] =	ssyncadd.s32 $0xFFFFA000  }
0xf0: {  	[spmem:s1] =	stream.indirect.scatter.add.f32 [tilespmem:s19], [sflag:$0x5], $0xC00, s17, s18, $0xb8;
	[tilespmem:$0x1E280] =	vst v63  }
0xf1: {  	_ =	swait.ge [sflag:s25], $0x6000  }
.Ltmp8:
0xf2: {  	[sflag:s25] =	ssyncset.done $0x0;
	(pc) =	sbr.rel @p1 .LBB2_7-.Ltmp8, $4  }
0xf3: {  	[sflag:s25] =	ssyncadd.s32 $0xFFFFA000  }
0xf4: {  	_ =	swait.ge [sflag:s26], $0x6000  }
0xf5: {  	[sflag:s26] =	ssyncset.done $0x0  }
0xf6: {  	s8 =	sadd.s32 $0x10, s8;
	[sflag:s26] =	ssyncadd.s32 $0xFFFFA000  }
.Ltmp9:
0xf7: {  	(pc) =	sbr.rel .LBB2_9-.Ltmp9, $2  }
0xf8: {  	_ =	sdelay $0x2  }
0xf9: {  	s10 =	rddreg [dreg:$0x3]  }
.LBB2_13:
0xfa: {  	_ =	sfence.sel $0x180000  }
0xfb: {  	[bflag:$0x0] =	sbarrier.arrive $0xFFFF  }
0xfc: {  	_ =	strace $0x9000005C  }
0xfd: {  	s0 =	stileid.u32;
	[bflag:$0x2] =	sbarrier.arrive $0xFFFF  }
0xfe: {  	p0 =	sne.s32 s0, $0x0;
	s0 =	rddreg [dreg:$0x2]  }
0xff: {  	s0 =	sadd.s32 @!p0 $0x100000, s0  }
0x100: {  	[sflag:s0] =	ssyncadd.tile.s32 @!p0 $0x1;
	_ =	shalt  }
.Lfunc_end2:
_tile_overlayer_lowered:
.L_overlay_start_2:
0x101: {  	(tag) =	ssettag $0x2  }
0x102: {  	s0 =	rddreg [dreg:$0x0];
	s2 =	stileid.u32  }
0x103: {  	s1 =	rddreg [dreg:$0x1];
	p0 =	sne.s32 s2, $0x0  }
0x104: {  	s3 =	rddreg [dreg:$0x2];
	[bflag:$0x3] =	sbarrier.arrive $0xFFFF;
	s2 =	simm.s32 @!p0 $0x1C07  }
0x105: {  	[timem:s3], [sflag:s2] =	dma.local @!p0 [hbm:s0], s1  }
0x106: {  	s0 =	simm.s32 @!p0 $0x7  }
0x107: {  	_ =	swait.ge @!p0 [sflag:s0], s1  }
0x108: {  	s1 =	ssub.s32 @!p0 $0x0, s1;
	[sflag:s0] =	ssyncset.done @!p0 $0x0  }
0x109: {  	[sflag:s0] =	ssyncadd.s32 @!p0 s1  }
0x10a: {  	[bflag:$0x3] =	sbarrier.arrive $0xFFFF  }
0x10b: {  	_ =	shalt  }

// kernel: kernel.30.cloned.1.call-start
scs
__scs_entry_jumppad:
0x0: {  	(pc) =	sbr.rel $0x88, $3  }
0x1: {  	(tag) =	ssettag $0x0;
	lr =	simm.s32 $0x1  }
0x2: {  	[smem:$0x3F73] =	sst lr;
	_ =	strace $0xD0000000  }
0x3: {  	_ = 	snop  }
0x4: {  	_ = 	snop  }
0x5: {  	_ = 	snop  }
0x6: {  	_ = 	snop  }
0x7: {  	_ = 	snop  }
__scs_overlays_trampoline_lowered:
0x8: {  	[smem:$0x3F82] =	sst s0  }
0x9: {  	[smem:$0x3F83] =	sst s1  }
0xa: {  	[smem:$0x3F84] =	sst s2  }
0xb: {  	[smem:$0x3F85] =	sst s3  }
0xc: {  	[smem:$0x3F86] =	sst s4  }
0xd: {  	[smem:$0x3F87] =	sst s5  }
0xe: {  	[smem:$0x3F88] =	sst s6  }
0xf: {  	[smem:$0x3F89] =	sst s7  }
0x10: {  	[smem:$0x3F8A] =	sst s8  }
0x11: {  	[smem:$0x3F8B] =	sst s9;
	s0 =	simm.s32 @!p0 $0x0  }
0x12: {  	s1 =	sld [smem:$0x3F71];
	s0 =	simm.s32 @p0 $0x1  }
0x13: {  	[smem:$0x3F8C] =	sst s0;
	s0 =	simm.s32 @!p1 $0x0  }
0x14: {  	s2 =	sld [smem:$0x3F70];
	s0 =	simm.s32 @p1 $0x1  }
0x15: {  	[smem:$0x3F8D] =	sst s0;
	s0 =	simm.s32 @!p2 $0x0  }
0x16: {  	s3 =	sld [smem:$0x3FDB];
	s0 =	simm.s32 @p2 $0x1  }
0x17: {  	s4 =	simm.s32 $0x1BF5;
	[smem:$0x3F8F] =	sst s0  }
0x18: {  	s0 =	sld [smem:$0x3F72];
	_ =	swait.ge [sflag:s4], $0x0  }
0x19: {  	s7 =	sld [smem:$0x3F73]  }
0x1a: {  	s8 =	sadd.s32 $0xFFFFE003, lr  }
0x1b: {  	s9 =	sadd.s32 $0xFFFFFEF7, lr;
	s5 =	simm.s32 $0xFFFFFFFF;
	p2 =	slt.u32 s8, $0xFFFFF086  }
0x1c: {  	p1 =	slt.u32 s9, $0xF7A;
	s5 =	simm.s32 @!p2 $0x0  }
0x1d: {  	s5 =	simm.s32 @p1 $0x1;
	p0 =	seq.s32 s7, s2  }
0x1e: {  	s7 =	smul.u32 @!p0 $0xF7A, s2;
	p2 =	seq.s32 @!p0 s5, $0x0  }
0x1f: {  	s9 =	smul.u32 $0xF7A, s1;
	s8 =	simm.s32 @!p0 $0x1BF5;
	p2 =	por !p2, p0  }
0x20: {  	[sflag:s8] =	ssyncset.s32 @!p0 $0xFFFFF086;
	s6 =	sadd.s32 @!p0 s3, s7;
	s7 =	simm.s32 @!p0 $0x108  }
0x21: {  	s3 =	sadd.s32 s3, s9;
	s6 =	sadd.s32 @!p0 $0x88, s6;
	s7 =	simm.s32 @p2 $0x1082  }
0x22: {  	[simem:s7], [sflag:s8] =	dma.local @!p0 [hbm:s6], $0xF7A  }
0x23: {  	s9 =	sor.u32 $0xD0000000, s2;
	s6 =	simm.s32 $0x108;
	_ =	swait.ge @!p0 [sflag:s8], $0x0  }
0x24: {  	s3 =	sadd.s32 $0x88, s3;
	s6 =	simm.s32 @!p1 $0x1082;
	[sflag:s4] =	ssyncset.s32 $0xFFFFF086  }
0x25: {  	[simem:s6], [sflag:s4] =	dma.local [hbm:s3], $0xF7A  }
0x26: {  	[smem:$0x3F73] =	sst s1;
	(tag) =	ssettag s2;
	_ =	strace s9  }
0x27: {  	s1 =	sld [smem:$0x3F83]  }
0x28: {  	s2 =	sld [smem:$0x3F84]  }
0x29: {  	s4 =	sld [smem:$0x3F86]  }
0x2a: {  	p0 =	seq.s32 s5, $0x0;
	s5 =	sld [smem:$0x3F87]  }
0x2b: {  	s6 =	sld [smem:$0x3F88]  }
0x2c: {  	s7 =	sld [smem:$0x3F89]  }
0x2d: {  	s3 =	simm.s32 $0x108;
	s8 =	sld [smem:$0x3F8A]  }
0x2e: {  	s3 =	simm.s32 @!p0 $0x1082;
	s9 =	sld [smem:$0x3F8B]  }
0x2f: {  	lr =	sadd.s32 s0, s3;
	s0 =	sld [smem:$0x3F82]  }
0x30: {  	s3 =	sld [smem:$0x3F85]  }
0x31: {  	[smem:$0x3F8E] =	sst s10  }
0x32: {  	s10 =	sld [smem:$0x3F8C];
	_ =	sdelay $0x3  }
0x33: {  	p0 =	seq.s32 s10, $0x1;
	s10 =	sld [smem:$0x3F8E];
	_ =	sdelay $0x3  }
0x34: {  	[smem:$0x3F8E] =	sst s10  }
0x35: {  	s10 =	sld [smem:$0x3F8D];
	_ =	sdelay $0x3  }
0x36: {  	p1 =	seq.s32 s10, $0x1;
	s10 =	sld [smem:$0x3F8E];
	_ =	sdelay $0x3  }
0x37: {  	[smem:$0x3F8E] =	sst s10  }
0x38: {  	s10 =	sld [smem:$0x3F8F]  }
0x39: {  	_ = 	snop;
	(pc) =	sbr.ind lr, $3  }
0x3a: {  	_ = 	snop  }
0x3b: {  	_ = 	snop  }
0x3c: {  	p2 =	seq.s32 s10, $0x1;
	s10 =	sld [smem:$0x3F8E]  }
0x3d: {  	_ =	shalt  }
0x3e: {  	_ =	shalt  }
0x3f: {  	_ =	shalt  }
0x40: {  	_ =	shalt  }
0x41: {  	_ =	shalt  }
0x42: {  	_ =	shalt  }
0x43: {  	_ =	shalt  }
0x44: {  	_ =	shalt  }
0x45: {  	_ =	shalt  }
0x46: {  	_ =	shalt  }
0x47: {  	_ =	shalt  }
0x48: {  	_ =	shalt  }
0x49: {  	_ =	shalt  }
0x4a: {  	_ =	shalt  }
0x4b: {  	_ =	shalt  }
0x4c: {  	_ =	shalt  }
0x4d: {  	_ =	shalt  }
0x4e: {  	_ =	shalt  }
0x4f: {  	_ =	shalt  }
0x50: {  	_ =	shalt  }
0x51: {  	_ =	shalt  }
0x52: {  	_ =	shalt  }
0x53: {  	_ =	shalt  }
0x54: {  	_ =	shalt  }
0x55: {  	_ =	shalt  }
0x56: {  	_ =	shalt  }
0x57: {  	_ =	shalt  }
0x58: {  	_ =	shalt  }
0x59: {  	_ =	shalt  }
0x5a: {  	_ =	shalt  }
0x5b: {  	_ =	shalt  }
0x5c: {  	_ =	shalt  }
0x5d: {  	_ =	shalt  }
0x5e: {  	_ =	shalt  }
0x5f: {  	_ =	shalt  }
0x60: {  	_ =	shalt  }
0x61: {  	_ =	shalt  }
0x62: {  	_ =	shalt  }
0x63: {  	_ =	shalt  }
0x64: {  	_ =	shalt  }
0x65: {  	_ =	shalt  }
0x66: {  	_ =	shalt  }
0x67: {  	_ =	shalt  }
0x68: {  	_ =	shalt  }
0x69: {  	_ =	shalt  }
0x6a: {  	_ =	shalt  }
0x6b: {  	_ =	shalt  }
0x6c: {  	_ =	shalt  }
0x6d: {  	_ =	shalt  }
0x6e: {  	_ =	shalt  }
0x6f: {  	_ =	shalt  }
0x70: {  	_ =	shalt  }
0x71: {  	_ =	shalt  }
0x72: {  	_ =	shalt  }
0x73: {  	_ =	shalt  }
0x74: {  	_ =	shalt  }
0x75: {  	_ =	shalt  }
0x76: {  	_ =	shalt  }
0x77: {  	_ =	shalt  }
0x78: {  	_ =	shalt  }
0x79: {  	_ =	shalt  }
0x7a: {  	_ =	shalt  }
0x7b: {  	_ =	shalt  }
0x7c: {  	_ =	shalt  }
0x7d: {  	_ =	shalt  }
0x7e: {  	_ =	shalt  }
0x7f: {  	_ =	shalt  }
0x80: {  	_ =	shalt  }
0x81: {  	_ =	shalt  }
0x82: {  	_ =	shalt  }
0x83: {  	_ =	shalt  }
0x84: {  	_ =	shalt  }
0x85: {  	_ =	shalt  }
0x86: {  	_ =	shalt  }
0x87: {  	_ =	shalt  }
.Lfunc_end0:
.L_simem_size_0:
called_computation.11_lowered:
.L_overlay_start_0:
0x88: {  	s2 =	sld [smem:$0x3FD9]  }
0x89: {  	s3 =	sld [smem:$0x3FFE];
	_ =	sdelay $0x1  }
0x8a: {  	s1 =	srdreg.scid  }
0x8b: {  	s0 =	sand.u32 $0x1, s1  }
0x8c: {  	s16 =	sshll.u32 s0, $0xA;
	s2 =	sadd.s32 s3, s2  }
0x8d: {  	s2 =	sadd.s32 s2, s16  }
0x8e: {  	[smem:$0x3F9A] =	sst s2  }
0x8f: {  	_ = 	snop  }
0x90: {  	(tm) =	ssettm $0x1  }
0x91: {  	s17 =	sld [smem:$0x3FFB];
	_ =	sdelay $0x3  }
0x92: {  	_ =	strace s17  }
0x93: {  	s2 =	sld [smem:$0x3FFC];
	_ =	sdelay $0x3  }
0x94: {  	_ =	strace s2  }
0x95: {  	s2 =	sld [smem:$0x3FFD];
	_ =	sdelay $0x3  }
0x96: {  	_ =	strace s2  }
0x97: {  	_ =	strace $0x8FFFFFFF  }
0x98: {  	s18 =	sld [smem:$0x3FDB];
	_ =	sdelay $0x1  }
0x99: {  	s19 =	simm.s32 $_scs_section_size  }
0x9a: {  	s4 =	simm.s32 $_size__tile_overlayer_lowered;
	s5 =	simm.s32 $_tile_overlayer_lowered  }
0x9b: {  	s22 =	simm.s32 $0x1BFF;
	s21 =	sshll.u32 s5, $0x1;
	s2 =	sadd.s32 s19, s18  }
0x9c: {  	s6 =	simm.s32 $0x0;
	s20 =	sshll.u32 s4, $0x1;
	s4 =	sadd.s32 s21, s2  }
0x9d: {  	[timem:s6], [sflag:s22] =	dma.local [hbm:s4], s20  }
0x9e: {  	_ =	swait.ge [sflag:s22], s20  }
0x9f: {  	s3 =	ssub.s32 $0x0, s20;
	[sflag:s22] =	ssyncset.done $0x0  }
0xa0: {  	[sflag:s22] =	ssyncadd.s32 s3;
	_ =	sdelay $0x1  }
0xa1: {  	s23 =	simm.s32 $0x1B8B  }
0xa2: {  	_ =	swait.ge [sflag:s23], $0x1  }
0xa3: {  	[sflag:s23] =	ssyncset.done $0x0  }
0xa4: {  	s25 =	simm.s32 $0x1B8E;
	s24 =	sld [smem:$0x3FFE];
	[sflag:s23] =	ssyncadd.s32 $0xFFFFFFFF  }
0xa5: {  	s26 =	simm.s32 $execute0_lowered;
	[smem:$0x3FD2] =	sst s25  }
0xa6: {  	s4 =	sshll.u32 s26, $0x1;
	_ =	strace $0x80000064;
	[dreg:$0x1] =	wrdreg $0xFFFFFFFF  }
0xa7: {  	s28 =	simm.s32 $_size_execute0_lowered;
	s2 =	sadd.s32 s2, s4;
	[dreg:$0x0] =	wrdreg $0x0  }
0xa8: {  	s4 =	sshll.u32 s28, $0x1;
	[dreg:$0x2] =	wrdreg s2  }
0xa9: {  	[dreg:$0x3] =	wrdreg s4  }
0xaa: {  	[dreg:$0x4] =	wrdreg $0xC0  }
0xab: {  	_ =	task [dreg:s6], $0x5FFFF  }
0xac: {  	[dreg:$0x1] =	wrdreg $0xFFFFFFFF  }
0xad: {  	[dreg:$0x0] =	wrdreg $0x60  }
0xae: {  	[dreg:$0x2] =	wrdreg s24  }
0xaf: {  	[dreg:$0x3] =	wrdreg $0xC2800  }
0xb0: {  	[dreg:$0x4] =	wrdreg $0x9  }
0xb1: {  	_ =	task.clear_ibuf [dreg:s6], $0x5FFFF;
	_ =	strace $0x90000064  }
0xb2: {  	s29 =	simm.s32 $0x9;
	_ =	strace $0x80000066  }
0xb3: {  	_ =	swait.ge [sflag:s29], $0x1  }
0xb4: {  	[sflag:s29] =	ssyncadd.s32 $0xFFFFFFFF  }
0xb5: {  	_ =	strace $0x90000066  }
0xb6: {  	_ =	sfence  }
0xb7: {  	s30 =	sld [smem:$0x0];
	_ =	sdelay $0x2  }
0xb8: {  	s31 =	sshll.u32 s1, $0xD;
	s1 =	sshrl.u32 s1, $0x2  }
0xb9: {  	s3 =	sand.u32 $0x4000, s31;
	s1 =	sadd.s32 s1, s30  }
0xba: {  	s0 =	sor.u32 s3, s0;
	s1 =	sshll.u32 s1, $0x11  }
0xbb: {  	s0 =	sor.u32 s1, s0  }
0xbc: {  	s0 =	sadd.s32 $0x8F2B, s0  }
0xbd: {  	[sflag:s0] =	ssyncadd.remote.s32 $0x1  }
0xbe: {  	_ =	sfence.sel $0xFFFF  }
0xbf: {  	[dreg:$0x0] =	wrdreg $0xFFFFFFFF;
	(pc) =	sbr.abs _section_cstart, $3  }
0xc0: {  	[dreg:$0x1] =	wrdreg $0xFFFFFFFF  }
0xc1: {  	_ =	task.clear_ibuf [dreg:s6], $0x2FFFF;
	_ =	strace $0x9FFFFFFF  }
0xc2: {  	(tm) =	ssettm $0x7FFFFFFF  }
0xc3: {  	_ =	shalt  }
tec
execute0_lowered:
.L_overlay_start_1:
0x0: {  	(tag) =	ssettag $0x1  }
0x1: {  	s0 =	rddreg [dreg:$0x0]  }
0x2: {  	s1 =	rddreg [dreg:$0x1]  }
0x3: {  	s2 =	simm.s32 $0x0;
	s4 =	srdreg.scid;
	s9 =	stileid.u32  }
0x4: {  	s15 =	simm.s32 $0x1;
	s16 =	simm.s32 $0x80;
	s17 =	simm.s32 $0x180  }
0x5: {  	s18 =	simm.s32 $0x8;
	s19 =	simm.s32 $0x280;
	s20 =	simm.s32 $0x100  }
0x6: {  	s21 =	simm.s32 $0x200;
	s22 =	simm.s32 $0x2;
	s23 =	simm.s32 $0x6280  }
0x7: {  	s24 =	simm.s32 $0x3;
	s25 =	simm.s32 $0x4;
	s28 =	simm.s32 $0x6  }
0x8: {  	[smem:$0x7FF] =	sst s2;
	s3 =	sadd.s32 $0x8D0000, s0;
	s5 =	sadd.s32 $0x8D400, s0  }
0x9: {  	s6 =	sadd.s32 $0x7E400, s0;
	s11 =	sadd.s32 $0x83800, s0;
	s4 =	sand.u32 $0x1, s4  }
0xa: {  	s12 =	sadd.s32 $0x86000, s0;
	s8 =	smul.u32 $0x48000, s9;
	s0 =	sadd.s32 $0xC79800, s0  }
0xb: {  	s10 =	sshll.u32 s9, $0x1;
	s31 =	sshll.u32 s9, $0x6;
	_ =	strace $0x80000065  }
0xc: {  	s7 =	ssub.s32 $0x2, s4;
	[dreg:$0x5] =	wrdreg s0;
	s4 =	sor.u32 s4, s10  }
0xd: {  	s10 =	smov.u32 s11;
	s9 =	smov.u32 s12;
	s12 =	simm.s32 $0x7  }
.Ltmp0:
0xe: {  	s13 =	sor.u32 $0x1C07, s31;
	s26 =	sshrl.u32 s7, $0x1;
	(pc) =	sbr.rel .LBB2_1-.Ltmp0, $4  }
0xf: {  	s29 =	sshrl.u32 s8, $0x2;
	s4 =	smul.u32 $0x14, s4;
	[dreg:$0x3] =	wrdreg s10  }
0x10: {  	[dreg:$0x4] =	wrdreg s9;
	s0 =	ssub.s32 s7, s26;
	s30 =	sadd.s32 s29, s1  }
0x11: {  	s26 =	simm.s32 $0x5;
	[dreg:$0x6] =	wrdreg s4;
	s0 =	smax.u32 s0, $0x1  }
0x12: {  	s14 =	sshrl.u32 s30, $0x3;
	s4 =	simm.s32 $0x0;
	[dreg:$0x7] =	wrdreg s0  }
.LBB2_12:
0x13: {  	s4 =	rddreg [dreg:$0x8]  }
0x14: {  	s0 =	rddreg [dreg:$0x7];
	s4 =	sadd.s32 $0x1, s4  }
0x15: {  	p0 =	sne.s32 s4, s0  }
.Ltmp1:
0x16: {  	_ = 	snop;
	(pc) =	sbr.rel @!p0 .LBB2_13-.Ltmp1, $1  }
0x17: {  	_ =	sdelay $0x3  }
.LBB2_1:
.Ltmp2:
0x18: {  	(pc) =	sbr.rel .LBB2_2-.Ltmp2, $2  }
0x19: {  	_ =	sdelay $0x2  }
0x1a: {  	[dreg:$0x8] =	wrdreg s4;
	s30 =	simm.s32 $0x0  }
.LBB2_6:
0x1b: {  	s10 =	rddreg [dreg:$0x3]  }
.LBB2_9:
0x1c: {  	[spmem:s1] =	stream.indirect.scatter.add.f32 @p0 [tilespmem:s23], [sflag:$0x6], $0xC00, s21, s18, $0xb8;
	[tilespmem:$0x1E280] =	vst v63  }
0x1d: {  	s7 =	sadd.s32 s5, s29  }
0x1e: {  	[tilespmem:s16], [sflag:$0x1] =	stream.linear.gather [hbm4b:s7+s2], $0x8, $0x38;
	[tilespmem:$0x1E280] =	vst v63  }
0x1f: {  	s8 =	sadd.s32 s6, s29  }
0x20: {  	[tilespmem:s17], [sflag:$0x1] =	stream.linear.gather [hbm4b:s8+s2], $0x8, $0x38;
	[tilespmem:$0x1E280] =	vst v63  }
0x21: {  	_ =	swait.ge [sflag:s15], $0x8  }
0x22: {  	[sflag:s15] =	ssyncset.done $0x0  }
0x23: {  	[sflag:s15] =	ssyncadd.s32 $0xFFFFFFF8  }
0x24: {  	_ =	swait.ge [sflag:s15], $0x8  }
0x25: {  	[sflag:s15] =	ssyncset.done $0x0  }
0x26: {  	[sflag:s15] =	ssyncadd.s32 $0xFFFFFFF8  }
0x27: {  	[tilespmem:s19], [sflag:$0x3] =	stream.indirect.gather [hbm4b:s3+s18], $0xC00, s16, s18, $0xb8;
	[tilespmem:$0x1E280] =	vst v63  }
0x28: {  	_ =	swait.ge [sflag:s28], $0x6000  }
0x29: {  	[sflag:s28] =	ssyncset.done $0x0  }
0x2a: {  	s9 =	sadd.s32 s5, s11;
	[sflag:s28] =	ssyncadd.s32 $0xFFFFA000  }
0x2b: {  	[tilespmem:s20], [sflag:$0x2] =	stream.linear.gather [hbm4b:s9+s2], $0x8, $0x38;
	[tilespmem:$0x1E280] =	vst v63  }
0x2c: {  	s29 =	sadd.s32 s6, s11  }
0x2d: {  	[tilespmem:s21], [sflag:$0x2] =	stream.linear.gather [hbm4b:s29+s2], $0x8, $0x38;
	[tilespmem:$0x1E280] =	vst v63  }
0x2e: {  	_ =	swait.ge [sflag:s22], $0x8  }
0x2f: {  	[sflag:s22] =	ssyncset.done $0x0  }
0x30: {  	[sflag:s22] =	ssyncadd.s32 $0xFFFFFFF8  }
0x31: {  	_ =	swait.ge [sflag:s22], $0x8  }
0x32: {  	[sflag:s22] =	ssyncset.done $0x0  }
0x33: {  	[sflag:s22] =	ssyncadd.s32 $0xFFFFFFF8  }
0x34: {  	[tilespmem:s23], [sflag:$0x4] =	stream.indirect.gather [hbm4b:s3+s18], $0xC00, s20, s18, $0xb8;
	[tilespmem:$0x1E280] =	vst v63  }
0x35: {  	_ =	swait.ge [sflag:s24], $0x6000  }
0x36: {  	[sflag:s24] =	ssyncset.done $0x0  }
0x37: {  	[sflag:s24] =	ssyncadd.s32 $0xFFFFA000  }
0x38: {  	[spmem:s1] =	stream.indirect.scatter.add.f32 [tilespmem:s19], [sflag:$0x5], $0xC00, s17, s18, $0xb8;
	[tilespmem:$0x1E280] =	vst v63  }
0x39: {  	_ =	swait.ge [sflag:s25], $0x6000  }
0x3a: {  	[sflag:s25] =	ssyncset.done $0x0  }
0x3b: {  	[sflag:s25] =	ssyncadd.s32 $0xFFFFA000  }
0x3c: {  	_ =	swait.ge [sflag:s26], $0x6000  }
0x3d: {  	[sflag:s26] =	ssyncset.done $0x0  }
0x3e: {  	s9 =	rddreg [dreg:$0x4];
	[sflag:s26] =	ssyncadd.s32 $0xFFFFA000  }
0x3f: {  	[spmem:s1] =	stream.indirect.scatter.add.f32 [tilespmem:s23], [sflag:$0x6], $0xC00, s21, s18, $0xb8;
	[tilespmem:$0x1E280] =	vst v63  }
.LBB2_10:
0x40: {  	_ =	swait.ge [sflag:s28], $0x6000  }
0x41: {  	[sflag:s28] =	ssyncset.done $0x0  }
0x42: {  	[sflag:s28] =	ssyncadd.s32 $0xFFFFA000  }
.LBB2_11:
0x43: {  	s7 =	sand.u32 $0x1, s4  }
0x44: {  	p0 =	seq.s32 s7, $0x0  }
0x45: {  	s0 =	sadd.s32 @!p0 $0xFFFFFFF8, s0  }
0x46: {  	s0 =	sshrl.u32 @!p0 s0, $0x3  }
0x47: {  	s0 =	sadd.s32 @!p0 s4, s0  }
0x48: {  	s0 =	sand.u32 @!p0 $0x1FFFFFFE, s0  }
0x49: {  	s7 =	simm.s32 @!p0 $0x0;
	s8 =	simm.s32 @!p0 $0x80;
	s4 =	sadd.s32 @!p0 s5, s0  }
0x4a: {  	[tilespmem:s8], [sflag:$0x1] =	stream.linear.gather @!p0 [hbm4b:s4+s7], $0x8, $0x38;
	[tilespmem:$0x1E280] =	vst v63  }
0x4b: {  	s0 =	sadd.s32 @!p0 s6, s0;
	s4 =	simm.s32 @!p0 $0x180  }
0x4c: {  	[tilespmem:s4], [sflag:$0x1] =	stream.linear.gather @!p0 [hbm4b:s0+s7], $0x8, $0x38;
	[tilespmem:$0x1E280] =	vst v63  }
0x4d: {  	s0 =	simm.s32 @!p0 $0x1  }
0x4e: {  	_ =	swait.ge @!p0 [sflag:s0], $0x8  }
0x4f: {  	[sflag:s0] =	ssyncset.done @!p0 $0x0  }
0x50: {  	[sflag:s0] =	ssyncadd.s32 @!p0 $0xFFFFFFF8  }
0x51: {  	_ =	swait.ge @!p0 [sflag:s0], $0x8  }
0x52: {  	[sflag:s0] =	ssyncset.done @!p0 $0x0  }
0x53: {  	s7 =	simm.s32 @!p0 $0x280;
	[sflag:s0] =	ssyncadd.s32 @!p0 $0xFFFFFFF8;
	s0 =	simm.s32 @!p0 $0x8  }
0x54: {  	[tilespmem:s7], [sflag:$0x3] =	stream.indirect.gather @!p0 [hbm4b:s3+s0], $0xC00, s8, s0, $0xb8;
	[tilespmem:$0x1E280] =	vst v63  }
0x55: {  	s8 =	simm.s32 @!p0 $0x3  }
0x56: {  	_ =	swait.ge @!p0 [sflag:s8], $0x6000  }
0x57: {  	[sflag:s8] =	ssyncset.done @!p0 $0x0  }
0x58: {  	[sflag:s8] =	ssyncadd.s32 @!p0 $0xFFFFA000  }
0x59: {  	[spmem:s1] =	stream.indirect.scatter.add.f32 @!p0 [tilespmem:s7], [sflag:$0x5], $0xC00, s4, s0, $0xb8;
	[tilespmem:$0x1E280] =	vst v63  }
0x5a: {  	s0 =	simm.s32 @!p0 $0x5  }
0x5b: {  	_ =	swait.ge @!p0 [sflag:s0], $0x6000  }
0x5c: {  	s29 =	smul.u32 $0x1800, s31;
	s30 =	sadd.s32 $0x1, s30;
	[sflag:s0] =	ssyncset.done @!p0 $0x0  }
0x5d: {  	s31 =	rddreg [dreg:$0x5];
	[sflag:s0] =	ssyncadd.s32 @!p0 $0xFFFFA000;
	p0 =	sne.s32 s30, $0x14  }
.Ltmp3:
0x5e: {  	s0 =	sadd.s32 s31, s29;
	(pc) =	sbr.rel @!p0 .LBB2_12-.Ltmp3, $4  }
0x5f: {  	[hbm:s0], [sflag:s13] =	dma.local [spmem:s14], $0x1800  }
0x60: {  	_ =	swait.ge [sflag:s12], $0x1800  }
0x61: {  	[sflag:s12] =	ssyncset.done $0x0  }
0x62: {  	[sflag:s12] =	ssyncadd.s32 $0xFFFFE800  }
.LBB2_2:
0x63: {  	s0 =	rddreg [dreg:$0x6]  }
0x64: {  	s31 =	sadd.s32 s0, s30  }
0x65: {  	s0 =	sshll.u32 s31, $0x4  }
0x66: {  	s0 =	sadd.s32 s10, s0  }
0x67: {  	[tilespmem:s2], [sflag:$0x7] =	stream.linear.gather [hbm4b:s0+s2], $0x80, $0x38;
	[tilespmem:$0x1E280] =	vst v63  }
0x68: {  	_ =	swait.ge [sflag:s12], $0x80  }
0x69: {  	[sflag:s12] =	ssyncset.done $0x0  }
0x6a: {  	[sflag:s12] =	ssyncadd.s32 $0xFFFFFF80  }
0x6b: {  	v0 =	vld [tilespmem:$0x0];
	_ =	sdelay $0x4  }
0x6c: {  	(v2sf) =	vpush v0, $0x0  }
0x6d: {  	(v2sf) =	vpush v0, $0x1;
	_ =	sdelay $0xd  }
0x6e: {  	s0 =	spop (v2sf)  }
0x6f: {  	s4 =	spop (v2sf)  }
0x70: {  	s8 =	simm.s32 $0x1;
	s7 =	ssub.s32 s4, s0;
	p0 =	sne.s32 s4, s0  }
0x71: {  	s11 =	sshra.s32 s7, $0x1F;
	s8 =	simm.s32 @!p0 $0x0  }
0x72: {  	s4 =	sand.u32 $0x7, s4;
	s8 =	sor.u32 s8, s11  }
0x73: {  	p1 =	sne.s32 s4, $0x0;
	p4 =	sne.s32 s8, $0x1  }
0x74: {  	s11 =	sshrl.u32 s11, $0x1D;
	p0 =	por !p1, !p4  }
0x75: {  	s4 =	sadd.s32 s11, s7;
	s7 =	simm.s32 $0x1;
	p0 =	por !p0, !p0  }
0x76: {  	s4 =	sshra.s32 s4, $0x3;
	s7 =	simm.s32 @!p0 $0x0  }
0x77: {  	s4 =	ssub.s32 s4, s7  }
0x78: {  	s7 =	sshrl.u32 s4, $0x1F  }
0x79: {  	s7 =	sadd.s32 s7, s4  }
0x7a: {  	s29 =	sand.u32 $0xFFFFFFFE, s7  }
0x7b: {  	p5 =	slt.s32 s4, $0x1;
	p6 =	sne.s32 s4, s29  }
0x7c: {  	p0 =	por !p5, !p6  }
0x7d: {  	s8 =	simm.s32 $0x1;
	p0 =	por !p0, !p0  }
0x7e: {  	s7 =	sshra.s32 s7, $0x1;
	s8 =	simm.s32 @!p0 $0x0  }
0x7f: {  	s8 =	ssub.s32 s7, s8  }
0x80: {  	p1 =	slt.s32 s8, $0x1  }
.Ltmp4:
0x81: {  	_ = 	snop;
	(pc) =	sbr.rel @p1 .LBB2_11-.Ltmp4, $4  }
0x82: {  	[spmem:s14], [sflag:s13] =	dma.local [hbm:s9], $0x2400  }
0x83: {  	_ =	swait.ge [sflag:s12], $0x2400  }
0x84: {  	[sflag:s12] =	ssyncset.done $0x0  }
0x85: {  	[sflag:s12] =	ssyncadd.s32 $0xFFFFDC00  }
0x86: {  	s11 =	sshrl.u32 s0, $0x3  }
0x87: {  	s29 =	sadd.s32 s5, s11  }
0x88: {  	[tilespmem:s16], [sflag:$0x1] =	stream.linear.gather [hbm4b:s29+s2], $0x8, $0x38;
	[tilespmem:$0x1E280] =	vst v63  }
0x89: {  	s29 =	sadd.s32 s6, s11  }
0x8a: {  	[tilespmem:s17], [sflag:$0x1] =	stream.linear.gather [hbm4b:s29+s2], $0x8, $0x38;
	[tilespmem:$0x1E280] =	vst v63  }
0x8b: {  	_ =	swait.ge [sflag:s15], $0x8  }
0x8c: {  	[sflag:s15] =	ssyncset.done $0x0  }
0x8d: {  	[sflag:s15] =	ssyncadd.s32 $0xFFFFFFF8  }
0x8e: {  	_ =	swait.ge [sflag:s15], $0x8  }
0x8f: {  	[sflag:s15] =	ssyncset.done $0x0  }
0x90: {  	s11 =	sor.u32 $0x1, s11;
	[sflag:s15] =	ssyncadd.s32 $0xFFFFFFF8  }
0x91: {  	[tilespmem:s19], [sflag:$0x3] =	stream.indirect.gather [hbm4b:s3+s18], $0xC00, s16, s18, $0xb8;
	[tilespmem:$0x1E280] =	vst v63  }
0x92: {  	s29 =	sadd.s32 s5, s11  }
0x93: {  	[tilespmem:s20], [sflag:$0x2] =	stream.linear.gather [hbm4b:s29+s2], $0x8, $0x38;
	[tilespmem:$0x1E280] =	vst v63  }
0x94: {  	s11 =	sadd.s32 s6, s11  }
0x95: {  	[tilespmem:s21], [sflag:$0x2] =	stream.linear.gather [hbm4b:s11+s2], $0x8, $0x38;
	[tilespmem:$0x1E280] =	vst v63  }
0x96: {  	_ =	swait.ge [sflag:s22], $0x8  }
0x97: {  	[sflag:s22] =	ssyncset.done $0x0  }
0x98: {  	[sflag:s22] =	ssyncadd.s32 $0xFFFFFFF8  }
0x99: {  	_ =	swait.ge [sflag:s22], $0x8  }
0x9a: {  	[sflag:s22] =	ssyncset.done $0x0  }
0x9b: {  	[sflag:s22] =	ssyncadd.s32 $0xFFFFFFF8  }
0x9c: {  	[tilespmem:s23], [sflag:$0x4] =	stream.indirect.gather [hbm4b:s3+s18], $0xC00, s20, s18, $0xb8;
	[tilespmem:$0x1E280] =	vst v63  }
0x9d: {  	_ =	swait.ge [sflag:s24], $0x6000  }
0x9e: {  	[sflag:s24] =	ssyncset.done $0x0  }
0x9f: {  	[sflag:s24] =	ssyncadd.s32 $0xFFFFA000  }
0xa0: {  	[spmem:s1] =	stream.indirect.scatter.add.f32 [tilespmem:s19], [sflag:$0x5], $0xC00, s17, s18, $0xb8;
	[tilespmem:$0x1E280] =	vst v63  }
0xa1: {  	_ =	swait.ge [sflag:s25], $0x6000  }
0xa2: {  	p1 =	seq.s32 s8, $0x1;
	[sflag:s25] =	ssyncset.done $0x0  }
.Ltmp5:
0xa3: {  	[sflag:s25] =	ssyncadd.s32 $0xFFFFA000;
	(pc) =	sbr.rel @p1 .LBB2_10-.Ltmp5, $4  }
0xa4: {  	_ =	swait.ge [sflag:s26], $0x6000  }
0xa5: {  	[sflag:s26] =	ssyncset.done $0x0  }
0xa6: {  	[sflag:s26] =	ssyncadd.s32 $0xFFFFA000  }
0xa7: {  	[spmem:s1] =	stream.indirect.scatter.add.f32 [tilespmem:s23], [sflag:$0x6], $0xC00, s21, s18, $0xb8;
	[tilespmem:$0x1E280] =	vst v63  }
0xa8: {  	s8 =	simm.s32 $0xFFFFFFFF  }
0xa9: {  	s8 =	simm.s32 @!p0 $0x0  }
0xaa: {  	s7 =	sadd.s32 s8, s7  }
0xab: {  	s7 =	sadd.s32 $0xFFFFFFFF, s7  }
0xac: {  	p1 =	sne.s32 s7, $0x1  }
.Ltmp6:
0xad: {  	_ = 	snop;
	(pc) =	sbr.rel @!p1 .LBB2_9-.Ltmp6, $4  }
0xae: {  	_ = 	snop  }
0xaf: {  	s9 =	sadd.s32 $0x10, s0  }
0xb0: {  	s29 =	sshrl.u32 s9, $0x3;
	p0 =	por $0x0, $0x0  }
0xb1: {  	s11 =	sor.u32 $0x1, s29;
	s8 =	sadd.s32 $0x10, s9;
	s7 =	sadd.s32 $0xFFFFFFFF, s7  }
0xb2: {  	s9 =	sadd.s32 s5, s29  }
0xb3: {  	[tilespmem:s16], [sflag:$0x1] =	stream.linear.gather [hbm4b:s9+s2], $0x8, $0x38;
	[tilespmem:$0x1E280] =	vst v63  }
0xb4: {  	s10 =	sadd.s32 s6, s29  }
0xb5: {  	[tilespmem:s17], [sflag:$0x1] =	stream.linear.gather [hbm4b:s10+s2], $0x8, $0x38;
	[tilespmem:$0x1E280] =	vst v63  }
0xb6: {  	_ =	swait.ge [sflag:s15], $0x8  }
0xb7: {  	[sflag:s15] =	ssyncset.done $0x0  }
0xb8: {  	[sflag:s15] =	ssyncadd.s32 $0xFFFFFFF8  }
0xb9: {  	_ =	swait.ge [sflag:s15], $0x8  }
0xba: {  	[sflag:s15] =	ssyncset.done $0x0  }
0xbb: {  	[sflag:s15] =	ssyncadd.s32 $0xFFFFFFF8  }
0xbc: {  	[tilespmem:s19], [sflag:$0x3] =	stream.indirect.gather [hbm4b:s3+s18], $0xC00, s16, s18, $0xb8;
	[tilespmem:$0x1E280] =	vst v63  }
0xbd: {  	_ =	swait.ge [sflag:s28], $0x6000  }
0xbe: {  	[sflag:s28] =	ssyncset.done $0x0  }
0xbf: {  	s10 =	sadd.s32 s5, s11;
	[sflag:s28] =	ssyncadd.s32 $0xFFFFA000  }
0xc0: {  	[tilespmem:s20], [sflag:$0x2] =	stream.linear.gather [hbm4b:s10+s2], $0x8, $0x38;
	[tilespmem:$0x1E280] =	vst v63  }
0xc1: {  	s11 =	sadd.s32 s6, s11  }
0xc2: {  	[tilespmem:s21], [sflag:$0x2] =	stream.linear.gather [hbm4b:s11+s2], $0x8, $0x38;
	[tilespmem:$0x1E280] =	vst v63  }
0xc3: {  	_ =	swait.ge [sflag:s22], $0x8  }
0xc4: {  	[sflag:s22] =	ssyncset.done $0x0  }
0xc5: {  	[sflag:s22] =	ssyncadd.s32 $0xFFFFFFF8  }
0xc6: {  	_ =	swait.ge [sflag:s22], $0x8  }
0xc7: {  	[sflag:s22] =	ssyncset.done $0x0  }
0xc8: {  	[sflag:s22] =	ssyncadd.s32 $0xFFFFFFF8  }
0xc9: {  	[tilespmem:s23], [sflag:$0x4] =	stream.indirect.gather [hbm4b:s3+s18], $0xC00, s20, s18, $0xb8;
	[tilespmem:$0x1E280] =	vst v63  }
0xca: {  	_ =	swait.ge [sflag:s24], $0x6000  }
0xcb: {  	[sflag:s24] =	ssyncset.done $0x0  }
0xcc: {  	[sflag:s24] =	ssyncadd.s32 $0xFFFFA000  }
0xcd: {  	[spmem:s1] =	stream.indirect.scatter.add.f32 [tilespmem:s19], [sflag:$0x5], $0xC00, s17, s18, $0xb8;
	[tilespmem:$0x1E280] =	vst v63  }
0xce: {  	p1 =	sne.s32 s7, $0x1;
	_ =	swait.ge [sflag:s25], $0x6000  }
.Ltmp7:
0xcf: {  	[sflag:s25] =	ssyncset.done $0x0;
	(pc) =	sbr.rel @!p1 .LBB2_6-.Ltmp7, $4  }
0xd0: {  	[sflag:s25] =	ssyncadd.s32 $0xFFFFA000  }
0xd1: {  	s29 =	sshrl.u32 s8, $0x3;
	_ =	swait.ge [sflag:s26], $0x6000  }
0xd2: {  	s7 =	sadd.s32 $0xFFFFFFFF, s7;
	s8 =	sadd.s32 $0x10, s8;
	[sflag:s26] =	ssyncset.done $0x0  }
0xd3: {  	p0 =	por $0x1, $0x1;
	s11 =	sor.u32 $0x1, s29;
	[sflag:s26] =	ssyncadd.s32 $0xFFFFA000  }
.LBB2_7:
0xd4: {  	[spmem:s1] =	stream.indirect.scatter.add.f32 [tilespmem:s23], [sflag:$0x6], $0xC00, s21, s18, $0xb8;
	[tilespmem:$0x1E280] =	vst v63  }
0xd5: {  	s9 =	sshrl.u32 s8, $0x3;
	p1 =	sne.s32 s7, $0x1;
	s10 =	sadd.s32 s5, s29  }
0xd6: {  	[tilespmem:s16], [sflag:$0x1] =	stream.linear.gather [hbm4b:s10+s2], $0x8, $0x38;
	[tilespmem:$0x1E280] =	vst v63  }
0xd7: {  	s7 =	sadd.s32 $0xFFFFFFFF, s7;
	s29 =	sadd.s32 s6, s29;
	s10 =	sor.u32 $0x1, s9  }
0xd8: {  	[tilespmem:s17], [sflag:$0x1] =	stream.linear.gather [hbm4b:s29+s2], $0x8, $0x38;
	[tilespmem:$0x1E280] =	vst v63  }
0xd9: {  	s29 =	smov.u32 s9;
	_ =	swait.ge [sflag:s15], $0x8  }
0xda: {  	[sflag:s15] =	ssyncset.done $0x0  }
0xdb: {  	[sflag:s15] =	ssyncadd.s32 $0xFFFFFFF8  }
0xdc: {  	_ =	swait.ge [sflag:s15], $0x8  }
0xdd: {  	[sflag:s15] =	ssyncset.done $0x0  }
0xde: {  	[sflag:s15] =	ssyncadd.s32 $0xFFFFFFF8  }
0xdf: {  	[tilespmem:s19], [sflag:$0x3] =	stream.indirect.gather [hbm4b:s3+s18], $0xC00, s16, s18, $0xb8;
	[tilespmem:$0x1E280] =	vst v63  }
0xe0: {  	_ =	swait.ge [sflag:s28], $0x6000  }
0xe1: {  	[sflag:s28] =	ssyncset.done $0x0  }
0xe2: {  	s9 =	sadd.s32 s5, s11;
	[sflag:s28] =	ssyncadd.s32 $0xFFFFA000  }
0xe3: {  	[tilespmem:s20], [sflag:$0x2] =	stream.linear.gather [hbm4b:s9+s2], $0x8, $0x38;
	[tilespmem:$0x1E280] =	vst v63  }
0xe4: {  	s9 =	sadd.s32 s6, s11;
	s11 =	smov.u32 s10  }
0xe5: {  	[tilespmem:s21], [sflag:$0x2] =	stream.linear.gather [hbm4b:s9+s2], $0x8, $0x38;
	[tilespmem:$0x1E280] =	vst v63  }
0xe6: {  	_ =	swait.ge [sflag:s22], $0x8  }
0xe7: {  	[sflag:s22] =	ssyncset.done $0x0  }
0xe8: {  	[sflag:s22] =	ssyncadd.s32 $0xFFFFFFF8  }
0xe9: {  	_ =	swait.ge [sflag:s22], $0x8  }
0xea: {  	[sflag:s22] =	ssyncset.done $0x0  }
0xeb: {  	[sflag:s22] =	ssyncadd.s32 $0xFFFFFFF8  }
0xec: {  	[tilespmem:s23], [sflag:$0x4] =	stream.indirect.gather [hbm4b:s3+s18], $0xC00, s20, s18, $0xb8;
	[tilespmem:$0x1E280] =	vst v63  }
0xed: {  	_ =	swait.ge [sflag:s24], $0x6000  }
0xee: {  	[sflag:s24] =	ssyncset.done $0x0  }
0xef: {  	[sflag:s24] =	ssyncadd.s32 $0xFFFFA000  }
0xf0: {  	[spmem:s1] =	stream.indirect.scatter.add.f32 [tilespmem:s19], [sflag:$0x5], $0xC00, s17, s18, $0xb8;
	[tilespmem:$0x1E280] =	vst v63  }
0xf1: {  	_ =	swait.ge [sflag:s25], $0x6000  }
.Ltmp8:
0xf2: {  	[sflag:s25] =	ssyncset.done $0x0;
	(pc) =	sbr.rel @p1 .LBB2_7-.Ltmp8, $4  }
0xf3: {  	[sflag:s25] =	ssyncadd.s32 $0xFFFFA000  }
0xf4: {  	_ =	swait.ge [sflag:s26], $0x6000  }
0xf5: {  	[sflag:s26] =	ssyncset.done $0x0  }
0xf6: {  	s8 =	sadd.s32 $0x10, s8;
	[sflag:s26] =	ssyncadd.s32 $0xFFFFA000  }
.Ltmp9:
0xf7: {  	(pc) =	sbr.rel .LBB2_9-.Ltmp9, $2  }
0xf8: {  	_ =	sdelay $0x2  }
0xf9: {  	s10 =	rddreg [dreg:$0x3]  }
.LBB2_13:
0xfa: {  	_ =	sfence.sel $0x180000  }
0xfb: {  	[bflag:$0x0] =	sbarrier.arrive $0xFFFF  }
0xfc: {  	_ =	strace $0x90000065  }
0xfd: {  	s0 =	stileid.u32;
	[bflag:$0x2] =	sbarrier.arrive $0xFFFF  }
0xfe: {  	p0 =	sne.s32 s0, $0x0;
	s0 =	rddreg [dreg:$0x2]  }
0xff: {  	s0 =	sadd.s32 @!p0 $0x100000, s0  }
0x100: {  	[sflag:s0] =	ssyncadd.tile.s32 @!p0 $0x1;
	_ =	shalt  }
.Lfunc_end2:
_tile_overlayer_lowered:
.L_overlay_start_2:
0x101: {  	(tag) =	ssettag $0x2  }
0x102: {  	s0 =	rddreg [dreg:$0x0];
	s2 =	stileid.u32  }
0x103: {  	s1 =	rddreg [dreg:$0x1];
	p0 =	sne.s32 s2, $0x0  }
0x104: {  	s3 =	rddreg [dreg:$0x2];
	[bflag:$0x3] =	sbarrier.arrive $0xFFFF;
	s2 =	simm.s32 @!p0 $0x1C07  }
0x105: {  	[timem:s3], [sflag:s2] =	dma.local @!p0 [hbm:s0], s1  }
0x106: {  	s0 =	simm.s32 @!p0 $0x7  }
0x107: {  	_ =	swait.ge @!p0 [sflag:s0], s1  }
0x108: {  	s1 =	ssub.s32 @!p0 $0x0, s1;
	[sflag:s0] =	ssyncset.done @!p0 $0x0  }
0x109: {  	[sflag:s0] =	ssyncadd.s32 @!p0 s1  }
0x10a: {  	[bflag:$0x3] =	sbarrier.arrive $0xFFFF  }
0x10b: {  	_ =	shalt  }

// kernel: sparse-core-data-format-call.1.cloned.1.call-start
scs
called_computation.1_lowered:
.L_overlay_start_0:
0x0: {  	s1 =	sld [smem:$0x3FD9]  }
0x1: {  	s2 =	sld [smem:$0x3FFE];
	_ =	sdelay $0x1  }
0x2: {  	s3 =	srdreg.scid  }
0x3: {  	s0 =	sand.u32 $0x1, s3  }
0x4: {  	s17 =	sshll.u32 s0, $0xA;
	s1 =	sadd.s32 s2, s1  }
0x5: {  	s1 =	sadd.s32 s1, s17  }
0x6: {  	[smem:$0x3F9A] =	sst s1  }
0x7: {  	_ = 	snop  }
0x8: {  	(tm) =	ssettm $0x1  }
0x9: {  	s18 =	sld [smem:$0x3FFB];
	_ =	sdelay $0x3  }
0xa: {  	_ =	strace s18  }
0xb: {  	s1 =	sld [smem:$0x3FFC];
	_ =	sdelay $0x3  }
0xc: {  	_ =	strace s1  }
0xd: {  	s1 =	sld [smem:$0x3FFD];
	_ =	sdelay $0x3  }
0xe: {  	_ =	strace s1  }
0xf: {  	_ =	strace $0x8FFFFFFF  }
0x10: {  	s19 =	sld [smem:$0x3FDB];
	_ =	sdelay $0x1  }
0x11: {  	s20 =	simm.s32 $_scs_section_size  }
0x12: {  	s4 =	simm.s32 $_size__tile_overlayer_lowered;
	s5 =	simm.s32 $_tile_overlayer_lowered  }
0x13: {  	s23 =	simm.s32 $0x1BFF;
	s22 =	sshll.u32 s5, $0x1;
	s1 =	sadd.s32 s20, s19  }
0x14: {  	s6 =	simm.s32 $0x0;
	s21 =	sshll.u32 s4, $0x1;
	s4 =	sadd.s32 s22, s1  }
0x15: {  	[timem:s6], [sflag:s23] =	dma.local [hbm:s4], s21  }
0x16: {  	_ =	swait.ge [sflag:s23], s21  }
0x17: {  	s2 =	ssub.s32 $0x0, s21;
	[sflag:s23] =	ssyncset.done $0x0  }
0x18: {  	[sflag:s23] =	ssyncadd.s32 s2;
	_ =	sdelay $0x1  }
0x19: {  	s24 =	simm.s32 $0x1B8B  }
0x1a: {  	_ =	swait.ge [sflag:s24], $0x1  }
0x1b: {  	[sflag:s24] =	ssyncset.done $0x0  }
0x1c: {  	s26 =	simm.s32 $0x1B8E;
	s25 =	sld [smem:$0x3FFE];
	[sflag:s24] =	ssyncadd.s32 $0xFFFFFFFF  }
0x1d: {  	s27 =	simm.s32 $execute0_lowered;
	[smem:$0x3FD2] =	sst s26  }
0x1e: {  	s4 =	sshll.u32 s27, $0x1;
	_ =	strace $0x80000061;
	[dreg:$0x1] =	wrdreg $0xFFFFFFFF  }
0x1f: {  	s28 =	simm.s32 $_size_execute0_lowered;
	s1 =	sadd.s32 s1, s4;
	[dreg:$0x0] =	wrdreg $0x0  }
0x20: {  	s4 =	sshll.u32 s28, $0x1;
	[dreg:$0x2] =	wrdreg s1  }
0x21: {  	[dreg:$0x3] =	wrdreg s4  }
0x22: {  	[dreg:$0x4] =	wrdreg $0xC0  }
0x23: {  	_ =	task [dreg:s6], $0x5FFFF  }
0x24: {  	[dreg:$0x1] =	wrdreg $0xFFFFFFFF  }
0x25: {  	[dreg:$0x0] =	wrdreg $0x60  }
0x26: {  	[dreg:$0x2] =	wrdreg s25  }
0x27: {  	[dreg:$0x3] =	wrdreg $0x9  }
0x28: {  	_ =	task.clear_ibuf [dreg:s6], $0x4FFFF;
	_ =	strace $0x90000061  }
0x29: {  	s29 =	simm.s32 $0x9;
	_ =	strace $0x80000063  }
0x2a: {  	_ =	swait.ge [sflag:s29], $0x1  }
0x2b: {  	[sflag:s29] =	ssyncadd.s32 $0xFFFFFFFF  }
0x2c: {  	_ =	strace $0x90000063  }
0x2d: {  	_ =	sfence  }
0x2e: {  	s30 =	sld [smem:$0x0];
	_ =	sdelay $0x2  }
0x2f: {  	s31 =	sshll.u32 s3, $0xD;
	s3 =	sshrl.u32 s3, $0x2  }
0x30: {  	s2 =	sand.u32 $0x4000, s31;
	s1 =	sadd.s32 s3, s30  }
0x31: {  	s0 =	sor.u32 s2, s0;
	s1 =	sshll.u32 s1, $0x11  }
0x32: {  	s0 =	sor.u32 s1, s0  }
0x33: {  	s0 =	sadd.s32 $0x8F2B, s0  }
0x34: {  	[sflag:s0] =	ssyncadd.remote.s32 $0x1  }
0x35: {  	_ =	sfence.sel $0xFFFF  }
0x36: {  	[dreg:$0x0] =	wrdreg $0xFFFFFFFF;
	(pc) =	sbr.abs _section_cstart, $3  }
0x37: {  	[dreg:$0x1] =	wrdreg $0xFFFFFFFF  }
0x38: {  	_ =	task.clear_ibuf [dreg:s6], $0x2FFFF;
	_ =	strace $0x9FFFFFFF  }
0x39: {  	(tm) =	ssettm $0x7FFFFFFF  }
tec
execute0_lowered:
.L_overlay_start_1:
0x0: {  	(tag) =	ssettag $0x1  }
0x1: {  	s0 =	srdreg.scid  }
0x2: {  	s1 =	sshll.u32 s0, $0x4  }
0x3: {  	s0 =	stileid.u32;
	s1 =	sand.u32 $0x10, s1  }
0x4: {  	s6 =	rddreg [dreg:$0x0];
	s1 =	sor.u32 s0, s1  }
0x5: {  	s4 =	simm.s32 $0x1;
	s7 =	simm.s32 $0x2;
	s2 =	sshll.u32 s1, $0x1  }
0x6: {  	s14 =	simm.s32 $0x0;
	s8 =	simm.s32 $0x400;
	s3 =	ssub.s32 $0x4E2, s2  }
0x7: {  	s9 =	simm.s32 $0xC00;
	s10 =	simm.s32 $0x0;
	s31 =	sand.u32 $0x3E, s3  }
0x8: {  	s15 =	simm.s32 $0x0;
	s11 =	simm.s32 $0x0;
	p0 =	sne.s32 s31, $0x0  }
.Ltmp0:
0x9: {  	s3 =	sshrl.u32 s3, $0x6;
	s4 =	simm.s32 @!p0 $0x0;
	(pc) =	sbr.rel .LBB1_1-.Ltmp0, $4  }
0xa: {  	s13 =	simm.s32 $0x0;
	s1 =	rddreg [dreg:$0x1];
	s5 =	sadd.s32 s4, s3  }
0xb: {  	_ =	strace $0x80000062;
	s4 =	simm.s32 $0x1;
	s5 =	smul.u32 $0x3, s5  }
0xc: {  	s12 =	smov.u32 s2;
	s3 =	sadd.s32 $0x526800, s6;
	[sflag:s4] =	ssyncpa.u1 $0x0  }
0xd: {  	s6 =	sadd.s32 $0x8D0000, s6;
	[sflag:s7] =	ssyncpa.u1 $0x0;
	s7 =	sadd.s32 $0x1, s5  }
.LBB1_9:
0xe: {  	s16 =	sadd.s32 $0x8, s11  }
0xf: {  	s14 =	sadd.s32 $0x40, s12;
	s18 =	smov.u32 s12;
	p1 =	sgt.s32 s16, $0x17  }
0x10: {  	s18 =	smov.u32 @p1 s14  }
0x11: {  	s16 =	simm.s32 @p1 $0x0;
	p1 =	sgt.s32 s18, $0x4E1  }
0x12: {  	s18 =	smov.u32 @p1 s2;
	p1 =	sne.s32 s13, s7  }
.Ltmp1:
0x13: {  	p0 =	slt.u32 s13, $0x2;
	(pc) =	sbr.rel @!p1 .LBB1_10-.Ltmp1, $4  }
0x14: {  	s17 =	simm.s32 @!p0 $0x2  }
0x15: {  	s15 =	smov.u32 s12;
	s10 =	sadd.s32 $0x4000, s10;
	_ =	swait.ge @!p0 [sflag:s17], $0x4000  }
0x16: {  	s14 =	smov.u32 s11;
	[sflag:s17] =	ssyncset.done @!p0 $0x0;
	s11 =	smov.u32 s16  }
0x17: {  	s13 =	sadd.s32 $0x1, s13;
	[sflag:s17] =	ssyncadd.s32 @!p0 $0xFFFFC000;
	s12 =	smov.u32 s18  }
.LBB1_1:
0x18: {  	p0 =	sge.u32 s13, s5  }
0x19: {  	s17 =	smul.u32 @!p0 $0xC00, s12  }
0x1a: {  	s31 =	sadd.s32 $0xFFFFFFFF, s13;
	s16 =	sxor.u32 @!p0 $0xFFFFFFFF, s13;
	s18 =	sshll.u32 @!p0 s11, $0x7  }
0x1b: {  	s19 =	simm.s32 @!p0 $0x6000;
	s16 =	sshll.u32 @!p0 s16, $0xE;
	s17 =	sadd.s32 @!p0 s3, s17  }
0x1c: {  	s16 =	sand.u32 @!p0 $0x4000, s16;
	s17 =	sadd.s32 @!p0 s18, s17;
	s18 =	simm.s32 @!p0 $0x2000  }
0x1d: {  	[tilespmem:s16], [sflag:$0x1] =	stream.strided.gather @!p0 [hbm4b:s17+s18], $0x4000, s19, s18, $0x38;
	[tilespmem:$0x10000] =	vst v63  }
0x1e: {  	p0 =	sge.u32 s31, s5  }
.Ltmp2:
0x1f: {  	_ = 	snop;
	(pc) =	sbr.rel @p0 .LBB1_9-.Ltmp2, $1  }
0x20: {  	_ =	sdelay $0x3  }
0x21: {  	s16 =	sshll.u32 s10, $0x2  }
0x22: {  	_ =	swait.ge [sflag:s4], $0x4000;
	s17 =	sshll.u32 s13, $0xE;
	s19 =	simm.s32 $0x0  }
0x23: {  	p1 =	por $0x1, $0x1;
	s16 =	sand.u32 $0x10000, s16;
	[sflag:s4] =	ssyncset.done $0x0  }
0x24: {  	s17 =	sand.u32 $0x4000, s17;
	s18 =	sshrl.u32 s16, $0x2;
	[sflag:s4] =	ssyncadd.s32 $0xFFFFC000  }
0x25: {  	s16 =	sor.u32 $0x8000, s17;
	s17 =	sadd.s32 $0x8040, s18;
	s18 =	sadd.s32 $0x40, s18  }
.LBB1_3:
0x26: {  	s19 =	sshll.u32 s19, $0x2  }
0x27: {  	p0 =	por p1, p1;
	s20 =	sshra.s32 s19, $0x2  }
0x28: {  	s21 =	simm.s32 $0x0;
	s19 =	sadd.s32 s20, s17;
	s20 =	sadd.s32 s20, s18  }
.LBB1_4:
0x29: {  	v0 =	vmov s20;
	_ =	sdelay $0x3  }
0x2a: {  	s23 =	simm.s32 $0x0  }
0x2b: {  	v6 =	vld.idx.msk [tilespmem:v0+s23+$0x30 ss:$0x1], $0xffff  }
0x2c: {  	v7 =	vld.idx.msk [tilespmem:v0+s23+$0xFFFFFFC0 ss:$0x1], $0xffff  }
0x2d: {  	v5 =	vld.idx.msk [tilespmem:v0+s23+$0xFFFFFFD0 ss:$0x1], $0xffff  }
0x2e: {  	v4 =	vld.idx.msk [tilespmem:v0+s23+$0xFFFFFFE0 ss:$0x1], $0xffff  }
0x2f: {  	v3 =	vld.idx.msk [tilespmem:v0+s23+$0xFFFFFFF0 ss:$0x1], $0xffff  }
0x30: {  	v1 =	vld.idx.msk [tilespmem:v0+s23+$0x0 ss:$0x1], $0xffff  }
0x31: {  	v2 =	vld.idx.msk [tilespmem:v0+s23+$0x10 ss:$0x1], $0xffff;
	[tilespmem:s19+$0x30] =	vst v6  }
0x32: {  	s22 =	simm.s32 $0x80;
	s24 =	simm.s32 $0x400;
	[tilespmem:s19+$0xFFFFFFC0] =	vst v7;
	v6 =	vld.idx.msk [tilespmem:v0+s23+$0x20 ss:$0x1], $0xffff;
	s23 =	smov.u32 s19  }
.LBB1_5:
0x33: {  	p1 =	sne.s32 s24, $0xE00;
	v7 =	vld.idx.msk [tilespmem:v0+s22+$0x30 ss:$0x1], $0xffff;
	[tilespmem:s23+$0xFFFFFFD0] =	vst v5  }
0x34: {  	v8 =	vld.idx.msk [tilespmem:v0+s22+$0xFFFFFFC0 ss:$0x1], $0xffff;
	[tilespmem:s23+$0xFFFFFFE0] =	vst v4  }
0x35: {  	v5 =	vld.idx.msk [tilespmem:v0+s22+$0xFFFFFFD0 ss:$0x1], $0xffff;
	[tilespmem:s23+$0xFFFFFFF0] =	vst v3  }
.Ltmp3:
0x36: {  	v4 =	vld.idx.msk [tilespmem:v0+s22+$0xFFFFFFE0 ss:$0x1], $0xffff;
	[tilespmem:s23+$0x0] =	vst v1;
	(pc) =	sbr.rel @p1 .LBB1_5-.Ltmp3, $4  }
0x37: {  	v3 =	vld.idx.msk [tilespmem:v0+s22+$0xFFFFFFF0 ss:$0x1], $0xffff;
	[tilespmem:s23+$0x10] =	vst v2  }
0x38: {  	v1 =	vld.idx.msk [tilespmem:v0+s22+$0x0 ss:$0x1], $0xffff;
	[tilespmem:s23+$0x20] =	vst v6;
	s23 =	sadd.s32 $0x400, s23  }
0x39: {  	v2 =	vld.idx.msk [tilespmem:v0+s22+$0x10 ss:$0x1], $0xffff;
	[tilespmem:s23+$0x30] =	vst v7  }
0x3a: {  	[tilespmem:s23+$0xFFFFFFC0] =	vst v8;
	v6 =	vld.idx.msk [tilespmem:v0+s22+$0x20 ss:$0x1], $0xffff;
	s22 =	sshra.s32 s24, $0x2;
	s24 =	sadd.s32 $0x200, s24  }
0x3b: {  	_ =	sdelay $0x2  }
0x3c: {  	[tilespmem:s23+$0xFFFFFFD0] =	vst v5  }
0x3d: {  	v56 =	vld.idx.msk [tilespmem:v0+s22+$0x30 ss:$0x1], $0xffff;
	[tilespmem:s23+$0xFFFFFFE0] =	vst v4  }
0x3e: {  	v57 =	vld.idx.msk [tilespmem:v0+s22+$0xFFFFFFC0 ss:$0x1], $0xffff;
	[tilespmem:s23+$0xFFFFFFF0] =	vst v3  }
0x3f: {  	v58 =	vld.idx.msk [tilespmem:v0+s22+$0xFFFFFFD0 ss:$0x1], $0xffff;
	[tilespmem:s23+$0x0] =	vst v1  }
0x40: {  	v59 =	vld.idx.msk [tilespmem:v0+s22+$0xFFFFFFE0 ss:$0x1], $0xffff;
	[tilespmem:s23+$0x10] =	vst v2  }
0x41: {  	v60 =	vld.idx.msk [tilespmem:v0+s22+$0xFFFFFFF0 ss:$0x1], $0xffff;
	s31 =	sadd.s32 $0x400, s23;
	[tilespmem:s23+$0x20] =	vst v6  }
0x42: {  	v61 =	vld.idx.msk [tilespmem:v0+s22+$0x0 ss:$0x1], $0xffff;
	[tilespmem:s31+$0x30] =	vst v56  }
0x43: {  	v62 =	vld.idx.msk [tilespmem:v0+s22+$0x10 ss:$0x1], $0xffff;
	s21 =	sadd.s32 $0x1, s21;
	[tilespmem:s31+$0xFFFFFFC0] =	vst v57  }
0x44: {  	v63 =	vld.idx.msk [tilespmem:v0+s22+$0x20 ss:$0x1], $0xffff;
	p1 =	sne.s32 s21, $0x8;
	[tilespmem:s31+$0xFFFFFFD0] =	vst v58  }
.Ltmp4:
0x45: {  	[tilespmem:s31+$0xFFFFFFE0] =	vst v59;
	(pc) =	sbr.rel @p1 .LBB1_4-.Ltmp4, $4  }
0x46: {  	[tilespmem:s31+$0xFFFFFFF0] =	vst v60  }
0x47: {  	[tilespmem:s31+$0x0] =	vst v61  }
0x48: {  	[tilespmem:s31+$0x10] =	vst v62  }
0x49: {  	s19 =	sadd.s32 $0x80, s19;
	s20 =	sadd.s32 $0x400, s20;
	[tilespmem:s31+$0x20] =	vst v63  }
.Ltmp5:
0x4a: {  	(pc) =	sbr.rel @p0 .LBB1_3-.Ltmp5, $2  }
0x4b: {  	_ =	sdelay $0x2  }
0x4c: {  	s19 =	simm.s32 $0x2000;
	p1 =	por $0x0, $0x0  }
0x4d: {  	s14 =	sand.u32 $0x1FFFFFF, s14  }
0x4e: {  	s17 =	smulhi.u32 $0xAAAAAAB, s14  }
0x4f: {  	s15 =	smul.u32 $0xC00, s15  }
0x50: {  	s17 =	smul.u32 $0x18, s17  }
.Ltmp6:
0x51: {  	_ = 	snop;
	(pc) =	sbr.rel .LBB1_9-.Ltmp6, $4  }
0x52: {  	s14 =	ssub.s32 s14, s17  }
0x53: {  	s15 =	sadd.s32 s6, s15;
	s14 =	sshll.u32 s14, $0x4  }
0x54: {  	s14 =	sadd.s32 s14, s15  }
0x55: {  	[hbm4b:s14+s8] =	stream.strided.scatter [tilespmem:s16], [sflag:$0x2], $0x4000, s9, s8, $0x38;
	[tilespmem:$0x10000] =	vst v63  }
.LBB1_10:
0x56: {  	_ =	sfence.sel $0x180000  }
0x57: {  	s2 =	simm.s32 $0x1;
	[bflag:$0x0] =	sbarrier.arrive $0xFFFF  }
0x58: {  	s31 =	simm.s32 $0x2;
	[sflag:s2] =	ssyncpa.u1 $0x1  }
0x59: {  	[sflag:s31] =	ssyncpa.u1 $0x1  }
0x5a: {  	p0 =	sne.s32 s0, $0x0;
	_ =	strace $0x90000062  }
0x5b: {  	s0 =	sadd.s32 @!p0 $0x100000, s1;
	[bflag:$0x2] =	sbarrier.arrive $0xFFFF  }
0x5c: {  	[sflag:s0] =	ssyncadd.tile.s32 @!p0 $0x1;
	_ =	shalt  }
.Lfunc_end1:
_tile_overlayer_lowered:
.L_overlay_start_2:
0x5d: {  	(tag) =	ssettag $0x2  }
0x5e: {  	s0 =	rddreg [dreg:$0x0];
	s2 =	stileid.u32  }
0x5f: {  	s1 =	rddreg [dreg:$0x1];
	p0 =	sne.s32 s2, $0x0  }
0x60: {  	s3 =	rddreg [dreg:$0x2];
	[bflag:$0x3] =	sbarrier.arrive $0xFFFF;
	s2 =	simm.s32 @!p0 $0x1C01  }
0x61: {  	[timem:s3], [sflag:s2] =	dma.local @!p0 [hbm:s0], s1  }
0x62: {  	s0 =	simm.s32 @!p0 $0x1  }
0x63: {  	_ =	swait.ge @!p0 [sflag:s0], s1  }
0x64: {  	s1 =	ssub.s32 @!p0 $0x0, s1;
	[sflag:s0] =	ssyncset.done @!p0 $0x0  }
0x65: {  	[sflag:s0] =	ssyncadd.s32 @!p0 s1  }
0x66: {  	[bflag:$0x3] =	sbarrier.arrive $0xFFFF  }
0x67: {  	_ =	shalt  }

// kernel: sparse-core-data-format-call.2.cloned.1.call-start
scs
called_computation.2_lowered:
.L_overlay_start_0:
0x0: {  	s1 =	sld [smem:$0x3FD9]  }
0x1: {  	s2 =	sld [smem:$0x3FFE];
	_ =	sdelay $0x1  }
0x2: {  	s3 =	srdreg.scid  }
0x3: {  	s0 =	sand.u32 $0x1, s3  }
0x4: {  	s17 =	sshll.u32 s0, $0xA;
	s1 =	sadd.s32 s2, s1  }
0x5: {  	s1 =	sadd.s32 s1, s17  }
0x6: {  	[smem:$0x3F9A] =	sst s1  }
0x7: {  	_ = 	snop  }
0x8: {  	(tm) =	ssettm $0x1  }
0x9: {  	s18 =	sld [smem:$0x3FFB];
	_ =	sdelay $0x3  }
0xa: {  	_ =	strace s18  }
0xb: {  	s1 =	sld [smem:$0x3FFC];
	_ =	sdelay $0x3  }
0xc: {  	_ =	strace s1  }
0xd: {  	s1 =	sld [smem:$0x3FFD];
	_ =	sdelay $0x3  }
0xe: {  	_ =	strace s1  }
0xf: {  	_ =	strace $0x8FFFFFFF  }
0x10: {  	s19 =	sld [smem:$0x3FDB];
	_ =	sdelay $0x1  }
0x11: {  	s20 =	simm.s32 $_scs_section_size  }
0x12: {  	s4 =	simm.s32 $_size__tile_overlayer_lowered;
	s5 =	simm.s32 $_tile_overlayer_lowered  }
0x13: {  	s23 =	simm.s32 $0x1BFF;
	s22 =	sshll.u32 s5, $0x1;
	s1 =	sadd.s32 s20, s19  }
0x14: {  	s6 =	simm.s32 $0x0;
	s21 =	sshll.u32 s4, $0x1;
	s4 =	sadd.s32 s22, s1  }
0x15: {  	[timem:s6], [sflag:s23] =	dma.local [hbm:s4], s21  }
0x16: {  	_ =	swait.ge [sflag:s23], s21  }
0x17: {  	s2 =	ssub.s32 $0x0, s21;
	[sflag:s23] =	ssyncset.done $0x0  }
0x18: {  	[sflag:s23] =	ssyncadd.s32 s2;
	_ =	sdelay $0x1  }
0x19: {  	s24 =	simm.s32 $0x1B8B  }
0x1a: {  	_ =	swait.ge [sflag:s24], $0x1  }
0x1b: {  	[sflag:s24] =	ssyncset.done $0x0  }
0x1c: {  	s26 =	simm.s32 $0x1B8E;
	s25 =	sld [smem:$0x3FFE];
	[sflag:s24] =	ssyncadd.s32 $0xFFFFFFFF  }
0x1d: {  	s27 =	simm.s32 $execute0_lowered;
	[smem:$0x3FD2] =	sst s26  }
0x1e: {  	s4 =	sshll.u32 s27, $0x1;
	_ =	strace $0x8000005E;
	[dreg:$0x1] =	wrdreg $0xFFFFFFFF  }
0x1f: {  	s28 =	simm.s32 $_size_execute0_lowered;
	s1 =	sadd.s32 s1, s4;
	[dreg:$0x0] =	wrdreg $0x0  }
0x20: {  	s4 =	sshll.u32 s28, $0x1;
	[dreg:$0x2] =	wrdreg s1  }
0x21: {  	[dreg:$0x3] =	wrdreg s4  }
0x22: {  	[dreg:$0x4] =	wrdreg $0xC0  }
0x23: {  	_ =	task [dreg:s6], $0x5FFFF  }
0x24: {  	[dreg:$0x1] =	wrdreg $0xFFFFFFFF  }
0x25: {  	[dreg:$0x0] =	wrdreg $0x60  }
0x26: {  	[dreg:$0x2] =	wrdreg s25  }
0x27: {  	[dreg:$0x3] =	wrdreg $0x9  }
0x28: {  	_ =	task.clear_ibuf [dreg:s6], $0x4FFFF;
	_ =	strace $0x9000005E  }
0x29: {  	s29 =	simm.s32 $0x9;
	_ =	strace $0x80000060  }
0x2a: {  	_ =	swait.ge [sflag:s29], $0x1  }
0x2b: {  	[sflag:s29] =	ssyncadd.s32 $0xFFFFFFFF  }
0x2c: {  	_ =	strace $0x90000060  }
0x2d: {  	_ =	sfence  }
0x2e: {  	s30 =	sld [smem:$0x0];
	_ =	sdelay $0x2  }
0x2f: {  	s31 =	sshll.u32 s3, $0xD;
	s3 =	sshrl.u32 s3, $0x2  }
0x30: {  	s2 =	sand.u32 $0x4000, s31;
	s1 =	sadd.s32 s3, s30  }
0x31: {  	s0 =	sor.u32 s2, s0;
	s1 =	sshll.u32 s1, $0x11  }
0x32: {  	s0 =	sor.u32 s1, s0  }
0x33: {  	s0 =	sadd.s32 $0x8F2B, s0  }
0x34: {  	[sflag:s0] =	ssyncadd.remote.s32 $0x1  }
0x35: {  	_ =	sfence.sel $0xFFFF  }
0x36: {  	[dreg:$0x0] =	wrdreg $0xFFFFFFFF;
	(pc) =	sbr.abs _section_cstart, $3  }
0x37: {  	[dreg:$0x1] =	wrdreg $0xFFFFFFFF  }
0x38: {  	_ =	task.clear_ibuf [dreg:s6], $0x2FFFF;
	_ =	strace $0x9FFFFFFF  }
0x39: {  	(tm) =	ssettm $0x7FFFFFFF  }
tec
execute0_lowered:
.L_overlay_start_1:
0x0: {  	(tag) =	ssettag $0x1  }
0x1: {  	s0 =	srdreg.scid  }
0x2: {  	s1 =	sshll.u32 s0, $0x4  }
0x3: {  	s6 =	rddreg [dreg:$0x0];
	s0 =	stileid.u32;
	s1 =	sand.u32 $0x10, s1  }
0x4: {  	s7 =	simm.s32 $0x2;
	s15 =	simm.s32 $0x0;
	s1 =	sor.u32 s0, s1  }
0x5: {  	s8 =	simm.s32 $0x2000;
	s9 =	simm.s32 $0x6000;
	s2 =	sshll.u32 s1, $0x1  }
0x6: {  	s10 =	simm.s32 $0x0;
	s16 =	simm.s32 $0x0;
	s1 =	ssub.s32 $0x500, s2  }
0x7: {  	s17 =	simm.s32 $0x0;
	s11 =	simm.s32 $0x0;
	s3 =	sand.u32 $0x3E, s1  }
0x8: {  	s12 =	simm.s32 $0x0;
	p0 =	sne.s32 s3, $0x0;
	s3 =	simm.s32 $0x1  }
.Ltmp0:
0x9: {  	s4 =	sshrl.u32 s1, $0x6;
	s3 =	simm.s32 @!p0 $0x0;
	(pc) =	sbr.rel .LBB1_1-.Ltmp0, $4  }
0xa: {  	s14 =	simm.s32 $0x0;
	s1 =	rddreg [dreg:$0x1];
	s4 =	sadd.s32 s3, s4  }
0xb: {  	_ =	strace $0x8000005F;
	s3 =	simm.s32 $0x1;
	s4 =	smul.u32 $0x3, s4  }
0xc: {  	s5 =	sadd.s32 $0xC04400, s6;
	s6 =	sadd.s32 $0xFC4400, s6;
	[sflag:s3] =	ssyncpa.u1 $0x0  }
0xd: {  	s13 =	smov.u32 s2;
	[sflag:s7] =	ssyncpa.u1 $0x0;
	s7 =	sadd.s32 $0x1, s4  }
.LBB1_9:
0xe: {  	s18 =	sadd.s32 $0x8, s11  }
0xf: {  	s15 =	sadd.s32 $0x8, s12;
	s19 =	smov.u32 s12;
	p1 =	sgt.s32 s18, $0x17  }
0x10: {  	s19 =	smov.u32 @p1 s15  }
0x11: {  	s21 =	smov.u32 s13;
	s15 =	sadd.s32 $0x40, s13;
	p2 =	sgt.s32 s19, $0x7  }
0x12: {  	s21 =	smov.u32 @p2 s15  }
0x13: {  	s18 =	simm.s32 @p1 $0x0;
	p1 =	sgt.s32 s21, $0x4FF  }
0x14: {  	p0 =	slt.u32 s14, $0x2;
	s21 =	smov.u32 @p1 s2;
	p1 =	sne.s32 s14, s7  }
.Ltmp1:
0x15: {  	s20 =	simm.s32 @!p0 $0x2;
	(pc) =	sbr.rel @!p1 .LBB1_10-.Ltmp1, $4  }
0x16: {  	s16 =	smov.u32 s12;
	s17 =	smov.u32 s13;
	_ =	swait.ge @!p0 [sflag:s20], $0x4000  }
0x17: {  	s10 =	sadd.s32 $0x4000, s10;
	[sflag:s20] =	ssyncset.done @!p0 $0x0;
	s19 =	simm.s32 @p2 $0x0  }
0x18: {  	s15 =	smov.u32 s11;
	[sflag:s20] =	ssyncadd.s32 @!p0 $0xFFFFC000;
	s11 =	smov.u32 s18  }
0x19: {  	s12 =	smov.u32 s19;
	s14 =	sadd.s32 $0x1, s14;
	s13 =	smov.u32 s21  }
.LBB1_1:
0x1a: {  	p0 =	sge.u32 s14, s4  }
0x1b: {  	s18 =	sand.u32 @!p0 $0x1FFFFFF, s11;
	s20 =	smul.u32 @!p0 $0xC00, s13  }
0x1c: {  	s19 =	smulhi.u32 @!p0 $0xAAAAAAB, s18  }
0x1d: {  	s22 =	smul.u32 @!p0 $0x180, s12  }
0x1e: {  	s19 =	smul.u32 @!p0 $0x18, s19  }
0x1f: {  	s31 =	sadd.s32 $0xFFFFFFFF, s14;
	s20 =	sadd.s32 @!p0 s5, s20  }
0x20: {  	s21 =	sxor.u32 @!p0 $0xFFFFFFFF, s14;
	s20 =	sadd.s32 @!p0 s22, s20;
	s18 =	ssub.s32 @!p0 s18, s19  }
0x21: {  	s19 =	sshll.u32 @!p0 s21, $0xE;
	s21 =	simm.s32 @!p0 $0xC00;
	s18 =	sshll.u32 @!p0 s18, $0x4  }
0x22: {  	s19 =	sand.u32 @!p0 $0x4000, s19;
	s18 =	sadd.s32 @!p0 s18, s20;
	s20 =	simm.s32 @!p0 $0x400  }
0x23: {  	[tilespmem:s19], [sflag:$0x1] =	stream.strided.gather @!p0 [hbm4b:s18+s20], $0x4000, s21, s20, $0x38;
	[tilespmem:$0x10000] =	vst v63  }
0x24: {  	p0 =	sge.u32 s31, s4  }
.Ltmp2:
0x25: {  	_ = 	snop;
	(pc) =	sbr.rel @p0 .LBB1_9-.Ltmp2, $1  }
0x26: {  	_ =	sdelay $0x3  }
0x27: {  	s18 =	sshll.u32 s10, $0x2  }
0x28: {  	_ =	swait.ge [sflag:s3], $0x4000;
	s19 =	sshll.u32 s14, $0xE;
	s21 =	simm.s32 $0x0  }
0x29: {  	p1 =	por $0x1, $0x1;
	s18 =	sand.u32 $0x10000, s18;
	[sflag:s3] =	ssyncset.done $0x0  }
0x2a: {  	s19 =	sand.u32 $0x4000, s19;
	s20 =	sshrl.u32 s18, $0x2;
	[sflag:s3] =	ssyncadd.s32 $0xFFFFC000  }
0x2b: {  	s18 =	sor.u32 $0x8000, s19;
	s19 =	sadd.s32 $0x8040, s20;
	s20 =	sadd.s32 $0x40, s20  }
.LBB1_3:
0x2c: {  	s21 =	sshll.u32 s21, $0x2  }
0x2d: {  	p0 =	por p1, p1;
	s22 =	sshra.s32 s21, $0x2  }
0x2e: {  	s23 =	simm.s32 $0x0;
	s21 =	sadd.s32 s22, s19;
	s22 =	sadd.s32 s22, s20  }
.LBB1_4:
0x2f: {  	v0 =	vmov s22;
	_ =	sdelay $0x3  }
0x30: {  	s25 =	simm.s32 $0x0  }
0x31: {  	v6 =	vld.idx.msk [tilespmem:v0+s25+$0x30 ss:$0x1], $0xffff  }
0x32: {  	v7 =	vld.idx.msk [tilespmem:v0+s25+$0xFFFFFFC0 ss:$0x1], $0xffff  }
0x33: {  	v5 =	vld.idx.msk [tilespmem:v0+s25+$0xFFFFFFD0 ss:$0x1], $0xffff  }
0x34: {  	v4 =	vld.idx.msk [tilespmem:v0+s25+$0xFFFFFFE0 ss:$0x1], $0xffff  }
0x35: {  	v3 =	vld.idx.msk [tilespmem:v0+s25+$0xFFFFFFF0 ss:$0x1], $0xffff  }
0x36: {  	v1 =	vld.idx.msk [tilespmem:v0+s25+$0x0 ss:$0x1], $0xffff  }
0x37: {  	v2 =	vld.idx.msk [tilespmem:v0+s25+$0x10 ss:$0x1], $0xffff;
	[tilespmem:s21+$0x30] =	vst v6  }
0x38: {  	s24 =	simm.s32 $0x80;
	s26 =	simm.s32 $0x400;
	[tilespmem:s21+$0xFFFFFFC0] =	vst v7;
	v6 =	vld.idx.msk [tilespmem:v0+s25+$0x20 ss:$0x1], $0xffff;
	s25 =	smov.u32 s21  }
.LBB1_5:
0x39: {  	p1 =	sne.s32 s26, $0xE00;
	v7 =	vld.idx.msk [tilespmem:v0+s24+$0x30 ss:$0x1], $0xffff;
	[tilespmem:s25+$0xFFFFFFD0] =	vst v5  }
0x3a: {  	v8 =	vld.idx.msk [tilespmem:v0+s24+$0xFFFFFFC0 ss:$0x1], $0xffff;
	[tilespmem:s25+$0xFFFFFFE0] =	vst v4  }
0x3b: {  	v5 =	vld.idx.msk [tilespmem:v0+s24+$0xFFFFFFD0 ss:$0x1], $0xffff;
	[tilespmem:s25+$0xFFFFFFF0] =	vst v3  }
.Ltmp3:
0x3c: {  	v4 =	vld.idx.msk [tilespmem:v0+s24+$0xFFFFFFE0 ss:$0x1], $0xffff;
	[tilespmem:s25+$0x0] =	vst v1;
	(pc) =	sbr.rel @p1 .LBB1_5-.Ltmp3, $4  }
0x3d: {  	v3 =	vld.idx.msk [tilespmem:v0+s24+$0xFFFFFFF0 ss:$0x1], $0xffff;
	[tilespmem:s25+$0x10] =	vst v2  }
0x3e: {  	v1 =	vld.idx.msk [tilespmem:v0+s24+$0x0 ss:$0x1], $0xffff;
	[tilespmem:s25+$0x20] =	vst v6;
	s25 =	sadd.s32 $0x400, s25  }
0x3f: {  	v2 =	vld.idx.msk [tilespmem:v0+s24+$0x10 ss:$0x1], $0xffff;
	[tilespmem:s25+$0x30] =	vst v7  }
0x40: {  	[tilespmem:s25+$0xFFFFFFC0] =	vst v8;
	v6 =	vld.idx.msk [tilespmem:v0+s24+$0x20 ss:$0x1], $0xffff;
	s24 =	sshra.s32 s26, $0x2;
	s26 =	sadd.s32 $0x200, s26  }
0x41: {  	_ =	sdelay $0x2  }
0x42: {  	[tilespmem:s25+$0xFFFFFFD0] =	vst v5  }
0x43: {  	v56 =	vld.idx.msk [tilespmem:v0+s24+$0x30 ss:$0x1], $0xffff;
	[tilespmem:s25+$0xFFFFFFE0] =	vst v4  }
0x44: {  	v57 =	vld.idx.msk [tilespmem:v0+s24+$0xFFFFFFC0 ss:$0x1], $0xffff;
	[tilespmem:s25+$0xFFFFFFF0] =	vst v3  }
0x45: {  	v58 =	vld.idx.msk [tilespmem:v0+s24+$0xFFFFFFD0 ss:$0x1], $0xffff;
	[tilespmem:s25+$0x0] =	vst v1  }
0x46: {  	v59 =	vld.idx.msk [tilespmem:v0+s24+$0xFFFFFFE0 ss:$0x1], $0xffff;
	[tilespmem:s25+$0x10] =	vst v2  }
0x47: {  	v60 =	vld.idx.msk [tilespmem:v0+s24+$0xFFFFFFF0 ss:$0x1], $0xffff;
	s31 =	sadd.s32 $0x400, s25;
	[tilespmem:s25+$0x20] =	vst v6  }
0x48: {  	v61 =	vld.idx.msk [tilespmem:v0+s24+$0x0 ss:$0x1], $0xffff;
	[tilespmem:s31+$0x30] =	vst v56  }
0x49: {  	v62 =	vld.idx.msk [tilespmem:v0+s24+$0x10 ss:$0x1], $0xffff;
	s23 =	sadd.s32 $0x1, s23;
	[tilespmem:s31+$0xFFFFFFC0] =	vst v57  }
0x4a: {  	v63 =	vld.idx.msk [tilespmem:v0+s24+$0x20 ss:$0x1], $0xffff;
	p1 =	sne.s32 s23, $0x8;
	[tilespmem:s31+$0xFFFFFFD0] =	vst v58  }
.Ltmp4:
0x4b: {  	[tilespmem:s31+$0xFFFFFFE0] =	vst v59;
	(pc) =	sbr.rel @p1 .LBB1_4-.Ltmp4, $4  }
0x4c: {  	[tilespmem:s31+$0xFFFFFFF0] =	vst v60  }
0x4d: {  	[tilespmem:s31+$0x0] =	vst v61  }
0x4e: {  	[tilespmem:s31+$0x10] =	vst v62  }
0x4f: {  	s21 =	sadd.s32 $0x80, s21;
	s22 =	sadd.s32 $0x400, s22;
	[tilespmem:s31+$0x20] =	vst v63  }
.Ltmp5:
0x50: {  	(pc) =	sbr.rel @p0 .LBB1_3-.Ltmp5, $2  }
0x51: {  	_ =	sdelay $0x2  }
0x52: {  	s21 =	simm.s32 $0x2000;
	p1 =	por $0x0, $0x0  }
0x53: {  	s17 =	smul.u32 $0xC00, s17  }
.Ltmp6:
0x54: {  	_ = 	snop;
	(pc) =	sbr.rel .LBB1_9-.Ltmp6, $4  }
0x55: {  	s15 =	sshll.u32 s15, $0x7;
	s16 =	sshll.u32 s16, $0x4;
	s17 =	sadd.s32 s6, s17  }
0x56: {  	s16 =	sand.u32 $0x70, s16;
	s15 =	sadd.s32 s15, s17  }
0x57: {  	s15 =	sadd.s32 s16, s15  }
0x58: {  	[hbm4b:s15+s8] =	stream.strided.scatter [tilespmem:s18], [sflag:$0x2], $0x4000, s9, s8, $0x38;
	[tilespmem:$0x10000] =	vst v63  }
.LBB1_10:
0x59: {  	_ =	sfence.sel $0x180000  }
0x5a: {  	s2 =	simm.s32 $0x1;
	[bflag:$0x0] =	sbarrier.arrive $0xFFFF  }
0x5b: {  	s31 =	simm.s32 $0x2;
	[sflag:s2] =	ssyncpa.u1 $0x1  }
0x5c: {  	[sflag:s31] =	ssyncpa.u1 $0x1  }
0x5d: {  	p0 =	sne.s32 s0, $0x0;
	_ =	strace $0x9000005F  }
0x5e: {  	s0 =	sadd.s32 @!p0 $0x100000, s1;
	[bflag:$0x2] =	sbarrier.arrive $0xFFFF  }
0x5f: {  	[sflag:s0] =	ssyncadd.tile.s32 @!p0 $0x1;
	_ =	shalt  }
.Lfunc_end1:
_tile_overlayer_lowered:
.L_overlay_start_2:
0x60: {  	(tag) =	ssettag $0x2  }
0x61: {  	s0 =	rddreg [dreg:$0x0];
	s2 =	stileid.u32  }
0x62: {  	s1 =	rddreg [dreg:$0x1];
	p0 =	sne.s32 s2, $0x0  }
0x63: {  	s3 =	rddreg [dreg:$0x2];
	[bflag:$0x3] =	sbarrier.arrive $0xFFFF;
	s2 =	simm.s32 @!p0 $0x1C01  }
0x64: {  	[timem:s3], [sflag:s2] =	dma.local @!p0 [hbm:s0], s1  }
0x65: {  	s0 =	simm.s32 @!p0 $0x1  }
0x66: {  	_ =	swait.ge @!p0 [sflag:s0], s1  }
0x67: {  	s1 =	ssub.s32 @!p0 $0x0, s1;
	[sflag:s0] =	ssyncset.done @!p0 $0x0  }
0x68: {  	[sflag:s0] =	ssyncadd.s32 @!p0 s1  }
0x69: {  	[bflag:$0x3] =	sbarrier.arrive $0xFFFF  }
0x6a: {  	_ =	shalt  }

// kernel: sparse-core-data-format-call.3.cloned.1.call-start
scs
called_computation.3_lowered:
.L_overlay_start_0:
0x0: {  	s1 =	sld [smem:$0x3FD9]  }
0x1: {  	s2 =	sld [smem:$0x3FFE];
	_ =	sdelay $0x1  }
0x2: {  	s3 =	srdreg.scid  }
0x3: {  	s0 =	sand.u32 $0x1, s3  }
0x4: {  	s17 =	sshll.u32 s0, $0xA;
	s1 =	sadd.s32 s2, s1  }
0x5: {  	s1 =	sadd.s32 s1, s17  }
0x6: {  	[smem:$0x3F9A] =	sst s1  }
0x7: {  	_ = 	snop  }
0x8: {  	(tm) =	ssettm $0x1  }
0x9: {  	s18 =	sld [smem:$0x3FFB];
	_ =	sdelay $0x3  }
0xa: {  	_ =	strace s18  }
0xb: {  	s1 =	sld [smem:$0x3FFC];
	_ =	sdelay $0x3  }
0xc: {  	_ =	strace s1  }
0xd: {  	s1 =	sld [smem:$0x3FFD];
	_ =	sdelay $0x3  }
0xe: {  	_ =	strace s1  }
0xf: {  	_ =	strace $0x8FFFFFFF  }
0x10: {  	s19 =	sld [smem:$0x3FDB];
	_ =	sdelay $0x1  }
0x11: {  	s20 =	simm.s32 $_scs_section_size  }
0x12: {  	s4 =	simm.s32 $_size__tile_overlayer_lowered;
	s5 =	simm.s32 $_tile_overlayer_lowered  }
0x13: {  	s23 =	simm.s32 $0x1BFF;
	s22 =	sshll.u32 s5, $0x1;
	s1 =	sadd.s32 s20, s19  }
0x14: {  	s6 =	simm.s32 $0x0;
	s21 =	sshll.u32 s4, $0x1;
	s4 =	sadd.s32 s22, s1  }
0x15: {  	[timem:s6], [sflag:s23] =	dma.local [hbm:s4], s21  }
0x16: {  	_ =	swait.ge [sflag:s23], s21  }
0x17: {  	s2 =	ssub.s32 $0x0, s21;
	[sflag:s23] =	ssyncset.done $0x0  }
0x18: {  	[sflag:s23] =	ssyncadd.s32 s2;
	_ =	sdelay $0x1  }
0x19: {  	s24 =	simm.s32 $0x1B8B  }
0x1a: {  	_ =	swait.ge [sflag:s24], $0x1  }
0x1b: {  	[sflag:s24] =	ssyncset.done $0x0  }
0x1c: {  	s26 =	simm.s32 $0x1B8E;
	s25 =	sld [smem:$0x3FFE];
	[sflag:s24] =	ssyncadd.s32 $0xFFFFFFFF  }
0x1d: {  	s27 =	simm.s32 $execute0_lowered;
	[smem:$0x3FD2] =	sst s26  }
0x1e: {  	s4 =	sshll.u32 s27, $0x1;
	_ =	strace $0x80000058;
	[dreg:$0x1] =	wrdreg $0xFFFFFFFF  }
0x1f: {  	s28 =	simm.s32 $_size_execute0_lowered;
	s1 =	sadd.s32 s1, s4;
	[dreg:$0x0] =	wrdreg $0x0  }
0x20: {  	s4 =	sshll.u32 s28, $0x1;
	[dreg:$0x2] =	wrdreg s1  }
0x21: {  	[dreg:$0x3] =	wrdreg s4  }
0x22: {  	[dreg:$0x4] =	wrdreg $0xC0  }
0x23: {  	_ =	task [dreg:s6], $0x5FFFF  }
0x24: {  	[dreg:$0x1] =	wrdreg $0xFFFFFFFF  }
0x25: {  	[dreg:$0x0] =	wrdreg $0x60  }
0x26: {  	[dreg:$0x2] =	wrdreg s25  }
0x27: {  	[dreg:$0x3] =	wrdreg $0x9  }
0x28: {  	_ =	task.clear_ibuf [dreg:s6], $0x4FFFF;
	_ =	strace $0x90000058  }
0x29: {  	s29 =	simm.s32 $0x9;
	_ =	strace $0x8000005A  }
0x2a: {  	_ =	swait.ge [sflag:s29], $0x1  }
0x2b: {  	[sflag:s29] =	ssyncadd.s32 $0xFFFFFFFF  }
0x2c: {  	_ =	strace $0x9000005A  }
0x2d: {  	_ =	sfence  }
0x2e: {  	s30 =	sld [smem:$0x0];
	_ =	sdelay $0x2  }
0x2f: {  	s31 =	sshll.u32 s3, $0xD;
	s3 =	sshrl.u32 s3, $0x2  }
0x30: {  	s2 =	sand.u32 $0x4000, s31;
	s1 =	sadd.s32 s3, s30  }
0x31: {  	s0 =	sor.u32 s2, s0;
	s1 =	sshll.u32 s1, $0x11  }
0x32: {  	s0 =	sor.u32 s1, s0  }
0x33: {  	s0 =	sadd.s32 $0x8F2B, s0  }
0x34: {  	[sflag:s0] =	ssyncadd.remote.s32 $0x1  }
0x35: {  	_ =	sfence.sel $0xFFFF  }
0x36: {  	[dreg:$0x0] =	wrdreg $0xFFFFFFFF;
	(pc) =	sbr.abs _section_cstart, $3  }
0x37: {  	[dreg:$0x1] =	wrdreg $0xFFFFFFFF  }
0x38: {  	_ =	task.clear_ibuf [dreg:s6], $0x2FFFF;
	_ =	strace $0x9FFFFFFF  }
0x39: {  	(tm) =	ssettm $0x7FFFFFFF  }
tec
execute0_lowered:
.L_overlay_start_1:
0x0: {  	(tag) =	ssettag $0x1  }
0x1: {  	s0 =	srdreg.scid  }
0x2: {  	s1 =	sshll.u32 s0, $0x4  }
0x3: {  	s0 =	stileid.u32;
	s1 =	sand.u32 $0x10, s1  }
0x4: {  	s6 =	rddreg [dreg:$0x0];
	s1 =	sor.u32 s0, s1  }
0x5: {  	s4 =	simm.s32 $0x1;
	s7 =	simm.s32 $0x2;
	s2 =	sshll.u32 s1, $0x1  }
0x6: {  	s14 =	simm.s32 $0x0;
	s8 =	simm.s32 $0x400;
	s3 =	ssub.s32 $0x4E2, s2  }
0x7: {  	s9 =	simm.s32 $0xC00;
	s10 =	simm.s32 $0x0;
	s31 =	sand.u32 $0x3E, s3  }
0x8: {  	s15 =	simm.s32 $0x0;
	s11 =	simm.s32 $0x0;
	p0 =	sne.s32 s31, $0x0  }
.Ltmp0:
0x9: {  	s3 =	sshrl.u32 s3, $0x6;
	s4 =	simm.s32 @!p0 $0x0;
	(pc) =	sbr.rel .LBB1_1-.Ltmp0, $4  }
0xa: {  	s13 =	simm.s32 $0x0;
	s1 =	rddreg [dreg:$0x1];
	s5 =	sadd.s32 s4, s3  }
0xb: {  	_ =	strace $0x80000059;
	s4 =	simm.s32 $0x1;
	s5 =	smul.u32 $0x3, s5  }
0xc: {  	s12 =	smov.u32 s2;
	s3 =	sadd.s32 $0x4B1400, s6;
	[sflag:s4] =	ssyncpa.u1 $0x0  }
0xd: {  	s6 =	sadd.s32 $0x85AC00, s6;
	[sflag:s7] =	ssyncpa.u1 $0x0;
	s7 =	sadd.s32 $0x1, s5  }
.LBB1_9:
0xe: {  	s16 =	sadd.s32 $0x8, s11  }
0xf: {  	s14 =	sadd.s32 $0x40, s12;
	s18 =	smov.u32 s12;
	p1 =	sgt.s32 s16, $0x17  }
0x10: {  	s18 =	smov.u32 @p1 s14  }
0x11: {  	s16 =	simm.s32 @p1 $0x0;
	p1 =	sgt.s32 s18, $0x4E1  }
0x12: {  	s18 =	smov.u32 @p1 s2;
	p1 =	sne.s32 s13, s7  }
.Ltmp1:
0x13: {  	p0 =	slt.u32 s13, $0x2;
	(pc) =	sbr.rel @!p1 .LBB1_10-.Ltmp1, $4  }
0x14: {  	s17 =	simm.s32 @!p0 $0x2  }
0x15: {  	s15 =	smov.u32 s12;
	s10 =	sadd.s32 $0x4000, s10;
	_ =	swait.ge @!p0 [sflag:s17], $0x4000  }
0x16: {  	s14 =	smov.u32 s11;
	[sflag:s17] =	ssyncset.done @!p0 $0x0;
	s11 =	smov.u32 s16  }
0x17: {  	s13 =	sadd.s32 $0x1, s13;
	[sflag:s17] =	ssyncadd.s32 @!p0 $0xFFFFC000;
	s12 =	smov.u32 s18  }
.LBB1_1:
0x18: {  	p0 =	sge.u32 s13, s5  }
0x19: {  	s17 =	smul.u32 @!p0 $0xC00, s12  }
0x1a: {  	s31 =	sadd.s32 $0xFFFFFFFF, s13;
	s16 =	sxor.u32 @!p0 $0xFFFFFFFF, s13;
	s18 =	sshll.u32 @!p0 s11, $0x7  }
0x1b: {  	s19 =	simm.s32 @!p0 $0x6000;
	s16 =	sshll.u32 @!p0 s16, $0xE;
	s17 =	sadd.s32 @!p0 s3, s17  }
0x1c: {  	s16 =	sand.u32 @!p0 $0x4000, s16;
	s17 =	sadd.s32 @!p0 s18, s17;
	s18 =	simm.s32 @!p0 $0x2000  }
0x1d: {  	[tilespmem:s16], [sflag:$0x1] =	stream.strided.gather @!p0 [hbm4b:s17+s18], $0x4000, s19, s18, $0x38;
	[tilespmem:$0x10000] =	vst v63  }
0x1e: {  	p0 =	sge.u32 s31, s5  }
.Ltmp2:
0x1f: {  	_ = 	snop;
	(pc) =	sbr.rel @p0 .LBB1_9-.Ltmp2, $1  }
0x20: {  	_ =	sdelay $0x3  }
0x21: {  	s16 =	sshll.u32 s10, $0x2  }
0x22: {  	_ =	swait.ge [sflag:s4], $0x4000;
	s17 =	sshll.u32 s13, $0xE;
	s19 =	simm.s32 $0x0  }
0x23: {  	p1 =	por $0x1, $0x1;
	s16 =	sand.u32 $0x10000, s16;
	[sflag:s4] =	ssyncset.done $0x0  }
0x24: {  	s17 =	sand.u32 $0x4000, s17;
	s18 =	sshrl.u32 s16, $0x2;
	[sflag:s4] =	ssyncadd.s32 $0xFFFFC000  }
0x25: {  	s16 =	sor.u32 $0x8000, s17;
	s17 =	sadd.s32 $0x8040, s18;
	s18 =	sadd.s32 $0x40, s18  }
.LBB1_3:
0x26: {  	s19 =	sshll.u32 s19, $0x2  }
0x27: {  	p0 =	por p1, p1;
	s20 =	sshra.s32 s19, $0x2  }
0x28: {  	s21 =	simm.s32 $0x0;
	s19 =	sadd.s32 s20, s17;
	s20 =	sadd.s32 s20, s18  }
.LBB1_4:
0x29: {  	v0 =	vmov s20;
	_ =	sdelay $0x3  }
0x2a: {  	s23 =	simm.s32 $0x0  }
0x2b: {  	v6 =	vld.idx.msk [tilespmem:v0+s23+$0x30 ss:$0x1], $0xffff  }
0x2c: {  	v7 =	vld.idx.msk [tilespmem:v0+s23+$0xFFFFFFC0 ss:$0x1], $0xffff  }
0x2d: {  	v5 =	vld.idx.msk [tilespmem:v0+s23+$0xFFFFFFD0 ss:$0x1], $0xffff  }
0x2e: {  	v4 =	vld.idx.msk [tilespmem:v0+s23+$0xFFFFFFE0 ss:$0x1], $0xffff  }
0x2f: {  	v3 =	vld.idx.msk [tilespmem:v0+s23+$0xFFFFFFF0 ss:$0x1], $0xffff  }
0x30: {  	v1 =	vld.idx.msk [tilespmem:v0+s23+$0x0 ss:$0x1], $0xffff  }
0x31: {  	v2 =	vld.idx.msk [tilespmem:v0+s23+$0x10 ss:$0x1], $0xffff;
	[tilespmem:s19+$0x30] =	vst v6  }
0x32: {  	s22 =	simm.s32 $0x80;
	s24 =	simm.s32 $0x400;
	[tilespmem:s19+$0xFFFFFFC0] =	vst v7;
	v6 =	vld.idx.msk [tilespmem:v0+s23+$0x20 ss:$0x1], $0xffff;
	s23 =	smov.u32 s19  }
.LBB1_5:
0x33: {  	p1 =	sne.s32 s24, $0xE00;
	v7 =	vld.idx.msk [tilespmem:v0+s22+$0x30 ss:$0x1], $0xffff;
	[tilespmem:s23+$0xFFFFFFD0] =	vst v5  }
0x34: {  	v8 =	vld.idx.msk [tilespmem:v0+s22+$0xFFFFFFC0 ss:$0x1], $0xffff;
	[tilespmem:s23+$0xFFFFFFE0] =	vst v4  }
0x35: {  	v5 =	vld.idx.msk [tilespmem:v0+s22+$0xFFFFFFD0 ss:$0x1], $0xffff;
	[tilespmem:s23+$0xFFFFFFF0] =	vst v3  }
.Ltmp3:
0x36: {  	v4 =	vld.idx.msk [tilespmem:v0+s22+$0xFFFFFFE0 ss:$0x1], $0xffff;
	[tilespmem:s23+$0x0] =	vst v1;
	(pc) =	sbr.rel @p1 .LBB1_5-.Ltmp3, $4  }
0x37: {  	v3 =	vld.idx.msk [tilespmem:v0+s22+$0xFFFFFFF0 ss:$0x1], $0xffff;
	[tilespmem:s23+$0x10] =	vst v2  }
0x38: {  	v1 =	vld.idx.msk [tilespmem:v0+s22+$0x0 ss:$0x1], $0xffff;
	[tilespmem:s23+$0x20] =	vst v6;
	s23 =	sadd.s32 $0x400, s23  }
0x39: {  	v2 =	vld.idx.msk [tilespmem:v0+s22+$0x10 ss:$0x1], $0xffff;
	[tilespmem:s23+$0x30] =	vst v7  }
0x3a: {  	[tilespmem:s23+$0xFFFFFFC0] =	vst v8;
	v6 =	vld.idx.msk [tilespmem:v0+s22+$0x20 ss:$0x1], $0xffff;
	s22 =	sshra.s32 s24, $0x2;
	s24 =	sadd.s32 $0x200, s24  }
0x3b: {  	_ =	sdelay $0x2  }
0x3c: {  	[tilespmem:s23+$0xFFFFFFD0] =	vst v5  }
0x3d: {  	v56 =	vld.idx.msk [tilespmem:v0+s22+$0x30 ss:$0x1], $0xffff;
	[tilespmem:s23+$0xFFFFFFE0] =	vst v4  }
0x3e: {  	v57 =	vld.idx.msk [tilespmem:v0+s22+$0xFFFFFFC0 ss:$0x1], $0xffff;
	[tilespmem:s23+$0xFFFFFFF0] =	vst v3  }
0x3f: {  	v58 =	vld.idx.msk [tilespmem:v0+s22+$0xFFFFFFD0 ss:$0x1], $0xffff;
	[tilespmem:s23+$0x0] =	vst v1  }
0x40: {  	v59 =	vld.idx.msk [tilespmem:v0+s22+$0xFFFFFFE0 ss:$0x1], $0xffff;
	[tilespmem:s23+$0x10] =	vst v2  }
0x41: {  	v60 =	vld.idx.msk [tilespmem:v0+s22+$0xFFFFFFF0 ss:$0x1], $0xffff;
	s31 =	sadd.s32 $0x400, s23;
	[tilespmem:s23+$0x20] =	vst v6  }
0x42: {  	v61 =	vld.idx.msk [tilespmem:v0+s22+$0x0 ss:$0x1], $0xffff;
	[tilespmem:s31+$0x30] =	vst v56  }
0x43: {  	v62 =	vld.idx.msk [tilespmem:v0+s22+$0x10 ss:$0x1], $0xffff;
	s21 =	sadd.s32 $0x1, s21;
	[tilespmem:s31+$0xFFFFFFC0] =	vst v57  }
0x44: {  	v63 =	vld.idx.msk [tilespmem:v0+s22+$0x20 ss:$0x1], $0xffff;
	p1 =	sne.s32 s21, $0x8;
	[tilespmem:s31+$0xFFFFFFD0] =	vst v58  }
.Ltmp4:
0x45: {  	[tilespmem:s31+$0xFFFFFFE0] =	vst v59;
	(pc) =	sbr.rel @p1 .LBB1_4-.Ltmp4, $4  }
0x46: {  	[tilespmem:s31+$0xFFFFFFF0] =	vst v60  }
0x47: {  	[tilespmem:s31+$0x0] =	vst v61  }
0x48: {  	[tilespmem:s31+$0x10] =	vst v62  }
0x49: {  	s19 =	sadd.s32 $0x80, s19;
	s20 =	sadd.s32 $0x400, s20;
	[tilespmem:s31+$0x20] =	vst v63  }
.Ltmp5:
0x4a: {  	(pc) =	sbr.rel @p0 .LBB1_3-.Ltmp5, $2  }
0x4b: {  	_ =	sdelay $0x2  }
0x4c: {  	s19 =	simm.s32 $0x2000;
	p1 =	por $0x0, $0x0  }
0x4d: {  	s14 =	sand.u32 $0x1FFFFFF, s14  }
0x4e: {  	s17 =	smulhi.u32 $0xAAAAAAB, s14  }
0x4f: {  	s15 =	smul.u32 $0xC00, s15  }
0x50: {  	s17 =	smul.u32 $0x18, s17  }
.Ltmp6:
0x51: {  	_ = 	snop;
	(pc) =	sbr.rel .LBB1_9-.Ltmp6, $4  }
0x52: {  	s14 =	ssub.s32 s14, s17  }
0x53: {  	s15 =	sadd.s32 s6, s15;
	s14 =	sshll.u32 s14, $0x4  }
0x54: {  	s14 =	sadd.s32 s14, s15  }
0x55: {  	[hbm4b:s14+s8] =	stream.strided.scatter [tilespmem:s16], [sflag:$0x2], $0x4000, s9, s8, $0x38;
	[tilespmem:$0x10000] =	vst v63  }
.LBB1_10:
0x56: {  	_ =	sfence.sel $0x180000  }
0x57: {  	s2 =	simm.s32 $0x1;
	[bflag:$0x0] =	sbarrier.arrive $0xFFFF  }
0x58: {  	s31 =	simm.s32 $0x2;
	[sflag:s2] =	ssyncpa.u1 $0x1  }
0x59: {  	[sflag:s31] =	ssyncpa.u1 $0x1  }
0x5a: {  	p0 =	sne.s32 s0, $0x0;
	_ =	strace $0x90000059  }
0x5b: {  	s0 =	sadd.s32 @!p0 $0x100000, s1;
	[bflag:$0x2] =	sbarrier.arrive $0xFFFF  }
0x5c: {  	[sflag:s0] =	ssyncadd.tile.s32 @!p0 $0x1;
	_ =	shalt  }
.Lfunc_end1:
_tile_overlayer_lowered:
.L_overlay_start_2:
0x5d: {  	(tag) =	ssettag $0x2  }
0x5e: {  	s0 =	rddreg [dreg:$0x0];
	s2 =	stileid.u32  }
0x5f: {  	s1 =	rddreg [dreg:$0x1];
	p0 =	sne.s32 s2, $0x0  }
0x60: {  	s3 =	rddreg [dreg:$0x2];
	[bflag:$0x3] =	sbarrier.arrive $0xFFFF;
	s2 =	simm.s32 @!p0 $0x1C01  }
0x61: {  	[timem:s3], [sflag:s2] =	dma.local @!p0 [hbm:s0], s1  }
0x62: {  	s0 =	simm.s32 @!p0 $0x1  }
0x63: {  	_ =	swait.ge @!p0 [sflag:s0], s1  }
0x64: {  	s1 =	ssub.s32 @!p0 $0x0, s1;
	[sflag:s0] =	ssyncset.done @!p0 $0x0  }
0x65: {  	[sflag:s0] =	ssyncadd.s32 @!p0 s1  }
0x66: {  	[bflag:$0x3] =	sbarrier.arrive $0xFFFF  }
0x67: {  	_ =	shalt  }

// kernel: sparse-core-data-format-call.4.cloned.1.call-start
scs
called_computation.4_lowered:
.L_overlay_start_0:
0x0: {  	s1 =	sld [smem:$0x3FD9]  }
0x1: {  	s2 =	sld [smem:$0x3FFE];
	_ =	sdelay $0x1  }
0x2: {  	s3 =	srdreg.scid  }
0x3: {  	s0 =	sand.u32 $0x1, s3  }
0x4: {  	s17 =	sshll.u32 s0, $0xA;
	s1 =	sadd.s32 s2, s1  }
0x5: {  	s1 =	sadd.s32 s1, s17  }
0x6: {  	[smem:$0x3F9A] =	sst s1  }
0x7: {  	_ = 	snop  }
0x8: {  	(tm) =	ssettm $0x1  }
0x9: {  	s18 =	sld [smem:$0x3FFB];
	_ =	sdelay $0x3  }
0xa: {  	_ =	strace s18  }
0xb: {  	s1 =	sld [smem:$0x3FFC];
	_ =	sdelay $0x3  }
0xc: {  	_ =	strace s1  }
0xd: {  	s1 =	sld [smem:$0x3FFD];
	_ =	sdelay $0x3  }
0xe: {  	_ =	strace s1  }
0xf: {  	_ =	strace $0x8FFFFFFF  }
0x10: {  	s19 =	sld [smem:$0x3FDB];
	_ =	sdelay $0x1  }
0x11: {  	s20 =	simm.s32 $_scs_section_size  }
0x12: {  	s4 =	simm.s32 $_size__tile_overlayer_lowered;
	s5 =	simm.s32 $_tile_overlayer_lowered  }
0x13: {  	s23 =	simm.s32 $0x1BFF;
	s22 =	sshll.u32 s5, $0x1;
	s1 =	sadd.s32 s20, s19  }
0x14: {  	s6 =	simm.s32 $0x0;
	s21 =	sshll.u32 s4, $0x1;
	s4 =	sadd.s32 s22, s1  }
0x15: {  	[timem:s6], [sflag:s23] =	dma.local [hbm:s4], s21  }
0x16: {  	_ =	swait.ge [sflag:s23], s21  }
0x17: {  	s2 =	ssub.s32 $0x0, s21;
	[sflag:s23] =	ssyncset.done $0x0  }
0x18: {  	[sflag:s23] =	ssyncadd.s32 s2;
	_ =	sdelay $0x1  }
0x19: {  	s24 =	simm.s32 $0x1B8B  }
0x1a: {  	_ =	swait.ge [sflag:s24], $0x1  }
0x1b: {  	[sflag:s24] =	ssyncset.done $0x0  }
0x1c: {  	s26 =	simm.s32 $0x1B8E;
	s25 =	sld [smem:$0x3FFE];
	[sflag:s24] =	ssyncadd.s32 $0xFFFFFFFF  }
0x1d: {  	s27 =	simm.s32 $execute0_lowered;
	[smem:$0x3FD2] =	sst s26  }
0x1e: {  	s4 =	sshll.u32 s27, $0x1;
	_ =	strace $0x80000055;
	[dreg:$0x1] =	wrdreg $0xFFFFFFFF  }
0x1f: {  	s28 =	simm.s32 $_size_execute0_lowered;
	s1 =	sadd.s32 s1, s4;
	[dreg:$0x0] =	wrdreg $0x0  }
0x20: {  	s4 =	sshll.u32 s28, $0x1;
	[dreg:$0x2] =	wrdreg s1  }
0x21: {  	[dreg:$0x3] =	wrdreg s4  }
0x22: {  	[dreg:$0x4] =	wrdreg $0xC0  }
0x23: {  	_ =	task [dreg:s6], $0x5FFFF  }
0x24: {  	[dreg:$0x1] =	wrdreg $0xFFFFFFFF  }
0x25: {  	[dreg:$0x0] =	wrdreg $0x60  }
0x26: {  	[dreg:$0x2] =	wrdreg s25  }
0x27: {  	[dreg:$0x3] =	wrdreg $0x9  }
0x28: {  	_ =	task.clear_ibuf [dreg:s6], $0x4FFFF;
	_ =	strace $0x90000055  }
0x29: {  	s29 =	simm.s32 $0x9;
	_ =	strace $0x80000057  }
0x2a: {  	_ =	swait.ge [sflag:s29], $0x1  }
0x2b: {  	[sflag:s29] =	ssyncadd.s32 $0xFFFFFFFF  }
0x2c: {  	_ =	strace $0x90000057  }
0x2d: {  	_ =	sfence  }
0x2e: {  	s30 =	sld [smem:$0x0];
	_ =	sdelay $0x2  }
0x2f: {  	s31 =	sshll.u32 s3, $0xD;
	s3 =	sshrl.u32 s3, $0x2  }
0x30: {  	s2 =	sand.u32 $0x4000, s31;
	s1 =	sadd.s32 s3, s30  }
0x31: {  	s0 =	sor.u32 s2, s0;
	s1 =	sshll.u32 s1, $0x11  }
0x32: {  	s0 =	sor.u32 s1, s0  }
0x33: {  	s0 =	sadd.s32 $0x8F2B, s0  }
0x34: {  	[sflag:s0] =	ssyncadd.remote.s32 $0x1  }
0x35: {  	_ =	sfence.sel $0xFFFF  }
0x36: {  	[dreg:$0x0] =	wrdreg $0xFFFFFFFF;
	(pc) =	sbr.abs _section_cstart, $3  }
0x37: {  	[dreg:$0x1] =	wrdreg $0xFFFFFFFF  }
0x38: {  	_ =	task.clear_ibuf [dreg:s6], $0x2FFFF;
	_ =	strace $0x9FFFFFFF  }
0x39: {  	(tm) =	ssettm $0x7FFFFFFF  }
tec
execute0_lowered:
.L_overlay_start_1:
0x0: {  	(tag) =	ssettag $0x1  }
0x1: {  	s0 =	srdreg.scid  }
0x2: {  	s1 =	sshll.u32 s0, $0x4  }
0x3: {  	s6 =	rddreg [dreg:$0x0];
	s0 =	stileid.u32;
	s1 =	sand.u32 $0x10, s1  }
0x4: {  	s7 =	simm.s32 $0x2;
	s15 =	simm.s32 $0x0;
	s1 =	sor.u32 s0, s1  }
0x5: {  	s8 =	simm.s32 $0x2000;
	s9 =	simm.s32 $0x6000;
	s2 =	sshll.u32 s1, $0x1  }
0x6: {  	s10 =	simm.s32 $0x0;
	s16 =	simm.s32 $0x0;
	s1 =	ssub.s32 $0x500, s2  }
0x7: {  	s17 =	simm.s32 $0x0;
	s11 =	simm.s32 $0x0;
	s3 =	sand.u32 $0x3E, s1  }
0x8: {  	s12 =	simm.s32 $0x0;
	p0 =	sne.s32 s3, $0x0;
	s3 =	simm.s32 $0x1  }
.Ltmp0:
0x9: {  	s4 =	sshrl.u32 s1, $0x6;
	s3 =	simm.s32 @!p0 $0x0;
	(pc) =	sbr.rel .LBB1_1-.Ltmp0, $4  }
0xa: {  	s14 =	simm.s32 $0x0;
	s1 =	rddreg [dreg:$0x1];
	s4 =	sadd.s32 s3, s4  }
0xb: {  	_ =	strace $0x80000056;
	s3 =	simm.s32 $0x1;
	s4 =	smul.u32 $0x3, s4  }
0xc: {  	s5 =	sadd.s32 $0xB8F000, s6;
	s6 =	sadd.s32 $0xF4F000, s6;
	[sflag:s3] =	ssyncpa.u1 $0x0  }
0xd: {  	s13 =	smov.u32 s2;
	[sflag:s7] =	ssyncpa.u1 $0x0;
	s7 =	sadd.s32 $0x1, s4  }
.LBB1_9:
0xe: {  	s18 =	sadd.s32 $0x8, s11  }
0xf: {  	s15 =	sadd.s32 $0x8, s12;
	s19 =	smov.u32 s12;
	p1 =	sgt.s32 s18, $0x17  }
0x10: {  	s19 =	smov.u32 @p1 s15  }
0x11: {  	s21 =	smov.u32 s13;
	s15 =	sadd.s32 $0x40, s13;
	p2 =	sgt.s32 s19, $0x7  }
0x12: {  	s21 =	smov.u32 @p2 s15  }
0x13: {  	s18 =	simm.s32 @p1 $0x0;
	p1 =	sgt.s32 s21, $0x4FF  }
0x14: {  	p0 =	slt.u32 s14, $0x2;
	s21 =	smov.u32 @p1 s2;
	p1 =	sne.s32 s14, s7  }
.Ltmp1:
0x15: {  	s20 =	simm.s32 @!p0 $0x2;
	(pc) =	sbr.rel @!p1 .LBB1_10-.Ltmp1, $4  }
0x16: {  	s16 =	smov.u32 s12;
	s17 =	smov.u32 s13;
	_ =	swait.ge @!p0 [sflag:s20], $0x4000  }
0x17: {  	s10 =	sadd.s32 $0x4000, s10;
	[sflag:s20] =	ssyncset.done @!p0 $0x0;
	s19 =	simm.s32 @p2 $0x0  }
0x18: {  	s15 =	smov.u32 s11;
	[sflag:s20] =	ssyncadd.s32 @!p0 $0xFFFFC000;
	s11 =	smov.u32 s18  }
0x19: {  	s12 =	smov.u32 s19;
	s14 =	sadd.s32 $0x1, s14;
	s13 =	smov.u32 s21  }
.LBB1_1:
0x1a: {  	p0 =	sge.u32 s14, s4  }
0x1b: {  	s18 =	sand.u32 @!p0 $0x1FFFFFF, s11;
	s20 =	smul.u32 @!p0 $0xC00, s13  }
0x1c: {  	s19 =	smulhi.u32 @!p0 $0xAAAAAAB, s18  }
0x1d: {  	s22 =	smul.u32 @!p0 $0x180, s12  }
0x1e: {  	s19 =	smul.u32 @!p0 $0x18, s19  }
0x1f: {  	s31 =	sadd.s32 $0xFFFFFFFF, s14;
	s20 =	sadd.s32 @!p0 s5, s20  }
0x20: {  	s21 =	sxor.u32 @!p0 $0xFFFFFFFF, s14;
	s20 =	sadd.s32 @!p0 s22, s20;
	s18 =	ssub.s32 @!p0 s18, s19  }
0x21: {  	s19 =	sshll.u32 @!p0 s21, $0xE;
	s21 =	simm.s32 @!p0 $0xC00;
	s18 =	sshll.u32 @!p0 s18, $0x4  }
0x22: {  	s19 =	sand.u32 @!p0 $0x4000, s19;
	s18 =	sadd.s32 @!p0 s18, s20;
	s20 =	simm.s32 @!p0 $0x400  }
0x23: {  	[tilespmem:s19], [sflag:$0x1] =	stream.strided.gather @!p0 [hbm4b:s18+s20], $0x4000, s21, s20, $0x38;
	[tilespmem:$0x10000] =	vst v63  }
0x24: {  	p0 =	sge.u32 s31, s4  }
.Ltmp2:
0x25: {  	_ = 	snop;
	(pc) =	sbr.rel @p0 .LBB1_9-.Ltmp2, $1  }
0x26: {  	_ =	sdelay $0x3  }
0x27: {  	s18 =	sshll.u32 s10, $0x2  }
0x28: {  	_ =	swait.ge [sflag:s3], $0x4000;
	s19 =	sshll.u32 s14, $0xE;
	s21 =	simm.s32 $0x0  }
0x29: {  	p1 =	por $0x1, $0x1;
	s18 =	sand.u32 $0x10000, s18;
	[sflag:s3] =	ssyncset.done $0x0  }
0x2a: {  	s19 =	sand.u32 $0x4000, s19;
	s20 =	sshrl.u32 s18, $0x2;
	[sflag:s3] =	ssyncadd.s32 $0xFFFFC000  }
0x2b: {  	s18 =	sor.u32 $0x8000, s19;
	s19 =	sadd.s32 $0x8040, s20;
	s20 =	sadd.s32 $0x40, s20  }
.LBB1_3:
0x2c: {  	s21 =	sshll.u32 s21, $0x2  }
0x2d: {  	p0 =	por p1, p1;
	s22 =	sshra.s32 s21, $0x2  }
0x2e: {  	s23 =	simm.s32 $0x0;
	s21 =	sadd.s32 s22, s19;
	s22 =	sadd.s32 s22, s20  }
.LBB1_4:
0x2f: {  	v0 =	vmov s22;
	_ =	sdelay $0x3  }
0x30: {  	s25 =	simm.s32 $0x0  }
0x31: {  	v6 =	vld.idx.msk [tilespmem:v0+s25+$0x30 ss:$0x1], $0xffff  }
0x32: {  	v7 =	vld.idx.msk [tilespmem:v0+s25+$0xFFFFFFC0 ss:$0x1], $0xffff  }
0x33: {  	v5 =	vld.idx.msk [tilespmem:v0+s25+$0xFFFFFFD0 ss:$0x1], $0xffff  }
0x34: {  	v4 =	vld.idx.msk [tilespmem:v0+s25+$0xFFFFFFE0 ss:$0x1], $0xffff  }
0x35: {  	v3 =	vld.idx.msk [tilespmem:v0+s25+$0xFFFFFFF0 ss:$0x1], $0xffff  }
0x36: {  	v1 =	vld.idx.msk [tilespmem:v0+s25+$0x0 ss:$0x1], $0xffff  }
0x37: {  	v2 =	vld.idx.msk [tilespmem:v0+s25+$0x10 ss:$0x1], $0xffff;
	[tilespmem:s21+$0x30] =	vst v6  }
0x38: {  	s24 =	simm.s32 $0x80;
	s26 =	simm.s32 $0x400;
	[tilespmem:s21+$0xFFFFFFC0] =	vst v7;
	v6 =	vld.idx.msk [tilespmem:v0+s25+$0x20 ss:$0x1], $0xffff;
	s25 =	smov.u32 s21  }
.LBB1_5:
0x39: {  	p1 =	sne.s32 s26, $0xE00;
	v7 =	vld.idx.msk [tilespmem:v0+s24+$0x30 ss:$0x1], $0xffff;
	[tilespmem:s25+$0xFFFFFFD0] =	vst v5  }
0x3a: {  	v8 =	vld.idx.msk [tilespmem:v0+s24+$0xFFFFFFC0 ss:$0x1], $0xffff;
	[tilespmem:s25+$0xFFFFFFE0] =	vst v4  }
0x3b: {  	v5 =	vld.idx.msk [tilespmem:v0+s24+$0xFFFFFFD0 ss:$0x1], $0xffff;
	[tilespmem:s25+$0xFFFFFFF0] =	vst v3  }
.Ltmp3:
0x3c: {  	v4 =	vld.idx.msk [tilespmem:v0+s24+$0xFFFFFFE0 ss:$0x1], $0xffff;
	[tilespmem:s25+$0x0] =	vst v1;
	(pc) =	sbr.rel @p1 .LBB1_5-.Ltmp3, $4  }
0x3d: {  	v3 =	vld.idx.msk [tilespmem:v0+s24+$0xFFFFFFF0 ss:$0x1], $0xffff;
	[tilespmem:s25+$0x10] =	vst v2  }
0x3e: {  	v1 =	vld.idx.msk [tilespmem:v0+s24+$0x0 ss:$0x1], $0xffff;
	[tilespmem:s25+$0x20] =	vst v6;
	s25 =	sadd.s32 $0x400, s25  }
0x3f: {  	v2 =	vld.idx.msk [tilespmem:v0+s24+$0x10 ss:$0x1], $0xffff;
	[tilespmem:s25+$0x30] =	vst v7  }
0x40: {  	[tilespmem:s25+$0xFFFFFFC0] =	vst v8;
	v6 =	vld.idx.msk [tilespmem:v0+s24+$0x20 ss:$0x1], $0xffff;
	s24 =	sshra.s32 s26, $0x2;
	s26 =	sadd.s32 $0x200, s26  }
0x41: {  	_ =	sdelay $0x2  }
0x42: {  	[tilespmem:s25+$0xFFFFFFD0] =	vst v5  }
0x43: {  	v56 =	vld.idx.msk [tilespmem:v0+s24+$0x30 ss:$0x1], $0xffff;
	[tilespmem:s25+$0xFFFFFFE0] =	vst v4  }
0x44: {  	v57 =	vld.idx.msk [tilespmem:v0+s24+$0xFFFFFFC0 ss:$0x1], $0xffff;
	[tilespmem:s25+$0xFFFFFFF0] =	vst v3  }
0x45: {  	v58 =	vld.idx.msk [tilespmem:v0+s24+$0xFFFFFFD0 ss:$0x1], $0xffff;
	[tilespmem:s25+$0x0] =	vst v1  }
0x46: {  	v59 =	vld.idx.msk [tilespmem:v0+s24+$0xFFFFFFE0 ss:$0x1], $0xffff;
	[tilespmem:s25+$0x10] =	vst v2  }
0x47: {  	v60 =	vld.idx.msk [tilespmem:v0+s24+$0xFFFFFFF0 ss:$0x1], $0xffff;
	s31 =	sadd.s32 $0x400, s25;
	[tilespmem:s25+$0x20] =	vst v6  }
0x48: {  	v61 =	vld.idx.msk [tilespmem:v0+s24+$0x0 ss:$0x1], $0xffff;
	[tilespmem:s31+$0x30] =	vst v56  }
0x49: {  	v62 =	vld.idx.msk [tilespmem:v0+s24+$0x10 ss:$0x1], $0xffff;
	s23 =	sadd.s32 $0x1, s23;
	[tilespmem:s31+$0xFFFFFFC0] =	vst v57  }
0x4a: {  	v63 =	vld.idx.msk [tilespmem:v0+s24+$0x20 ss:$0x1], $0xffff;
	p1 =	sne.s32 s23, $0x8;
	[tilespmem:s31+$0xFFFFFFD0] =	vst v58  }
.Ltmp4:
0x4b: {  	[tilespmem:s31+$0xFFFFFFE0] =	vst v59;
	(pc) =	sbr.rel @p1 .LBB1_4-.Ltmp4, $4  }
0x4c: {  	[tilespmem:s31+$0xFFFFFFF0] =	vst v60  }
0x4d: {  	[tilespmem:s31+$0x0] =	vst v61  }
0x4e: {  	[tilespmem:s31+$0x10] =	vst v62  }
0x4f: {  	s21 =	sadd.s32 $0x80, s21;
	s22 =	sadd.s32 $0x400, s22;
	[tilespmem:s31+$0x20] =	vst v63  }
.Ltmp5:
0x50: {  	(pc) =	sbr.rel @p0 .LBB1_3-.Ltmp5, $2  }
0x51: {  	_ =	sdelay $0x2  }
0x52: {  	s21 =	simm.s32 $0x2000;
	p1 =	por $0x0, $0x0  }
0x53: {  	s17 =	smul.u32 $0xC00, s17  }
.Ltmp6:
0x54: {  	_ = 	snop;
	(pc) =	sbr.rel .LBB1_9-.Ltmp6, $4  }
0x55: {  	s15 =	sshll.u32 s15, $0x7;
	s16 =	sshll.u32 s16, $0x4;
	s17 =	sadd.s32 s6, s17  }
0x56: {  	s16 =	sand.u32 $0x70, s16;
	s15 =	sadd.s32 s15, s17  }
0x57: {  	s15 =	sadd.s32 s16, s15  }
0x58: {  	[hbm4b:s15+s8] =	stream.strided.scatter [tilespmem:s18], [sflag:$0x2], $0x4000, s9, s8, $0x38;
	[tilespmem:$0x10000] =	vst v63  }
.LBB1_10:
0x59: {  	_ =	sfence.sel $0x180000  }
0x5a: {  	s2 =	simm.s32 $0x1;
	[bflag:$0x0] =	sbarrier.arrive $0xFFFF  }
0x5b: {  	s31 =	simm.s32 $0x2;
	[sflag:s2] =	ssyncpa.u1 $0x1  }
0x5c: {  	[sflag:s31] =	ssyncpa.u1 $0x1  }
0x5d: {  	p0 =	sne.s32 s0, $0x0;
	_ =	strace $0x90000056  }
0x5e: {  	s0 =	sadd.s32 @!p0 $0x100000, s1;
	[bflag:$0x2] =	sbarrier.arrive $0xFFFF  }
0x5f: {  	[sflag:s0] =	ssyncadd.tile.s32 @!p0 $0x1;
	_ =	shalt  }
.Lfunc_end1:
_tile_overlayer_lowered:
.L_overlay_start_2:
0x60: {  	(tag) =	ssettag $0x2  }
0x61: {  	s0 =	rddreg [dreg:$0x0];
	s2 =	stileid.u32  }
0x62: {  	s1 =	rddreg [dreg:$0x1];
	p0 =	sne.s32 s2, $0x0  }
0x63: {  	s3 =	rddreg [dreg:$0x2];
	[bflag:$0x3] =	sbarrier.arrive $0xFFFF;
	s2 =	simm.s32 @!p0 $0x1C01  }
0x64: {  	[timem:s3], [sflag:s2] =	dma.local @!p0 [hbm:s0], s1  }
0x65: {  	s0 =	simm.s32 @!p0 $0x1  }
0x66: {  	_ =	swait.ge @!p0 [sflag:s0], s1  }
0x67: {  	s1 =	ssub.s32 @!p0 $0x0, s1;
	[sflag:s0] =	ssyncset.done @!p0 $0x0  }
0x68: {  	[sflag:s0] =	ssyncadd.s32 @!p0 s1  }
0x69: {  	[bflag:$0x3] =	sbarrier.arrive $0xFFFF  }
0x6a: {  	_ =	shalt  }

// kernel: sparse-core-data-format-call.5.cloned.1.call-start
scs
called_computation.5_lowered:
.L_overlay_start_0:
0x0: {  	s1 =	sld [smem:$0x3FD9]  }
0x1: {  	s2 =	sld [smem:$0x3FFE];
	_ =	sdelay $0x1  }
0x2: {  	s3 =	srdreg.scid  }
0x3: {  	s0 =	sand.u32 $0x1, s3  }
0x4: {  	s17 =	sshll.u32 s0, $0xA;
	s1 =	sadd.s32 s2, s1  }
0x5: {  	s1 =	sadd.s32 s1, s17  }
0x6: {  	[smem:$0x3F9A] =	sst s1  }
0x7: {  	_ = 	snop  }
0x8: {  	(tm) =	ssettm $0x1  }
0x9: {  	s18 =	sld [smem:$0x3FFB];
	_ =	sdelay $0x3  }
0xa: {  	_ =	strace s18  }
0xb: {  	s1 =	sld [smem:$0x3FFC];
	_ =	sdelay $0x3  }
0xc: {  	_ =	strace s1  }
0xd: {  	s1 =	sld [smem:$0x3FFD];
	_ =	sdelay $0x3  }
0xe: {  	_ =	strace s1  }
0xf: {  	_ =	strace $0x8FFFFFFF  }
0x10: {  	s19 =	sld [smem:$0x3FDB];
	_ =	sdelay $0x1  }
0x11: {  	s20 =	simm.s32 $_scs_section_size  }
0x12: {  	s4 =	simm.s32 $_size__tile_overlayer_lowered;
	s5 =	simm.s32 $_tile_overlayer_lowered  }
0x13: {  	s23 =	simm.s32 $0x1BFF;
	s22 =	sshll.u32 s5, $0x1;
	s1 =	sadd.s32 s20, s19  }
0x14: {  	s6 =	simm.s32 $0x0;
	s21 =	sshll.u32 s4, $0x1;
	s4 =	sadd.s32 s22, s1  }
0x15: {  	[timem:s6], [sflag:s23] =	dma.local [hbm:s4], s21  }
0x16: {  	_ =	swait.ge [sflag:s23], s21  }
0x17: {  	s2 =	ssub.s32 $0x0, s21;
	[sflag:s23] =	ssyncset.done $0x0  }
0x18: {  	[sflag:s23] =	ssyncadd.s32 s2;
	_ =	sdelay $0x1  }
0x19: {  	s24 =	simm.s32 $0x1B8B  }
0x1a: {  	_ =	swait.ge [sflag:s24], $0x1  }
0x1b: {  	[sflag:s24] =	ssyncset.done $0x0  }
0x1c: {  	s26 =	simm.s32 $0x1B8E;
	s25 =	sld [smem:$0x3FFE];
	[sflag:s24] =	ssyncadd.s32 $0xFFFFFFFF  }
0x1d: {  	s27 =	simm.s32 $execute0_lowered;
	[smem:$0x3FD2] =	sst s26  }
0x1e: {  	s4 =	sshll.u32 s27, $0x1;
	_ =	strace $0x8000004F;
	[dreg:$0x1] =	wrdreg $0xFFFFFFFF  }
0x1f: {  	s28 =	simm.s32 $_size_execute0_lowered;
	s1 =	sadd.s32 s1, s4;
	[dreg:$0x0] =	wrdreg $0x0  }
0x20: {  	s4 =	sshll.u32 s28, $0x1;
	[dreg:$0x2] =	wrdreg s1  }
0x21: {  	[dreg:$0x3] =	wrdreg s4  }
0x22: {  	[dreg:$0x4] =	wrdreg $0xC0  }
0x23: {  	_ =	task [dreg:s6], $0x5FFFF  }
0x24: {  	[dreg:$0x1] =	wrdreg $0xFFFFFFFF  }
0x25: {  	[dreg:$0x0] =	wrdreg $0x60  }
0x26: {  	[dreg:$0x2] =	wrdreg s25  }
0x27: {  	[dreg:$0x3] =	wrdreg $0x9  }
0x28: {  	_ =	task.clear_ibuf [dreg:s6], $0x4FFFF;
	_ =	strace $0x9000004F  }
0x29: {  	s29 =	simm.s32 $0x9;
	_ =	strace $0x80000051  }
0x2a: {  	_ =	swait.ge [sflag:s29], $0x1  }
0x2b: {  	[sflag:s29] =	ssyncadd.s32 $0xFFFFFFFF  }
0x2c: {  	_ =	strace $0x90000051  }
0x2d: {  	_ =	sfence  }
0x2e: {  	s30 =	sld [smem:$0x0];
	_ =	sdelay $0x2  }
0x2f: {  	s31 =	sshll.u32 s3, $0xD;
	s3 =	sshrl.u32 s3, $0x2  }
0x30: {  	s2 =	sand.u32 $0x4000, s31;
	s1 =	sadd.s32 s3, s30  }
0x31: {  	s0 =	sor.u32 s2, s0;
	s1 =	sshll.u32 s1, $0x11  }
0x32: {  	s0 =	sor.u32 s1, s0  }
0x33: {  	s0 =	sadd.s32 $0x8F2B, s0  }
0x34: {  	[sflag:s0] =	ssyncadd.remote.s32 $0x1  }
0x35: {  	_ =	sfence.sel $0xFFFF  }
0x36: {  	[dreg:$0x0] =	wrdreg $0xFFFFFFFF;
	(pc) =	sbr.abs _section_cstart, $3  }
0x37: {  	[dreg:$0x1] =	wrdreg $0xFFFFFFFF  }
0x38: {  	_ =	task.clear_ibuf [dreg:s6], $0x2FFFF;
	_ =	strace $0x9FFFFFFF  }
0x39: {  	(tm) =	ssettm $0x7FFFFFFF  }
tec
execute0_lowered:
.L_overlay_start_1:
0x0: {  	(tag) =	ssettag $0x1  }
0x1: {  	s0 =	srdreg.scid  }
0x2: {  	s1 =	sshll.u32 s0, $0x4  }
0x3: {  	s0 =	stileid.u32;
	s1 =	sand.u32 $0x10, s1  }
0x4: {  	s6 =	rddreg [dreg:$0x0];
	s1 =	sor.u32 s0, s1  }
0x5: {  	s4 =	simm.s32 $0x1;
	s7 =	simm.s32 $0x2;
	s2 =	sshll.u32 s1, $0x1  }
0x6: {  	s14 =	simm.s32 $0x0;
	s8 =	simm.s32 $0x400;
	s3 =	ssub.s32 $0x4E2, s2  }
0x7: {  	s9 =	simm.s32 $0xC00;
	s10 =	simm.s32 $0x0;
	s31 =	sand.u32 $0x3E, s3  }
0x8: {  	s15 =	simm.s32 $0x0;
	s11 =	simm.s32 $0x0;
	p0 =	sne.s32 s31, $0x0  }
.Ltmp0:
0x9: {  	s3 =	sshrl.u32 s3, $0x6;
	s4 =	simm.s32 @!p0 $0x0;
	(pc) =	sbr.rel .LBB1_1-.Ltmp0, $4  }
0xa: {  	s13 =	simm.s32 $0x0;
	s1 =	rddreg [dreg:$0x1];
	s5 =	sadd.s32 s4, s3  }
0xb: {  	_ =	strace $0x80000050;
	s4 =	simm.s32 $0x1;
	s5 =	smul.u32 $0x3, s5  }
0xc: {  	s12 =	smov.u32 s2;
	s3 =	sadd.s32 $0x43C000, s6;
	[sflag:s4] =	ssyncpa.u1 $0x0  }
0xd: {  	s6 =	sadd.s32 $0x7E5800, s6;
	[sflag:s7] =	ssyncpa.u1 $0x0;
	s7 =	sadd.s32 $0x1, s5  }
.LBB1_9:
0xe: {  	s16 =	sadd.s32 $0x8, s11  }
0xf: {  	s14 =	sadd.s32 $0x40, s12;
	s18 =	smov.u32 s12;
	p1 =	sgt.s32 s16, $0x17  }
0x10: {  	s18 =	smov.u32 @p1 s14  }
0x11: {  	s16 =	simm.s32 @p1 $0x0;
	p1 =	sgt.s32 s18, $0x4E1  }
0x12: {  	s18 =	smov.u32 @p1 s2;
	p1 =	sne.s32 s13, s7  }
.Ltmp1:
0x13: {  	p0 =	slt.u32 s13, $0x2;
	(pc) =	sbr.rel @!p1 .LBB1_10-.Ltmp1, $4  }
0x14: {  	s17 =	simm.s32 @!p0 $0x2  }
0x15: {  	s15 =	smov.u32 s12;
	s10 =	sadd.s32 $0x4000, s10;
	_ =	swait.ge @!p0 [sflag:s17], $0x4000  }
0x16: {  	s14 =	smov.u32 s11;
	[sflag:s17] =	ssyncset.done @!p0 $0x0;
	s11 =	smov.u32 s16  }
0x17: {  	s13 =	sadd.s32 $0x1, s13;
	[sflag:s17] =	ssyncadd.s32 @!p0 $0xFFFFC000;
	s12 =	smov.u32 s18  }
.LBB1_1:
0x18: {  	p0 =	sge.u32 s13, s5  }
0x19: {  	s17 =	smul.u32 @!p0 $0xC00, s12  }
0x1a: {  	s31 =	sadd.s32 $0xFFFFFFFF, s13;
	s16 =	sxor.u32 @!p0 $0xFFFFFFFF, s13;
	s18 =	sshll.u32 @!p0 s11, $0x7  }
0x1b: {  	s19 =	simm.s32 @!p0 $0x6000;
	s16 =	sshll.u32 @!p0 s16, $0xE;
	s17 =	sadd.s32 @!p0 s3, s17  }
0x1c: {  	s16 =	sand.u32 @!p0 $0x4000, s16;
	s17 =	sadd.s32 @!p0 s18, s17;
	s18 =	simm.s32 @!p0 $0x2000  }
0x1d: {  	[tilespmem:s16], [sflag:$0x1] =	stream.strided.gather @!p0 [hbm4b:s17+s18], $0x4000, s19, s18, $0x38;
	[tilespmem:$0x10000] =	vst v63  }
0x1e: {  	p0 =	sge.u32 s31, s5  }
.Ltmp2:
0x1f: {  	_ = 	snop;
	(pc) =	sbr.rel @p0 .LBB1_9-.Ltmp2, $1  }
0x20: {  	_ =	sdelay $0x3  }
0x21: {  	s16 =	sshll.u32 s10, $0x2  }
0x22: {  	_ =	swait.ge [sflag:s4], $0x4000;
	s17 =	sshll.u32 s13, $0xE;
	s19 =	simm.s32 $0x0  }
0x23: {  	p1 =	por $0x1, $0x1;
	s16 =	sand.u32 $0x10000, s16;
	[sflag:s4] =	ssyncset.done $0x0  }
0x24: {  	s17 =	sand.u32 $0x4000, s17;
	s18 =	sshrl.u32 s16, $0x2;
	[sflag:s4] =	ssyncadd.s32 $0xFFFFC000  }
0x25: {  	s16 =	sor.u32 $0x8000, s17;
	s17 =	sadd.s32 $0x8040, s18;
	s18 =	sadd.s32 $0x40, s18  }
.LBB1_3:
0x26: {  	s19 =	sshll.u32 s19, $0x2  }
0x27: {  	p0 =	por p1, p1;
	s20 =	sshra.s32 s19, $0x2  }
0x28: {  	s21 =	simm.s32 $0x0;
	s19 =	sadd.s32 s20, s17;
	s20 =	sadd.s32 s20, s18  }
.LBB1_4:
0x29: {  	v0 =	vmov s20;
	_ =	sdelay $0x3  }
0x2a: {  	s23 =	simm.s32 $0x0  }
0x2b: {  	v6 =	vld.idx.msk [tilespmem:v0+s23+$0x30 ss:$0x1], $0xffff  }
0x2c: {  	v7 =	vld.idx.msk [tilespmem:v0+s23+$0xFFFFFFC0 ss:$0x1], $0xffff  }
0x2d: {  	v5 =	vld.idx.msk [tilespmem:v0+s23+$0xFFFFFFD0 ss:$0x1], $0xffff  }
0x2e: {  	v4 =	vld.idx.msk [tilespmem:v0+s23+$0xFFFFFFE0 ss:$0x1], $0xffff  }
0x2f: {  	v3 =	vld.idx.msk [tilespmem:v0+s23+$0xFFFFFFF0 ss:$0x1], $0xffff  }
0x30: {  	v1 =	vld.idx.msk [tilespmem:v0+s23+$0x0 ss:$0x1], $0xffff  }
0x31: {  	v2 =	vld.idx.msk [tilespmem:v0+s23+$0x10 ss:$0x1], $0xffff;
	[tilespmem:s19+$0x30] =	vst v6  }
0x32: {  	s22 =	simm.s32 $0x80;
	s24 =	simm.s32 $0x400;
	[tilespmem:s19+$0xFFFFFFC0] =	vst v7;
	v6 =	vld.idx.msk [tilespmem:v0+s23+$0x20 ss:$0x1], $0xffff;
	s23 =	smov.u32 s19  }
.LBB1_5:
0x33: {  	p1 =	sne.s32 s24, $0xE00;
	v7 =	vld.idx.msk [tilespmem:v0+s22+$0x30 ss:$0x1], $0xffff;
	[tilespmem:s23+$0xFFFFFFD0] =	vst v5  }
0x34: {  	v8 =	vld.idx.msk [tilespmem:v0+s22+$0xFFFFFFC0 ss:$0x1], $0xffff;
	[tilespmem:s23+$0xFFFFFFE0] =	vst v4  }
0x35: {  	v5 =	vld.idx.msk [tilespmem:v0+s22+$0xFFFFFFD0 ss:$0x1], $0xffff;
	[tilespmem:s23+$0xFFFFFFF0] =	vst v3  }
.Ltmp3:
0x36: {  	v4 =	vld.idx.msk [tilespmem:v0+s22+$0xFFFFFFE0 ss:$0x1], $0xffff;
	[tilespmem:s23+$0x0] =	vst v1;
	(pc) =	sbr.rel @p1 .LBB1_5-.Ltmp3, $4  }
0x37: {  	v3 =	vld.idx.msk [tilespmem:v0+s22+$0xFFFFFFF0 ss:$0x1], $0xffff;
	[tilespmem:s23+$0x10] =	vst v2  }
0x38: {  	v1 =	vld.idx.msk [tilespmem:v0+s22+$0x0 ss:$0x1], $0xffff;
	[tilespmem:s23+$0x20] =	vst v6;
	s23 =	sadd.s32 $0x400, s23  }
0x39: {  	v2 =	vld.idx.msk [tilespmem:v0+s22+$0x10 ss:$0x1], $0xffff;
	[tilespmem:s23+$0x30] =	vst v7  }
0x3a: {  	[tilespmem:s23+$0xFFFFFFC0] =	vst v8;
	v6 =	vld.idx.msk [tilespmem:v0+s22+$0x20 ss:$0x1], $0xffff;
	s22 =	sshra.s32 s24, $0x2;
	s24 =	sadd.s32 $0x200, s24  }
0x3b: {  	_ =	sdelay $0x2  }
0x3c: {  	[tilespmem:s23+$0xFFFFFFD0] =	vst v5  }
0x3d: {  	v56 =	vld.idx.msk [tilespmem:v0+s22+$0x30 ss:$0x1], $0xffff;
	[tilespmem:s23+$0xFFFFFFE0] =	vst v4  }
0x3e: {  	v57 =	vld.idx.msk [tilespmem:v0+s22+$0xFFFFFFC0 ss:$0x1], $0xffff;
	[tilespmem:s23+$0xFFFFFFF0] =	vst v3  }
0x3f: {  	v58 =	vld.idx.msk [tilespmem:v0+s22+$0xFFFFFFD0 ss:$0x1], $0xffff;
	[tilespmem:s23+$0x0] =	vst v1  }
0x40: {  	v59 =	vld.idx.msk [tilespmem:v0+s22+$0xFFFFFFE0 ss:$0x1], $0xffff;
	[tilespmem:s23+$0x10] =	vst v2  }
0x41: {  	v60 =	vld.idx.msk [tilespmem:v0+s22+$0xFFFFFFF0 ss:$0x1], $0xffff;
	s31 =	sadd.s32 $0x400, s23;
	[tilespmem:s23+$0x20] =	vst v6  }
0x42: {  	v61 =	vld.idx.msk [tilespmem:v0+s22+$0x0 ss:$0x1], $0xffff;
	[tilespmem:s31+$0x30] =	vst v56  }
0x43: {  	v62 =	vld.idx.msk [tilespmem:v0+s22+$0x10 ss:$0x1], $0xffff;
	s21 =	sadd.s32 $0x1, s21;
	[tilespmem:s31+$0xFFFFFFC0] =	vst v57  }
0x44: {  	v63 =	vld.idx.msk [tilespmem:v0+s22+$0x20 ss:$0x1], $0xffff;
	p1 =	sne.s32 s21, $0x8;
	[tilespmem:s31+$0xFFFFFFD0] =	vst v58  }
.Ltmp4:
0x45: {  	[tilespmem:s31+$0xFFFFFFE0] =	vst v59;
	(pc) =	sbr.rel @p1 .LBB1_4-.Ltmp4, $4  }
0x46: {  	[tilespmem:s31+$0xFFFFFFF0] =	vst v60  }
0x47: {  	[tilespmem:s31+$0x0] =	vst v61  }
0x48: {  	[tilespmem:s31+$0x10] =	vst v62  }
0x49: {  	s19 =	sadd.s32 $0x80, s19;
	s20 =	sadd.s32 $0x400, s20;
	[tilespmem:s31+$0x20] =	vst v63  }
.Ltmp5:
0x4a: {  	(pc) =	sbr.rel @p0 .LBB1_3-.Ltmp5, $2  }
0x4b: {  	_ =	sdelay $0x2  }
0x4c: {  	s19 =	simm.s32 $0x2000;
	p1 =	por $0x0, $0x0  }
0x4d: {  	s14 =	sand.u32 $0x1FFFFFF, s14  }
0x4e: {  	s17 =	smulhi.u32 $0xAAAAAAB, s14  }
0x4f: {  	s15 =	smul.u32 $0xC00, s15  }
0x50: {  	s17 =	smul.u32 $0x18, s17  }
.Ltmp6:
0x51: {  	_ = 	snop;
	(pc) =	sbr.rel .LBB1_9-.Ltmp6, $4  }
0x52: {  	s14 =	ssub.s32 s14, s17  }
0x53: {  	s15 =	sadd.s32 s6, s15;
	s14 =	sshll.u32 s14, $0x4  }
0x54: {  	s14 =	sadd.s32 s14, s15  }
0x55: {  	[hbm4b:s14+s8] =	stream.strided.scatter [tilespmem:s16], [sflag:$0x2], $0x4000, s9, s8, $0x38;
	[tilespmem:$0x10000] =	vst v63  }
.LBB1_10:
0x56: {  	_ =	sfence.sel $0x180000  }
0x57: {  	s2 =	simm.s32 $0x1;
	[bflag:$0x0] =	sbarrier.arrive $0xFFFF  }
0x58: {  	s31 =	simm.s32 $0x2;
	[sflag:s2] =	ssyncpa.u1 $0x1  }
0x59: {  	[sflag:s31] =	ssyncpa.u1 $0x1  }
0x5a: {  	p0 =	sne.s32 s0, $0x0;
	_ =	strace $0x90000050  }
0x5b: {  	s0 =	sadd.s32 @!p0 $0x100000, s1;
	[bflag:$0x2] =	sbarrier.arrive $0xFFFF  }
0x5c: {  	[sflag:s0] =	ssyncadd.tile.s32 @!p0 $0x1;
	_ =	shalt  }
.Lfunc_end1:
_tile_overlayer_lowered:
.L_overlay_start_2:
0x5d: {  	(tag) =	ssettag $0x2  }
0x5e: {  	s0 =	rddreg [dreg:$0x0];
	s2 =	stileid.u32  }
0x5f: {  	s1 =	rddreg [dreg:$0x1];
	p0 =	sne.s32 s2, $0x0  }
0x60: {  	s3 =	rddreg [dreg:$0x2];
	[bflag:$0x3] =	sbarrier.arrive $0xFFFF;
	s2 =	simm.s32 @!p0 $0x1C01  }
0x61: {  	[timem:s3], [sflag:s2] =	dma.local @!p0 [hbm:s0], s1  }
0x62: {  	s0 =	simm.s32 @!p0 $0x1  }
0x63: {  	_ =	swait.ge @!p0 [sflag:s0], s1  }
0x64: {  	s1 =	ssub.s32 @!p0 $0x0, s1;
	[sflag:s0] =	ssyncset.done @!p0 $0x0  }
0x65: {  	[sflag:s0] =	ssyncadd.s32 @!p0 s1  }
0x66: {  	[bflag:$0x3] =	sbarrier.arrive $0xFFFF  }
0x67: {  	_ =	shalt  }

// kernel: sparse-core-data-format-call.6.cloned.1.call-start
scs
called_computation.6_lowered:
.L_overlay_start_0:
0x0: {  	s1 =	sld [smem:$0x3FD9]  }
0x1: {  	s2 =	sld [smem:$0x3FFE];
	_ =	sdelay $0x1  }
0x2: {  	s3 =	srdreg.scid  }
0x3: {  	s0 =	sand.u32 $0x1, s3  }
0x4: {  	s17 =	sshll.u32 s0, $0xA;
	s1 =	sadd.s32 s2, s1  }
0x5: {  	s1 =	sadd.s32 s1, s17  }
0x6: {  	[smem:$0x3F9A] =	sst s1  }
0x7: {  	_ = 	snop  }
0x8: {  	(tm) =	ssettm $0x1  }
0x9: {  	s18 =	sld [smem:$0x3FFB];
	_ =	sdelay $0x3  }
0xa: {  	_ =	strace s18  }
0xb: {  	s1 =	sld [smem:$0x3FFC];
	_ =	sdelay $0x3  }
0xc: {  	_ =	strace s1  }
0xd: {  	s1 =	sld [smem:$0x3FFD];
	_ =	sdelay $0x3  }
0xe: {  	_ =	strace s1  }
0xf: {  	_ =	strace $0x8FFFFFFF  }
0x10: {  	s19 =	sld [smem:$0x3FDB];
	_ =	sdelay $0x1  }
0x11: {  	s20 =	simm.s32 $_scs_section_size  }
0x12: {  	s4 =	simm.s32 $_size__tile_overlayer_lowered;
	s5 =	simm.s32 $_tile_overlayer_lowered  }
0x13: {  	s23 =	simm.s32 $0x1BFF;
	s22 =	sshll.u32 s5, $0x1;
	s1 =	sadd.s32 s20, s19  }
0x14: {  	s6 =	simm.s32 $0x0;
	s21 =	sshll.u32 s4, $0x1;
	s4 =	sadd.s32 s22, s1  }
0x15: {  	[timem:s6], [sflag:s23] =	dma.local [hbm:s4], s21  }
0x16: {  	_ =	swait.ge [sflag:s23], s21  }
0x17: {  	s2 =	ssub.s32 $0x0, s21;
	[sflag:s23] =	ssyncset.done $0x0  }
0x18: {  	[sflag:s23] =	ssyncadd.s32 s2;
	_ =	sdelay $0x1  }
0x19: {  	s24 =	simm.s32 $0x1B8B  }
0x1a: {  	_ =	swait.ge [sflag:s24], $0x1  }
0x1b: {  	[sflag:s24] =	ssyncset.done $0x0  }
0x1c: {  	s26 =	simm.s32 $0x1B8E;
	s25 =	sld [smem:$0x3FFE];
	[sflag:s24] =	ssyncadd.s32 $0xFFFFFFFF  }
0x1d: {  	s27 =	simm.s32 $execute0_lowered;
	[smem:$0x3FD2] =	sst s26  }
0x1e: {  	s4 =	sshll.u32 s27, $0x1;
	_ =	strace $0x8000004C;
	[dreg:$0x1] =	wrdreg $0xFFFFFFFF  }
0x1f: {  	s28 =	simm.s32 $_size_execute0_lowered;
	s1 =	sadd.s32 s1, s4;
	[dreg:$0x0] =	wrdreg $0x0  }
0x20: {  	s4 =	sshll.u32 s28, $0x1;
	[dreg:$0x2] =	wrdreg s1  }
0x21: {  	[dreg:$0x3] =	wrdreg s4  }
0x22: {  	[dreg:$0x4] =	wrdreg $0xC0  }
0x23: {  	_ =	task [dreg:s6], $0x5FFFF  }
0x24: {  	[dreg:$0x1] =	wrdreg $0xFFFFFFFF  }
0x25: {  	[dreg:$0x0] =	wrdreg $0x60  }
0x26: {  	[dreg:$0x2] =	wrdreg s25  }
0x27: {  	[dreg:$0x3] =	wrdreg $0x9  }
0x28: {  	_ =	task.clear_ibuf [dreg:s6], $0x4FFFF;
	_ =	strace $0x9000004C  }
0x29: {  	s29 =	simm.s32 $0x9;
	_ =	strace $0x8000004E  }
0x2a: {  	_ =	swait.ge [sflag:s29], $0x1  }
0x2b: {  	[sflag:s29] =	ssyncadd.s32 $0xFFFFFFFF  }
0x2c: {  	_ =	strace $0x9000004E  }
0x2d: {  	_ =	sfence  }
0x2e: {  	s30 =	sld [smem:$0x0];
	_ =	sdelay $0x2  }
0x2f: {  	s31 =	sshll.u32 s3, $0xD;
	s3 =	sshrl.u32 s3, $0x2  }
0x30: {  	s2 =	sand.u32 $0x4000, s31;
	s1 =	sadd.s32 s3, s30  }
0x31: {  	s0 =	sor.u32 s2, s0;
	s1 =	sshll.u32 s1, $0x11  }
0x32: {  	s0 =	sor.u32 s1, s0  }
0x33: {  	s0 =	sadd.s32 $0x8F2B, s0  }
0x34: {  	[sflag:s0] =	ssyncadd.remote.s32 $0x1  }
0x35: {  	_ =	sfence.sel $0xFFFF  }
0x36: {  	[dreg:$0x0] =	wrdreg $0xFFFFFFFF;
	(pc) =	sbr.abs _section_cstart, $3  }
0x37: {  	[dreg:$0x1] =	wrdreg $0xFFFFFFFF  }
0x38: {  	_ =	task.clear_ibuf [dreg:s6], $0x2FFFF;
	_ =	strace $0x9FFFFFFF  }
0x39: {  	(tm) =	ssettm $0x7FFFFFFF  }
tec
execute0_lowered:
.L_overlay_start_1:
0x0: {  	(tag) =	ssettag $0x1  }
0x1: {  	s0 =	srdreg.scid  }
0x2: {  	s1 =	sshll.u32 s0, $0x4  }
0x3: {  	s6 =	rddreg [dreg:$0x0];
	s0 =	stileid.u32;
	s1 =	sand.u32 $0x10, s1  }
0x4: {  	s7 =	simm.s32 $0x2;
	s15 =	simm.s32 $0x0;
	s1 =	sor.u32 s0, s1  }
0x5: {  	s8 =	simm.s32 $0x2000;
	s9 =	simm.s32 $0x6000;
	s2 =	sshll.u32 s1, $0x1  }
0x6: {  	s10 =	simm.s32 $0x0;
	s16 =	simm.s32 $0x0;
	s1 =	ssub.s32 $0x500, s2  }
0x7: {  	s17 =	simm.s32 $0x0;
	s11 =	simm.s32 $0x0;
	s3 =	sand.u32 $0x3E, s1  }
0x8: {  	s12 =	simm.s32 $0x0;
	p0 =	sne.s32 s3, $0x0;
	s3 =	simm.s32 $0x1  }
.Ltmp0:
0x9: {  	s4 =	sshrl.u32 s1, $0x6;
	s3 =	simm.s32 @!p0 $0x0;
	(pc) =	sbr.rel .LBB1_1-.Ltmp0, $4  }
0xa: {  	s14 =	simm.s32 $0x0;
	s1 =	rddreg [dreg:$0x1];
	s4 =	sadd.s32 s3, s4  }
0xb: {  	_ =	strace $0x8000004D;
	s3 =	simm.s32 $0x1;
	s4 =	smul.u32 $0x3, s4  }
0xc: {  	s5 =	sadd.s32 $0x846800, s6;
	s6 =	sadd.s32 $0xC06800, s6;
	[sflag:s3] =	ssyncpa.u1 $0x0  }
0xd: {  	s13 =	smov.u32 s2;
	[sflag:s7] =	ssyncpa.u1 $0x0;
	s7 =	sadd.s32 $0x1, s4  }
.LBB1_9:
0xe: {  	s18 =	sadd.s32 $0x8, s11  }
0xf: {  	s15 =	sadd.s32 $0x8, s12;
	s19 =	smov.u32 s12;
	p1 =	sgt.s32 s18, $0x17  }
0x10: {  	s19 =	smov.u32 @p1 s15  }
0x11: {  	s21 =	smov.u32 s13;
	s15 =	sadd.s32 $0x40, s13;
	p2 =	sgt.s32 s19, $0x7  }
0x12: {  	s21 =	smov.u32 @p2 s15  }
0x13: {  	s18 =	simm.s32 @p1 $0x0;
	p1 =	sgt.s32 s21, $0x4FF  }
0x14: {  	p0 =	slt.u32 s14, $0x2;
	s21 =	smov.u32 @p1 s2;
	p1 =	sne.s32 s14, s7  }
.Ltmp1:
0x15: {  	s20 =	simm.s32 @!p0 $0x2;
	(pc) =	sbr.rel @!p1 .LBB1_10-.Ltmp1, $4  }
0x16: {  	s16 =	smov.u32 s12;
	s17 =	smov.u32 s13;
	_ =	swait.ge @!p0 [sflag:s20], $0x4000  }
0x17: {  	s10 =	sadd.s32 $0x4000, s10;
	[sflag:s20] =	ssyncset.done @!p0 $0x0;
	s19 =	simm.s32 @p2 $0x0  }
0x18: {  	s15 =	smov.u32 s11;
	[sflag:s20] =	ssyncadd.s32 @!p0 $0xFFFFC000;
	s11 =	smov.u32 s18  }
0x19: {  	s12 =	smov.u32 s19;
	s14 =	sadd.s32 $0x1, s14;
	s13 =	smov.u32 s21  }
.LBB1_1:
0x1a: {  	p0 =	sge.u32 s14, s4  }
0x1b: {  	s18 =	sand.u32 @!p0 $0x1FFFFFF, s11;
	s20 =	smul.u32 @!p0 $0xC00, s13  }
0x1c: {  	s19 =	smulhi.u32 @!p0 $0xAAAAAAB, s18  }
0x1d: {  	s22 =	smul.u32 @!p0 $0x180, s12  }
0x1e: {  	s19 =	smul.u32 @!p0 $0x18, s19  }
0x1f: {  	s31 =	sadd.s32 $0xFFFFFFFF, s14;
	s20 =	sadd.s32 @!p0 s5, s20  }
0x20: {  	s21 =	sxor.u32 @!p0 $0xFFFFFFFF, s14;
	s20 =	sadd.s32 @!p0 s22, s20;
	s18 =	ssub.s32 @!p0 s18, s19  }
0x21: {  	s19 =	sshll.u32 @!p0 s21, $0xE;
	s21 =	simm.s32 @!p0 $0xC00;
	s18 =	sshll.u32 @!p0 s18, $0x4  }
0x22: {  	s19 =	sand.u32 @!p0 $0x4000, s19;
	s18 =	sadd.s32 @!p0 s18, s20;
	s20 =	simm.s32 @!p0 $0x400  }
0x23: {  	[tilespmem:s19], [sflag:$0x1] =	stream.strided.gather @!p0 [hbm4b:s18+s20], $0x4000, s21, s20, $0x38;
	[tilespmem:$0x10000] =	vst v63  }
0x24: {  	p0 =	sge.u32 s31, s4  }
.Ltmp2:
0x25: {  	_ = 	snop;
	(pc) =	sbr.rel @p0 .LBB1_9-.Ltmp2, $1  }
0x26: {  	_ =	sdelay $0x3  }
0x27: {  	s18 =	sshll.u32 s10, $0x2  }
0x28: {  	_ =	swait.ge [sflag:s3], $0x4000;
	s19 =	sshll.u32 s14, $0xE;
	s21 =	simm.s32 $0x0  }
0x29: {  	p1 =	por $0x1, $0x1;
	s18 =	sand.u32 $0x10000, s18;
	[sflag:s3] =	ssyncset.done $0x0  }
0x2a: {  	s19 =	sand.u32 $0x4000, s19;
	s20 =	sshrl.u32 s18, $0x2;
	[sflag:s3] =	ssyncadd.s32 $0xFFFFC000  }
0x2b: {  	s18 =	sor.u32 $0x8000, s19;
	s19 =	sadd.s32 $0x8040, s20;
	s20 =	sadd.s32 $0x40, s20  }
.LBB1_3:
0x2c: {  	s21 =	sshll.u32 s21, $0x2  }
0x2d: {  	p0 =	por p1, p1;
	s22 =	sshra.s32 s21, $0x2  }
0x2e: {  	s23 =	simm.s32 $0x0;
	s21 =	sadd.s32 s22, s19;
	s22 =	sadd.s32 s22, s20  }
.LBB1_4:
0x2f: {  	v0 =	vmov s22;
	_ =	sdelay $0x3  }
0x30: {  	s25 =	simm.s32 $0x0  }
0x31: {  	v6 =	vld.idx.msk [tilespmem:v0+s25+$0x30 ss:$0x1], $0xffff  }
0x32: {  	v7 =	vld.idx.msk [tilespmem:v0+s25+$0xFFFFFFC0 ss:$0x1], $0xffff  }
0x33: {  	v5 =	vld.idx.msk [tilespmem:v0+s25+$0xFFFFFFD0 ss:$0x1], $0xffff  }
0x34: {  	v4 =	vld.idx.msk [tilespmem:v0+s25+$0xFFFFFFE0 ss:$0x1], $0xffff  }
0x35: {  	v3 =	vld.idx.msk [tilespmem:v0+s25+$0xFFFFFFF0 ss:$0x1], $0xffff  }
0x36: {  	v1 =	vld.idx.msk [tilespmem:v0+s25+$0x0 ss:$0x1], $0xffff  }
0x37: {  	v2 =	vld.idx.msk [tilespmem:v0+s25+$0x10 ss:$0x1], $0xffff;
	[tilespmem:s21+$0x30] =	vst v6  }
0x38: {  	s24 =	simm.s32 $0x80;
	s26 =	simm.s32 $0x400;
	[tilespmem:s21+$0xFFFFFFC0] =	vst v7;
	v6 =	vld.idx.msk [tilespmem:v0+s25+$0x20 ss:$0x1], $0xffff;
	s25 =	smov.u32 s21  }
.LBB1_5:
0x39: {  	p1 =	sne.s32 s26, $0xE00;
	v7 =	vld.idx.msk [tilespmem:v0+s24+$0x30 ss:$0x1], $0xffff;
	[tilespmem:s25+$0xFFFFFFD0] =	vst v5  }
0x3a: {  	v8 =	vld.idx.msk [tilespmem:v0+s24+$0xFFFFFFC0 ss:$0x1], $0xffff;
	[tilespmem:s25+$0xFFFFFFE0] =	vst v4  }
0x3b: {  	v5 =	vld.idx.msk [tilespmem:v0+s24+$0xFFFFFFD0 ss:$0x1], $0xffff;
	[tilespmem:s25+$0xFFFFFFF0] =	vst v3  }
.Ltmp3:
0x3c: {  	v4 =	vld.idx.msk [tilespmem:v0+s24+$0xFFFFFFE0 ss:$0x1], $0xffff;
	[tilespmem:s25+$0x0] =	vst v1;
	(pc) =	sbr.rel @p1 .LBB1_5-.Ltmp3, $4  }
0x3d: {  	v3 =	vld.idx.msk [tilespmem:v0+s24+$0xFFFFFFF0 ss:$0x1], $0xffff;
	[tilespmem:s25+$0x10] =	vst v2  }
0x3e: {  	v1 =	vld.idx.msk [tilespmem:v0+s24+$0x0 ss:$0x1], $0xffff;
	[tilespmem:s25+$0x20] =	vst v6;
	s25 =	sadd.s32 $0x400, s25  }
0x3f: {  	v2 =	vld.idx.msk [tilespmem:v0+s24+$0x10 ss:$0x1], $0xffff;
	[tilespmem:s25+$0x30] =	vst v7  }
0x40: {  	[tilespmem:s25+$0xFFFFFFC0] =	vst v8;
	v6 =	vld.idx.msk [tilespmem:v0+s24+$0x20 ss:$0x1], $0xffff;
	s24 =	sshra.s32 s26, $0x2;
	s26 =	sadd.s32 $0x200, s26  }
0x41: {  	_ =	sdelay $0x2  }
0x42: {  	[tilespmem:s25+$0xFFFFFFD0] =	vst v5  }
0x43: {  	v56 =	vld.idx.msk [tilespmem:v0+s24+$0x30 ss:$0x1], $0xffff;
	[tilespmem:s25+$0xFFFFFFE0] =	vst v4  }
0x44: {  	v57 =	vld.idx.msk [tilespmem:v0+s24+$0xFFFFFFC0 ss:$0x1], $0xffff;
	[tilespmem:s25+$0xFFFFFFF0] =	vst v3  }
0x45: {  	v58 =	vld.idx.msk [tilespmem:v0+s24+$0xFFFFFFD0 ss:$0x1], $0xffff;
	[tilespmem:s25+$0x0] =	vst v1  }
0x46: {  	v59 =	vld.idx.msk [tilespmem:v0+s24+$0xFFFFFFE0 ss:$0x1], $0xffff;
	[tilespmem:s25+$0x10] =	vst v2  }
0x47: {  	v60 =	vld.idx.msk [tilespmem:v0+s24+$0xFFFFFFF0 ss:$0x1], $0xffff;
	s31 =	sadd.s32 $0x400, s25;
	[tilespmem:s25+$0x20] =	vst v6  }
0x48: {  	v61 =	vld.idx.msk [tilespmem:v0+s24+$0x0 ss:$0x1], $0xffff;
	[tilespmem:s31+$0x30] =	vst v56  }
0x49: {  	v62 =	vld.idx.msk [tilespmem:v0+s24+$0x10 ss:$0x1], $0xffff;
	s23 =	sadd.s32 $0x1, s23;
	[tilespmem:s31+$0xFFFFFFC0] =	vst v57  }
0x4a: {  	v63 =	vld.idx.msk [tilespmem:v0+s24+$0x20 ss:$0x1], $0xffff;
	p1 =	sne.s32 s23, $0x8;
	[tilespmem:s31+$0xFFFFFFD0] =	vst v58  }
.Ltmp4:
0x4b: {  	[tilespmem:s31+$0xFFFFFFE0] =	vst v59;
	(pc) =	sbr.rel @p1 .LBB1_4-.Ltmp4, $4  }
0x4c: {  	[tilespmem:s31+$0xFFFFFFF0] =	vst v60  }
0x4d: {  	[tilespmem:s31+$0x0] =	vst v61  }
0x4e: {  	[tilespmem:s31+$0x10] =	vst v62  }
0x4f: {  	s21 =	sadd.s32 $0x80, s21;
	s22 =	sadd.s32 $0x400, s22;
	[tilespmem:s31+$0x20] =	vst v63  }
.Ltmp5:
0x50: {  	(pc) =	sbr.rel @p0 .LBB1_3-.Ltmp5, $2  }
0x51: {  	_ =	sdelay $0x2  }
0x52: {  	s21 =	simm.s32 $0x2000;
	p1 =	por $0x0, $0x0  }
0x53: {  	s17 =	smul.u32 $0xC00, s17  }
.Ltmp6:
0x54: {  	_ = 	snop;
	(pc) =	sbr.rel .LBB1_9-.Ltmp6, $4  }
0x55: {  	s15 =	sshll.u32 s15, $0x7;
	s16 =	sshll.u32 s16, $0x4;
	s17 =	sadd.s32 s6, s17  }
0x56: {  	s16 =	sand.u32 $0x70, s16;
	s15 =	sadd.s32 s15, s17  }
0x57: {  	s15 =	sadd.s32 s16, s15  }
0x58: {  	[hbm4b:s15+s8] =	stream.strided.scatter [tilespmem:s18], [sflag:$0x2], $0x4000, s9, s8, $0x38;
	[tilespmem:$0x10000] =	vst v63  }
.LBB1_10:
0x59: {  	_ =	sfence.sel $0x180000  }
0x5a: {  	s2 =	simm.s32 $0x1;
	[bflag:$0x0] =	sbarrier.arrive $0xFFFF  }
0x5b: {  	s31 =	simm.s32 $0x2;
	[sflag:s2] =	ssyncpa.u1 $0x1  }
0x5c: {  	[sflag:s31] =	ssyncpa.u1 $0x1  }
0x5d: {  	p0 =	sne.s32 s0, $0x0;
	_ =	strace $0x9000004D  }
0x5e: {  	s0 =	sadd.s32 @!p0 $0x100000, s1;
	[bflag:$0x2] =	sbarrier.arrive $0xFFFF  }
0x5f: {  	[sflag:s0] =	ssyncadd.tile.s32 @!p0 $0x1;
	_ =	shalt  }
.Lfunc_end1:
_tile_overlayer_lowered:
.L_overlay_start_2:
0x60: {  	(tag) =	ssettag $0x2  }
0x61: {  	s0 =	rddreg [dreg:$0x0];
	s2 =	stileid.u32  }
0x62: {  	s1 =	rddreg [dreg:$0x1];
	p0 =	sne.s32 s2, $0x0  }
0x63: {  	s3 =	rddreg [dreg:$0x2];
	[bflag:$0x3] =	sbarrier.arrive $0xFFFF;
	s2 =	simm.s32 @!p0 $0x1C01  }
0x64: {  	[timem:s3], [sflag:s2] =	dma.local @!p0 [hbm:s0], s1  }
0x65: {  	s0 =	simm.s32 @!p0 $0x1  }
0x66: {  	_ =	swait.ge @!p0 [sflag:s0], s1  }
0x67: {  	s1 =	ssub.s32 @!p0 $0x0, s1;
	[sflag:s0] =	ssyncset.done @!p0 $0x0  }
0x68: {  	[sflag:s0] =	ssyncadd.s32 @!p0 s1  }
0x69: {  	[bflag:$0x3] =	sbarrier.arrive $0xFFFF  }
0x6a: {  	_ =	shalt  }

// kernel: sparse-core-data-format-call.7.cloned.1.call-start
scs
called_computation.7_lowered:
.L_overlay_start_0:
0x0: {  	s1 =	sld [smem:$0x3FD9]  }
0x1: {  	s2 =	sld [smem:$0x3FFE];
	_ =	sdelay $0x1  }
0x2: {  	s3 =	srdreg.scid  }
0x3: {  	s0 =	sand.u32 $0x1, s3  }
0x4: {  	s17 =	sshll.u32 s0, $0xA;
	s1 =	sadd.s32 s2, s1  }
0x5: {  	s1 =	sadd.s32 s1, s17  }
0x6: {  	[smem:$0x3F9A] =	sst s1  }
0x7: {  	_ = 	snop  }
0x8: {  	(tm) =	ssettm $0x1  }
0x9: {  	s18 =	sld [smem:$0x3FFB];
	_ =	sdelay $0x3  }
0xa: {  	_ =	strace s18  }
0xb: {  	s1 =	sld [smem:$0x3FFC];
	_ =	sdelay $0x3  }
0xc: {  	_ =	strace s1  }
0xd: {  	s1 =	sld [smem:$0x3FFD];
	_ =	sdelay $0x3  }
0xe: {  	_ =	strace s1  }
0xf: {  	_ =	strace $0x8FFFFFFF  }
0x10: {  	s19 =	sld [smem:$0x3FDB];
	_ =	sdelay $0x1  }
0x11: {  	s20 =	simm.s32 $_scs_section_size  }
0x12: {  	s4 =	simm.s32 $_size__tile_overlayer_lowered;
	s5 =	simm.s32 $_tile_overlayer_lowered  }
0x13: {  	s23 =	simm.s32 $0x1BFF;
	s22 =	sshll.u32 s5, $0x1;
	s1 =	sadd.s32 s20, s19  }
0x14: {  	s6 =	simm.s32 $0x0;
	s21 =	sshll.u32 s4, $0x1;
	s4 =	sadd.s32 s22, s1  }
0x15: {  	[timem:s6], [sflag:s23] =	dma.local [hbm:s4], s21  }
0x16: {  	_ =	swait.ge [sflag:s23], s21  }
0x17: {  	s2 =	ssub.s32 $0x0, s21;
	[sflag:s23] =	ssyncset.done $0x0  }
0x18: {  	[sflag:s23] =	ssyncadd.s32 s2;
	_ =	sdelay $0x1  }
0x19: {  	s24 =	simm.s32 $0x1B8B  }
0x1a: {  	_ =	swait.ge [sflag:s24], $0x1  }
0x1b: {  	[sflag:s24] =	ssyncset.done $0x0  }
0x1c: {  	s26 =	simm.s32 $0x1B8E;
	s25 =	sld [smem:$0x3FFE];
	[sflag:s24] =	ssyncadd.s32 $0xFFFFFFFF  }
0x1d: {  	s27 =	simm.s32 $execute0_lowered;
	[smem:$0x3FD2] =	sst s26  }
0x1e: {  	s4 =	sshll.u32 s27, $0x1;
	_ =	strace $0x80000046;
	[dreg:$0x1] =	wrdreg $0xFFFFFFFF  }
0x1f: {  	s28 =	simm.s32 $_size_execute0_lowered;
	s1 =	sadd.s32 s1, s4;
	[dreg:$0x0] =	wrdreg $0x0  }
0x20: {  	s4 =	sshll.u32 s28, $0x1;
	[dreg:$0x2] =	wrdreg s1  }
0x21: {  	[dreg:$0x3] =	wrdreg s4  }
0x22: {  	[dreg:$0x4] =	wrdreg $0xC0  }
0x23: {  	_ =	task [dreg:s6], $0x5FFFF  }
0x24: {  	[dreg:$0x1] =	wrdreg $0xFFFFFFFF  }
0x25: {  	[dreg:$0x0] =	wrdreg $0x60  }
0x26: {  	[dreg:$0x2] =	wrdreg s25  }
0x27: {  	[dreg:$0x3] =	wrdreg $0x9  }
0x28: {  	_ =	task.clear_ibuf [dreg:s6], $0x4FFFF;
	_ =	strace $0x90000046  }
0x29: {  	s29 =	simm.s32 $0x9;
	_ =	strace $0x80000048  }
0x2a: {  	_ =	swait.ge [sflag:s29], $0x1  }
0x2b: {  	[sflag:s29] =	ssyncadd.s32 $0xFFFFFFFF  }
0x2c: {  	_ =	strace $0x90000048  }
0x2d: {  	_ =	sfence  }
0x2e: {  	s30 =	sld [smem:$0x0];
	_ =	sdelay $0x2  }
0x2f: {  	s31 =	sshll.u32 s3, $0xD;
	s3 =	sshrl.u32 s3, $0x2  }
0x30: {  	s2 =	sand.u32 $0x4000, s31;
	s1 =	sadd.s32 s3, s30  }
0x31: {  	s0 =	sor.u32 s2, s0;
	s1 =	sshll.u32 s1, $0x11  }
0x32: {  	s0 =	sor.u32 s1, s0  }
0x33: {  	s0 =	sadd.s32 $0x8F2B, s0  }
0x34: {  	[sflag:s0] =	ssyncadd.remote.s32 $0x1  }
0x35: {  	_ =	sfence.sel $0xFFFF  }
0x36: {  	[dreg:$0x0] =	wrdreg $0xFFFFFFFF;
	(pc) =	sbr.abs _section_cstart, $3  }
0x37: {  	[dreg:$0x1] =	wrdreg $0xFFFFFFFF  }
0x38: {  	_ =	task.clear_ibuf [dreg:s6], $0x2FFFF;
	_ =	strace $0x9FFFFFFF  }
0x39: {  	(tm) =	ssettm $0x7FFFFFFF  }
tec
execute0_lowered:
.L_overlay_start_1:
0x0: {  	(tag) =	ssettag $0x1  }
0x1: {  	s0 =	srdreg.scid  }
0x2: {  	s1 =	sshll.u32 s0, $0x4  }
0x3: {  	s0 =	stileid.u32;
	s1 =	sand.u32 $0x10, s1  }
0x4: {  	s6 =	rddreg [dreg:$0x0];
	s1 =	sor.u32 s0, s1  }
0x5: {  	s4 =	simm.s32 $0x1;
	s7 =	simm.s32 $0x2;
	s2 =	sshll.u32 s1, $0x1  }
0x6: {  	s14 =	simm.s32 $0x0;
	s8 =	simm.s32 $0x400;
	s3 =	ssub.s32 $0x4E2, s2  }
0x7: {  	s9 =	simm.s32 $0xC00;
	s10 =	simm.s32 $0x0;
	s31 =	sand.u32 $0x3E, s3  }
0x8: {  	s15 =	simm.s32 $0x0;
	s11 =	simm.s32 $0x0;
	p0 =	sne.s32 s31, $0x0  }
.Ltmp0:
0x9: {  	s3 =	sshrl.u32 s3, $0x6;
	s4 =	simm.s32 @!p0 $0x0;
	(pc) =	sbr.rel .LBB1_1-.Ltmp0, $4  }
0xa: {  	s13 =	simm.s32 $0x0;
	s1 =	rddreg [dreg:$0x1];
	s5 =	sadd.s32 s4, s3  }
0xb: {  	_ =	strace $0x80000047;
	s4 =	simm.s32 $0x1;
	s5 =	smul.u32 $0x3, s5  }
0xc: {  	s12 =	smov.u32 s2;
	s3 =	sadd.s32 $0xF3800, s6;
	[sflag:s4] =	ssyncpa.u1 $0x0  }
0xd: {  	s6 =	sadd.s32 $0x49D000, s6;
	[sflag:s7] =	ssyncpa.u1 $0x0;
	s7 =	sadd.s32 $0x1, s5  }
.LBB1_9:
0xe: {  	s16 =	sadd.s32 $0x8, s11  }
0xf: {  	s14 =	sadd.s32 $0x40, s12;
	s18 =	smov.u32 s12;
	p1 =	sgt.s32 s16, $0x17  }
0x10: {  	s18 =	smov.u32 @p1 s14  }
0x11: {  	s16 =	simm.s32 @p1 $0x0;
	p1 =	sgt.s32 s18, $0x4E1  }
0x12: {  	s18 =	smov.u32 @p1 s2;
	p1 =	sne.s32 s13, s7  }
.Ltmp1:
0x13: {  	p0 =	slt.u32 s13, $0x2;
	(pc) =	sbr.rel @!p1 .LBB1_10-.Ltmp1, $4  }
0x14: {  	s17 =	simm.s32 @!p0 $0x2  }
0x15: {  	s15 =	smov.u32 s12;
	s10 =	sadd.s32 $0x4000, s10;
	_ =	swait.ge @!p0 [sflag:s17], $0x4000  }
0x16: {  	s14 =	smov.u32 s11;
	[sflag:s17] =	ssyncset.done @!p0 $0x0;
	s11 =	smov.u32 s16  }
0x17: {  	s13 =	sadd.s32 $0x1, s13;
	[sflag:s17] =	ssyncadd.s32 @!p0 $0xFFFFC000;
	s12 =	smov.u32 s18  }
.LBB1_1:
0x18: {  	p0 =	sge.u32 s13, s5  }
0x19: {  	s17 =	smul.u32 @!p0 $0xC00, s12  }
0x1a: {  	s31 =	sadd.s32 $0xFFFFFFFF, s13;
	s16 =	sxor.u32 @!p0 $0xFFFFFFFF, s13;
	s18 =	sshll.u32 @!p0 s11, $0x7  }
0x1b: {  	s19 =	simm.s32 @!p0 $0x6000;
	s16 =	sshll.u32 @!p0 s16, $0xE;
	s17 =	sadd.s32 @!p0 s3, s17  }
0x1c: {  	s16 =	sand.u32 @!p0 $0x4000, s16;
	s17 =	sadd.s32 @!p0 s18, s17;
	s18 =	simm.s32 @!p0 $0x2000  }
0x1d: {  	[tilespmem:s16], [sflag:$0x1] =	stream.strided.gather @!p0 [hbm4b:s17+s18], $0x4000, s19, s18, $0x38;
	[tilespmem:$0x10000] =	vst v63  }
0x1e: {  	p0 =	sge.u32 s31, s5  }
.Ltmp2:
0x1f: {  	_ = 	snop;
	(pc) =	sbr.rel @p0 .LBB1_9-.Ltmp2, $1  }
0x20: {  	_ =	sdelay $0x3  }
0x21: {  	s16 =	sshll.u32 s10, $0x2  }
0x22: {  	_ =	swait.ge [sflag:s4], $0x4000;
	s17 =	sshll.u32 s13, $0xE;
	s19 =	simm.s32 $0x0  }
0x23: {  	p1 =	por $0x1, $0x1;
	s16 =	sand.u32 $0x10000, s16;
	[sflag:s4] =	ssyncset.done $0x0  }
0x24: {  	s17 =	sand.u32 $0x4000, s17;
	s18 =	sshrl.u32 s16, $0x2;
	[sflag:s4] =	ssyncadd.s32 $0xFFFFC000  }
0x25: {  	s16 =	sor.u32 $0x8000, s17;
	s17 =	sadd.s32 $0x8040, s18;
	s18 =	sadd.s32 $0x40, s18  }
.LBB1_3:
0x26: {  	s19 =	sshll.u32 s19, $0x2  }
0x27: {  	p0 =	por p1, p1;
	s20 =	sshra.s32 s19, $0x2  }
0x28: {  	s21 =	simm.s32 $0x0;
	s19 =	sadd.s32 s20, s17;
	s20 =	sadd.s32 s20, s18  }
.LBB1_4:
0x29: {  	v0 =	vmov s20;
	_ =	sdelay $0x3  }
0x2a: {  	s23 =	simm.s32 $0x0  }
0x2b: {  	v6 =	vld.idx.msk [tilespmem:v0+s23+$0x30 ss:$0x1], $0xffff  }
0x2c: {  	v7 =	vld.idx.msk [tilespmem:v0+s23+$0xFFFFFFC0 ss:$0x1], $0xffff  }
0x2d: {  	v5 =	vld.idx.msk [tilespmem:v0+s23+$0xFFFFFFD0 ss:$0x1], $0xffff  }
0x2e: {  	v4 =	vld.idx.msk [tilespmem:v0+s23+$0xFFFFFFE0 ss:$0x1], $0xffff  }
0x2f: {  	v3 =	vld.idx.msk [tilespmem:v0+s23+$0xFFFFFFF0 ss:$0x1], $0xffff  }
0x30: {  	v1 =	vld.idx.msk [tilespmem:v0+s23+$0x0 ss:$0x1], $0xffff  }
0x31: {  	v2 =	vld.idx.msk [tilespmem:v0+s23+$0x10 ss:$0x1], $0xffff;
	[tilespmem:s19+$0x30] =	vst v6  }
0x32: {  	s22 =	simm.s32 $0x80;
	s24 =	simm.s32 $0x400;
	[tilespmem:s19+$0xFFFFFFC0] =	vst v7;
	v6 =	vld.idx.msk [tilespmem:v0+s23+$0x20 ss:$0x1], $0xffff;
	s23 =	smov.u32 s19  }
.LBB1_5:
0x33: {  	p1 =	sne.s32 s24, $0xE00;
	v7 =	vld.idx.msk [tilespmem:v0+s22+$0x30 ss:$0x1], $0xffff;
	[tilespmem:s23+$0xFFFFFFD0] =	vst v5  }
0x34: {  	v8 =	vld.idx.msk [tilespmem:v0+s22+$0xFFFFFFC0 ss:$0x1], $0xffff;
	[tilespmem:s23+$0xFFFFFFE0] =	vst v4  }
0x35: {  	v5 =	vld.idx.msk [tilespmem:v0+s22+$0xFFFFFFD0 ss:$0x1], $0xffff;
	[tilespmem:s23+$0xFFFFFFF0] =	vst v3  }
.Ltmp3:
0x36: {  	v4 =	vld.idx.msk [tilespmem:v0+s22+$0xFFFFFFE0 ss:$0x1], $0xffff;
	[tilespmem:s23+$0x0] =	vst v1;
	(pc) =	sbr.rel @p1 .LBB1_5-.Ltmp3, $4  }
0x37: {  	v3 =	vld.idx.msk [tilespmem:v0+s22+$0xFFFFFFF0 ss:$0x1], $0xffff;
	[tilespmem:s23+$0x10] =	vst v2  }
0x38: {  	v1 =	vld.idx.msk [tilespmem:v0+s22+$0x0 ss:$0x1], $0xffff;
	[tilespmem:s23+$0x20] =	vst v6;
	s23 =	sadd.s32 $0x400, s23  }
0x39: {  	v2 =	vld.idx.msk [tilespmem:v0+s22+$0x10 ss:$0x1], $0xffff;
	[tilespmem:s23+$0x30] =	vst v7  }
0x3a: {  	[tilespmem:s23+$0xFFFFFFC0] =	vst v8;
	v6 =	vld.idx.msk [tilespmem:v0+s22+$0x20 ss:$0x1], $0xffff;
	s22 =	sshra.s32 s24, $0x2;
	s24 =	sadd.s32 $0x200, s24  }
0x3b: {  	_ =	sdelay $0x2  }
0x3c: {  	[tilespmem:s23+$0xFFFFFFD0] =	vst v5  }
0x3d: {  	v56 =	vld.idx.msk [tilespmem:v0+s22+$0x30 ss:$0x1], $0xffff;
	[tilespmem:s23+$0xFFFFFFE0] =	vst v4  }
0x3e: {  	v57 =	vld.idx.msk [tilespmem:v0+s22+$0xFFFFFFC0 ss:$0x1], $0xffff;
	[tilespmem:s23+$0xFFFFFFF0] =	vst v3  }
0x3f: {  	v58 =	vld.idx.msk [tilespmem:v0+s22+$0xFFFFFFD0 ss:$0x1], $0xffff;
	[tilespmem:s23+$0x0] =	vst v1  }
0x40: {  	v59 =	vld.idx.msk [tilespmem:v0+s22+$0xFFFFFFE0 ss:$0x1], $0xffff;
	[tilespmem:s23+$0x10] =	vst v2  }
0x41: {  	v60 =	vld.idx.msk [tilespmem:v0+s22+$0xFFFFFFF0 ss:$0x1], $0xffff;
	s31 =	sadd.s32 $0x400, s23;
	[tilespmem:s23+$0x20] =	vst v6  }
0x42: {  	v61 =	vld.idx.msk [tilespmem:v0+s22+$0x0 ss:$0x1], $0xffff;
	[tilespmem:s31+$0x30] =	vst v56  }
0x43: {  	v62 =	vld.idx.msk [tilespmem:v0+s22+$0x10 ss:$0x1], $0xffff;
	s21 =	sadd.s32 $0x1, s21;
	[tilespmem:s31+$0xFFFFFFC0] =	vst v57  }
0x44: {  	v63 =	vld.idx.msk [tilespmem:v0+s22+$0x20 ss:$0x1], $0xffff;
	p1 =	sne.s32 s21, $0x8;
	[tilespmem:s31+$0xFFFFFFD0] =	vst v58  }
.Ltmp4:
0x45: {  	[tilespmem:s31+$0xFFFFFFE0] =	vst v59;
	(pc) =	sbr.rel @p1 .LBB1_4-.Ltmp4, $4  }
0x46: {  	[tilespmem:s31+$0xFFFFFFF0] =	vst v60  }
0x47: {  	[tilespmem:s31+$0x0] =	vst v61  }
0x48: {  	[tilespmem:s31+$0x10] =	vst v62  }
0x49: {  	s19 =	sadd.s32 $0x80, s19;
	s20 =	sadd.s32 $0x400, s20;
	[tilespmem:s31+$0x20] =	vst v63  }
.Ltmp5:
0x4a: {  	(pc) =	sbr.rel @p0 .LBB1_3-.Ltmp5, $2  }
0x4b: {  	_ =	sdelay $0x2  }
0x4c: {  	s19 =	simm.s32 $0x2000;
	p1 =	por $0x0, $0x0  }
0x4d: {  	s14 =	sand.u32 $0x1FFFFFF, s14  }
0x4e: {  	s17 =	smulhi.u32 $0xAAAAAAB, s14  }
0x4f: {  	s15 =	smul.u32 $0xC00, s15  }
0x50: {  	s17 =	smul.u32 $0x18, s17  }
.Ltmp6:
0x51: {  	_ = 	snop;
	(pc) =	sbr.rel .LBB1_9-.Ltmp6, $4  }
0x52: {  	s14 =	ssub.s32 s14, s17  }
0x53: {  	s15 =	sadd.s32 s6, s15;
	s14 =	sshll.u32 s14, $0x4  }
0x54: {  	s14 =	sadd.s32 s14, s15  }
0x55: {  	[hbm4b:s14+s8] =	stream.strided.scatter [tilespmem:s16], [sflag:$0x2], $0x4000, s9, s8, $0x38;
	[tilespmem:$0x10000] =	vst v63  }
.LBB1_10:
0x56: {  	_ =	sfence.sel $0x180000  }
0x57: {  	s2 =	simm.s32 $0x1;
	[bflag:$0x0] =	sbarrier.arrive $0xFFFF  }
0x58: {  	s31 =	simm.s32 $0x2;
	[sflag:s2] =	ssyncpa.u1 $0x1  }
0x59: {  	[sflag:s31] =	ssyncpa.u1 $0x1  }
0x5a: {  	p0 =	sne.s32 s0, $0x0;
	_ =	strace $0x90000047  }
0x5b: {  	s0 =	sadd.s32 @!p0 $0x100000, s1;
	[bflag:$0x2] =	sbarrier.arrive $0xFFFF  }
0x5c: {  	[sflag:s0] =	ssyncadd.tile.s32 @!p0 $0x1;
	_ =	shalt  }
.Lfunc_end1:
_tile_overlayer_lowered:
.L_overlay_start_2:
0x5d: {  	(tag) =	ssettag $0x2  }
0x5e: {  	s0 =	rddreg [dreg:$0x0];
	s2 =	stileid.u32  }
0x5f: {  	s1 =	rddreg [dreg:$0x1];
	p0 =	sne.s32 s2, $0x0  }
0x60: {  	s3 =	rddreg [dreg:$0x2];
	[bflag:$0x3] =	sbarrier.arrive $0xFFFF;
	s2 =	simm.s32 @!p0 $0x1C01  }
0x61: {  	[timem:s3], [sflag:s2] =	dma.local @!p0 [hbm:s0], s1  }
0x62: {  	s0 =	simm.s32 @!p0 $0x1  }
0x63: {  	_ =	swait.ge @!p0 [sflag:s0], s1  }
0x64: {  	s1 =	ssub.s32 @!p0 $0x0, s1;
	[sflag:s0] =	ssyncset.done @!p0 $0x0  }
0x65: {  	[sflag:s0] =	ssyncadd.s32 @!p0 s1  }
0x66: {  	[bflag:$0x3] =	sbarrier.arrive $0xFFFF  }
0x67: {  	_ =	shalt  }

// kernel: sparse-core-data-format-call.cloned.1.call-start
scs
called_computation_lowered:
.L_overlay_start_0:
0x0: {  	s1 =	sld [smem:$0x3FD9]  }
0x1: {  	s2 =	sld [smem:$0x3FFE];
	_ =	sdelay $0x1  }
0x2: {  	s3 =	srdreg.scid  }
0x3: {  	s0 =	sand.u32 $0x1, s3  }
0x4: {  	s17 =	sshll.u32 s0, $0xA;
	s1 =	sadd.s32 s2, s1  }
0x5: {  	s1 =	sadd.s32 s1, s17  }
0x6: {  	[smem:$0x3F9A] =	sst s1  }
0x7: {  	_ = 	snop  }
0x8: {  	(tm) =	ssettm $0x1  }
0x9: {  	s18 =	sld [smem:$0x3FFB];
	_ =	sdelay $0x3  }
0xa: {  	_ =	strace s18  }
0xb: {  	s1 =	sld [smem:$0x3FFC];
	_ =	sdelay $0x3  }
0xc: {  	_ =	strace s1  }
0xd: {  	s1 =	sld [smem:$0x3FFD];
	_ =	sdelay $0x3  }
0xe: {  	_ =	strace s1  }
0xf: {  	_ =	strace $0x8FFFFFFF  }
0x10: {  	s19 =	sld [smem:$0x3FDB];
	_ =	sdelay $0x1  }
0x11: {  	s20 =	simm.s32 $_scs_section_size  }
0x12: {  	s4 =	simm.s32 $_size__tile_overlayer_lowered;
	s5 =	simm.s32 $_tile_overlayer_lowered  }
0x13: {  	s23 =	simm.s32 $0x1BFF;
	s22 =	sshll.u32 s5, $0x1;
	s1 =	sadd.s32 s20, s19  }
0x14: {  	s6 =	simm.s32 $0x0;
	s21 =	sshll.u32 s4, $0x1;
	s4 =	sadd.s32 s22, s1  }
0x15: {  	[timem:s6], [sflag:s23] =	dma.local [hbm:s4], s21  }
0x16: {  	_ =	swait.ge [sflag:s23], s21  }
0x17: {  	s2 =	ssub.s32 $0x0, s21;
	[sflag:s23] =	ssyncset.done $0x0  }
0x18: {  	[sflag:s23] =	ssyncadd.s32 s2;
	_ =	sdelay $0x1  }
0x19: {  	s24 =	simm.s32 $0x1B8B  }
0x1a: {  	_ =	swait.ge [sflag:s24], $0x1  }
0x1b: {  	[sflag:s24] =	ssyncset.done $0x0  }
0x1c: {  	s26 =	simm.s32 $0x1B8E;
	s25 =	sld [smem:$0x3FFE];
	[sflag:s24] =	ssyncadd.s32 $0xFFFFFFFF  }
0x1d: {  	s27 =	simm.s32 $execute0_lowered;
	[smem:$0x3FD2] =	sst s26  }
0x1e: {  	s4 =	sshll.u32 s27, $0x1;
	_ =	strace $0x80000067;
	[dreg:$0x1] =	wrdreg $0xFFFFFFFF  }
0x1f: {  	s28 =	simm.s32 $_size_execute0_lowered;
	s1 =	sadd.s32 s1, s4;
	[dreg:$0x0] =	wrdreg $0x0  }
0x20: {  	s4 =	sshll.u32 s28, $0x1;
	[dreg:$0x2] =	wrdreg s1  }
0x21: {  	[dreg:$0x3] =	wrdreg s4  }
0x22: {  	[dreg:$0x4] =	wrdreg $0xC0  }
0x23: {  	_ =	task [dreg:s6], $0x5FFFF  }
0x24: {  	[dreg:$0x1] =	wrdreg $0xFFFFFFFF  }
0x25: {  	[dreg:$0x0] =	wrdreg $0x60  }
0x26: {  	[dreg:$0x2] =	wrdreg s25  }
0x27: {  	[dreg:$0x3] =	wrdreg $0x9  }
0x28: {  	_ =	task.clear_ibuf [dreg:s6], $0x4FFFF;
	_ =	strace $0x90000067  }
0x29: {  	s29 =	simm.s32 $0x9;
	_ =	strace $0x80000069  }
0x2a: {  	_ =	swait.ge [sflag:s29], $0x1  }
0x2b: {  	[sflag:s29] =	ssyncadd.s32 $0xFFFFFFFF  }
0x2c: {  	_ =	strace $0x90000069  }
0x2d: {  	_ =	sfence  }
0x2e: {  	s30 =	sld [smem:$0x0];
	_ =	sdelay $0x2  }
0x2f: {  	s31 =	sshll.u32 s3, $0xD;
	s3 =	sshrl.u32 s3, $0x2  }
0x30: {  	s2 =	sand.u32 $0x4000, s31;
	s1 =	sadd.s32 s3, s30  }
0x31: {  	s0 =	sor.u32 s2, s0;
	s1 =	sshll.u32 s1, $0x11  }
0x32: {  	s0 =	sor.u32 s1, s0  }
0x33: {  	s0 =	sadd.s32 $0x8F2B, s0  }
0x34: {  	[sflag:s0] =	ssyncadd.remote.s32 $0x1  }
0x35: {  	_ =	sfence.sel $0xFFFF  }
0x36: {  	[dreg:$0x0] =	wrdreg $0xFFFFFFFF;
	(pc) =	sbr.abs _section_cstart, $3  }
0x37: {  	[dreg:$0x1] =	wrdreg $0xFFFFFFFF  }
0x38: {  	_ =	task.clear_ibuf [dreg:s6], $0x2FFFF;
	_ =	strace $0x9FFFFFFF  }
0x39: {  	(tm) =	ssettm $0x7FFFFFFF  }
tec
execute0_lowered:
.L_overlay_start_1:
0x0: {  	(tag) =	ssettag $0x1  }
0x1: {  	s0 =	srdreg.scid  }
0x2: {  	s1 =	sshll.u32 s0, $0x4  }
0x3: {  	s6 =	rddreg [dreg:$0x0];
	s0 =	stileid.u32;
	s1 =	sand.u32 $0x10, s1  }
0x4: {  	s7 =	simm.s32 $0x2;
	s15 =	simm.s32 $0x0;
	s1 =	sor.u32 s0, s1  }
0x5: {  	s8 =	simm.s32 $0x2000;
	s9 =	simm.s32 $0x6000;
	s2 =	sshll.u32 s1, $0x1  }
0x6: {  	s10 =	simm.s32 $0x0;
	s16 =	simm.s32 $0x0;
	s1 =	ssub.s32 $0x500, s2  }
0x7: {  	s17 =	simm.s32 $0x0;
	s11 =	simm.s32 $0x0;
	s3 =	sand.u32 $0x3E, s1  }
0x8: {  	s12 =	simm.s32 $0x0;
	p0 =	sne.s32 s3, $0x0;
	s3 =	simm.s32 $0x1  }
.Ltmp0:
0x9: {  	s4 =	sshrl.u32 s1, $0x6;
	s3 =	simm.s32 @!p0 $0x0;
	(pc) =	sbr.rel .LBB1_1-.Ltmp0, $4  }
0xa: {  	s14 =	simm.s32 $0x0;
	s1 =	rddreg [dreg:$0x1];
	s4 =	sadd.s32 s3, s4  }
0xb: {  	_ =	strace $0x80000068;
	s3 =	simm.s32 $0x1;
	s4 =	smul.u32 $0x3, s4  }
0xc: {  	s5 =	sadd.s32 $0xC79800, s6;
	s6 =	sadd.s32 $0x1039800, s6;
	[sflag:s3] =	ssyncpa.u1 $0x0  }
0xd: {  	s13 =	smov.u32 s2;
	[sflag:s7] =	ssyncpa.u1 $0x0;
	s7 =	sadd.s32 $0x1, s4  }
.LBB1_9:
0xe: {  	s18 =	sadd.s32 $0x8, s11  }
0xf: {  	s15 =	sadd.s32 $0x8, s12;
	s19 =	smov.u32 s12;
	p1 =	sgt.s32 s18, $0x17  }
0x10: {  	s19 =	smov.u32 @p1 s15  }
0x11: {  	s21 =	smov.u32 s13;
	s15 =	sadd.s32 $0x40, s13;
	p2 =	sgt.s32 s19, $0x7  }
0x12: {  	s21 =	smov.u32 @p2 s15  }
0x13: {  	s18 =	simm.s32 @p1 $0x0;
	p1 =	sgt.s32 s21, $0x4FF  }
0x14: {  	p0 =	slt.u32 s14, $0x2;
	s21 =	smov.u32 @p1 s2;
	p1 =	sne.s32 s14, s7  }
.Ltmp1:
0x15: {  	s20 =	simm.s32 @!p0 $0x2;
	(pc) =	sbr.rel @!p1 .LBB1_10-.Ltmp1, $4  }
0x16: {  	s16 =	smov.u32 s12;
	s17 =	smov.u32 s13;
	_ =	swait.ge @!p0 [sflag:s20], $0x4000  }
0x17: {  	s10 =	sadd.s32 $0x4000, s10;
	[sflag:s20] =	ssyncset.done @!p0 $0x0;
	s19 =	simm.s32 @p2 $0x0  }
0x18: {  	s15 =	smov.u32 s11;
	[sflag:s20] =	ssyncadd.s32 @!p0 $0xFFFFC000;
	s11 =	smov.u32 s18  }
0x19: {  	s12 =	smov.u32 s19;
	s14 =	sadd.s32 $0x1, s14;
	s13 =	smov.u32 s21  }
.LBB1_1:
0x1a: {  	p0 =	sge.u32 s14, s4  }
0x1b: {  	s18 =	sand.u32 @!p0 $0x1FFFFFF, s11;
	s20 =	smul.u32 @!p0 $0xC00, s13  }
0x1c: {  	s19 =	smulhi.u32 @!p0 $0xAAAAAAB, s18  }
0x1d: {  	s22 =	smul.u32 @!p0 $0x180, s12  }
0x1e: {  	s19 =	smul.u32 @!p0 $0x18, s19  }
0x1f: {  	s31 =	sadd.s32 $0xFFFFFFFF, s14;
	s20 =	sadd.s32 @!p0 s5, s20  }
0x20: {  	s21 =	sxor.u32 @!p0 $0xFFFFFFFF, s14;
	s20 =	sadd.s32 @!p0 s22, s20;
	s18 =	ssub.s32 @!p0 s18, s19  }
0x21: {  	s19 =	sshll.u32 @!p0 s21, $0xE;
	s21 =	simm.s32 @!p0 $0xC00;
	s18 =	sshll.u32 @!p0 s18, $0x4  }
0x22: {  	s19 =	sand.u32 @!p0 $0x4000, s19;
	s18 =	sadd.s32 @!p0 s18, s20;
	s20 =	simm.s32 @!p0 $0x400  }
0x23: {  	[tilespmem:s19], [sflag:$0x1] =	stream.strided.gather @!p0 [hbm4b:s18+s20], $0x4000, s21, s20, $0x38;
	[tilespmem:$0x10000] =	vst v63  }
0x24: {  	p0 =	sge.u32 s31, s4  }
.Ltmp2:
0x25: {  	_ = 	snop;
	(pc) =	sbr.rel @p0 .LBB1_9-.Ltmp2, $1  }
0x26: {  	_ =	sdelay $0x3  }
0x27: {  	s18 =	sshll.u32 s10, $0x2  }
0x28: {  	_ =	swait.ge [sflag:s3], $0x4000;
	s19 =	sshll.u32 s14, $0xE;
	s21 =	simm.s32 $0x0  }
0x29: {  	p1 =	por $0x1, $0x1;
	s18 =	sand.u32 $0x10000, s18;
	[sflag:s3] =	ssyncset.done $0x0  }
0x2a: {  	s19 =	sand.u32 $0x4000, s19;
	s20 =	sshrl.u32 s18, $0x2;
	[sflag:s3] =	ssyncadd.s32 $0xFFFFC000  }
0x2b: {  	s18 =	sor.u32 $0x8000, s19;
	s19 =	sadd.s32 $0x8040, s20;
	s20 =	sadd.s32 $0x40, s20  }
.LBB1_3:
0x2c: {  	s21 =	sshll.u32 s21, $0x2  }
0x2d: {  	p0 =	por p1, p1;
	s22 =	sshra.s32 s21, $0x2  }
0x2e: {  	s23 =	simm.s32 $0x0;
	s21 =	sadd.s32 s22, s19;
	s22 =	sadd.s32 s22, s20  }
.LBB1_4:
0x2f: {  	v0 =	vmov s22;
	_ =	sdelay $0x3  }
0x30: {  	s25 =	simm.s32 $0x0  }
0x31: {  	v6 =	vld.idx.msk [tilespmem:v0+s25+$0x30 ss:$0x1], $0xffff  }
0x32: {  	v7 =	vld.idx.msk [tilespmem:v0+s25+$0xFFFFFFC0 ss:$0x1], $0xffff  }
0x33: {  	v5 =	vld.idx.msk [tilespmem:v0+s25+$0xFFFFFFD0 ss:$0x1], $0xffff  }
0x34: {  	v4 =	vld.idx.msk [tilespmem:v0+s25+$0xFFFFFFE0 ss:$0x1], $0xffff  }
0x35: {  	v3 =	vld.idx.msk [tilespmem:v0+s25+$0xFFFFFFF0 ss:$0x1], $0xffff  }
0x36: {  	v1 =	vld.idx.msk [tilespmem:v0+s25+$0x0 ss:$0x1], $0xffff  }
0x37: {  	v2 =	vld.idx.msk [tilespmem:v0+s25+$0x10 ss:$0x1], $0xffff;
	[tilespmem:s21+$0x30] =	vst v6  }
0x38: {  	s24 =	simm.s32 $0x80;
	s26 =	simm.s32 $0x400;
	[tilespmem:s21+$0xFFFFFFC0] =	vst v7;
	v6 =	vld.idx.msk [tilespmem:v0+s25+$0x20 ss:$0x1], $0xffff;
	s25 =	smov.u32 s21  }
.LBB1_5:
0x39: {  	p1 =	sne.s32 s26, $0xE00;
	v7 =	vld.idx.msk [tilespmem:v0+s24+$0x30 ss:$0x1], $0xffff;
	[tilespmem:s25+$0xFFFFFFD0] =	vst v5  }
0x3a: {  	v8 =	vld.idx.msk [tilespmem:v0+s24+$0xFFFFFFC0 ss:$0x1], $0xffff;
	[tilespmem:s25+$0xFFFFFFE0] =	vst v4  }
0x3b: {  	v5 =	vld.idx.msk [tilespmem:v0+s24+$0xFFFFFFD0 ss:$0x1], $0xffff;
	[tilespmem:s25+$0xFFFFFFF0] =	vst v3  }
.Ltmp3:
0x3c: {  	v4 =	vld.idx.msk [tilespmem:v0+s24+$0xFFFFFFE0 ss:$0x1], $0xffff;
	[tilespmem:s25+$0x0] =	vst v1;
	(pc) =	sbr.rel @p1 .LBB1_5-.Ltmp3, $4  }
0x3d: {  	v3 =	vld.idx.msk [tilespmem:v0+s24+$0xFFFFFFF0 ss:$0x1], $0xffff;
	[tilespmem:s25+$0x10] =	vst v2  }
0x3e: {  	v1 =	vld.idx.msk [tilespmem:v0+s24+$0x0 ss:$0x1], $0xffff;
	[tilespmem:s25+$0x20] =	vst v6;
	s25 =	sadd.s32 $0x400, s25  }
0x3f: {  	v2 =	vld.idx.msk [tilespmem:v0+s24+$0x10 ss:$0x1], $0xffff;
	[tilespmem:s25+$0x30] =	vst v7  }
0x40: {  	[tilespmem:s25+$0xFFFFFFC0] =	vst v8;
	v6 =	vld.idx.msk [tilespmem:v0+s24+$0x20 ss:$0x1], $0xffff;
	s24 =	sshra.s32 s26, $0x2;
	s26 =	sadd.s32 $0x200, s26  }
0x41: {  	_ =	sdelay $0x2  }
0x42: {  	[tilespmem:s25+$0xFFFFFFD0] =	vst v5  }
0x43: {  	v56 =	vld.idx.msk [tilespmem:v0+s24+$0x30 ss:$0x1], $0xffff;
	[tilespmem:s25+$0xFFFFFFE0] =	vst v4  }
0x44: {  	v57 =	vld.idx.msk [tilespmem:v0+s24+$0xFFFFFFC0 ss:$0x1], $0xffff;
	[tilespmem:s25+$0xFFFFFFF0] =	vst v3  }
0x45: {  	v58 =	vld.idx.msk [tilespmem:v0+s24+$0xFFFFFFD0 ss:$0x1], $0xffff;
	[tilespmem:s25+$0x0] =	vst v1  }
0x46: {  	v59 =	vld.idx.msk [tilespmem:v0+s24+$0xFFFFFFE0 ss:$0x1], $0xffff;
	[tilespmem:s25+$0x10] =	vst v2  }
0x47: {  	v60 =	vld.idx.msk [tilespmem:v0+s24+$0xFFFFFFF0 ss:$0x1], $0xffff;
	s31 =	sadd.s32 $0x400, s25;
	[tilespmem:s25+$0x20] =	vst v6  }
0x48: {  	v61 =	vld.idx.msk [tilespmem:v0+s24+$0x0 ss:$0x1], $0xffff;
	[tilespmem:s31+$0x30] =	vst v56  }
0x49: {  	v62 =	vld.idx.msk [tilespmem:v0+s24+$0x10 ss:$0x1], $0xffff;
	s23 =	sadd.s32 $0x1, s23;
	[tilespmem:s31+$0xFFFFFFC0] =	vst v57  }
0x4a: {  	v63 =	vld.idx.msk [tilespmem:v0+s24+$0x20 ss:$0x1], $0xffff;
	p1 =	sne.s32 s23, $0x8;
	[tilespmem:s31+$0xFFFFFFD0] =	vst v58  }
.Ltmp4:
0x4b: {  	[tilespmem:s31+$0xFFFFFFE0] =	vst v59;
	(pc) =	sbr.rel @p1 .LBB1_4-.Ltmp4, $4  }
0x4c: {  	[tilespmem:s31+$0xFFFFFFF0] =	vst v60  }
0x4d: {  	[tilespmem:s31+$0x0] =	vst v61  }
0x4e: {  	[tilespmem:s31+$0x10] =	vst v62  }
0x4f: {  	s21 =	sadd.s32 $0x80, s21;
	s22 =	sadd.s32 $0x400, s22;
	[tilespmem:s31+$0x20] =	vst v63  }
.Ltmp5:
0x50: {  	(pc) =	sbr.rel @p0 .LBB1_3-.Ltmp5, $2  }
0x51: {  	_ =	sdelay $0x2  }
0x52: {  	s21 =	simm.s32 $0x2000;
	p1 =	por $0x0, $0x0  }
0x53: {  	s17 =	smul.u32 $0xC00, s17  }
.Ltmp6:
0x54: {  	_ = 	snop;
	(pc) =	sbr.rel .LBB1_9-.Ltmp6, $4  }
0x55: {  	s15 =	sshll.u32 s15, $0x7;
	s16 =	sshll.u32 s16, $0x4;
	s17 =	sadd.s32 s6, s17  }
0x56: {  	s16 =	sand.u32 $0x70, s16;
	s15 =	sadd.s32 s15, s17  }
0x57: {  	s15 =	sadd.s32 s16, s15  }
0x58: {  	[hbm4b:s15+s8] =	stream.strided.scatter [tilespmem:s18], [sflag:$0x2], $0x4000, s9, s8, $0x38;
	[tilespmem:$0x10000] =	vst v63  }
.LBB1_10:
0x59: {  	_ =	sfence.sel $0x180000  }
0x5a: {  	s2 =	simm.s32 $0x1;
	[bflag:$0x0] =	sbarrier.arrive $0xFFFF  }
0x5b: {  	s31 =	simm.s32 $0x2;
	[sflag:s2] =	ssyncpa.u1 $0x1  }
0x5c: {  	[sflag:s31] =	ssyncpa.u1 $0x1  }
0x5d: {  	p0 =	sne.s32 s0, $0x0;
	_ =	strace $0x90000068  }
0x5e: {  	s0 =	sadd.s32 @!p0 $0x100000, s1;
	[bflag:$0x2] =	sbarrier.arrive $0xFFFF  }
0x5f: {  	[sflag:s0] =	ssyncadd.tile.s32 @!p0 $0x1;
	_ =	shalt  }
.Lfunc_end1:
_tile_overlayer_lowered:
.L_overlay_start_2:
0x60: {  	(tag) =	ssettag $0x2  }
0x61: {  	s0 =	rddreg [dreg:$0x0];
	s2 =	stileid.u32  }
0x62: {  	s1 =	rddreg [dreg:$0x1];
	p0 =	sne.s32 s2, $0x0  }
0x63: {  	s3 =	rddreg [dreg:$0x2];
	[bflag:$0x3] =	sbarrier.arrive $0xFFFF;
	s2 =	simm.s32 @!p0 $0x1C01  }
0x64: {  	[timem:s3], [sflag:s2] =	dma.local @!p0 [hbm:s0], s1  }
0x65: {  	s0 =	simm.s32 @!p0 $0x1  }
0x66: {  	_ =	swait.ge @!p0 [sflag:s0], s1  }
0x67: {  	s1 =	ssub.s32 @!p0 $0x0, s1;
	[sflag:s0] =	ssyncset.done @!p0 $0x0  }
0x68: {  	[sflag:s0] =	ssyncadd.s32 @!p0 s1  }
0x69: {  	[bflag:$0x3] =	sbarrier.arrive $0xFFFF  }
0x6a: {  	_ =	shalt  }

</sc_bundles>
